<compile_context>
chip_gen: v7x
topology: tpu7x:2x2x1
jax: 0.10.2.dev20260603
libtpu: 0.0.44.dev20260713+nightly
codegen_flags: <defaults>
</compile_context>

<pallas_src>
import functools

import jax
import jax.numpy as jnp
from jax import lax
from jax.experimental import pallas as pl
from jax.experimental.pallas import tpu as pltpu
from jax.experimental.pallas import tpu_sc as plsc

NEG_SLOPE = 0.2
NC = 2
NS = 16
C = 128


def _proj_body(x_ref, w_ref, a1_ref, a2_ref, h_ref, s1_ref, s2_ref):
    h = jnp.dot(x_ref[...], w_ref[...], preferred_element_type=jnp.float32)
    h_ref[...] = h
    s1_ref[...] = jnp.sum(h * a1_ref[...], axis=1)
    s2_ref[...] = jnp.sum(h * a2_ref[...], axis=1)


def _project(x, w, a1, a2, bm):
    n, f_in = x.shape
    f_out = w.shape[1]
    grid = (n // bm,)
    return pl.pallas_call(
        _proj_body,
        grid=grid,
        in_specs=[
            pl.BlockSpec((bm, f_in), lambda i: (i, 0)),
            pl.BlockSpec((f_in, f_out), lambda i: (0, 0)),
            pl.BlockSpec((1, f_out), lambda i: (0, 0)),
            pl.BlockSpec((1, f_out), lambda i: (0, 0)),
        ],
        out_specs=[
            pl.BlockSpec((bm, f_out), lambda i: (i, 0)),
            pl.BlockSpec((bm,), lambda i: (i,)),
            pl.BlockSpec((bm,), lambda i: (i,)),
        ],
        out_shape=[
            jax.ShapeDtypeStruct((n, f_out), jnp.float32),
            jax.ShapeDtypeStruct((n,), jnp.float32),
            jax.ShapeDtypeStruct((n,), jnp.float32),
        ],
    )(x, w, a1, a2)


def _make_sc(n, f, e_act, chunks, npad):
    fp = f // 2
    pairs = chunks // 2
    rpt = npad // NS
    qcopies = rpt // C

    mesh = plsc.VectorSubcoreMesh(core_axis_name="c", subcore_axis_name="s")

    @functools.partial(
        pl.kernel,
        out_type=[
            jax.ShapeDtypeStruct((NC * npad, fp), jnp.float32),
            jax.ShapeDtypeStruct((NC * npad,), jnp.float32),
        ],
        mesh=mesh,
        compiler_params=pltpu.CompilerParams(
            needs_layout_passes=False, use_tc_tiling_on_sc=False),
        scratch_types=[
            pltpu.VMEM_SHARED((npad, fp), jnp.float32),
            pltpu.VMEM_SHARED((npad,), jnp.float32),
            pltpu.VMEM_SHARED((npad,), jnp.float32),
            pltpu.VMEM_SHARED((npad, fp), jnp.float32),
            pltpu.VMEM_SHARED((npad,), jnp.float32),
            pltpu.VMEM((2, C), jnp.int32),
            pltpu.VMEM((2, C), jnp.int32),
            pltpu.VMEM((C,), jnp.float32),
            pltpu.VMEM((C,), jnp.float32),
            pltpu.VMEM((C,), jnp.float32),
            pltpu.VMEM((C,), jnp.float32),
            pltpu.VMEM((C,), jnp.float32),
            pltpu.VMEM((C,), jnp.float32),
            pltpu.VMEM((C, fp), jnp.float32),
            pltpu.VMEM((C, fp), jnp.float32),
            pltpu.VMEM((C,), jnp.int32),
            pltpu.VMEM((C,), jnp.int32),
            pltpu.SemaphoreType.DMA,
            pltpu.SemaphoreType.DMA,
            pltpu.SemaphoreType.DMA,
            pltpu.SemaphoreType.DMA,
            pltpu.SemaphoreType.DMA,
            pltpu.SemaphoreType.DMA,
        ],
    )
    def sc_kernel(hs_hbm, s1_hbm, s2_hbm, ij_hbm,
                  acc_out, den_out,
                  hsp, s1sp, s2sp, acc_sh, den_sh,
                  idx0, idx1, s1c0, s1c1, s2c0, s2c1,
                  ex0, ex1, r0, r1, iisc0, iisc1,
                  g0, g1, x0, x1, sc0, sc1):
        cid = lax.axis_index("c")
        sid = lax.axis_index("s")
        zero16 = jnp.zeros((16,), jnp.float32)

        def zrow(r, carry):
            for fb in range(fp // 16):
                r0[r, pl.ds(fb * 16, 16)] = zero16
            return carry
        lax.fori_loop(0, C, zrow, 0)
        for fb in range(C // 16):
            ex0[pl.ds(fb * 16, 16)] = zero16
        base_rows = sid * rpt
        for q in range(qcopies):
            off = pl.multiple_of(base_rows + q * C, 8)
            pltpu.sync_copy(r0, acc_sh.at[pl.ds(off, C)])
            pltpu.sync_copy(ex0, den_sh.at[pl.ds(off, C)])

        srow = pl.multiple_of(base_rows, 8)
        pltpu.sync_copy(hs_hbm.at[cid, pl.ds(srow, rpt)], hsp.at[pl.ds(srow, rpt)])
        pltpu.sync_copy(s1_hbm.at[pl.ds(srow, rpt)], s1sp.at[pl.ds(srow, rpt)])
        pltpu.sync_copy(s2_hbm.at[pl.ds(srow, rpt)], s2sp.at[pl.ds(srow, rpt)])

        idxs = (idx0, idx1)
        s1cs = (s1c0, s1c1)
        s2cs = (s2c0, s2c1)
        exvs = (ex0, ex1)
        rows = (r0, r1)
        iiscs = (iisc0, iisc1)
        gsems = (g0, g1)
        xsems = (x0, x1)
        ssems = (sc0, sc1)
        gk0 = sid * chunks

        def start_idx(k, b):
            pltpu.async_copy(ij_hbm.at[gk0 + k], idxs[b], xsems[b])

        def wait_idx(k, b):
            pltpu.make_async_copy(ij_hbm.at[gk0 + k], idxs[b], xsems[b]).wait()

        def start_gathers(b):
            idx = idxs[b]
            pltpu.async_copy(hsp.at[idx.at[1]], rows[b], gsems[b])
            pltpu.async_copy(s1sp.at[idx.at[0]], s1cs[b], gsems[b])
            pltpu.async_copy(s2sp.at[idx.at[1]], s2cs[b], gsems[b])

        def wait_gathers(b):
            idx = idxs[b]
            pltpu.make_async_copy(hsp.at[idx.at[1]], rows[b], gsems[b]).wait()
            pltpu.make_async_copy(s1sp.at[idx.at[0]], s1cs[b], gsems[b]).wait()
            pltpu.make_async_copy(s2sp.at[idx.at[1]], s2cs[b], gsems[b]).wait()

        start_idx(0, 0)
        start_idx(1, 1)
        plsc.subcore_barrier()
        wait_idx(0, 0)
        start_gathers(0)

        def wait_scatter(b):
            pltpu.make_async_copy(
                rows[b], acc_sh.at[iiscs[b]], ssems[b]).wait()

        def process(k, b):
            b2 = 1 - b
            @pl.when(k + 1 < chunks)
            def _():
                wait_idx(k + 1, b2)

                @pl.when(k >= 1)
                def _():
                    wait_scatter(b2)
                start_gathers(b2)
            idx, exv, rowsv = idxs[b], exvs[b], rows[b]
            s1c, s2c, iisc = s1cs[b], s2cs[b], iiscs[b]
            wait_gathers(b)
            ebase_k = (gk0 + k) * C
            for g in range(C // 16):
                sl = pl.ds(g * 16, 16)
                iisc[sl] = idx[0, sl]
                al = s1c[sl] + s2c[sl]
                al = jnp.where(al >= 0.0, al, NEG_SLOPE * al)
                ex = jnp.exp(al)
                eids = ebase_k + g * 16 + lax.iota(jnp.int32, 16)
                ex = jnp.where(eids < e_act, ex, 0.0)
                exv[sl] = ex
            @pl.when(k + 2 < chunks)
            def _():
                start_idx(k + 2, b)
            @plsc.parallel_loop(0, C // 16, unroll=2)
            def _(g):
                goff = pl.multiple_of(g * 16, 16)
                ex16 = exv[pl.ds(goff, 16)]
                for l in range(16):
                    s = ex16[l]
                    r = goff + l
                    for fb in range(fp // 16):
                        sl2 = pl.ds(fb * 16, 16)
                        rowsv[r, sl2] = rowsv[r, sl2] * s
            @pl.when(cid == b)
            def _():
                pltpu.sync_copy(exv, den_sh.at[iisc], add=True)
            pltpu.async_copy(rowsv, acc_sh.at[iisc], ssems[b], add=True)

        def pbody(p, carry):
            k0 = 2 * p
            process(k0, 0)
            process(k0 + 1, 1)
            return carry
        lax.fori_loop(0, pairs, pbody, 0)

        wait_scatter(0)
        wait_scatter(1)
        plsc.subcore_barrier()

        woff = pl.multiple_of(cid * npad + base_rows, 8)
        loff = pl.multiple_of(base_rows, 8)
        pltpu.sync_copy(acc_sh.at[pl.ds(loff, rpt)], acc_out.at[pl.ds(woff, rpt)])
        pltpu.sync_copy(den_sh.at[pl.ds(loff, rpt)], den_out.at[pl.ds(woff, rpt)])

    return sc_kernel


def _fin_body(acc_ref, den_ref, bias_ref, out_ref):
    d = den_ref[0] + den_ref[1] + 1e-16
    a = jnp.concatenate([acc_ref[0], acc_ref[1]], axis=-1)
    out_ref[...] = a / d[:, None] + bias_ref[...]


def _finish(acc, den, bias, bf):
    npad2 = acc.shape[1]
    fp = acc.shape[2]
    f = 2 * fp
    grid = (npad2 // bf,)
    return pl.pallas_call(
        _fin_body,
        grid=grid,
        in_specs=[
            pl.BlockSpec((2, bf, fp), lambda i: (0, i, 0)),
            pl.BlockSpec((2, bf), lambda i: (0, i)),
            pl.BlockSpec((1, f), lambda i: (0, 0)),
        ],
        out_specs=pl.BlockSpec((bf, f), lambda i: (i, 0)),
        out_shape=jax.ShapeDtypeStruct((npad2, f), jnp.float32),
    )(acc, den, bias)


def kernel(x, edge_index, weight, att, bias):
    n, f_in = x.shape
    f = weight.shape[1]
    e = edge_index.shape[1]
    e_act = e + n

    chunks = -(-e_act // (NS * C))
    chunks += chunks % 2
    e_pad = NS * chunks * C
    npad = -(-n // (NS * C)) * (NS * C)

    idt = edge_index.dtype
    loops = jnp.arange(n, dtype=idt)
    padz = jnp.zeros((e_pad - e_act,), dtype=idt)
    ii = jnp.concatenate([edge_index[0], loops, padz])
    jj = jnp.concatenate([edge_index[1], loops, padz])
    ij = jnp.stack([ii.reshape(-1, C), jj.reshape(-1, C)], axis=1)

    a1 = att[0, 0, :f].reshape(1, f)
    a2 = att[0, 0, f:].reshape(1, f)

    x_pad = jnp.concatenate(
        [x, jnp.zeros((npad - n, f_in), dtype=x.dtype)], axis=0)
    h, s1, s2 = _project(x_pad, weight, a1, a2, bm=1024)
    hs = jnp.stack([h[:, :f // 2], h[:, f // 2:]], axis=0)

    sc = _make_sc(n, f, e_act, chunks, npad)
    acc_flat, den_flat = sc(hs, s1, s2, ij)
    acc = acc_flat.reshape(NC, npad, f // 2)
    den = den_flat.reshape(NC, npad)

    out = _finish(acc, den, bias.reshape(1, f), bf=1024)
    return out[:n]

# --- scband reference (transcript-rebuilt; emitter-appended) ---
"""Pipeline reference for scband-gatconv-32925219291964 (READ-ONLY COPY).

The authoritative reference and input builder live on the scoring server;
editing this copy changes nothing except your own understanding.
"""

import jax, jax.numpy as jnp
import numpy as np

N = 10000
E = 320000
F_IN = 128
F_OUT = 128
HEADS = 1
NEG_SLOPE = 0.2


def setup_inputs(seed: int = 0) -> dict:
    key = jax.random.key(seed)
    k1, k2, k3, k4 = jax.random.split(key, 4)
    x = jax.random.normal(k1, (N, F_IN), dtype=jnp.float32)
    edge_index = jax.random.randint(k2, (2, E), 0, N, dtype=jnp.int32)
    std_w = float(np.sqrt(6.0 / (F_IN + HEADS * F_OUT)))
    weight = jax.random.uniform(k3, (F_IN, HEADS * F_OUT), minval=-std_w, maxval=std_w, dtype=jnp.float32)
    std_a = float(np.sqrt(6.0 / (1 + 2 * F_OUT)))
    att = jax.random.uniform(k4, (1, HEADS, 2 * F_OUT), minval=-std_a, maxval=std_a, dtype=jnp.float32)
    bias = jnp.zeros((HEADS * F_OUT,), dtype=jnp.float32)
    return {"x": x, "edge_index": edge_index, "weight": weight, "att": att, "bias": bias}


def reference(x, edge_index, weight, att, bias):
    n = x.shape[0]
    loops = jnp.arange(n, dtype=edge_index.dtype)
    ei = jnp.concatenate([edge_index, jnp.stack([loops, loops], axis=0)], axis=1)
    h = jnp.dot(x, weight).reshape(-1, HEADS, F_OUT)
    idx_i = ei[0]
    idx_j = ei[1]
    x_i = h[idx_i]
    x_j = h[idx_j]
    alpha = jnp.sum(jnp.concatenate([x_i, x_j], axis=-1) * att, axis=-1)
    alpha = jnp.where(alpha >= 0, alpha, NEG_SLOPE * alpha)
    amax = jax.ops.segment_max(alpha, idx_i, num_segments=n)
    amax = jnp.where(jnp.isfinite(amax), amax, 0.0)
    ex = jnp.exp(alpha - amax[idx_i])
    denom = jax.ops.segment_sum(ex, idx_i, num_segments=n)
    alpha_n = ex / (denom[idx_i] + 1e-16)
    msg = x_j * alpha_n[:, :, None]
    out = jax.ops.segment_sum(msg, idx_i, num_segments=n)
    out = out.reshape(n, HEADS * F_OUT) + bias
    return out

if __name__ == "__main__":
    import jax
    _d = setup_inputs()
    print(jax.jit(kernel)(*tuple(_d.values())))

</pallas_src>

<mosaic_0001>
#map = affine_map<(d0, d1) -> (0, 0, 0)>
#map1 = affine_map<(d0, d1) -> (0)>
#map2 = affine_map<(d0, d1) -> (0, 0)>
module attributes {stable_mosaic.version = 14 : i64} {
  func.func @sc_kernel(%arg0: i32, %arg1: i32, %arg2: memref<2x10240x64xf32, #tpu.memory_space<hbm>>, %arg3: memref<10240xf32, #tpu.memory_space<hbm>>, %arg4: memref<10240xf32, #tpu.memory_space<hbm>>, %arg5: memref<2592x2x128xi32, #tpu.memory_space<hbm>>, %arg6: memref<20480x64xf32, #tpu.memory_space<hbm>>, %arg7: memref<20480xf32, #tpu.memory_space<hbm>>, %arg8: memref<10240x64xf32, #tpu.memory_space<vmem_shared>>, %arg9: memref<10240xf32, #tpu.memory_space<vmem_shared>>, %arg10: memref<10240xf32, #tpu.memory_space<vmem_shared>>, %arg11: memref<10240x64xf32, #tpu.memory_space<vmem_shared>>, %arg12: memref<10240xf32, #tpu.memory_space<vmem_shared>>, %arg13: memref<2x128xi32, #tpu.memory_space<vmem>>, %arg14: memref<2x128xi32, #tpu.memory_space<vmem>>, %arg15: memref<128xf32, #tpu.memory_space<vmem>>, %arg16: memref<128xf32, #tpu.memory_space<vmem>>, %arg17: memref<128xf32, #tpu.memory_space<vmem>>, %arg18: memref<128xf32, #tpu.memory_space<vmem>>, %arg19: memref<128xf32, #tpu.memory_space<vmem>>, %arg20: memref<128xf32, #tpu.memory_space<vmem>>, %arg21: memref<128x64xf32, #tpu.memory_space<vmem>>, %arg22: memref<128x64xf32, #tpu.memory_space<vmem>>, %arg23: memref<128xi32, #tpu.memory_space<vmem>>, %arg24: memref<128xi32, #tpu.memory_space<vmem>>, %arg25: memref<!tpu.dma_semaphore, #tpu.memory_space<semaphore_mem>>, %arg26: memref<!tpu.dma_semaphore, #tpu.memory_space<semaphore_mem>>, %arg27: memref<!tpu.dma_semaphore, #tpu.memory_space<semaphore_mem>>, %arg28: memref<!tpu.dma_semaphore, #tpu.memory_space<semaphore_mem>>, %arg29: memref<!tpu.dma_semaphore, #tpu.memory_space<semaphore_mem>>, %arg30: memref<!tpu.dma_semaphore, #tpu.memory_space<semaphore_mem>>) attributes {dimension_semantics = [#tpu.dimension_semantics<core_parallel>, #tpu.dimension_semantics<subcore_parallel>], iteration_bounds = array<i64: 2, 16>, scalar_prefetch = 0 : i64, scratch_operands = 23 : i64, tpu.core_type = #tpu.core_type<sc_vector_subcore>, window_params = [{transform_indices = #map}, {transform_indices = #map1}, {transform_indices = #map1}, {transform_indices = #map}, {transform_indices = #map2}, {transform_indices = #map1}]} {
    %broadcast_in_dim3A = arith.constant 0.000000e+00 : f32
    %broadcast_in_dim3A_0 = vector.broadcast %broadcast_in_dim3A : f32 to vector<16xf32>
    %scan3A = arith.constant 0 : i32
    %scan3A_1 = arith.constant 0 : i32
    %scan3A_2 = arith.constant 128 : i32
    %scan3A_3 = arith.addi %scan3A_1, %scan3A_2 : i32
    %scan3A_4 = arith.constant 1 : i32
    scf.for %scan3A_103 = %scan3A_1 to %scan3A_3 step %scan3A_4  : i32 {
      %swap3A_104 = arith.index_cast %scan3A_103 : i32 to index
      %swap3A_105 = arith.constant 0 : index
      %swap3A_106 = tpu.vector_load %arg21[%swap3A_104, %swap3A_105] {strides = array<i32>} : memref<128x64xf32, #tpu.memory_space<vmem>>, vector<16xf32>,
      tpu.vector_store %arg21[%swap3A_104, %swap3A_105], %broadcast_in_dim3A_0 {strides = array<i32>} : memref<128x64xf32, #tpu.memory_space<vmem>>, vector<16xf32>,
      %swap3A_107 = arith.index_cast %scan3A_103 : i32 to index
      %swap3A_108 = arith.constant 16 : index
      %swap3A_109 = tpu.vector_load %arg21[%swap3A_107, %swap3A_108] {strides = array<i32>} : memref<128x64xf32, #tpu.memory_space<vmem>>, vector<16xf32>,
      tpu.vector_store %arg21[%swap3A_107, %swap3A_108], %broadcast_in_dim3A_0 {strides = array<i32>} : memref<128x64xf32, #tpu.memory_space<vmem>>, vector<16xf32>,
      %swap3A_110 = arith.index_cast %scan3A_103 : i32 to index
      %swap3A_111 = arith.constant 32 : index
      %swap3A_112 = tpu.vector_load %arg21[%swap3A_110, %swap3A_111] {strides = array<i32>} : memref<128x64xf32, #tpu.memory_space<vmem>>, vector<16xf32>,
      tpu.vector_store %arg21[%swap3A_110, %swap3A_111], %broadcast_in_dim3A_0 {strides = array<i32>} : memref<128x64xf32, #tpu.memory_space<vmem>>, vector<16xf32>,
      %swap3A_113 = arith.index_cast %scan3A_103 : i32 to index
      %swap3A_114 = arith.constant 48 : index
      %swap3A_115 = tpu.vector_load %arg21[%swap3A_113, %swap3A_114] {strides = array<i32>} : memref<128x64xf32, #tpu.memory_space<vmem>>, vector<16xf32>,
      tpu.vector_store %arg21[%swap3A_113, %swap3A_114], %broadcast_in_dim3A_0 {strides = array<i32>} : memref<128x64xf32, #tpu.memory_space<vmem>>, vector<16xf32>,
    }
    %scan3A_5 = arith.constant 128 : i32
    %swap3A = arith.constant 0 : index
    %swap3A_6 = tpu.vector_load %arg19[%swap3A] {strides = array<i32>} : memref<128xf32, #tpu.memory_space<vmem>>, vector<16xf32>,
    tpu.vector_store %arg19[%swap3A], %broadcast_in_dim3A_0 {strides = array<i32>} : memref<128xf32, #tpu.memory_space<vmem>>, vector<16xf32>,
    %swap3A_7 = arith.constant 16 : index
    %swap3A_8 = tpu.vector_load %arg19[%swap3A_7] {strides = array<i32>} : memref<128xf32, #tpu.memory_space<vmem>>, vector<16xf32>,
    tpu.vector_store %arg19[%swap3A_7], %broadcast_in_dim3A_0 {strides = array<i32>} : memref<128xf32, #tpu.memory_space<vmem>>, vector<16xf32>,
    %swap3A_9 = arith.constant 32 : index
    %swap3A_10 = tpu.vector_load %arg19[%swap3A_9] {strides = array<i32>} : memref<128xf32, #tpu.memory_space<vmem>>, vector<16xf32>,
    tpu.vector_store %arg19[%swap3A_9], %broadcast_in_dim3A_0 {strides = array<i32>} : memref<128xf32, #tpu.memory_space<vmem>>, vector<16xf32>,
    %swap3A_11 = arith.constant 48 : index
    %swap3A_12 = tpu.vector_load %arg19[%swap3A_11] {strides = array<i32>} : memref<128xf32, #tpu.memory_space<vmem>>, vector<16xf32>,
    tpu.vector_store %arg19[%swap3A_11], %broadcast_in_dim3A_0 {strides = array<i32>} : memref<128xf32, #tpu.memory_space<vmem>>, vector<16xf32>,
    %swap3A_13 = arith.constant 64 : index
    %swap3A_14 = tpu.vector_load %arg19[%swap3A_13] {strides = array<i32>} : memref<128xf32, #tpu.memory_space<vmem>>, vector<16xf32>,
    tpu.vector_store %arg19[%swap3A_13], %broadcast_in_dim3A_0 {strides = array<i32>} : memref<128xf32, #tpu.memory_space<vmem>>, vector<16xf32>,
    %swap3A_15 = arith.constant 80 : index
    %swap3A_16 = tpu.vector_load %arg19[%swap3A_15] {strides = array<i32>} : memref<128xf32, #tpu.memory_space<vmem>>, vector<16xf32>,
    tpu.vector_store %arg19[%swap3A_15], %broadcast_in_dim3A_0 {strides = array<i32>} : memref<128xf32, #tpu.memory_space<vmem>>, vector<16xf32>,
    %swap3A_17 = arith.constant 96 : index
    %swap3A_18 = tpu.vector_load %arg19[%swap3A_17] {strides = array<i32>} : memref<128xf32, #tpu.memory_space<vmem>>, vector<16xf32>,
    tpu.vector_store %arg19[%swap3A_17], %broadcast_in_dim3A_0 {strides = array<i32>} : memref<128xf32, #tpu.memory_space<vmem>>, vector<16xf32>,
    %swap3A_19 = arith.constant 112 : index
    %swap3A_20 = tpu.vector_load %arg19[%swap3A_19] {strides = array<i32>} : memref<128xf32, #tpu.memory_space<vmem>>, vector<16xf32>,
    tpu.vector_store %arg19[%swap3A_19], %broadcast_in_dim3A_0 {strides = array<i32>} : memref<128xf32, #tpu.memory_space<vmem>>, vector<16xf32>,
    %mul3A = arith.constant 640 : i32
    %mul3A_21 = arith.muli %arg1, %mul3A : i32
    %add3A = arith.constant 0 : i32
    %add3A_22 = arith.addi %mul3A_21, %add3A : i32
    %multiple_of3A = tpu.assume_multiple %add3A_22, 8 : i32
    "tpu.region"() ({
      %run_scoped3A = tpu.sem_alloc : memref<!tpu.dma_semaphore, #tpu.memory_space<semaphore_mem>>
      %dma_start3A_103 = arith.constant 0 : i32
      %dma_start3A_104 = tpu.memref_slice %arg11[%multiple_of3A, %dma_start3A_103] : memref<10240x64xf32, #tpu.memory_space<vmem_shared>> -> memref<128x64xf32, #tpu.memory_space<vmem_shared>>
      %dma_start3A_105 = arith.constant 0 : i32
      %dma_start3A_106 = tpu.memref_slice %arg11[%multiple_of3A, %dma_start3A_105] : memref<10240x64xf32, #tpu.memory_space<vmem_shared>> -> memref<128x64xf32, #tpu.memory_space<vmem_shared>>
      tpu.enqueue_dma source(%arg21 : memref<128x64xf32, #tpu.memory_space<vmem>>) target(%dma_start3A_106 : memref<128x64xf32, #tpu.memory_space<vmem_shared>>) target_semaphore(%run_scoped3A : memref<!tpu.dma_semaphore, #tpu.memory_space<semaphore_mem>>)
      %dma_wait3A_107 = arith.constant 0 : i32
      %dma_wait3A_108 = tpu.memref_slice %arg11[%multiple_of3A, %dma_wait3A_107] : memref<10240x64xf32, #tpu.memory_space<vmem_shared>> -> memref<128x64xf32, #tpu.memory_space<vmem_shared>>
      %dma_wait3A_109 = arith.constant 0 : i32
      %dma_wait3A_110 = tpu.memref_slice %arg11[%multiple_of3A, %dma_wait3A_109] : memref<10240x64xf32, #tpu.memory_space<vmem_shared>> -> memref<128x64xf32, #tpu.memory_space<vmem_shared>>
      tpu.wait_dma2 semaphore(%run_scoped3A : memref<!tpu.dma_semaphore, #tpu.memory_space<semaphore_mem>>) src(%arg21 : memref<128x64xf32, #tpu.memory_space<vmem>>) dst(%dma_wait3A_110 : memref<128x64xf32, #tpu.memory_space<vmem_shared>>)
      tpu.yield
    }) : () -> ()
    "tpu.region"() ({
      %run_scoped3A = tpu.sem_alloc : memref<!tpu.dma_semaphore, #tpu.memory_space<semaphore_mem>>
      %dma_start3A_103 = tpu.memref_slice %arg12[%multiple_of3A] : memref<10240xf32, #tpu.memory_space<vmem_shared>> -> memref<128xf32, #tpu.memory_space<vmem_shared>>
      %dma_start3A_104 = tpu.memref_slice %arg12[%multiple_of3A] : memref<10240xf32, #tpu.memory_space<vmem_shared>> -> memref<128xf32, #tpu.memory_space<vmem_shared>>
      tpu.enqueue_dma source(%arg19 : memref<128xf32, #tpu.memory_space<vmem>>) target(%dma_start3A_104 : memref<128xf32, #tpu.memory_space<vmem_shared>>) target_semaphore(%run_scoped3A : memref<!tpu.dma_semaphore, #tpu.memory_space<semaphore_mem>>)
      %dma_wait3A_105 = tpu.memref_slice %arg12[%multiple_of3A] : memref<10240xf32, #tpu.memory_space<vmem_shared>> -> memref<128xf32, #tpu.memory_space<vmem_shared>>
      %dma_wait3A_106 = tpu.memref_slice %arg12[%multiple_of3A] : memref<10240xf32, #tpu.memory_space<vmem_shared>> -> memref<128xf32, #tpu.memory_space<vmem_shared>>
      tpu.wait_dma2 semaphore(%run_scoped3A : memref<!tpu.dma_semaphore, #tpu.memory_space<semaphore_mem>>) src(%arg19 : memref<128xf32, #tpu.memory_space<vmem>>) dst(%dma_wait3A_106 : memref<128xf32, #tpu.memory_space<vmem_shared>>)
      tpu.yield
    }) : () -> ()
    %add3A_23 = arith.constant 128 : i32
    %add3A_24 = arith.addi %mul3A_21, %add3A_23 : i32
    %multiple_of3A_25 = tpu.assume_multiple %add3A_24, 8 : i32
    "tpu.region"() ({
      %run_scoped3A = tpu.sem_alloc : memref<!tpu.dma_semaphore, #tpu.memory_space<semaphore_mem>>
      %dma_start3A_103 = arith.constant 0 : i32
      %dma_start3A_104 = tpu.memref_slice %arg11[%multiple_of3A_25, %dma_start3A_103] : memref<10240x64xf32, #tpu.memory_space<vmem_shared>> -> memref<128x64xf32, #tpu.memory_space<vmem_shared>>
      %dma_start3A_105 = arith.constant 0 : i32
      %dma_start3A_106 = tpu.memref_slice %arg11[%multiple_of3A_25, %dma_start3A_105] : memref<10240x64xf32, #tpu.memory_space<vmem_shared>> -> memref<128x64xf32, #tpu.memory_space<vmem_shared>>
      tpu.enqueue_dma source(%arg21 : memref<128x64xf32, #tpu.memory_space<vmem>>) target(%dma_start3A_106 : memref<128x64xf32, #tpu.memory_space<vmem_shared>>) target_semaphore(%run_scoped3A : memref<!tpu.dma_semaphore, #tpu.memory_space<semaphore_mem>>)
      %dma_wait3A_107 = arith.constant 0 : i32
      %dma_wait3A_108 = tpu.memref_slice %arg11[%multiple_of3A_25, %dma_wait3A_107] : memref<10240x64xf32, #tpu.memory_space<vmem_shared>> -> memref<128x64xf32, #tpu.memory_space<vmem_shared>>
      %dma_wait3A_109 = arith.constant 0 : i32
      %dma_wait3A_110 = tpu.memref_slice %arg11[%multiple_of3A_25, %dma_wait3A_109] : memref<10240x64xf32, #tpu.memory_space<vmem_shared>> -> memref<128x64xf32, #tpu.memory_space<vmem_shared>>
      tpu.wait_dma2 semaphore(%run_scoped3A : memref<!tpu.dma_semaphore, #tpu.memory_space<semaphore_mem>>) src(%arg21 : memref<128x64xf32, #tpu.memory_space<vmem>>) dst(%dma_wait3A_110 : memref<128x64xf32, #tpu.memory_space<vmem_shared>>)
      tpu.yield
    }) : () -> ()
    "tpu.region"() ({
      %run_scoped3A = tpu.sem_alloc : memref<!tpu.dma_semaphore, #tpu.memory_space<semaphore_mem>>
      %dma_start3A_103 = tpu.memref_slice %arg12[%multiple_of3A_25] : memref<10240xf32, #tpu.memory_space<vmem_shared>> -> memref<128xf32, #tpu.memory_space<vmem_shared>>
      %dma_start3A_104 = tpu.memref_slice %arg12[%multiple_of3A_25] : memref<10240xf32, #tpu.memory_space<vmem_shared>> -> memref<128xf32, #tpu.memory_space<vmem_shared>>
      tpu.enqueue_dma source(%arg19 : memref<128xf32, #tpu.memory_space<vmem>>) target(%dma_start3A_104 : memref<128xf32, #tpu.memory_space<vmem_shared>>) target_semaphore(%run_scoped3A : memref<!tpu.dma_semaphore, #tpu.memory_space<semaphore_mem>>)
      %dma_wait3A_105 = tpu.memref_slice %arg12[%multiple_of3A_25] : memref<10240xf32, #tpu.memory_space<vmem_shared>> -> memref<128xf32, #tpu.memory_space<vmem_shared>>
      %dma_wait3A_106 = tpu.memref_slice %arg12[%multiple_of3A_25] : memref<10240xf32, #tpu.memory_space<vmem_shared>> -> memref<128xf32, #tpu.memory_space<vmem_shared>>
      tpu.wait_dma2 semaphore(%run_scoped3A : memref<!tpu.dma_semaphore, #tpu.memory_space<semaphore_mem>>) src(%arg19 : memref<128xf32, #tpu.memory_space<vmem>>) dst(%dma_wait3A_106 : memref<128xf32, #tpu.memory_space<vmem_shared>>)
      tpu.yield
    }) : () -> ()
    %add3A_26 = arith.constant 256 : i32
    %add3A_27 = arith.addi %mul3A_21, %add3A_26 : i32
    %multiple_of3A_28 = tpu.assume_multiple %add3A_27, 8 : i32
    "tpu.region"() ({
      %run_scoped3A = tpu.sem_alloc : memref<!tpu.dma_semaphore, #tpu.memory_space<semaphore_mem>>
      %dma_start3A_103 = arith.constant 0 : i32
      %dma_start3A_104 = tpu.memref_slice %arg11[%multiple_of3A_28, %dma_start3A_103] : memref<10240x64xf32, #tpu.memory_space<vmem_shared>> -> memref<128x64xf32, #tpu.memory_space<vmem_shared>>
      %dma_start3A_105 = arith.constant 0 : i32
      %dma_start3A_106 = tpu.memref_slice %arg11[%multiple_of3A_28, %dma_start3A_105] : memref<10240x64xf32, #tpu.memory_space<vmem_shared>> -> memref<128x64xf32, #tpu.memory_space<vmem_shared>>
      tpu.enqueue_dma source(%arg21 : memref<128x64xf32, #tpu.memory_space<vmem>>) target(%dma_start3A_106 : memref<128x64xf32, #tpu.memory_space<vmem_shared>>) target_semaphore(%run_scoped3A : memref<!tpu.dma_semaphore, #tpu.memory_space<semaphore_mem>>)
      %dma_wait3A_107 = arith.constant 0 : i32
      %dma_wait3A_108 = tpu.memref_slice %arg11[%multiple_of3A_28, %dma_wait3A_107] : memref<10240x64xf32, #tpu.memory_space<vmem_shared>> -> memref<128x64xf32, #tpu.memory_space<vmem_shared>>
      %dma_wait3A_109 = arith.constant 0 : i32
      %dma_wait3A_110 = tpu.memref_slice %arg11[%multiple_of3A_28, %dma_wait3A_109] : memref<10240x64xf32, #tpu.memory_space<vmem_shared>> -> memref<128x64xf32, #tpu.memory_space<vmem_shared>>
      tpu.wait_dma2 semaphore(%run_scoped3A : memref<!tpu.dma_semaphore, #tpu.memory_space<semaphore_mem>>) src(%arg21 : memref<128x64xf32, #tpu.memory_space<vmem>>) dst(%dma_wait3A_110 : memref<128x64xf32, #tpu.memory_space<vmem_shared>>)
      tpu.yield
    }) : () -> ()
    "tpu.region"() ({
      %run_scoped3A = tpu.sem_alloc : memref<!tpu.dma_semaphore, #tpu.memory_space<semaphore_mem>>
      %dma_start3A_103 = tpu.memref_slice %arg12[%multiple_of3A_28] : memref<10240xf32, #tpu.memory_space<vmem_shared>> -> memref<128xf32, #tpu.memory_space<vmem_shared>>
      %dma_start3A_104 = tpu.memref_slice %arg12[%multiple_of3A_28] : memref<10240xf32, #tpu.memory_space<vmem_shared>> -> memref<128xf32, #tpu.memory_space<vmem_shared>>
      tpu.enqueue_dma source(%arg19 : memref<128xf32, #tpu.memory_space<vmem>>) target(%dma_start3A_104 : memref<128xf32, #tpu.memory_space<vmem_shared>>) target_semaphore(%run_scoped3A : memref<!tpu.dma_semaphore, #tpu.memory_space<semaphore_mem>>)
      %dma_wait3A_105 = tpu.memref_slice %arg12[%multiple_of3A_28] : memref<10240xf32, #tpu.memory_space<vmem_shared>> -> memref<128xf32, #tpu.memory_space<vmem_shared>>
      %dma_wait3A_106 = tpu.memref_slice %arg12[%multiple_of3A_28] : memref<10240xf32, #tpu.memory_space<vmem_shared>> -> memref<128xf32, #tpu.memory_space<vmem_shared>>
      tpu.wait_dma2 semaphore(%run_scoped3A : memref<!tpu.dma_semaphore, #tpu.memory_space<semaphore_mem>>) src(%arg19 : memref<128xf32, #tpu.memory_space<vmem>>) dst(%dma_wait3A_106 : memref<128xf32, #tpu.memory_space<vmem_shared>>)
      tpu.yield
    }) : () -> ()
    %add3A_29 = arith.constant 384 : i32
    %add3A_30 = arith.addi %mul3A_21, %add3A_29 : i32
    %multiple_of3A_31 = tpu.assume_multiple %add3A_30, 8 : i32
    "tpu.region"() ({
      %run_scoped3A = tpu.sem_alloc : memref<!tpu.dma_semaphore, #tpu.memory_space<semaphore_mem>>
      %dma_start3A_103 = arith.constant 0 : i32
      %dma_start3A_104 = tpu.memref_slice %arg11[%multiple_of3A_31, %dma_start3A_103] : memref<10240x64xf32, #tpu.memory_space<vmem_shared>> -> memref<128x64xf32, #tpu.memory_space<vmem_shared>>
      %dma_start3A_105 = arith.constant 0 : i32
      %dma_start3A_106 = tpu.memref_slice %arg11[%multiple_of3A_31, %dma_start3A_105] : memref<10240x64xf32, #tpu.memory_space<vmem_shared>> -> memref<128x64xf32, #tpu.memory_space<vmem_shared>>
      tpu.enqueue_dma source(%arg21 : memref<128x64xf32, #tpu.memory_space<vmem>>) target(%dma_start3A_106 : memref<128x64xf32, #tpu.memory_space<vmem_shared>>) target_semaphore(%run_scoped3A : memref<!tpu.dma_semaphore, #tpu.memory_space<semaphore_mem>>)
      %dma_wait3A_107 = arith.constant 0 : i32
      %dma_wait3A_108 = tpu.memref_slice %arg11[%multiple_of3A_31, %dma_wait3A_107] : memref<10240x64xf32, #tpu.memory_space<vmem_shared>> -> memref<128x64xf32, #tpu.memory_space<vmem_shared>>
      %dma_wait3A_109 = arith.constant 0 : i32
      %dma_wait3A_110 = tpu.memref_slice %arg11[%multiple_of3A_31, %dma_wait3A_109] : memref<10240x64xf32, #tpu.memory_space<vmem_shared>> -> memref<128x64xf32, #tpu.memory_space<vmem_shared>>
      tpu.wait_dma2 semaphore(%run_scoped3A : memref<!tpu.dma_semaphore, #tpu.memory_space<semaphore_mem>>) src(%arg21 : memref<128x64xf32, #tpu.memory_space<vmem>>) dst(%dma_wait3A_110 : memref<128x64xf32, #tpu.memory_space<vmem_shared>>)
      tpu.yield
    }) : () -> ()
    "tpu.region"() ({
      %run_scoped3A = tpu.sem_alloc : memref<!tpu.dma_semaphore, #tpu.memory_space<semaphore_mem>>
      %dma_start3A_103 = tpu.memref_slice %arg12[%multiple_of3A_31] : memref<10240xf32, #tpu.memory_space<vmem_shared>> -> memref<128xf32, #tpu.memory_space<vmem_shared>>
      %dma_start3A_104 = tpu.memref_slice %arg12[%multiple_of3A_31] : memref<10240xf32, #tpu.memory_space<vmem_shared>> -> memref<128xf32, #tpu.memory_space<vmem_shared>>
      tpu.enqueue_dma source(%arg19 : memref<128xf32, #tpu.memory_space<vmem>>) target(%dma_start3A_104 : memref<128xf32, #tpu.memory_space<vmem_shared>>) target_semaphore(%run_scoped3A : memref<!tpu.dma_semaphore, #tpu.memory_space<semaphore_mem>>)
      %dma_wait3A_105 = tpu.memref_slice %arg12[%multiple_of3A_31] : memref<10240xf32, #tpu.memory_space<vmem_shared>> -> memref<128xf32, #tpu.memory_space<vmem_shared>>
      %dma_wait3A_106 = tpu.memref_slice %arg12[%multiple_of3A_31] : memref<10240xf32, #tpu.memory_space<vmem_shared>> -> memref<128xf32, #tpu.memory_space<vmem_shared>>
      tpu.wait_dma2 semaphore(%run_scoped3A : memref<!tpu.dma_semaphore, #tpu.memory_space<semaphore_mem>>) src(%arg19 : memref<128xf32, #tpu.memory_space<vmem>>) dst(%dma_wait3A_106 : memref<128xf32, #tpu.memory_space<vmem_shared>>)
      tpu.yield
    }) : () -> ()
    %add3A_32 = arith.constant 512 : i32
    %add3A_33 = arith.addi %mul3A_21, %add3A_32 : i32
    %multiple_of3A_34 = tpu.assume_multiple %add3A_33, 8 : i32
    "tpu.region"() ({
      %run_scoped3A = tpu.sem_alloc : memref<!tpu.dma_semaphore, #tpu.memory_space<semaphore_mem>>
      %dma_start3A_103 = arith.constant 0 : i32
      %dma_start3A_104 = tpu.memref_slice %arg11[%multiple_of3A_34, %dma_start3A_103] : memref<10240x64xf32, #tpu.memory_space<vmem_shared>> -> memref<128x64xf32, #tpu.memory_space<vmem_shared>>
      %dma_start3A_105 = arith.constant 0 : i32
      %dma_start3A_106 = tpu.memref_slice %arg11[%multiple_of3A_34, %dma_start3A_105] : memref<10240x64xf32, #tpu.memory_space<vmem_shared>> -> memref<128x64xf32, #tpu.memory_space<vmem_shared>>
      tpu.enqueue_dma source(%arg21 : memref<128x64xf32, #tpu.memory_space<vmem>>) target(%dma_start3A_106 : memref<128x64xf32, #tpu.memory_space<vmem_shared>>) target_semaphore(%run_scoped3A : memref<!tpu.dma_semaphore, #tpu.memory_space<semaphore_mem>>)
      %dma_wait3A_107 = arith.constant 0 : i32
      %dma_wait3A_108 = tpu.memref_slice %arg11[%multiple_of3A_34, %dma_wait3A_107] : memref<10240x64xf32, #tpu.memory_space<vmem_shared>> -> memref<128x64xf32, #tpu.memory_space<vmem_shared>>
      %dma_wait3A_109 = arith.constant 0 : i32
      %dma_wait3A_110 = tpu.memref_slice %arg11[%multiple_of3A_34, %dma_wait3A_109] : memref<10240x64xf32, #tpu.memory_space<vmem_shared>> -> memref<128x64xf32, #tpu.memory_space<vmem_shared>>
      tpu.wait_dma2 semaphore(%run_scoped3A : memref<!tpu.dma_semaphore, #tpu.memory_space<semaphore_mem>>) src(%arg21 : memref<128x64xf32, #tpu.memory_space<vmem>>) dst(%dma_wait3A_110 : memref<128x64xf32, #tpu.memory_space<vmem_shared>>)
      tpu.yield
    }) : () -> ()
    "tpu.region"() ({
      %run_scoped3A = tpu.sem_alloc : memref<!tpu.dma_semaphore, #tpu.memory_space<semaphore_mem>>
      %dma_start3A_103 = tpu.memref_slice %arg12[%multiple_of3A_34] : memref<10240xf32, #tpu.memory_space<vmem_shared>> -> memref<128xf32, #tpu.memory_space<vmem_shared>>
      %dma_start3A_104 = tpu.memref_slice %arg12[%multiple_of3A_34] : memref<10240xf32, #tpu.memory_space<vmem_shared>> -> memref<128xf32, #tpu.memory_space<vmem_shared>>
      tpu.enqueue_dma source(%arg19 : memref<128xf32, #tpu.memory_space<vmem>>) target(%dma_start3A_104 : memref<128xf32, #tpu.memory_space<vmem_shared>>) target_semaphore(%run_scoped3A : memref<!tpu.dma_semaphore, #tpu.memory_space<semaphore_mem>>)
      %dma_wait3A_105 = tpu.memref_slice %arg12[%multiple_of3A_34] : memref<10240xf32, #tpu.memory_space<vmem_shared>> -> memref<128xf32, #tpu.memory_space<vmem_shared>>
      %dma_wait3A_106 = tpu.memref_slice %arg12[%multiple_of3A_34] : memref<10240xf32, #tpu.memory_space<vmem_shared>> -> memref<128xf32, #tpu.memory_space<vmem_shared>>
      tpu.wait_dma2 semaphore(%run_scoped3A : memref<!tpu.dma_semaphore, #tpu.memory_space<semaphore_mem>>) src(%arg19 : memref<128xf32, #tpu.memory_space<vmem>>) dst(%dma_wait3A_106 : memref<128xf32, #tpu.memory_space<vmem_shared>>)
      tpu.yield
    }) : () -> ()
    %multiple_of3A_35 = tpu.assume_multiple %mul3A_21, 8 : i32
    "tpu.region"() ({
      %run_scoped3A = tpu.sem_alloc : memref<!tpu.dma_semaphore, #tpu.memory_space<semaphore_mem>>
      %dma_start3A_103 = arith.constant 0 : i32
      %dma_start3A_104 = tpu.memref_slice %arg8[%multiple_of3A_35, %dma_start3A_103] : memref<10240x64xf32, #tpu.memory_space<vmem_shared>> -> memref<640x64xf32, #tpu.memory_space<vmem_shared>>
      %dma_start3A_105 = arith.constant 0 : i32
      %dma_start3A_106 = tpu.memref_slice %arg2[%arg0, %multiple_of3A_35, %dma_start3A_105] : memref<2x10240x64xf32, #tpu.memory_space<hbm>> -> memref<1x640x64xf32, #tpu.memory_space<hbm>>
      %dma_start3A_107 = tpu.memref_squeeze %dma_start3A_106 : memref<1x640x64xf32, #tpu.memory_space<hbm>> -> memref<640x64xf32, #tpu.memory_space<hbm>>
      tpu.enqueue_dma source(%dma_start3A_107 : memref<640x64xf32, #tpu.memory_space<hbm>>) target(%dma_start3A_104 : memref<640x64xf32, #tpu.memory_space<vmem_shared>>) target_semaphore(%run_scoped3A : memref<!tpu.dma_semaphore, #tpu.memory_space<semaphore_mem>>)
      %dma_wait3A_108 = arith.constant 0 : i32
      %dma_wait3A_109 = tpu.memref_slice %arg8[%multiple_of3A_35, %dma_wait3A_108] : memref<10240x64xf32, #tpu.memory_space<vmem_shared>> -> memref<640x64xf32, #tpu.memory_space<vmem_shared>>
      %dma_wait3A_110 = arith.constant 0 : i32
      %dma_wait3A_111 = tpu.memref_slice %arg2[%arg0, %multiple_of3A_35, %dma_wait3A_110] : memref<2x10240x64xf32, #tpu.memory_space<hbm>> -> memref<1x640x64xf32, #tpu.memory_space<hbm>>
      %dma_wait3A_112 = tpu.memref_squeeze %dma_wait3A_111 : memref<1x640x64xf32, #tpu.memory_space<hbm>> -> memref<640x64xf32, #tpu.memory_space<hbm>>
      tpu.wait_dma2 semaphore(%run_scoped3A : memref<!tpu.dma_semaphore, #tpu.memory_space<semaphore_mem>>) src(%dma_wait3A_112 : memref<640x64xf32, #tpu.memory_space<hbm>>) dst(%dma_wait3A_109 : memref<640x64xf32, #tpu.memory_space<vmem_shared>>)
      tpu.yield
    }) : () -> ()
    "tpu.region"() ({
      %run_scoped3A = tpu.sem_alloc : memref<!tpu.dma_semaphore, #tpu.memory_space<semaphore_mem>>
      %dma_start3A_103 = tpu.memref_slice %arg9[%multiple_of3A_35] : memref<10240xf32, #tpu.memory_space<vmem_shared>> -> memref<640xf32, #tpu.memory_space<vmem_shared>>
      %dma_start3A_104 = tpu.memref_slice %arg3[%multiple_of3A_35] : memref<10240xf32, #tpu.memory_space<hbm>> -> memref<640xf32, #tpu.memory_space<hbm>>
      tpu.enqueue_dma source(%dma_start3A_104 : memref<640xf32, #tpu.memory_space<hbm>>) target(%dma_start3A_103 : memref<640xf32, #tpu.memory_space<vmem_shared>>) target_semaphore(%run_scoped3A : memref<!tpu.dma_semaphore, #tpu.memory_space<semaphore_mem>>)
      %dma_wait3A_105 = tpu.memref_slice %arg9[%multiple_of3A_35] : memref<10240xf32, #tpu.memory_space<vmem_shared>> -> memref<640xf32, #tpu.memory_space<vmem_shared>>
      %dma_wait3A_106 = tpu.memref_slice %arg3[%multiple_of3A_35] : memref<10240xf32, #tpu.memory_space<hbm>> -> memref<640xf32, #tpu.memory_space<hbm>>
      tpu.wait_dma2 semaphore(%run_scoped3A : memref<!tpu.dma_semaphore, #tpu.memory_space<semaphore_mem>>) src(%dma_wait3A_106 : memref<640xf32, #tpu.memory_space<hbm>>) dst(%dma_wait3A_105 : memref<640xf32, #tpu.memory_space<vmem_shared>>)
      tpu.yield
    }) : () -> ()
    "tpu.region"() ({
      %run_scoped3A = tpu.sem_alloc : memref<!tpu.dma_semaphore, #tpu.memory_space<semaphore_mem>>
      %dma_start3A_103 = tpu.memref_slice %arg10[%multiple_of3A_35] : memref<10240xf32, #tpu.memory_space<vmem_shared>> -> memref<640xf32, #tpu.memory_space<vmem_shared>>
      %dma_start3A_104 = tpu.memref_slice %arg4[%multiple_of3A_35] : memref<10240xf32, #tpu.memory_space<hbm>> -> memref<640xf32, #tpu.memory_space<hbm>>
      tpu.enqueue_dma source(%dma_start3A_104 : memref<640xf32, #tpu.memory_space<hbm>>) target(%dma_start3A_103 : memref<640xf32, #tpu.memory_space<vmem_shared>>) target_semaphore(%run_scoped3A : memref<!tpu.dma_semaphore, #tpu.memory_space<semaphore_mem>>)
      %dma_wait3A_105 = tpu.memref_slice %arg10[%multiple_of3A_35] : memref<10240xf32, #tpu.memory_space<vmem_shared>> -> memref<640xf32, #tpu.memory_space<vmem_shared>>
      %dma_wait3A_106 = tpu.memref_slice %arg4[%multiple_of3A_35] : memref<10240xf32, #tpu.memory_space<hbm>> -> memref<640xf32, #tpu.memory_space<hbm>>
      tpu.wait_dma2 semaphore(%run_scoped3A : memref<!tpu.dma_semaphore, #tpu.memory_space<semaphore_mem>>) src(%dma_wait3A_106 : memref<640xf32, #tpu.memory_space<hbm>>) dst(%dma_wait3A_105 : memref<640xf32, #tpu.memory_space<vmem_shared>>)
      tpu.yield
    }) : () -> ()
    %mul3A_36 = arith.constant 162 : i32
    %mul3A_37 = arith.muli %arg1, %mul3A_36 : i32
    %add3A_38 = arith.constant 0 : i32
    %add3A_39 = arith.addi %mul3A_37, %add3A_38 : i32
    %dma_start3A = arith.constant 0 : i32
    %dma_start3A_40 = arith.constant 0 : i32
    %dma_start3A_41 = tpu.memref_slice %arg5[%add3A_39, %dma_start3A, %dma_start3A_40] : memref<2592x2x128xi32, #tpu.memory_space<hbm>> -> memref<1x2x128xi32, #tpu.memory_space<hbm>>
    %dma_start3A_42 = tpu.memref_squeeze %dma_start3A_41 : memref<1x2x128xi32, #tpu.memory_space<hbm>> -> memref<2x128xi32, #tpu.memory_space<hbm>>
    %dma_start3A_43 = arith.constant 0 : i32
    %dma_start3A_44 = arith.constant 0 : i32
    %dma_start3A_45 = tpu.memref_slice %arg5[%add3A_39, %dma_start3A_43, %dma_start3A_44] : memref<2592x2x128xi32, #tpu.memory_space<hbm>> -> memref<1x2x128xi32, #tpu.memory_space<hbm>>
    %dma_start3A_46 = tpu.memref_squeeze %dma_start3A_45 : memref<1x2x128xi32, #tpu.memory_space<hbm>> -> memref<2x128xi32, #tpu.memory_space<hbm>>
    tpu.enqueue_dma source(%dma_start3A_46 : memref<2x128xi32, #tpu.memory_space<hbm>>) target(%arg13 : memref<2x128xi32, #tpu.memory_space<vmem>>) target_semaphore(%arg27 : memref<!tpu.dma_semaphore, #tpu.memory_space<semaphore_mem>>)
    %add3A_47 = arith.constant 1 : i32
    %add3A_48 = arith.addi %mul3A_37, %add3A_47 : i32
    %dma_start3A_49 = arith.constant 0 : i32
    %dma_start3A_50 = arith.constant 0 : i32
    %dma_start3A_51 = tpu.memref_slice %arg5[%add3A_48, %dma_start3A_49, %dma_start3A_50] : memref<2592x2x128xi32, #tpu.memory_space<hbm>> -> memref<1x2x128xi32, #tpu.memory_space<hbm>>
    %dma_start3A_52 = tpu.memref_squeeze %dma_start3A_51 : memref<1x2x128xi32, #tpu.memory_space<hbm>> -> memref<2x128xi32, #tpu.memory_space<hbm>>
    %dma_start3A_53 = arith.constant 0 : i32
    %dma_start3A_54 = arith.constant 0 : i32
    %dma_start3A_55 = tpu.memref_slice %arg5[%add3A_48, %dma_start3A_53, %dma_start3A_54] : memref<2592x2x128xi32, #tpu.memory_space<hbm>> -> memref<1x2x128xi32, #tpu.memory_space<hbm>>
    %dma_start3A_56 = tpu.memref_squeeze %dma_start3A_55 : memref<1x2x128xi32, #tpu.memory_space<hbm>> -> memref<2x128xi32, #tpu.memory_space<hbm>>
    tpu.enqueue_dma source(%dma_start3A_56 : memref<2x128xi32, #tpu.memory_space<hbm>>) target(%arg14 : memref<2x128xi32, #tpu.memory_space<vmem>>) target_semaphore(%arg28 : memref<!tpu.dma_semaphore, #tpu.memory_space<semaphore_mem>>)
    %barrier3A = arith.constant 0 : index
    tpu.barrier barrier_id(%barrier3A)
    %add3A_57 = arith.constant 0 : i32
    %add3A_58 = arith.addi %mul3A_37, %add3A_57 : i32
    %dma_wait3A = arith.constant 0 : i32
    %dma_wait3A_59 = arith.constant 0 : i32
    %dma_wait3A_60 = tpu.memref_slice %arg5[%add3A_58, %dma_wait3A, %dma_wait3A_59] : memref<2592x2x128xi32, #tpu.memory_space<hbm>> -> memref<1x2x128xi32, #tpu.memory_space<hbm>>
    %dma_wait3A_61 = tpu.memref_squeeze %dma_wait3A_60 : memref<1x2x128xi32, #tpu.memory_space<hbm>> -> memref<2x128xi32, #tpu.memory_space<hbm>>
    %dma_wait3A_62 = arith.constant 0 : i32
    %dma_wait3A_63 = arith.constant 0 : i32
    %dma_wait3A_64 = tpu.memref_slice %arg5[%add3A_58, %dma_wait3A_62, %dma_wait3A_63] : memref<2592x2x128xi32, #tpu.memory_space<hbm>> -> memref<1x2x128xi32, #tpu.memory_space<hbm>>
    %dma_wait3A_65 = tpu.memref_squeeze %dma_wait3A_64 : memref<1x2x128xi32, #tpu.memory_space<hbm>> -> memref<2x128xi32, #tpu.memory_space<hbm>>
    tpu.wait_dma2 semaphore(%arg27 : memref<!tpu.dma_semaphore, #tpu.memory_space<semaphore_mem>>) src(%dma_wait3A_65 : memref<2x128xi32, #tpu.memory_space<hbm>>) dst(%arg13 : memref<2x128xi32, #tpu.memory_space<vmem>>)
    %dma_start3A_66 = arith.constant 1 : i32
    %dma_start3A_67 = arith.constant 0 : i32
    %dma_start3A_68 = tpu.memref_slice %arg13[%dma_start3A_66, %dma_start3A_67] : memref<2x128xi32, #tpu.memory_space<vmem>> -> memref<1x128xi32, #tpu.memory_space<vmem>>
    %dma_start3A_69 = tpu.memref_squeeze %dma_start3A_68 : memref<1x128xi32, #tpu.memory_space<vmem>> -> memref<128xi32, #tpu.memory_space<vmem>>
    %dma_start3A_70 = arith.constant 0 : i32
    %dma_start3A_71 = arith.constant 0 : i32
    %dma_start3A_72 = tpu.memref_slice %arg8[%dma_start3A_70, %dma_start3A_71] : memref<10240x64xf32, #tpu.memory_space<vmem_shared>> -> memref<10240x64xf32, #tpu.memory_space<vmem_shared>>
    tpu.enqueue_indirect_dma source(%dma_start3A_72 : memref<10240x64xf32, #tpu.memory_space<vmem_shared>>) target(%arg21 : memref<128x64xf32, #tpu.memory_space<vmem>>) offsets(%dma_start3A_69 : memref<128xi32, #tpu.memory_space<vmem>>) semaphore(%arg25 : memref<!tpu.dma_semaphore, #tpu.memory_space<semaphore_mem>>)
    %dma_start3A_73 = arith.constant 0 : i32
    %dma_start3A_74 = arith.constant 0 : i32
    %dma_start3A_75 = tpu.memref_slice %arg13[%dma_start3A_73, %dma_start3A_74] : memref<2x128xi32, #tpu.memory_space<vmem>> -> memref<1x128xi32, #tpu.memory_space<vmem>>
    %dma_start3A_76 = tpu.memref_squeeze %dma_start3A_75 : memref<1x128xi32, #tpu.memory_space<vmem>> -> memref<128xi32, #tpu.memory_space<vmem>>
    %dma_start3A_77 = arith.constant 0 : i32
    %dma_start3A_78 = tpu.memref_slice %arg9[%dma_start3A_77] : memref<10240xf32, #tpu.memory_space<vmem_shared>> -> memref<10240xf32, #tpu.memory_space<vmem_shared>>
    tpu.enqueue_indirect_dma source(%dma_start3A_78 : memref<10240xf32, #tpu.memory_space<vmem_shared>>) target(%arg15 : memref<128xf32, #tpu.memory_space<vmem>>) offsets(%dma_start3A_76 : memref<128xi32, #tpu.memory_space<vmem>>) semaphore(%arg25 : memref<!tpu.dma_semaphore, #tpu.memory_space<semaphore_mem>>)
    %dma_start3A_79 = arith.constant 1 : i32
    %dma_start3A_80 = arith.constant 0 : i32
    %dma_start3A_81 = tpu.memref_slice %arg13[%dma_start3A_79, %dma_start3A_80] : memref<2x128xi32, #tpu.memory_space<vmem>> -> memref<1x128xi32, #tpu.memory_space<vmem>>
    %dma_start3A_82 = tpu.memref_squeeze %dma_start3A_81 : memref<1x128xi32, #tpu.memory_space<vmem>> -> memref<128xi32, #tpu.memory_space<vmem>>
    %dma_start3A_83 = arith.constant 0 : i32
    %dma_start3A_84 = tpu.memref_slice %arg10[%dma_start3A_83] : memref<10240xf32, #tpu.memory_space<vmem_shared>> -> memref<10240xf32, #tpu.memory_space<vmem_shared>>
    tpu.enqueue_indirect_dma source(%dma_start3A_84 : memref<10240xf32, #tpu.memory_space<vmem_shared>>) target(%arg17 : memref<128xf32, #tpu.memory_space<vmem>>) offsets(%dma_start3A_82 : memref<128xi32, #tpu.memory_space<vmem>>) semaphore(%arg25 : memref<!tpu.dma_semaphore, #tpu.memory_space<semaphore_mem>>)
    %scan3A_85 = arith.constant 0 : i32
    %scan3A_86 = arith.constant 0 : i32
    %scan3A_87 = arith.constant 81 : i32
    %scan3A_88 = arith.addi %scan3A_86, %scan3A_87 : i32
    %scan3A_89 = arith.constant 1 : i32
    scf.for %scan3A_103 = %scan3A_86 to %scan3A_88 step %scan3A_89  : i32 {
      %mul3A_104 = arith.constant 2 : i32
      %mul3A_105 = arith.muli %mul3A_104, %scan3A_103 : i32
      %add3A_106 = arith.constant 1 : i32
      %add3A_107 = arith.addi %mul3A_105, %add3A_106 : i32
      %lt3A = arith.constant 162 : i32
      %lt3A_108 = arith.cmpi slt, %add3A_107, %lt3A : i32
      %convert_element_type3A = arith.extui %lt3A_108 : i1 to i32
      %cond3A = arith.constant 0 : i32
      %cond3A_109 = arith.cmpi ne, %convert_element_type3A, %cond3A : i32
      scf.if %cond3A_109 {
        %add3A_703 = arith.constant 1 : i32
        %add3A_704 = arith.addi %mul3A_105, %add3A_703 : i32
        %add3A_705 = arith.addi %mul3A_37, %add3A_704 : i32
        %dma_wait3A_706 = arith.constant 0 : i32
        %dma_wait3A_707 = arith.constant 0 : i32
        %dma_wait3A_708 = tpu.memref_slice %arg5[%add3A_705, %dma_wait3A_706, %dma_wait3A_707] : memref<2592x2x128xi32, #tpu.memory_space<hbm>> -> memref<1x2x128xi32, #tpu.memory_space<hbm>>
        %dma_wait3A_709 = tpu.memref_squeeze %dma_wait3A_708 : memref<1x2x128xi32, #tpu.memory_space<hbm>> -> memref<2x128xi32, #tpu.memory_space<hbm>>
        %dma_wait3A_710 = arith.constant 0 : i32
        %dma_wait3A_711 = arith.constant 0 : i32
        %dma_wait3A_712 = tpu.memref_slice %arg5[%add3A_705, %dma_wait3A_710, %dma_wait3A_711] : memref<2592x2x128xi32, #tpu.memory_space<hbm>> -> memref<1x2x128xi32, #tpu.memory_space<hbm>>
        %dma_wait3A_713 = tpu.memref_squeeze %dma_wait3A_712 : memref<1x2x128xi32, #tpu.memory_space<hbm>> -> memref<2x128xi32, #tpu.memory_space<hbm>>
        tpu.wait_dma2 semaphore(%arg28 : memref<!tpu.dma_semaphore, #tpu.memory_space<semaphore_mem>>) src(%dma_wait3A_713 : memref<2x128xi32, #tpu.memory_space<hbm>>) dst(%arg14 : memref<2x128xi32, #tpu.memory_space<vmem>>)
        %ge3A_714 = arith.constant 1 : i32
        %ge3A_715 = arith.cmpi sge, %mul3A_105, %ge3A_714 : i32
        %convert_element_type3A_716 = arith.extui %ge3A_715 : i1 to i32
        %cond3A_717 = arith.constant 0 : i32
        %cond3A_718 = arith.cmpi ne, %convert_element_type3A_716, %cond3A_717 : i32
        scf.if %cond3A_718 {
          %dma_wait3A_738 = arith.constant 0 : i32
          %dma_wait3A_739 = arith.constant 0 : i32
          %dma_wait3A_740 = tpu.memref_slice %arg11[%dma_wait3A_738, %dma_wait3A_739] : memref<10240x64xf32, #tpu.memory_space<vmem_shared>> -> memref<10240x64xf32, #tpu.memory_space<vmem_shared>>
          tpu.wait_indirect_dma semaphore(%arg30 : memref<!tpu.dma_semaphore, #tpu.memory_space<semaphore_mem>>) src(%arg22 : memref<128x64xf32, #tpu.memory_space<vmem>>) dst(%dma_wait3A_740 : memref<10240x64xf32, #tpu.memory_space<vmem_shared>>)
        } else {
        }
        %dma_start3A_719 = arith.constant 1 : i32
        %dma_start3A_720 = arith.constant 0 : i32
        %dma_start3A_721 = tpu.memref_slice %arg14[%dma_start3A_719, %dma_start3A_720] : memref<2x128xi32, #tpu.memory_space<vmem>> -> memref<1x128xi32, #tpu.memory_space<vmem>>
        %dma_start3A_722 = tpu.memref_squeeze %dma_start3A_721 : memref<1x128xi32, #tpu.memory_space<vmem>> -> memref<128xi32, #tpu.memory_space<vmem>>
        %dma_start3A_723 = arith.constant 0 : i32
        %dma_start3A_724 = arith.constant 0 : i32
        %dma_start3A_725 = tpu.memref_slice %arg8[%dma_start3A_723, %dma_start3A_724] : memref<10240x64xf32, #tpu.memory_space<vmem_shared>> -> memref<10240x64xf32, #tpu.memory_space<vmem_shared>>
        tpu.enqueue_indirect_dma source(%dma_start3A_725 : memref<10240x64xf32, #tpu.memory_space<vmem_shared>>) target(%arg22 : memref<128x64xf32, #tpu.memory_space<vmem>>) offsets(%dma_start3A_722 : memref<128xi32, #tpu.memory_space<vmem>>) semaphore(%arg26 : memref<!tpu.dma_semaphore, #tpu.memory_space<semaphore_mem>>)
        %dma_start3A_726 = arith.constant 0 : i32
        %dma_start3A_727 = arith.constant 0 : i32
        %dma_start3A_728 = tpu.memref_slice %arg14[%dma_start3A_726, %dma_start3A_727] : memref<2x128xi32, #tpu.memory_space<vmem>> -> memref<1x128xi32, #tpu.memory_space<vmem>>
        %dma_start3A_729 = tpu.memref_squeeze %dma_start3A_728 : memref<1x128xi32, #tpu.memory_space<vmem>> -> memref<128xi32, #tpu.memory_space<vmem>>
        %dma_start3A_730 = arith.constant 0 : i32
        %dma_start3A_731 = tpu.memref_slice %arg9[%dma_start3A_730] : memref<10240xf32, #tpu.memory_space<vmem_shared>> -> memref<10240xf32, #tpu.memory_space<vmem_shared>>
        tpu.enqueue_indirect_dma source(%dma_start3A_731 : memref<10240xf32, #tpu.memory_space<vmem_shared>>) target(%arg16 : memref<128xf32, #tpu.memory_space<vmem>>) offsets(%dma_start3A_729 : memref<128xi32, #tpu.memory_space<vmem>>) semaphore(%arg26 : memref<!tpu.dma_semaphore, #tpu.memory_space<semaphore_mem>>)
        %dma_start3A_732 = arith.constant 1 : i32
        %dma_start3A_733 = arith.constant 0 : i32
        %dma_start3A_734 = tpu.memref_slice %arg14[%dma_start3A_732, %dma_start3A_733] : memref<2x128xi32, #tpu.memory_space<vmem>> -> memref<1x128xi32, #tpu.memory_space<vmem>>
        %dma_start3A_735 = tpu.memref_squeeze %dma_start3A_734 : memref<1x128xi32, #tpu.memory_space<vmem>> -> memref<128xi32, #tpu.memory_space<vmem>>
        %dma_start3A_736 = arith.constant 0 : i32
        %dma_start3A_737 = tpu.memref_slice %arg10[%dma_start3A_736] : memref<10240xf32, #tpu.memory_space<vmem_shared>> -> memref<10240xf32, #tpu.memory_space<vmem_shared>>
        tpu.enqueue_indirect_dma source(%dma_start3A_737 : memref<10240xf32, #tpu.memory_space<vmem_shared>>) target(%arg18 : memref<128xf32, #tpu.memory_space<vmem>>) offsets(%dma_start3A_735 : memref<128xi32, #tpu.memory_space<vmem>>) semaphore(%arg26 : memref<!tpu.dma_semaphore, #tpu.memory_space<semaphore_mem>>)
      } else {
      }
      %dma_wait3A_110 = arith.constant 1 : i32
      %dma_wait3A_111 = arith.constant 0 : i32
      %dma_wait3A_112 = tpu.memref_slice %arg13[%dma_wait3A_110, %dma_wait3A_111] : memref<2x128xi32, #tpu.memory_space<vmem>> -> memref<1x128xi32, #tpu.memory_space<vmem>>
      %dma_wait3A_113 = tpu.memref_squeeze %dma_wait3A_112 : memref<1x128xi32, #tpu.memory_space<vmem>> -> memref<128xi32, #tpu.memory_space<vmem>>
      %dma_wait3A_114 = arith.constant 0 : i32
      %dma_wait3A_115 = arith.constant 0 : i32
      %dma_wait3A_116 = tpu.memref_slice %arg8[%dma_wait3A_114, %dma_wait3A_115] : memref<10240x64xf32, #tpu.memory_space<vmem_shared>> -> memref<10240x64xf32, #tpu.memory_space<vmem_shared>>
      tpu.wait_indirect_dma semaphore(%arg25 : memref<!tpu.dma_semaphore, #tpu.memory_space<semaphore_mem>>) src(%dma_wait3A_116 : memref<10240x64xf32, #tpu.memory_space<vmem_shared>>) dst(%arg21 : memref<128x64xf32, #tpu.memory_space<vmem>>)
      %dma_wait3A_117 = arith.constant 0 : i32
      %dma_wait3A_118 = arith.constant 0 : i32
      %dma_wait3A_119 = tpu.memref_slice %arg13[%dma_wait3A_117, %dma_wait3A_118] : memref<2x128xi32, #tpu.memory_space<vmem>> -> memref<1x128xi32, #tpu.memory_space<vmem>>
      %dma_wait3A_120 = tpu.memref_squeeze %dma_wait3A_119 : memref<1x128xi32, #tpu.memory_space<vmem>> -> memref<128xi32, #tpu.memory_space<vmem>>
      %dma_wait3A_121 = arith.constant 0 : i32
      %dma_wait3A_122 = tpu.memref_slice %arg9[%dma_wait3A_121] : memref<10240xf32, #tpu.memory_space<vmem_shared>> -> memref<10240xf32, #tpu.memory_space<vmem_shared>>
      tpu.wait_indirect_dma semaphore(%arg25 : memref<!tpu.dma_semaphore, #tpu.memory_space<semaphore_mem>>) src(%dma_wait3A_122 : memref<10240xf32, #tpu.memory_space<vmem_shared>>) dst(%arg15 : memref<128xf32, #tpu.memory_space<vmem>>)
      %dma_wait3A_123 = arith.constant 1 : i32
      %dma_wait3A_124 = arith.constant 0 : i32
      %dma_wait3A_125 = tpu.memref_slice %arg13[%dma_wait3A_123, %dma_wait3A_124] : memref<2x128xi32, #tpu.memory_space<vmem>> -> memref<1x128xi32, #tpu.memory_space<vmem>>
      %dma_wait3A_126 = tpu.memref_squeeze %dma_wait3A_125 : memref<1x128xi32, #tpu.memory_space<vmem>> -> memref<128xi32, #tpu.memory_space<vmem>>
      %dma_wait3A_127 = arith.constant 0 : i32
      %dma_wait3A_128 = tpu.memref_slice %arg10[%dma_wait3A_127] : memref<10240xf32, #tpu.memory_space<vmem_shared>> -> memref<10240xf32, #tpu.memory_space<vmem_shared>>
      tpu.wait_indirect_dma semaphore(%arg25 : memref<!tpu.dma_semaphore, #tpu.memory_space<semaphore_mem>>) src(%dma_wait3A_128 : memref<10240xf32, #tpu.memory_space<vmem_shared>>) dst(%arg17 : memref<128xf32, #tpu.memory_space<vmem>>)
      %add3A_129 = arith.addi %mul3A_37, %mul3A_105 : i32
      %mul3A_130 = arith.constant 128 : i32
      %mul3A_131 = arith.muli %add3A_129, %mul3A_130 : i32
      %get3A = arith.constant 0 : i32
      %get3A_132 = arith.index_cast %get3A : i32 to index
      %get3A_133 = arith.constant 0 : index
      %get3A_134 = tpu.vector_load %arg13[%get3A_132, %get3A_133] {strides = array<i32>} : memref<2x128xi32, #tpu.memory_space<vmem>>, vector<16xi32>,
      %swap3A_135 = arith.constant 0 : index
      %swap3A_136 = tpu.vector_load %arg23[%swap3A_135] {strides = array<i32>} : memref<128xi32, #tpu.memory_space<vmem>>, vector<16xi32>,
      tpu.vector_store %arg23[%swap3A_135], %get3A_134 {strides = array<i32>} : memref<128xi32, #tpu.memory_space<vmem>>, vector<16xi32>,
      %get3A_137 = arith.constant 0 : index
      %get3A_138 = tpu.vector_load %arg15[%get3A_137] {strides = array<i32>} : memref<128xf32, #tpu.memory_space<vmem>>, vector<16xf32>,
      %get3A_139 = arith.constant 0 : index
      %get3A_140 = tpu.vector_load %arg17[%get3A_139] {strides = array<i32>} : memref<128xf32, #tpu.memory_space<vmem>>, vector<16xf32>,
      %add3A_141 = arith.addf %get3A_138, %get3A_140 : vector<16xf32>
      %ge3A = arith.constant 0.000000e+00 : f32
      %ge3A_142 = vector.broadcast %ge3A : f32 to vector<16xf32>
      %ge3A_143 = arith.cmpf oge, %add3A_141, %ge3A_142 : vector<16xf32>
      %mul3A_144 = arith.constant 2.000000e-01 : f32
      %mul3A_145 = vector.broadcast %mul3A_144 : f32 to vector<16xf32>
      %mul3A_146 = arith.mulf %mul3A_145, %add3A_141 : vector<16xf32>
      %select_n3A = arith.select %ge3A_143, %add3A_141, %mul3A_146 : vector<16xi1>, vector<16xf32>
      %exp3A = math.exp %select_n3A : vector<16xf32>
      %add3A_147 = arith.constant 0 : i32
      %add3A_148 = arith.addi %mul3A_131, %add3A_147 : i32
      %iota3A = tpu.iota {dimensions = array<i32: 0>} : vector<16xi32>
      %add3A_149 = vector.broadcast %add3A_148 : i32 to vector<16xi32>
      %add3A_150 = arith.addi %add3A_149, %iota3A : vector<16xi32>
      %lt3A_151 = arith.constant 330000 : i32
      %lt3A_152 = vector.broadcast %lt3A_151 : i32 to vector<16xi32>
      %lt3A_153 = arith.cmpi slt, %add3A_150, %lt3A_152 : vector<16xi32>
      %jit3A = arith.constant 0.000000e+00 : f32
      %broadcast_in_dim3A_154 = vector.broadcast %jit3A : f32 to vector<16xf32>
      %select_n3A_155 = arith.select %lt3A_153, %exp3A, %broadcast_in_dim3A_154 : vector<16xi1>, vector<16xf32>
      %swap3A_156 = arith.constant 0 : index
      %swap3A_157 = tpu.vector_load %arg19[%swap3A_156] {strides = array<i32>} : memref<128xf32, #tpu.memory_space<vmem>>, vector<16xf32>,
      tpu.vector_store %arg19[%swap3A_156], %select_n3A_155 {strides = array<i32>} : memref<128xf32, #tpu.memory_space<vmem>>, vector<16xf32>,
      %get3A_158 = arith.constant 0 : i32
      %get3A_159 = arith.index_cast %get3A_158 : i32 to index
      %get3A_160 = arith.constant 16 : index
      %get3A_161 = tpu.vector_load %arg13[%get3A_159, %get3A_160] {strides = array<i32>} : memref<2x128xi32, #tpu.memory_space<vmem>>, vector<16xi32>,
      %swap3A_162 = arith.constant 16 : index
      %swap3A_163 = tpu.vector_load %arg23[%swap3A_162] {strides = array<i32>} : memref<128xi32, #tpu.memory_space<vmem>>, vector<16xi32>,
      tpu.vector_store %arg23[%swap3A_162], %get3A_161 {strides = array<i32>} : memref<128xi32, #tpu.memory_space<vmem>>, vector<16xi32>,
      %get3A_164 = arith.constant 16 : index
      %get3A_165 = tpu.vector_load %arg15[%get3A_164] {strides = array<i32>} : memref<128xf32, #tpu.memory_space<vmem>>, vector<16xf32>,
      %get3A_166 = arith.constant 16 : index
      %get3A_167 = tpu.vector_load %arg17[%get3A_166] {strides = array<i32>} : memref<128xf32, #tpu.memory_space<vmem>>, vector<16xf32>,
      %add3A_168 = arith.addf %get3A_165, %get3A_167 : vector<16xf32>
      %ge3A_169 = arith.constant 0.000000e+00 : f32
      %ge3A_170 = vector.broadcast %ge3A_169 : f32 to vector<16xf32>
      %ge3A_171 = arith.cmpf oge, %add3A_168, %ge3A_170 : vector<16xf32>
      %mul3A_172 = arith.constant 2.000000e-01 : f32
      %mul3A_173 = vector.broadcast %mul3A_172 : f32 to vector<16xf32>
      %mul3A_174 = arith.mulf %mul3A_173, %add3A_168 : vector<16xf32>
      %select_n3A_175 = arith.select %ge3A_171, %add3A_168, %mul3A_174 : vector<16xi1>, vector<16xf32>
      %exp3A_176 = math.exp %select_n3A_175 : vector<16xf32>
      %add3A_177 = arith.constant 16 : i32
      %add3A_178 = arith.addi %mul3A_131, %add3A_177 : i32
      %iota3A_179 = tpu.iota {dimensions = array<i32: 0>} : vector<16xi32>
      %add3A_180 = vector.broadcast %add3A_178 : i32 to vector<16xi32>
      %add3A_181 = arith.addi %add3A_180, %iota3A_179 : vector<16xi32>
      %lt3A_182 = arith.constant 330000 : i32
      %lt3A_183 = vector.broadcast %lt3A_182 : i32 to vector<16xi32>
      %lt3A_184 = arith.cmpi slt, %add3A_181, %lt3A_183 : vector<16xi32>
      %jit3A_185 = arith.constant 0.000000e+00 : f32
      %broadcast_in_dim3A_186 = vector.broadcast %jit3A_185 : f32 to vector<16xf32>
      %select_n3A_187 = arith.select %lt3A_184, %exp3A_176, %broadcast_in_dim3A_186 : vector<16xi1>, vector<16xf32>
      %swap3A_188 = arith.constant 16 : index
      %swap3A_189 = tpu.vector_load %arg19[%swap3A_188] {strides = array<i32>} : memref<128xf32, #tpu.memory_space<vmem>>, vector<16xf32>,
      tpu.vector_store %arg19[%swap3A_188], %select_n3A_187 {strides = array<i32>} : memref<128xf32, #tpu.memory_space<vmem>>, vector<16xf32>,
      %get3A_190 = arith.constant 0 : i32
      %get3A_191 = arith.index_cast %get3A_190 : i32 to index
      %get3A_192 = arith.constant 32 : index
      %get3A_193 = tpu.vector_load %arg13[%get3A_191, %get3A_192] {strides = array<i32>} : memref<2x128xi32, #tpu.memory_space<vmem>>, vector<16xi32>,
      %swap3A_194 = arith.constant 32 : index
      %swap3A_195 = tpu.vector_load %arg23[%swap3A_194] {strides = array<i32>} : memref<128xi32, #tpu.memory_space<vmem>>, vector<16xi32>,
      tpu.vector_store %arg23[%swap3A_194], %get3A_193 {strides = array<i32>} : memref<128xi32, #tpu.memory_space<vmem>>, vector<16xi32>,
      %get3A_196 = arith.constant 32 : index
      %get3A_197 = tpu.vector_load %arg15[%get3A_196] {strides = array<i32>} : memref<128xf32, #tpu.memory_space<vmem>>, vector<16xf32>,
      %get3A_198 = arith.constant 32 : index
      %get3A_199 = tpu.vector_load %arg17[%get3A_198] {strides = array<i32>} : memref<128xf32, #tpu.memory_space<vmem>>, vector<16xf32>,
      %add3A_200 = arith.addf %get3A_197, %get3A_199 : vector<16xf32>
      %ge3A_201 = arith.constant 0.000000e+00 : f32
      %ge3A_202 = vector.broadcast %ge3A_201 : f32 to vector<16xf32>
      %ge3A_203 = arith.cmpf oge, %add3A_200, %ge3A_202 : vector<16xf32>
      %mul3A_204 = arith.constant 2.000000e-01 : f32
      %mul3A_205 = vector.broadcast %mul3A_204 : f32 to vector<16xf32>
      %mul3A_206 = arith.mulf %mul3A_205, %add3A_200 : vector<16xf32>
      %select_n3A_207 = arith.select %ge3A_203, %add3A_200, %mul3A_206 : vector<16xi1>, vector<16xf32>
      %exp3A_208 = math.exp %select_n3A_207 : vector<16xf32>
      %add3A_209 = arith.constant 32 : i32
      %add3A_210 = arith.addi %mul3A_131, %add3A_209 : i32
      %iota3A_211 = tpu.iota {dimensions = array<i32: 0>} : vector<16xi32>
      %add3A_212 = vector.broadcast %add3A_210 : i32 to vector<16xi32>
      %add3A_213 = arith.addi %add3A_212, %iota3A_211 : vector<16xi32>
      %lt3A_214 = arith.constant 330000 : i32
      %lt3A_215 = vector.broadcast %lt3A_214 : i32 to vector<16xi32>
      %lt3A_216 = arith.cmpi slt, %add3A_213, %lt3A_215 : vector<16xi32>
      %jit3A_217 = arith.constant 0.000000e+00 : f32
      %broadcast_in_dim3A_218 = vector.broadcast %jit3A_217 : f32 to vector<16xf32>
      %select_n3A_219 = arith.select %lt3A_216, %exp3A_208, %broadcast_in_dim3A_218 : vector<16xi1>, vector<16xf32>
      %swap3A_220 = arith.constant 32 : index
      %swap3A_221 = tpu.vector_load %arg19[%swap3A_220] {strides = array<i32>} : memref<128xf32, #tpu.memory_space<vmem>>, vector<16xf32>,
      tpu.vector_store %arg19[%swap3A_220], %select_n3A_219 {strides = array<i32>} : memref<128xf32, #tpu.memory_space<vmem>>, vector<16xf32>,
      %get3A_222 = arith.constant 0 : i32
      %get3A_223 = arith.index_cast %get3A_222 : i32 to index
      %get3A_224 = arith.constant 48 : index
      %get3A_225 = tpu.vector_load %arg13[%get3A_223, %get3A_224] {strides = array<i32>} : memref<2x128xi32, #tpu.memory_space<vmem>>, vector<16xi32>,
      %swap3A_226 = arith.constant 48 : index
      %swap3A_227 = tpu.vector_load %arg23[%swap3A_226] {strides = array<i32>} : memref<128xi32, #tpu.memory_space<vmem>>, vector<16xi32>,
      tpu.vector_store %arg23[%swap3A_226], %get3A_225 {strides = array<i32>} : memref<128xi32, #tpu.memory_space<vmem>>, vector<16xi32>,
      %get3A_228 = arith.constant 48 : index
      %get3A_229 = tpu.vector_load %arg15[%get3A_228] {strides = array<i32>} : memref<128xf32, #tpu.memory_space<vmem>>, vector<16xf32>,
      %get3A_230 = arith.constant 48 : index
      %get3A_231 = tpu.vector_load %arg17[%get3A_230] {strides = array<i32>} : memref<128xf32, #tpu.memory_space<vmem>>, vector<16xf32>,
      %add3A_232 = arith.addf %get3A_229, %get3A_231 : vector<16xf32>
      %ge3A_233 = arith.constant 0.000000e+00 : f32
      %ge3A_234 = vector.broadcast %ge3A_233 : f32 to vector<16xf32>
      %ge3A_235 = arith.cmpf oge, %add3A_232, %ge3A_234 : vector<16xf32>
      %mul3A_236 = arith.constant 2.000000e-01 : f32
      %mul3A_237 = vector.broadcast %mul3A_236 : f32 to vector<16xf32>
      %mul3A_238 = arith.mulf %mul3A_237, %add3A_232 : vector<16xf32>
      %select_n3A_239 = arith.select %ge3A_235, %add3A_232, %mul3A_238 : vector<16xi1>, vector<16xf32>
      %exp3A_240 = math.exp %select_n3A_239 : vector<16xf32>
      %add3A_241 = arith.constant 48 : i32
      %add3A_242 = arith.addi %mul3A_131, %add3A_241 : i32
      %iota3A_243 = tpu.iota {dimensions = array<i32: 0>} : vector<16xi32>
      %add3A_244 = vector.broadcast %add3A_242 : i32 to vector<16xi32>
      %add3A_245 = arith.addi %add3A_244, %iota3A_243 : vector<16xi32>
      %lt3A_246 = arith.constant 330000 : i32
      %lt3A_247 = vector.broadcast %lt3A_246 : i32 to vector<16xi32>
      %lt3A_248 = arith.cmpi slt, %add3A_245, %lt3A_247 : vector<16xi32>
      %jit3A_249 = arith.constant 0.000000e+00 : f32
      %broadcast_in_dim3A_250 = vector.broadcast %jit3A_249 : f32 to vector<16xf32>
      %select_n3A_251 = arith.select %lt3A_248, %exp3A_240, %broadcast_in_dim3A_250 : vector<16xi1>, vector<16xf32>
      %swap3A_252 = arith.constant 48 : index
      %swap3A_253 = tpu.vector_load %arg19[%swap3A_252] {strides = array<i32>} : memref<128xf32, #tpu.memory_space<vmem>>, vector<16xf32>,
      tpu.vector_store %arg19[%swap3A_252], %select_n3A_251 {strides = array<i32>} : memref<128xf32, #tpu.memory_space<vmem>>, vector<16xf32>,
      %get3A_254 = arith.constant 0 : i32
      %get3A_255 = arith.index_cast %get3A_254 : i32 to index
      %get3A_256 = arith.constant 64 : index
      %get3A_257 = tpu.vector_load %arg13[%get3A_255, %get3A_256] {strides = array<i32>} : memref<2x128xi32, #tpu.memory_space<vmem>>, vector<16xi32>,
      %swap3A_258 = arith.constant 64 : index
      %swap3A_259 = tpu.vector_load %arg23[%swap3A_258] {strides = array<i32>} : memref<128xi32, #tpu.memory_space<vmem>>, vector<16xi32>,
      tpu.vector_store %arg23[%swap3A_258], %get3A_257 {strides = array<i32>} : memref<128xi32, #tpu.memory_space<vmem>>, vector<16xi32>,
      %get3A_260 = arith.constant 64 : index
      %get3A_261 = tpu.vector_load %arg15[%get3A_260] {strides = array<i32>} : memref<128xf32, #tpu.memory_space<vmem>>, vector<16xf32>,
      %get3A_262 = arith.constant 64 : index
      %get3A_263 = tpu.vector_load %arg17[%get3A_262] {strides = array<i32>} : memref<128xf32, #tpu.memory_space<vmem>>, vector<16xf32>,
      %add3A_264 = arith.addf %get3A_261, %get3A_263 : vector<16xf32>
      %ge3A_265 = arith.constant 0.000000e+00 : f32
      %ge3A_266 = vector.broadcast %ge3A_265 : f32 to vector<16xf32>
      %ge3A_267 = arith.cmpf oge, %add3A_264, %ge3A_266 : vector<16xf32>
      %mul3A_268 = arith.constant 2.000000e-01 : f32
      %mul3A_269 = vector.broadcast %mul3A_268 : f32 to vector<16xf32>
      %mul3A_270 = arith.mulf %mul3A_269, %add3A_264 : vector<16xf32>
      %select_n3A_271 = arith.select %ge3A_267, %add3A_264, %mul3A_270 : vector<16xi1>, vector<16xf32>
      %exp3A_272 = math.exp %select_n3A_271 : vector<16xf32>
      %add3A_273 = arith.constant 64 : i32
      %add3A_274 = arith.addi %mul3A_131, %add3A_273 : i32
      %iota3A_275 = tpu.iota {dimensions = array<i32: 0>} : vector<16xi32>
      %add3A_276 = vector.broadcast %add3A_274 : i32 to vector<16xi32>
      %add3A_277 = arith.addi %add3A_276, %iota3A_275 : vector<16xi32>
      %lt3A_278 = arith.constant 330000 : i32
      %lt3A_279 = vector.broadcast %lt3A_278 : i32 to vector<16xi32>
      %lt3A_280 = arith.cmpi slt, %add3A_277, %lt3A_279 : vector<16xi32>
      %jit3A_281 = arith.constant 0.000000e+00 : f32
      %broadcast_in_dim3A_282 = vector.broadcast %jit3A_281 : f32 to vector<16xf32>
      %select_n3A_283 = arith.select %lt3A_280, %exp3A_272, %broadcast_in_dim3A_282 : vector<16xi1>, vector<16xf32>
      %swap3A_284 = arith.constant 64 : index
      %swap3A_285 = tpu.vector_load %arg19[%swap3A_284] {strides = array<i32>} : memref<128xf32, #tpu.memory_space<vmem>>, vector<16xf32>,
      tpu.vector_store %arg19[%swap3A_284], %select_n3A_283 {strides = array<i32>} : memref<128xf32, #tpu.memory_space<vmem>>, vector<16xf32>,
      %get3A_286 = arith.constant 0 : i32
      %get3A_287 = arith.index_cast %get3A_286 : i32 to index
      %get3A_288 = arith.constant 80 : index
      %get3A_289 = tpu.vector_load %arg13[%get3A_287, %get3A_288] {strides = array<i32>} : memref<2x128xi32, #tpu.memory_space<vmem>>, vector<16xi32>,
      %swap3A_290 = arith.constant 80 : index
      %swap3A_291 = tpu.vector_load %arg23[%swap3A_290] {strides = array<i32>} : memref<128xi32, #tpu.memory_space<vmem>>, vector<16xi32>,
      tpu.vector_store %arg23[%swap3A_290], %get3A_289 {strides = array<i32>} : memref<128xi32, #tpu.memory_space<vmem>>, vector<16xi32>,
      %get3A_292 = arith.constant 80 : index
      %get3A_293 = tpu.vector_load %arg15[%get3A_292] {strides = array<i32>} : memref<128xf32, #tpu.memory_space<vmem>>, vector<16xf32>,
      %get3A_294 = arith.constant 80 : index
      %get3A_295 = tpu.vector_load %arg17[%get3A_294] {strides = array<i32>} : memref<128xf32, #tpu.memory_space<vmem>>, vector<16xf32>,
      %add3A_296 = arith.addf %get3A_293, %get3A_295 : vector<16xf32>
      %ge3A_297 = arith.constant 0.000000e+00 : f32
      %ge3A_298 = vector.broadcast %ge3A_297 : f32 to vector<16xf32>
      %ge3A_299 = arith.cmpf oge, %add3A_296, %ge3A_298 : vector<16xf32>
      %mul3A_300 = arith.constant 2.000000e-01 : f32
      %mul3A_301 = vector.broadcast %mul3A_300 : f32 to vector<16xf32>
      %mul3A_302 = arith.mulf %mul3A_301, %add3A_296 : vector<16xf32>
      %select_n3A_303 = arith.select %ge3A_299, %add3A_296, %mul3A_302 : vector<16xi1>, vector<16xf32>
      %exp3A_304 = math.exp %select_n3A_303 : vector<16xf32>
      %add3A_305 = arith.constant 80 : i32
      %add3A_306 = arith.addi %mul3A_131, %add3A_305 : i32
      %iota3A_307 = tpu.iota {dimensions = array<i32: 0>} : vector<16xi32>
      %add3A_308 = vector.broadcast %add3A_306 : i32 to vector<16xi32>
      %add3A_309 = arith.addi %add3A_308, %iota3A_307 : vector<16xi32>
      %lt3A_310 = arith.constant 330000 : i32
      %lt3A_311 = vector.broadcast %lt3A_310 : i32 to vector<16xi32>
      %lt3A_312 = arith.cmpi slt, %add3A_309, %lt3A_311 : vector<16xi32>
      %jit3A_313 = arith.constant 0.000000e+00 : f32
      %broadcast_in_dim3A_314 = vector.broadcast %jit3A_313 : f32 to vector<16xf32>
      %select_n3A_315 = arith.select %lt3A_312, %exp3A_304, %broadcast_in_dim3A_314 : vector<16xi1>, vector<16xf32>
      %swap3A_316 = arith.constant 80 : index
      %swap3A_317 = tpu.vector_load %arg19[%swap3A_316] {strides = array<i32>} : memref<128xf32, #tpu.memory_space<vmem>>, vector<16xf32>,
      tpu.vector_store %arg19[%swap3A_316], %select_n3A_315 {strides = array<i32>} : memref<128xf32, #tpu.memory_space<vmem>>, vector<16xf32>,
      %get3A_318 = arith.constant 0 : i32
      %get3A_319 = arith.index_cast %get3A_318 : i32 to index
      %get3A_320 = arith.constant 96 : index
      %get3A_321 = tpu.vector_load %arg13[%get3A_319, %get3A_320] {strides = array<i32>} : memref<2x128xi32, #tpu.memory_space<vmem>>, vector<16xi32>,
      %swap3A_322 = arith.constant 96 : index
      %swap3A_323 = tpu.vector_load %arg23[%swap3A_322] {strides = array<i32>} : memref<128xi32, #tpu.memory_space<vmem>>, vector<16xi32>,
      tpu.vector_store %arg23[%swap3A_322], %get3A_321 {strides = array<i32>} : memref<128xi32, #tpu.memory_space<vmem>>, vector<16xi32>,
      %get3A_324 = arith.constant 96 : index
      %get3A_325 = tpu.vector_load %arg15[%get3A_324] {strides = array<i32>} : memref<128xf32, #tpu.memory_space<vmem>>, vector<16xf32>,
      %get3A_326 = arith.constant 96 : index
      %get3A_327 = tpu.vector_load %arg17[%get3A_326] {strides = array<i32>} : memref<128xf32, #tpu.memory_space<vmem>>, vector<16xf32>,
      %add3A_328 = arith.addf %get3A_325, %get3A_327 : vector<16xf32>
      %ge3A_329 = arith.constant 0.000000e+00 : f32
      %ge3A_330 = vector.broadcast %ge3A_329 : f32 to vector<16xf32>
      %ge3A_331 = arith.cmpf oge, %add3A_328, %ge3A_330 : vector<16xf32>
      %mul3A_332 = arith.constant 2.000000e-01 : f32
      %mul3A_333 = vector.broadcast %mul3A_332 : f32 to vector<16xf32>
      %mul3A_334 = arith.mulf %mul3A_333, %add3A_328 : vector<16xf32>
      %select_n3A_335 = arith.select %ge3A_331, %add3A_328, %mul3A_334 : vector<16xi1>, vector<16xf32>
      %exp3A_336 = math.exp %select_n3A_335 : vector<16xf32>
      %add3A_337 = arith.constant 96 : i32
      %add3A_338 = arith.addi %mul3A_131, %add3A_337 : i32
      %iota3A_339 = tpu.iota {dimensions = array<i32: 0>} : vector<16xi32>
      %add3A_340 = vector.broadcast %add3A_338 : i32 to vector<16xi32>
      %add3A_341 = arith.addi %add3A_340, %iota3A_339 : vector<16xi32>
      %lt3A_342 = arith.constant 330000 : i32
      %lt3A_343 = vector.broadcast %lt3A_342 : i32 to vector<16xi32>
      %lt3A_344 = arith.cmpi slt, %add3A_341, %lt3A_343 : vector<16xi32>
      %jit3A_345 = arith.constant 0.000000e+00 : f32
      %broadcast_in_dim3A_346 = vector.broadcast %jit3A_345 : f32 to vector<16xf32>
      %select_n3A_347 = arith.select %lt3A_344, %exp3A_336, %broadcast_in_dim3A_346 : vector<16xi1>, vector<16xf32>
      %swap3A_348 = arith.constant 96 : index
      %swap3A_349 = tpu.vector_load %arg19[%swap3A_348] {strides = array<i32>} : memref<128xf32, #tpu.memory_space<vmem>>, vector<16xf32>,
      tpu.vector_store %arg19[%swap3A_348], %select_n3A_347 {strides = array<i32>} : memref<128xf32, #tpu.memory_space<vmem>>, vector<16xf32>,
      %get3A_350 = arith.constant 0 : i32
      %get3A_351 = arith.index_cast %get3A_350 : i32 to index
      %get3A_352 = arith.constant 112 : index
      %get3A_353 = tpu.vector_load %arg13[%get3A_351, %get3A_352] {strides = array<i32>} : memref<2x128xi32, #tpu.memory_space<vmem>>, vector<16xi32>,
      %swap3A_354 = arith.constant 112 : index
      %swap3A_355 = tpu.vector_load %arg23[%swap3A_354] {strides = array<i32>} : memref<128xi32, #tpu.memory_space<vmem>>, vector<16xi32>,
      tpu.vector_store %arg23[%swap3A_354], %get3A_353 {strides = array<i32>} : memref<128xi32, #tpu.memory_space<vmem>>, vector<16xi32>,
      %get3A_356 = arith.constant 112 : index
      %get3A_357 = tpu.vector_load %arg15[%get3A_356] {strides = array<i32>} : memref<128xf32, #tpu.memory_space<vmem>>, vector<16xf32>,
      %get3A_358 = arith.constant 112 : index
      %get3A_359 = tpu.vector_load %arg17[%get3A_358] {strides = array<i32>} : memref<128xf32, #tpu.memory_space<vmem>>, vector<16xf32>,
      %add3A_360 = arith.addf %get3A_357, %get3A_359 : vector<16xf32>
      %ge3A_361 = arith.constant 0.000000e+00 : f32
      %ge3A_362 = vector.broadcast %ge3A_361 : f32 to vector<16xf32>
      %ge3A_363 = arith.cmpf oge, %add3A_360, %ge3A_362 : vector<16xf32>
      %mul3A_364 = arith.constant 2.000000e-01 : f32
      %mul3A_365 = vector.broadcast %mul3A_364 : f32 to vector<16xf32>
      %mul3A_366 = arith.mulf %mul3A_365, %add3A_360 : vector<16xf32>
      %select_n3A_367 = arith.select %ge3A_363, %add3A_360, %mul3A_366 : vector<16xi1>, vector<16xf32>
      %exp3A_368 = math.exp %select_n3A_367 : vector<16xf32>
      %add3A_369 = arith.constant 112 : i32
      %add3A_370 = arith.addi %mul3A_131, %add3A_369 : i32
      %iota3A_371 = tpu.iota {dimensions = array<i32: 0>} : vector<16xi32>
      %add3A_372 = vector.broadcast %add3A_370 : i32 to vector<16xi32>
      %add3A_373 = arith.addi %add3A_372, %iota3A_371 : vector<16xi32>
      %lt3A_374 = arith.constant 330000 : i32
      %lt3A_375 = vector.broadcast %lt3A_374 : i32 to vector<16xi32>
      %lt3A_376 = arith.cmpi slt, %add3A_373, %lt3A_375 : vector<16xi32>
      %jit3A_377 = arith.constant 0.000000e+00 : f32
      %broadcast_in_dim3A_378 = vector.broadcast %jit3A_377 : f32 to vector<16xf32>
      %select_n3A_379 = arith.select %lt3A_376, %exp3A_368, %broadcast_in_dim3A_378 : vector<16xi1>, vector<16xf32>
      %swap3A_380 = arith.constant 112 : index
      %swap3A_381 = tpu.vector_load %arg19[%swap3A_380] {strides = array<i32>} : memref<128xf32, #tpu.memory_space<vmem>>, vector<16xf32>,
      tpu.vector_store %arg19[%swap3A_380], %select_n3A_379 {strides = array<i32>} : memref<128xf32, #tpu.memory_space<vmem>>, vector<16xf32>,
      %add3A_382 = arith.constant 2 : i32
      %add3A_383 = arith.addi %mul3A_105, %add3A_382 : i32
      %lt3A_384 = arith.constant 162 : i32
      %lt3A_385 = arith.cmpi slt, %add3A_383, %lt3A_384 : i32
      %convert_element_type3A_386 = arith.extui %lt3A_385 : i1 to i32
      %cond3A_387 = arith.constant 0 : i32
      %cond3A_388 = arith.cmpi ne, %convert_element_type3A_386, %cond3A_387 : i32
      scf.if %cond3A_388 {
        %add3A_703 = arith.constant 2 : i32
        %add3A_704 = arith.addi %mul3A_105, %add3A_703 : i32
        %add3A_705 = arith.addi %mul3A_37, %add3A_704 : i32
        %dma_start3A_706 = arith.constant 0 : i32
        %dma_start3A_707 = arith.constant 0 : i32
        %dma_start3A_708 = tpu.memref_slice %arg5[%add3A_705, %dma_start3A_706, %dma_start3A_707] : memref<2592x2x128xi32, #tpu.memory_space<hbm>> -> memref<1x2x128xi32, #tpu.memory_space<hbm>>
        %dma_start3A_709 = tpu.memref_squeeze %dma_start3A_708 : memref<1x2x128xi32, #tpu.memory_space<hbm>> -> memref<2x128xi32, #tpu.memory_space<hbm>>
        %dma_start3A_710 = arith.constant 0 : i32
        %dma_start3A_711 = arith.constant 0 : i32
        %dma_start3A_712 = tpu.memref_slice %arg5[%add3A_705, %dma_start3A_710, %dma_start3A_711] : memref<2592x2x128xi32, #tpu.memory_space<hbm>> -> memref<1x2x128xi32, #tpu.memory_space<hbm>>
        %dma_start3A_713 = tpu.memref_squeeze %dma_start3A_712 : memref<1x2x128xi32, #tpu.memory_space<hbm>> -> memref<2x128xi32, #tpu.memory_space<hbm>>
        tpu.enqueue_dma source(%dma_start3A_713 : memref<2x128xi32, #tpu.memory_space<hbm>>) target(%arg13 : memref<2x128xi32, #tpu.memory_space<vmem>>) target_semaphore(%arg27 : memref<!tpu.dma_semaphore, #tpu.memory_space<semaphore_mem>>)
      } else {
      }
      %parallel_loop3A = arith.constant 0 : i32
      %parallel_loop3A_389 = arith.constant 8 : i32
      %parallel_loop3A_390 = arith.constant 1 : i32
      scf.for %parallel_loop3A_703 = %parallel_loop3A to %parallel_loop3A_389 step %parallel_loop3A_390  : i32 {
        %parallel_loop3A_704 = arith.constant 16 : i32
        %parallel_loop3A_705 = arith.muli %parallel_loop3A_703, %parallel_loop3A_704 : i32
        %parallel_loop3A_706 = tpu.assume_multiple %parallel_loop3A_705, 16 : i32
        %parallel_loop3A_707 = arith.index_cast %parallel_loop3A_706 : i32 to index
        %parallel_loop3A_708 = tpu.vector_load %arg19[%parallel_loop3A_707] {strides = array<i32>} : memref<128xf32, #tpu.memory_space<vmem>>, vector<16xf32>,
        %parallel_loop3A_709 = vector.extract_strided_slice %parallel_loop3A_708 {offsets = [0], sizes = [1], strides = [1]} : vector<16xf32> to vector<1xf32>
        %parallel_loop3A_710 = vector.extract %parallel_loop3A_709[0] : f32 from vector<1xf32>
        %parallel_loop3A_711 = arith.constant 0 : i32
        %parallel_loop3A_712 = arith.addi %parallel_loop3A_706, %parallel_loop3A_711 : i32
        %parallel_loop3A_713 = arith.index_cast %parallel_loop3A_712 : i32 to index
        %parallel_loop3A_714 = arith.constant 0 : index
        %parallel_loop3A_715 = tpu.vector_load %arg21[%parallel_loop3A_713, %parallel_loop3A_714] {strides = array<i32>} : memref<128x64xf32, #tpu.memory_space<vmem>>, vector<16xf32>,
        %parallel_loop3A_716 = vector.broadcast %parallel_loop3A_710 : f32 to vector<16xf32>
        %parallel_loop3A_717 = arith.mulf %parallel_loop3A_715, %parallel_loop3A_716 : vector<16xf32>
        %parallel_loop3A_718 = arith.index_cast %parallel_loop3A_712 : i32 to index
        %parallel_loop3A_719 = arith.constant 0 : index
        %parallel_loop3A_720 = tpu.vector_load %arg21[%parallel_loop3A_718, %parallel_loop3A_719] {strides = array<i32>} : memref<128x64xf32, #tpu.memory_space<vmem>>, vector<16xf32>,
        tpu.vector_store %arg21[%parallel_loop3A_718, %parallel_loop3A_719], %parallel_loop3A_717 {strides = array<i32>} : memref<128x64xf32, #tpu.memory_space<vmem>>, vector<16xf32>,
        %parallel_loop3A_721 = arith.index_cast %parallel_loop3A_712 : i32 to index
        %parallel_loop3A_722 = arith.constant 16 : index
        %parallel_loop3A_723 = tpu.vector_load %arg21[%parallel_loop3A_721, %parallel_loop3A_722] {strides = array<i32>} : memref<128x64xf32, #tpu.memory_space<vmem>>, vector<16xf32>,
        %parallel_loop3A_724 = vector.broadcast %parallel_loop3A_710 : f32 to vector<16xf32>
        %parallel_loop3A_725 = arith.mulf %parallel_loop3A_723, %parallel_loop3A_724 : vector<16xf32>
        %parallel_loop3A_726 = arith.index_cast %parallel_loop3A_712 : i32 to index
        %parallel_loop3A_727 = arith.constant 16 : index
        %parallel_loop3A_728 = tpu.vector_load %arg21[%parallel_loop3A_726, %parallel_loop3A_727] {strides = array<i32>} : memref<128x64xf32, #tpu.memory_space<vmem>>, vector<16xf32>,
        tpu.vector_store %arg21[%parallel_loop3A_726, %parallel_loop3A_727], %parallel_loop3A_725 {strides = array<i32>} : memref<128x64xf32, #tpu.memory_space<vmem>>, vector<16xf32>,
        %parallel_loop3A_729 = arith.index_cast %parallel_loop3A_712 : i32 to index
        %parallel_loop3A_730 = arith.constant 32 : index
        %parallel_loop3A_731 = tpu.vector_load %arg21[%parallel_loop3A_729, %parallel_loop3A_730] {strides = array<i32>} : memref<128x64xf32, #tpu.memory_space<vmem>>, vector<16xf32>,
        %parallel_loop3A_732 = vector.broadcast %parallel_loop3A_710 : f32 to vector<16xf32>
        %parallel_loop3A_733 = arith.mulf %parallel_loop3A_731, %parallel_loop3A_732 : vector<16xf32>
        %parallel_loop3A_734 = arith.index_cast %parallel_loop3A_712 : i32 to index
        %parallel_loop3A_735 = arith.constant 32 : index
        %parallel_loop3A_736 = tpu.vector_load %arg21[%parallel_loop3A_734, %parallel_loop3A_735] {strides = array<i32>} : memref<128x64xf32, #tpu.memory_space<vmem>>, vector<16xf32>,
        tpu.vector_store %arg21[%parallel_loop3A_734, %parallel_loop3A_735], %parallel_loop3A_733 {strides = array<i32>} : memref<128x64xf32, #tpu.memory_space<vmem>>, vector<16xf32>,
        %parallel_loop3A_737 = arith.index_cast %parallel_loop3A_712 : i32 to index
        %parallel_loop3A_738 = arith.constant 48 : index
        %parallel_loop3A_739 = tpu.vector_load %arg21[%parallel_loop3A_737, %parallel_loop3A_738] {strides = array<i32>} : memref<128x64xf32, #tpu.memory_space<vmem>>, vector<16xf32>,
        %parallel_loop3A_740 = vector.broadcast %parallel_loop3A_710 : f32 to vector<16xf32>
        %parallel_loop3A_741 = arith.mulf %parallel_loop3A_739, %parallel_loop3A_740 : vector<16xf32>
        %parallel_loop3A_742 = arith.index_cast %parallel_loop3A_712 : i32 to index
        %parallel_loop3A_743 = arith.constant 48 : index
        %parallel_loop3A_744 = tpu.vector_load %arg21[%parallel_loop3A_742, %parallel_loop3A_743] {strides = array<i32>} : memref<128x64xf32, #tpu.memory_space<vmem>>, vector<16xf32>,
        tpu.vector_store %arg21[%parallel_loop3A_742, %parallel_loop3A_743], %parallel_loop3A_741 {strides = array<i32>} : memref<128x64xf32, #tpu.memory_space<vmem>>, vector<16xf32>,
        %parallel_loop3A_745 = vector.extract_strided_slice %parallel_loop3A_708 {offsets = [1], sizes = [1], strides = [1]} : vector<16xf32> to vector<1xf32>
        %parallel_loop3A_746 = vector.extract %parallel_loop3A_745[0] : f32 from vector<1xf32>
        %parallel_loop3A_747 = arith.constant 1 : i32
        %parallel_loop3A_748 = arith.addi %parallel_loop3A_706, %parallel_loop3A_747 : i32
        %parallel_loop3A_749 = arith.index_cast %parallel_loop3A_748 : i32 to index
        %parallel_loop3A_750 = arith.constant 0 : index
        %parallel_loop3A_751 = tpu.vector_load %arg21[%parallel_loop3A_749, %parallel_loop3A_750] {strides = array<i32>} : memref<128x64xf32, #tpu.memory_space<vmem>>, vector<16xf32>,
        %parallel_loop3A_752 = vector.broadcast %parallel_loop3A_746 : f32 to vector<16xf32>
        %parallel_loop3A_753 = arith.mulf %parallel_loop3A_751, %parallel_loop3A_752 : vector<16xf32>
        %parallel_loop3A_754 = arith.index_cast %parallel_loop3A_748 : i32 to index
        %parallel_loop3A_755 = arith.constant 0 : index
        %parallel_loop3A_756 = tpu.vector_load %arg21[%parallel_loop3A_754, %parallel_loop3A_755] {strides = array<i32>} : memref<128x64xf32, #tpu.memory_space<vmem>>, vector<16xf32>,
        tpu.vector_store %arg21[%parallel_loop3A_754, %parallel_loop3A_755], %parallel_loop3A_753 {strides = array<i32>} : memref<128x64xf32, #tpu.memory_space<vmem>>, vector<16xf32>,
        %parallel_loop3A_757 = arith.index_cast %parallel_loop3A_748 : i32 to index
        %parallel_loop3A_758 = arith.constant 16 : index
        %parallel_loop3A_759 = tpu.vector_load %arg21[%parallel_loop3A_757, %parallel_loop3A_758] {strides = array<i32>} : memref<128x64xf32, #tpu.memory_space<vmem>>, vector<16xf32>,
        %parallel_loop3A_760 = vector.broadcast %parallel_loop3A_746 : f32 to vector<16xf32>
        %parallel_loop3A_761 = arith.mulf %parallel_loop3A_759, %parallel_loop3A_760 : vector<16xf32>
        %parallel_loop3A_762 = arith.index_cast %parallel_loop3A_748 : i32 to index
        %parallel_loop3A_763 = arith.constant 16 : index
        %parallel_loop3A_764 = tpu.vector_load %arg21[%parallel_loop3A_762, %parallel_loop3A_763] {strides = array<i32>} : memref<128x64xf32, #tpu.memory_space<vmem>>, vector<16xf32>,
        tpu.vector_store %arg21[%parallel_loop3A_762, %parallel_loop3A_763], %parallel_loop3A_761 {strides = array<i32>} : memref<128x64xf32, #tpu.memory_space<vmem>>, vector<16xf32>,
        %parallel_loop3A_765 = arith.index_cast %parallel_loop3A_748 : i32 to index
        %parallel_loop3A_766 = arith.constant 32 : index
        %parallel_loop3A_767 = tpu.vector_load %arg21[%parallel_loop3A_765, %parallel_loop3A_766] {strides = array<i32>} : memref<128x64xf32, #tpu.memory_space<vmem>>, vector<16xf32>,
        %parallel_loop3A_768 = vector.broadcast %parallel_loop3A_746 : f32 to vector<16xf32>
        %parallel_loop3A_769 = arith.mulf %parallel_loop3A_767, %parallel_loop3A_768 : vector<16xf32>
        %parallel_loop3A_770 = arith.index_cast %parallel_loop3A_748 : i32 to index
        %parallel_loop3A_771 = arith.constant 32 : index
        %parallel_loop3A_772 = tpu.vector_load %arg21[%parallel_loop3A_770, %parallel_loop3A_771] {strides = array<i32>} : memref<128x64xf32, #tpu.memory_space<vmem>>, vector<16xf32>,
        tpu.vector_store %arg21[%parallel_loop3A_770, %parallel_loop3A_771], %parallel_loop3A_769 {strides = array<i32>} : memref<128x64xf32, #tpu.memory_space<vmem>>, vector<16xf32>,
        %parallel_loop3A_773 = arith.index_cast %parallel_loop3A_748 : i32 to index
        %parallel_loop3A_774 = arith.constant 48 : index
        %parallel_loop3A_775 = tpu.vector_load %arg21[%parallel_loop3A_773, %parallel_loop3A_774] {strides = array<i32>} : memref<128x64xf32, #tpu.memory_space<vmem>>, vector<16xf32>,
        %parallel_loop3A_776 = vector.broadcast %parallel_loop3A_746 : f32 to vector<16xf32>
        %parallel_loop3A_777 = arith.mulf %parallel_loop3A_775, %parallel_loop3A_776 : vector<16xf32>
        %parallel_loop3A_778 = arith.index_cast %parallel_loop3A_748 : i32 to index
        %parallel_loop3A_779 = arith.constant 48 : index
        %parallel_loop3A_780 = tpu.vector_load %arg21[%parallel_loop3A_778, %parallel_loop3A_779] {strides = array<i32>} : memref<128x64xf32, #tpu.memory_space<vmem>>, vector<16xf32>,
        tpu.vector_store %arg21[%parallel_loop3A_778, %parallel_loop3A_779], %parallel_loop3A_777 {strides = array<i32>} : memref<128x64xf32, #tpu.memory_space<vmem>>, vector<16xf32>,
        %parallel_loop3A_781 = vector.extract_strided_slice %parallel_loop3A_708 {offsets = [2], sizes = [1], strides = [1]} : vector<16xf32> to vector<1xf32>
        %parallel_loop3A_782 = vector.extract %parallel_loop3A_781[0] : f32 from vector<1xf32>
        %parallel_loop3A_783 = arith.constant 2 : i32
        %parallel_loop3A_784 = arith.addi %parallel_loop3A_706, %parallel_loop3A_783 : i32
        %parallel_loop3A_785 = arith.index_cast %parallel_loop3A_784 : i32 to index
        %parallel_loop3A_786 = arith.constant 0 : index
        %parallel_loop3A_787 = tpu.vector_load %arg21[%parallel_loop3A_785, %parallel_loop3A_786] {strides = array<i32>} : memref<128x64xf32, #tpu.memory_space<vmem>>, vector<16xf32>,
        %parallel_loop3A_788 = vector.broadcast %parallel_loop3A_782 : f32 to vector<16xf32>
        %parallel_loop3A_789 = arith.mulf %parallel_loop3A_787, %parallel_loop3A_788 : vector<16xf32>
        %parallel_loop3A_790 = arith.index_cast %parallel_loop3A_784 : i32 to index
        %parallel_loop3A_791 = arith.constant 0 : index
        %parallel_loop3A_792 = tpu.vector_load %arg21[%parallel_loop3A_790, %parallel_loop3A_791] {strides = array<i32>} : memref<128x64xf32, #tpu.memory_space<vmem>>, vector<16xf32>,
        tpu.vector_store %arg21[%parallel_loop3A_790, %parallel_loop3A_791], %parallel_loop3A_789 {strides = array<i32>} : memref<128x64xf32, #tpu.memory_space<vmem>>, vector<16xf32>,
        %parallel_loop3A_793 = arith.index_cast %parallel_loop3A_784 : i32 to index
        %parallel_loop3A_794 = arith.constant 16 : index
        %parallel_loop3A_795 = tpu.vector_load %arg21[%parallel_loop3A_793, %parallel_loop3A_794] {strides = array<i32>} : memref<128x64xf32, #tpu.memory_space<vmem>>, vector<16xf32>,
        %parallel_loop3A_796 = vector.broadcast %parallel_loop3A_782 : f32 to vector<16xf32>
        %parallel_loop3A_797 = arith.mulf %parallel_loop3A_795, %parallel_loop3A_796 : vector<16xf32>
        %parallel_loop3A_798 = arith.index_cast %parallel_loop3A_784 : i32 to index
        %parallel_loop3A_799 = arith.constant 16 : index
        %parallel_loop3A_800 = tpu.vector_load %arg21[%parallel_loop3A_798, %parallel_loop3A_799] {strides = array<i32>} : memref<128x64xf32, #tpu.memory_space<vmem>>, vector<16xf32>,
        tpu.vector_store %arg21[%parallel_loop3A_798, %parallel_loop3A_799], %parallel_loop3A_797 {strides = array<i32>} : memref<128x64xf32, #tpu.memory_space<vmem>>, vector<16xf32>,
        %parallel_loop3A_801 = arith.index_cast %parallel_loop3A_784 : i32 to index
        %parallel_loop3A_802 = arith.constant 32 : index
        %parallel_loop3A_803 = tpu.vector_load %arg21[%parallel_loop3A_801, %parallel_loop3A_802] {strides = array<i32>} : memref<128x64xf32, #tpu.memory_space<vmem>>, vector<16xf32>,
        %parallel_loop3A_804 = vector.broadcast %parallel_loop3A_782 : f32 to vector<16xf32>
        %parallel_loop3A_805 = arith.mulf %parallel_loop3A_803, %parallel_loop3A_804 : vector<16xf32>
        %parallel_loop3A_806 = arith.index_cast %parallel_loop3A_784 : i32 to index
        %parallel_loop3A_807 = arith.constant 32 : index
        %parallel_loop3A_808 = tpu.vector_load %arg21[%parallel_loop3A_806, %parallel_loop3A_807] {strides = array<i32>} : memref<128x64xf32, #tpu.memory_space<vmem>>, vector<16xf32>,
        tpu.vector_store %arg21[%parallel_loop3A_806, %parallel_loop3A_807], %parallel_loop3A_805 {strides = array<i32>} : memref<128x64xf32, #tpu.memory_space<vmem>>, vector<16xf32>,
        %parallel_loop3A_809 = arith.index_cast %parallel_loop3A_784 : i32 to index
        %parallel_loop3A_810 = arith.constant 48 : index
        %parallel_loop3A_811 = tpu.vector_load %arg21[%parallel_loop3A_809, %parallel_loop3A_810] {strides = array<i32>} : memref<128x64xf32, #tpu.memory_space<vmem>>, vector<16xf32>,
        %parallel_loop3A_812 = vector.broadcast %parallel_loop3A_782 : f32 to vector<16xf32>
        %parallel_loop3A_813 = arith.mulf %parallel_loop3A_811, %parallel_loop3A_812 : vector<16xf32>
        %parallel_loop3A_814 = arith.index_cast %parallel_loop3A_784 : i32 to index
        %parallel_loop3A_815 = arith.constant 48 : index
        %parallel_loop3A_816 = tpu.vector_load %arg21[%parallel_loop3A_814, %parallel_loop3A_815] {strides = array<i32>} : memref<128x64xf32, #tpu.memory_space<vmem>>, vector<16xf32>,
        tpu.vector_store %arg21[%parallel_loop3A_814, %parallel_loop3A_815], %parallel_loop3A_813 {strides = array<i32>} : memref<128x64xf32, #tpu.memory_space<vmem>>, vector<16xf32>,
        %parallel_loop3A_817 = vector.extract_strided_slice %parallel_loop3A_708 {offsets = [3], sizes = [1], strides = [1]} : vector<16xf32> to vector<1xf32>
        %parallel_loop3A_818 = vector.extract %parallel_loop3A_817[0] : f32 from vector<1xf32>
        %parallel_loop3A_819 = arith.constant 3 : i32
        %parallel_loop3A_820 = arith.addi %parallel_loop3A_706, %parallel_loop3A_819 : i32
        %parallel_loop3A_821 = arith.index_cast %parallel_loop3A_820 : i32 to index
        %parallel_loop3A_822 = arith.constant 0 : index
        %parallel_loop3A_823 = tpu.vector_load %arg21[%parallel_loop3A_821, %parallel_loop3A_822] {strides = array<i32>} : memref<128x64xf32, #tpu.memory_space<vmem>>, vector<16xf32>,
        %parallel_loop3A_824 = vector.broadcast %parallel_loop3A_818 : f32 to vector<16xf32>
        %parallel_loop3A_825 = arith.mulf %parallel_loop3A_823, %parallel_loop3A_824 : vector<16xf32>
        %parallel_loop3A_826 = arith.index_cast %parallel_loop3A_820 : i32 to index
        %parallel_loop3A_827 = arith.constant 0 : index
        %parallel_loop3A_828 = tpu.vector_load %arg21[%parallel_loop3A_826, %parallel_loop3A_827] {strides = array<i32>} : memref<128x64xf32, #tpu.memory_space<vmem>>, vector<16xf32>,
        tpu.vector_store %arg21[%parallel_loop3A_826, %parallel_loop3A_827], %parallel_loop3A_825 {strides = array<i32>} : memref<128x64xf32, #tpu.memory_space<vmem>>, vector<16xf32>,
        %parallel_loop3A_829 = arith.index_cast %parallel_loop3A_820 : i32 to index
        %parallel_loop3A_830 = arith.constant 16 : index
        %parallel_loop3A_831 = tpu.vector_load %arg21[%parallel_loop3A_829, %parallel_loop3A_830] {strides = array<i32>} : memref<128x64xf32, #tpu.memory_space<vmem>>, vector<16xf32>,
        %parallel_loop3A_832 = vector.broadcast %parallel_loop3A_818 : f32 to vector<16xf32>
        %parallel_loop3A_833 = arith.mulf %parallel_loop3A_831, %parallel_loop3A_832 : vector<16xf32>
        %parallel_loop3A_834 = arith.index_cast %parallel_loop3A_820 : i32 to index
        %parallel_loop3A_835 = arith.constant 16 : index
        %parallel_loop3A_836 = tpu.vector_load %arg21[%parallel_loop3A_834, %parallel_loop3A_835] {strides = array<i32>} : memref<128x64xf32, #tpu.memory_space<vmem>>, vector<16xf32>,
        tpu.vector_store %arg21[%parallel_loop3A_834, %parallel_loop3A_835], %parallel_loop3A_833 {strides = array<i32>} : memref<128x64xf32, #tpu.memory_space<vmem>>, vector<16xf32>,
        %parallel_loop3A_837 = arith.index_cast %parallel_loop3A_820 : i32 to index
        %parallel_loop3A_838 = arith.constant 32 : index
        %parallel_loop3A_839 = tpu.vector_load %arg21[%parallel_loop3A_837, %parallel_loop3A_838] {strides = array<i32>} : memref<128x64xf32, #tpu.memory_space<vmem>>, vector<16xf32>,
        %parallel_loop3A_840 = vector.broadcast %parallel_loop3A_818 : f32 to vector<16xf32>
        %parallel_loop3A_841 = arith.mulf %parallel_loop3A_839, %parallel_loop3A_840 : vector<16xf32>
        %parallel_loop3A_842 = arith.index_cast %parallel_loop3A_820 : i32 to index
        %parallel_loop3A_843 = arith.constant 32 : index
        %parallel_loop3A_844 = tpu.vector_load %arg21[%parallel_loop3A_842, %parallel_loop3A_843] {strides = array<i32>} : memref<128x64xf32, #tpu.memory_space<vmem>>, vector<16xf32>,
        tpu.vector_store %arg21[%parallel_loop3A_842, %parallel_loop3A_843], %parallel_loop3A_841 {strides = array<i32>} : memref<128x64xf32, #tpu.memory_space<vmem>>, vector<16xf32>,
        %parallel_loop3A_845 = arith.index_cast %parallel_loop3A_820 : i32 to index
        %parallel_loop3A_846 = arith.constant 48 : index
        %parallel_loop3A_847 = tpu.vector_load %arg21[%parallel_loop3A_845, %parallel_loop3A_846] {strides = array<i32>} : memref<128x64xf32, #tpu.memory_space<vmem>>, vector<16xf32>,
        %parallel_loop3A_848 = vector.broadcast %parallel_loop3A_818 : f32 to vector<16xf32>
        %parallel_loop3A_849 = arith.mulf %parallel_loop3A_847, %parallel_loop3A_848 : vector<16xf32>
        %parallel_loop3A_850 = arith.index_cast %parallel_loop3A_820 : i32 to index
        %parallel_loop3A_851 = arith.constant 48 : index
        %parallel_loop3A_852 = tpu.vector_load %arg21[%parallel_loop3A_850, %parallel_loop3A_851] {strides = array<i32>} : memref<128x64xf32, #tpu.memory_space<vmem>>, vector<16xf32>,
        tpu.vector_store %arg21[%parallel_loop3A_850, %parallel_loop3A_851], %parallel_loop3A_849 {strides = array<i32>} : memref<128x64xf32, #tpu.memory_space<vmem>>, vector<16xf32>,
        %parallel_loop3A_853 = vector.extract_strided_slice %parallel_loop3A_708 {offsets = [4], sizes = [1], strides = [1]} : vector<16xf32> to vector<1xf32>
        %parallel_loop3A_854 = vector.extract %parallel_loop3A_853[0] : f32 from vector<1xf32>
        %parallel_loop3A_855 = arith.constant 4 : i32
        %parallel_loop3A_856 = arith.addi %parallel_loop3A_706, %parallel_loop3A_855 : i32
        %parallel_loop3A_857 = arith.index_cast %parallel_loop3A_856 : i32 to index
        %parallel_loop3A_858 = arith.constant 0 : index
        %parallel_loop3A_859 = tpu.vector_load %arg21[%parallel_loop3A_857, %parallel_loop3A_858] {strides = array<i32>} : memref<128x64xf32, #tpu.memory_space<vmem>>, vector<16xf32>,
        %parallel_loop3A_860 = vector.broadcast %parallel_loop3A_854 : f32 to vector<16xf32>
        %parallel_loop3A_861 = arith.mulf %parallel_loop3A_859, %parallel_loop3A_860 : vector<16xf32>
        %parallel_loop3A_862 = arith.index_cast %parallel_loop3A_856 : i32 to index
        %parallel_loop3A_863 = arith.constant 0 : index
        %parallel_loop3A_864 = tpu.vector_load %arg21[%parallel_loop3A_862, %parallel_loop3A_863] {strides = array<i32>} : memref<128x64xf32, #tpu.memory_space<vmem>>, vector<16xf32>,
        tpu.vector_store %arg21[%parallel_loop3A_862, %parallel_loop3A_863], %parallel_loop3A_861 {strides = array<i32>} : memref<128x64xf32, #tpu.memory_space<vmem>>, vector<16xf32>,
        %parallel_loop3A_865 = arith.index_cast %parallel_loop3A_856 : i32 to index
        %parallel_loop3A_866 = arith.constant 16 : index
        %parallel_loop3A_867 = tpu.vector_load %arg21[%parallel_loop3A_865, %parallel_loop3A_866] {strides = array<i32>} : memref<128x64xf32, #tpu.memory_space<vmem>>, vector<16xf32>,
        %parallel_loop3A_868 = vector.broadcast %parallel_loop3A_854 : f32 to vector<16xf32>
        %parallel_loop3A_869 = arith.mulf %parallel_loop3A_867, %parallel_loop3A_868 : vector<16xf32>
        %parallel_loop3A_870 = arith.index_cast %parallel_loop3A_856 : i32 to index
        %parallel_loop3A_871 = arith.constant 16 : index
        %parallel_loop3A_872 = tpu.vector_load %arg21[%parallel_loop3A_870, %parallel_loop3A_871] {strides = array<i32>} : memref<128x64xf32, #tpu.memory_space<vmem>>, vector<16xf32>,
        tpu.vector_store %arg21[%parallel_loop3A_870, %parallel_loop3A_871], %parallel_loop3A_869 {strides = array<i32>} : memref<128x64xf32, #tpu.memory_space<vmem>>, vector<16xf32>,
        %parallel_loop3A_873 = arith.index_cast %parallel_loop3A_856 : i32 to index
        %parallel_loop3A_874 = arith.constant 32 : index
        %parallel_loop3A_875 = tpu.vector_load %arg21[%parallel_loop3A_873, %parallel_loop3A_874] {strides = array<i32>} : memref<128x64xf32, #tpu.memory_space<vmem>>, vector<16xf32>,
        %parallel_loop3A_876 = vector.broadcast %parallel_loop3A_854 : f32 to vector<16xf32>
        %parallel_loop3A_877 = arith.mulf %parallel_loop3A_875, %parallel_loop3A_876 : vector<16xf32>
        %parallel_loop3A_878 = arith.index_cast %parallel_loop3A_856 : i32 to index
        %parallel_loop3A_879 = arith.constant 32 : index
        %parallel_loop3A_880 = tpu.vector_load %arg21[%parallel_loop3A_878, %parallel_loop3A_879] {strides = array<i32>} : memref<128x64xf32, #tpu.memory_space<vmem>>, vector<16xf32>,
        tpu.vector_store %arg21[%parallel_loop3A_878, %parallel_loop3A_879], %parallel_loop3A_877 {strides = array<i32>} : memref<128x64xf32, #tpu.memory_space<vmem>>, vector<16xf32>,
        %parallel_loop3A_881 = arith.index_cast %parallel_loop3A_856 : i32 to index
        %parallel_loop3A_882 = arith.constant 48 : index
        %parallel_loop3A_883 = tpu.vector_load %arg21[%parallel_loop3A_881, %parallel_loop3A_882] {strides = array<i32>} : memref<128x64xf32, #tpu.memory_space<vmem>>, vector<16xf32>,
        %parallel_loop3A_884 = vector.broadcast %parallel_loop3A_854 : f32 to vector<16xf32>
        %parallel_loop3A_885 = arith.mulf %parallel_loop3A_883, %parallel_loop3A_884 : vector<16xf32>
        %parallel_loop3A_886 = arith.index_cast %parallel_loop3A_856 : i32 to index
        %parallel_loop3A_887 = arith.constant 48 : index
        %parallel_loop3A_888 = tpu.vector_load %arg21[%parallel_loop3A_886, %parallel_loop3A_887] {strides = array<i32>} : memref<128x64xf32, #tpu.memory_space<vmem>>, vector<16xf32>,
        tpu.vector_store %arg21[%parallel_loop3A_886, %parallel_loop3A_887], %parallel_loop3A_885 {strides = array<i32>} : memref<128x64xf32, #tpu.memory_space<vmem>>, vector<16xf32>,
        %parallel_loop3A_889 = vector.extract_strided_slice %parallel_loop3A_708 {offsets = [5], sizes = [1], strides = [1]} : vector<16xf32> to vector<1xf32>
        %parallel_loop3A_890 = vector.extract %parallel_loop3A_889[0] : f32 from vector<1xf32>
        %parallel_loop3A_891 = arith.constant 5 : i32
        %parallel_loop3A_892 = arith.addi %parallel_loop3A_706, %parallel_loop3A_891 : i32
        %parallel_loop3A_893 = arith.index_cast %parallel_loop3A_892 : i32 to index
        %parallel_loop3A_894 = arith.constant 0 : index
        %parallel_loop3A_895 = tpu.vector_load %arg21[%parallel_loop3A_893, %parallel_loop3A_894] {strides = array<i32>} : memref<128x64xf32, #tpu.memory_space<vmem>>, vector<16xf32>,
        %parallel_loop3A_896 = vector.broadcast %parallel_loop3A_890 : f32 to vector<16xf32>
        %parallel_loop3A_897 = arith.mulf %parallel_loop3A_895, %parallel_loop3A_896 : vector<16xf32>
        %parallel_loop3A_898 = arith.index_cast %parallel_loop3A_892 : i32 to index
        %parallel_loop3A_899 = arith.constant 0 : index
        %parallel_loop3A_900 = tpu.vector_load %arg21[%parallel_loop3A_898, %parallel_loop3A_899] {strides = array<i32>} : memref<128x64xf32, #tpu.memory_space<vmem>>, vector<16xf32>,
        tpu.vector_store %arg21[%parallel_loop3A_898, %parallel_loop3A_899], %parallel_loop3A_897 {strides = array<i32>} : memref<128x64xf32, #tpu.memory_space<vmem>>, vector<16xf32>,
        %parallel_loop3A_901 = arith.index_cast %parallel_loop3A_892 : i32 to index
        %parallel_loop3A_902 = arith.constant 16 : index
        %parallel_loop3A_903 = tpu.vector_load %arg21[%parallel_loop3A_901, %parallel_loop3A_902] {strides = array<i32>} : memref<128x64xf32, #tpu.memory_space<vmem>>, vector<16xf32>,
        %parallel_loop3A_904 = vector.broadcast %parallel_loop3A_890 : f32 to vector<16xf32>
        %parallel_loop3A_905 = arith.mulf %parallel_loop3A_903, %parallel_loop3A_904 : vector<16xf32>
        %parallel_loop3A_906 = arith.index_cast %parallel_loop3A_892 : i32 to index
        %parallel_loop3A_907 = arith.constant 16 : index
        %parallel_loop3A_908 = tpu.vector_load %arg21[%parallel_loop3A_906, %parallel_loop3A_907] {strides = array<i32>} : memref<128x64xf32, #tpu.memory_space<vmem>>, vector<16xf32>,
        tpu.vector_store %arg21[%parallel_loop3A_906, %parallel_loop3A_907], %parallel_loop3A_905 {strides = array<i32>} : memref<128x64xf32, #tpu.memory_space<vmem>>, vector<16xf32>,
        %parallel_loop3A_909 = arith.index_cast %parallel_loop3A_892 : i32 to index
        %parallel_loop3A_910 = arith.constant 32 : index
        %parallel_loop3A_911 = tpu.vector_load %arg21[%parallel_loop3A_909, %parallel_loop3A_910] {strides = array<i32>} : memref<128x64xf32, #tpu.memory_space<vmem>>, vector<16xf32>,
        %parallel_loop3A_912 = vector.broadcast %parallel_loop3A_890 : f32 to vector<16xf32>
        %parallel_loop3A_913 = arith.mulf %parallel_loop3A_911, %parallel_loop3A_912 : vector<16xf32>
        %parallel_loop3A_914 = arith.index_cast %parallel_loop3A_892 : i32 to index
        %parallel_loop3A_915 = arith.constant 32 : index
        %parallel_loop3A_916 = tpu.vector_load %arg21[%parallel_loop3A_914, %parallel_loop3A_915] {strides = array<i32>} : memref<128x64xf32, #tpu.memory_space<vmem>>, vector<16xf32>,
        tpu.vector_store %arg21[%parallel_loop3A_914, %parallel_loop3A_915], %parallel_loop3A_913 {strides = array<i32>} : memref<128x64xf32, #tpu.memory_space<vmem>>, vector<16xf32>,
        %parallel_loop3A_917 = arith.index_cast %parallel_loop3A_892 : i32 to index
        %parallel_loop3A_918 = arith.constant 48 : index
        %parallel_loop3A_919 = tpu.vector_load %arg21[%parallel_loop3A_917, %parallel_loop3A_918] {strides = array<i32>} : memref<128x64xf32, #tpu.memory_space<vmem>>, vector<16xf32>,
        %parallel_loop3A_920 = vector.broadcast %parallel_loop3A_890 : f32 to vector<16xf32>
        %parallel_loop3A_921 = arith.mulf %parallel_loop3A_919, %parallel_loop3A_920 : vector<16xf32>
        %parallel_loop3A_922 = arith.index_cast %parallel_loop3A_892 : i32 to index
        %parallel_loop3A_923 = arith.constant 48 : index
        %parallel_loop3A_924 = tpu.vector_load %arg21[%parallel_loop3A_922, %parallel_loop3A_923] {strides = array<i32>} : memref<128x64xf32, #tpu.memory_space<vmem>>, vector<16xf32>,
        tpu.vector_store %arg21[%parallel_loop3A_922, %parallel_loop3A_923], %parallel_loop3A_921 {strides = array<i32>} : memref<128x64xf32, #tpu.memory_space<vmem>>, vector<16xf32>,
        %parallel_loop3A_925 = vector.extract_strided_slice %parallel_loop3A_708 {offsets = [6], sizes = [1], strides = [1]} : vector<16xf32> to vector<1xf32>
        %parallel_loop3A_926 = vector.extract %parallel_loop3A_925[0] : f32 from vector<1xf32>
        %parallel_loop3A_927 = arith.constant 6 : i32
        %parallel_loop3A_928 = arith.addi %parallel_loop3A_706, %parallel_loop3A_927 : i32
        %parallel_loop3A_929 = arith.index_cast %parallel_loop3A_928 : i32 to index
        %parallel_loop3A_930 = arith.constant 0 : index
        %parallel_loop3A_931 = tpu.vector_load %arg21[%parallel_loop3A_929, %parallel_loop3A_930] {strides = array<i32>} : memref<128x64xf32, #tpu.memory_space<vmem>>, vector<16xf32>,
        %parallel_loop3A_932 = vector.broadcast %parallel_loop3A_926 : f32 to vector<16xf32>
        %parallel_loop3A_933 = arith.mulf %parallel_loop3A_931, %parallel_loop3A_932 : vector<16xf32>
        %parallel_loop3A_934 = arith.index_cast %parallel_loop3A_928 : i32 to index
        %parallel_loop3A_935 = arith.constant 0 : index
        %parallel_loop3A_936 = tpu.vector_load %arg21[%parallel_loop3A_934, %parallel_loop3A_935] {strides = array<i32>} : memref<128x64xf32, #tpu.memory_space<vmem>>, vector<16xf32>,
        tpu.vector_store %arg21[%parallel_loop3A_934, %parallel_loop3A_935], %parallel_loop3A_933 {strides = array<i32>} : memref<128x64xf32, #tpu.memory_space<vmem>>, vector<16xf32>,
        %parallel_loop3A_937 = arith.index_cast %parallel_loop3A_928 : i32 to index
        %parallel_loop3A_938 = arith.constant 16 : index
        %parallel_loop3A_939 = tpu.vector_load %arg21[%parallel_loop3A_937, %parallel_loop3A_938] {strides = array<i32>} : memref<128x64xf32, #tpu.memory_space<vmem>>, vector<16xf32>,
        %parallel_loop3A_940 = vector.broadcast %parallel_loop3A_926 : f32 to vector<16xf32>
        %parallel_loop3A_941 = arith.mulf %parallel_loop3A_939, %parallel_loop3A_940 : vector<16xf32>
        %parallel_loop3A_942 = arith.index_cast %parallel_loop3A_928 : i32 to index
        %parallel_loop3A_943 = arith.constant 16 : index
        %parallel_loop3A_944 = tpu.vector_load %arg21[%parallel_loop3A_942, %parallel_loop3A_943] {strides = array<i32>} : memref<128x64xf32, #tpu.memory_space<vmem>>, vector<16xf32>,
        tpu.vector_store %arg21[%parallel_loop3A_942, %parallel_loop3A_943], %parallel_loop3A_941 {strides = array<i32>} : memref<128x64xf32, #tpu.memory_space<vmem>>, vector<16xf32>,
        %parallel_loop3A_945 = arith.index_cast %parallel_loop3A_928 : i32 to index
        %parallel_loop3A_946 = arith.constant 32 : index
        %parallel_loop3A_947 = tpu.vector_load %arg21[%parallel_loop3A_945, %parallel_loop3A_946] {strides = array<i32>} : memref<128x64xf32, #tpu.memory_space<vmem>>, vector<16xf32>,
        %parallel_loop3A_948 = vector.broadcast %parallel_loop3A_926 : f32 to vector<16xf32>
        %parallel_loop3A_949 = arith.mulf %parallel_loop3A_947, %parallel_loop3A_948 : vector<16xf32>
        %parallel_loop3A_950 = arith.index_cast %parallel_loop3A_928 : i32 to index
        %parallel_loop3A_951 = arith.constant 32 : index
        %parallel_loop3A_952 = tpu.vector_load %arg21[%parallel_loop3A_950, %parallel_loop3A_951] {strides = array<i32>} : memref<128x64xf32, #tpu.memory_space<vmem>>, vector<16xf32>,
        tpu.vector_store %arg21[%parallel_loop3A_950, %parallel_loop3A_951], %parallel_loop3A_949 {strides = array<i32>} : memref<128x64xf32, #tpu.memory_space<vmem>>, vector<16xf32>,
        %parallel_loop3A_953 = arith.index_cast %parallel_loop3A_928 : i32 to index
        %parallel_loop3A_954 = arith.constant 48 : index
        %parallel_loop3A_955 = tpu.vector_load %arg21[%parallel_loop3A_953, %parallel_loop3A_954] {strides = array<i32>} : memref<128x64xf32, #tpu.memory_space<vmem>>, vector<16xf32>,
        %parallel_loop3A_956 = vector.broadcast %parallel_loop3A_926 : f32 to vector<16xf32>
        %parallel_loop3A_957 = arith.mulf %parallel_loop3A_955, %parallel_loop3A_956 : vector<16xf32>
        %parallel_loop3A_958 = arith.index_cast %parallel_loop3A_928 : i32 to index
        %parallel_loop3A_959 = arith.constant 48 : index
        %parallel_loop3A_960 = tpu.vector_load %arg21[%parallel_loop3A_958, %parallel_loop3A_959] {strides = array<i32>} : memref<128x64xf32, #tpu.memory_space<vmem>>, vector<16xf32>,
        tpu.vector_store %arg21[%parallel_loop3A_958, %parallel_loop3A_959], %parallel_loop3A_957 {strides = array<i32>} : memref<128x64xf32, #tpu.memory_space<vmem>>, vector<16xf32>,
        %parallel_loop3A_961 = vector.extract_strided_slice %parallel_loop3A_708 {offsets = [7], sizes = [1], strides = [1]} : vector<16xf32> to vector<1xf32>
        %parallel_loop3A_962 = vector.extract %parallel_loop3A_961[0] : f32 from vector<1xf32>
        %parallel_loop3A_963 = arith.constant 7 : i32
        %parallel_loop3A_964 = arith.addi %parallel_loop3A_706, %parallel_loop3A_963 : i32
        %parallel_loop3A_965 = arith.index_cast %parallel_loop3A_964 : i32 to index
        %parallel_loop3A_966 = arith.constant 0 : index
        %parallel_loop3A_967 = tpu.vector_load %arg21[%parallel_loop3A_965, %parallel_loop3A_966] {strides = array<i32>} : memref<128x64xf32, #tpu.memory_space<vmem>>, vector<16xf32>,
        %parallel_loop3A_968 = vector.broadcast %parallel_loop3A_962 : f32 to vector<16xf32>
        %parallel_loop3A_969 = arith.mulf %parallel_loop3A_967, %parallel_loop3A_968 : vector<16xf32>
        %parallel_loop3A_970 = arith.index_cast %parallel_loop3A_964 : i32 to index
        %parallel_loop3A_971 = arith.constant 0 : index
        %parallel_loop3A_972 = tpu.vector_load %arg21[%parallel_loop3A_970, %parallel_loop3A_971] {strides = array<i32>} : memref<128x64xf32, #tpu.memory_space<vmem>>, vector<16xf32>,
        tpu.vector_store %arg21[%parallel_loop3A_970, %parallel_loop3A_971], %parallel_loop3A_969 {strides = array<i32>} : memref<128x64xf32, #tpu.memory_space<vmem>>, vector<16xf32>,
        %parallel_loop3A_973 = arith.index_cast %parallel_loop3A_964 : i32 to index
        %parallel_loop3A_974 = arith.constant 16 : index
        %parallel_loop3A_975 = tpu.vector_load %arg21[%parallel_loop3A_973, %parallel_loop3A_974] {strides = array<i32>} : memref<128x64xf32, #tpu.memory_space<vmem>>, vector<16xf32>,
        %parallel_loop3A_976 = vector.broadcast %parallel_loop3A_962 : f32 to vector<16xf32>
        %parallel_loop3A_977 = arith.mulf %parallel_loop3A_975, %parallel_loop3A_976 : vector<16xf32>
        %parallel_loop3A_978 = arith.index_cast %parallel_loop3A_964 : i32 to index
        %parallel_loop3A_979 = arith.constant 16 : index
        %parallel_loop3A_980 = tpu.vector_load %arg21[%parallel_loop3A_978, %parallel_loop3A_979] {strides = array<i32>} : memref<128x64xf32, #tpu.memory_space<vmem>>, vector<16xf32>,
        tpu.vector_store %arg21[%parallel_loop3A_978, %parallel_loop3A_979], %parallel_loop3A_977 {strides = array<i32>} : memref<128x64xf32, #tpu.memory_space<vmem>>, vector<16xf32>,
        %parallel_loop3A_981 = arith.index_cast %parallel_loop3A_964 : i32 to index
        %parallel_loop3A_982 = arith.constant 32 : index
        %parallel_loop3A_983 = tpu.vector_load %arg21[%parallel_loop3A_981, %parallel_loop3A_982] {strides = array<i32>} : memref<128x64xf32, #tpu.memory_space<vmem>>, vector<16xf32>,
        %parallel_loop3A_984 = vector.broadcast %parallel_loop3A_962 : f32 to vector<16xf32>
        %parallel_loop3A_985 = arith.mulf %parallel_loop3A_983, %parallel_loop3A_984 : vector<16xf32>
        %parallel_loop3A_986 = arith.index_cast %parallel_loop3A_964 : i32 to index
        %parallel_loop3A_987 = arith.constant 32 : index
        %parallel_loop3A_988 = tpu.vector_load %arg21[%parallel_loop3A_986, %parallel_loop3A_987] {strides = array<i32>} : memref<128x64xf32, #tpu.memory_space<vmem>>, vector<16xf32>,
        tpu.vector_store %arg21[%parallel_loop3A_986, %parallel_loop3A_987], %parallel_loop3A_985 {strides = array<i32>} : memref<128x64xf32, #tpu.memory_space<vmem>>, vector<16xf32>,
        %parallel_loop3A_989 = arith.index_cast %parallel_loop3A_964 : i32 to index
        %parallel_loop3A_990 = arith.constant 48 : index
        %parallel_loop3A_991 = tpu.vector_load %arg21[%parallel_loop3A_989, %parallel_loop3A_990] {strides = array<i32>} : memref<128x64xf32, #tpu.memory_space<vmem>>, vector<16xf32>,
        %parallel_loop3A_992 = vector.broadcast %parallel_loop3A_962 : f32 to vector<16xf32>
        %parallel_loop3A_993 = arith.mulf %parallel_loop3A_991, %parallel_loop3A_992 : vector<16xf32>
        %parallel_loop3A_994 = arith.index_cast %parallel_loop3A_964 : i32 to index
        %parallel_loop3A_995 = arith.constant 48 : index
        %parallel_loop3A_996 = tpu.vector_load %arg21[%parallel_loop3A_994, %parallel_loop3A_995] {strides = array<i32>} : memref<128x64xf32, #tpu.memory_space<vmem>>, vector<16xf32>,
        tpu.vector_store %arg21[%parallel_loop3A_994, %parallel_loop3A_995], %parallel_loop3A_993 {strides = array<i32>} : memref<128x64xf32, #tpu.memory_space<vmem>>, vector<16xf32>,
        %parallel_loop3A_997 = vector.extract_strided_slice %parallel_loop3A_708 {offsets = [8], sizes = [1], strides = [1]} : vector<16xf32> to vector<1xf32>
        %parallel_loop3A_998 = vector.extract %parallel_loop3A_997[0] : f32 from vector<1xf32>
        %parallel_loop3A_999 = arith.constant 8 : i32
        %parallel_loop3A_1000 = arith.addi %parallel_loop3A_706, %parallel_loop3A_999 : i32
        %parallel_loop3A_1001 = arith.index_cast %parallel_loop3A_1000 : i32 to index
        %parallel_loop3A_1002 = arith.constant 0 : index
        %parallel_loop3A_1003 = tpu.vector_load %arg21[%parallel_loop3A_1001, %parallel_loop3A_1002] {strides = array<i32>} : memref<128x64xf32, #tpu.memory_space<vmem>>, vector<16xf32>,
        %parallel_loop3A_1004 = vector.broadcast %parallel_loop3A_998 : f32 to vector<16xf32>
        %parallel_loop3A_1005 = arith.mulf %parallel_loop3A_1003, %parallel_loop3A_1004 : vector<16xf32>
        %parallel_loop3A_1006 = arith.index_cast %parallel_loop3A_1000 : i32 to index
        %parallel_loop3A_1007 = arith.constant 0 : index
        %parallel_loop3A_1008 = tpu.vector_load %arg21[%parallel_loop3A_1006, %parallel_loop3A_1007] {strides = array<i32>} : memref<128x64xf32, #tpu.memory_space<vmem>>, vector<16xf32>,
        tpu.vector_store %arg21[%parallel_loop3A_1006, %parallel_loop3A_1007], %parallel_loop3A_1005 {strides = array<i32>} : memref<128x64xf32, #tpu.memory_space<vmem>>, vector<16xf32>,
        %parallel_loop3A_1009 = arith.index_cast %parallel_loop3A_1000 : i32 to index
        %parallel_loop3A_1010 = arith.constant 16 : index
        %parallel_loop3A_1011 = tpu.vector_load %arg21[%parallel_loop3A_1009, %parallel_loop3A_1010] {strides = array<i32>} : memref<128x64xf32, #tpu.memory_space<vmem>>, vector<16xf32>,
        %parallel_loop3A_1012 = vector.broadcast %parallel_loop3A_998 : f32 to vector<16xf32>
        %parallel_loop3A_1013 = arith.mulf %parallel_loop3A_1011, %parallel_loop3A_1012 : vector<16xf32>
        %parallel_loop3A_1014 = arith.index_cast %parallel_loop3A_1000 : i32 to index
        %parallel_loop3A_1015 = arith.constant 16 : index
        %parallel_loop3A_1016 = tpu.vector_load %arg21[%parallel_loop3A_1014, %parallel_loop3A_1015] {strides = array<i32>} : memref<128x64xf32, #tpu.memory_space<vmem>>, vector<16xf32>,
        tpu.vector_store %arg21[%parallel_loop3A_1014, %parallel_loop3A_1015], %parallel_loop3A_1013 {strides = array<i32>} : memref<128x64xf32, #tpu.memory_space<vmem>>, vector<16xf32>,
        %parallel_loop3A_1017 = arith.index_cast %parallel_loop3A_1000 : i32 to index
        %parallel_loop3A_1018 = arith.constant 32 : index
        %parallel_loop3A_1019 = tpu.vector_load %arg21[%parallel_loop3A_1017, %parallel_loop3A_1018] {strides = array<i32>} : memref<128x64xf32, #tpu.memory_space<vmem>>, vector<16xf32>,
        %parallel_loop3A_1020 = vector.broadcast %parallel_loop3A_998 : f32 to vector<16xf32>
        %parallel_loop3A_1021 = arith.mulf %parallel_loop3A_1019, %parallel_loop3A_1020 : vector<16xf32>
        %parallel_loop3A_1022 = arith.index_cast %parallel_loop3A_1000 : i32 to index
        %parallel_loop3A_1023 = arith.constant 32 : index
        %parallel_loop3A_1024 = tpu.vector_load %arg21[%parallel_loop3A_1022, %parallel_loop3A_1023] {strides = array<i32>} : memref<128x64xf32, #tpu.memory_space<vmem>>, vector<16xf32>,
        tpu.vector_store %arg21[%parallel_loop3A_1022, %parallel_loop3A_1023], %parallel_loop3A_1021 {strides = array<i32>} : memref<128x64xf32, #tpu.memory_space<vmem>>, vector<16xf32>,
        %parallel_loop3A_1025 = arith.index_cast %parallel_loop3A_1000 : i32 to index
        %parallel_loop3A_1026 = arith.constant 48 : index
        %parallel_loop3A_1027 = tpu.vector_load %arg21[%parallel_loop3A_1025, %parallel_loop3A_1026] {strides = array<i32>} : memref<128x64xf32, #tpu.memory_space<vmem>>, vector<16xf32>,
        %parallel_loop3A_1028 = vector.broadcast %parallel_loop3A_998 : f32 to vector<16xf32>
        %parallel_loop3A_1029 = arith.mulf %parallel_loop3A_1027, %parallel_loop3A_1028 : vector<16xf32>
        %parallel_loop3A_1030 = arith.index_cast %parallel_loop3A_1000 : i32 to index
        %parallel_loop3A_1031 = arith.constant 48 : index
        %parallel_loop3A_1032 = tpu.vector_load %arg21[%parallel_loop3A_1030, %parallel_loop3A_1031] {strides = array<i32>} : memref<128x64xf32, #tpu.memory_space<vmem>>, vector<16xf32>,
        tpu.vector_store %arg21[%parallel_loop3A_1030, %parallel_loop3A_1031], %parallel_loop3A_1029 {strides = array<i32>} : memref<128x64xf32, #tpu.memory_space<vmem>>, vector<16xf32>,
        %parallel_loop3A_1033 = vector.extract_strided_slice %parallel_loop3A_708 {offsets = [9], sizes = [1], strides = [1]} : vector<16xf32> to vector<1xf32>
        %parallel_loop3A_1034 = vector.extract %parallel_loop3A_1033[0] : f32 from vector<1xf32>
        %parallel_loop3A_1035 = arith.constant 9 : i32
        %parallel_loop3A_1036 = arith.addi %parallel_loop3A_706, %parallel_loop3A_1035 : i32
        %parallel_loop3A_1037 = arith.index_cast %parallel_loop3A_1036 : i32 to index
        %parallel_loop3A_1038 = arith.constant 0 : index
        %parallel_loop3A_1039 = tpu.vector_load %arg21[%parallel_loop3A_1037, %parallel_loop3A_1038] {strides = array<i32>} : memref<128x64xf32, #tpu.memory_space<vmem>>, vector<16xf32>,
        %parallel_loop3A_1040 = vector.broadcast %parallel_loop3A_1034 : f32 to vector<16xf32>
        %parallel_loop3A_1041 = arith.mulf %parallel_loop3A_1039, %parallel_loop3A_1040 : vector<16xf32>
        %parallel_loop3A_1042 = arith.index_cast %parallel_loop3A_1036 : i32 to index
        %parallel_loop3A_1043 = arith.constant 0 : index
        %parallel_loop3A_1044 = tpu.vector_load %arg21[%parallel_loop3A_1042, %parallel_loop3A_1043] {strides = array<i32>} : memref<128x64xf32, #tpu.memory_space<vmem>>, vector<16xf32>,
        tpu.vector_store %arg21[%parallel_loop3A_1042, %parallel_loop3A_1043], %parallel_loop3A_1041 {strides = array<i32>} : memref<128x64xf32, #tpu.memory_space<vmem>>, vector<16xf32>,
        %parallel_loop3A_1045 = arith.index_cast %parallel_loop3A_1036 : i32 to index
        %parallel_loop3A_1046 = arith.constant 16 : index
        %parallel_loop3A_1047 = tpu.vector_load %arg21[%parallel_loop3A_1045, %parallel_loop3A_1046] {strides = array<i32>} : memref<128x64xf32, #tpu.memory_space<vmem>>, vector<16xf32>,
        %parallel_loop3A_1048 = vector.broadcast %parallel_loop3A_1034 : f32 to vector<16xf32>
        %parallel_loop3A_1049 = arith.mulf %parallel_loop3A_1047, %parallel_loop3A_1048 : vector<16xf32>
        %parallel_loop3A_1050 = arith.index_cast %parallel_loop3A_1036 : i32 to index
        %parallel_loop3A_1051 = arith.constant 16 : index
        %parallel_loop3A_1052 = tpu.vector_load %arg21[%parallel_loop3A_1050, %parallel_loop3A_1051] {strides = array<i32>} : memref<128x64xf32, #tpu.memory_space<vmem>>, vector<16xf32>,
        tpu.vector_store %arg21[%parallel_loop3A_1050, %parallel_loop3A_1051], %parallel_loop3A_1049 {strides = array<i32>} : memref<128x64xf32, #tpu.memory_space<vmem>>, vector<16xf32>,
        %parallel_loop3A_1053 = arith.index_cast %parallel_loop3A_1036 : i32 to index
        %parallel_loop3A_1054 = arith.constant 32 : index
        %parallel_loop3A_1055 = tpu.vector_load %arg21[%parallel_loop3A_1053, %parallel_loop3A_1054] {strides = array<i32>} : memref<128x64xf32, #tpu.memory_space<vmem>>, vector<16xf32>,
        %parallel_loop3A_1056 = vector.broadcast %parallel_loop3A_1034 : f32 to vector<16xf32>
        %parallel_loop3A_1057 = arith.mulf %parallel_loop3A_1055, %parallel_loop3A_1056 : vector<16xf32>
        %parallel_loop3A_1058 = arith.index_cast %parallel_loop3A_1036 : i32 to index
        %parallel_loop3A_1059 = arith.constant 32 : index
        %parallel_loop3A_1060 = tpu.vector_load %arg21[%parallel_loop3A_1058, %parallel_loop3A_1059] {strides = array<i32>} : memref<128x64xf32, #tpu.memory_space<vmem>>, vector<16xf32>,
        tpu.vector_store %arg21[%parallel_loop3A_1058, %parallel_loop3A_1059], %parallel_loop3A_1057 {strides = array<i32>} : memref<128x64xf32, #tpu.memory_space<vmem>>, vector<16xf32>,
        %parallel_loop3A_1061 = arith.index_cast %parallel_loop3A_1036 : i32 to index
        %parallel_loop3A_1062 = arith.constant 48 : index
        %parallel_loop3A_1063 = tpu.vector_load %arg21[%parallel_loop3A_1061, %parallel_loop3A_1062] {strides = array<i32>} : memref<128x64xf32, #tpu.memory_space<vmem>>, vector<16xf32>,
        %parallel_loop3A_1064 = vector.broadcast %parallel_loop3A_1034 : f32 to vector<16xf32>
        %parallel_loop3A_1065 = arith.mulf %parallel_loop3A_1063, %parallel_loop3A_1064 : vector<16xf32>
        %parallel_loop3A_1066 = arith.index_cast %parallel_loop3A_1036 : i32 to index
        %parallel_loop3A_1067 = arith.constant 48 : index
        %parallel_loop3A_1068 = tpu.vector_load %arg21[%parallel_loop3A_1066, %parallel_loop3A_1067] {strides = array<i32>} : memref<128x64xf32, #tpu.memory_space<vmem>>, vector<16xf32>,
        tpu.vector_store %arg21[%parallel_loop3A_1066, %parallel_loop3A_1067], %parallel_loop3A_1065 {strides = array<i32>} : memref<128x64xf32, #tpu.memory_space<vmem>>, vector<16xf32>,
        %parallel_loop3A_1069 = vector.extract_strided_slice %parallel_loop3A_708 {offsets = [10], sizes = [1], strides = [1]} : vector<16xf32> to vector<1xf32>
        %parallel_loop3A_1070 = vector.extract %parallel_loop3A_1069[0] : f32 from vector<1xf32>
        %parallel_loop3A_1071 = arith.constant 10 : i32
        %parallel_loop3A_1072 = arith.addi %parallel_loop3A_706, %parallel_loop3A_1071 : i32
        %parallel_loop3A_1073 = arith.index_cast %parallel_loop3A_1072 : i32 to index
        %parallel_loop3A_1074 = arith.constant 0 : index
        %parallel_loop3A_1075 = tpu.vector_load %arg21[%parallel_loop3A_1073, %parallel_loop3A_1074] {strides = array<i32>} : memref<128x64xf32, #tpu.memory_space<vmem>>, vector<16xf32>,
        %parallel_loop3A_1076 = vector.broadcast %parallel_loop3A_1070 : f32 to vector<16xf32>
        %parallel_loop3A_1077 = arith.mulf %parallel_loop3A_1075, %parallel_loop3A_1076 : vector<16xf32>
        %parallel_loop3A_1078 = arith.index_cast %parallel_loop3A_1072 : i32 to index
        %parallel_loop3A_1079 = arith.constant 0 : index
        %parallel_loop3A_1080 = tpu.vector_load %arg21[%parallel_loop3A_1078, %parallel_loop3A_1079] {strides = array<i32>} : memref<128x64xf32, #tpu.memory_space<vmem>>, vector<16xf32>,
        tpu.vector_store %arg21[%parallel_loop3A_1078, %parallel_loop3A_1079], %parallel_loop3A_1077 {strides = array<i32>} : memref<128x64xf32, #tpu.memory_space<vmem>>, vector<16xf32>,
        %parallel_loop3A_1081 = arith.index_cast %parallel_loop3A_1072 : i32 to index
        %parallel_loop3A_1082 = arith.constant 16 : index
        %parallel_loop3A_1083 = tpu.vector_load %arg21[%parallel_loop3A_1081, %parallel_loop3A_1082] {strides = array<i32>} : memref<128x64xf32, #tpu.memory_space<vmem>>, vector<16xf32>,
        %parallel_loop3A_1084 = vector.broadcast %parallel_loop3A_1070 : f32 to vector<16xf32>
        %parallel_loop3A_1085 = arith.mulf %parallel_loop3A_1083, %parallel_loop3A_1084 : vector<16xf32>
        %parallel_loop3A_1086 = arith.index_cast %parallel_loop3A_1072 : i32 to index
        %parallel_loop3A_1087 = arith.constant 16 : index
        %parallel_loop3A_1088 = tpu.vector_load %arg21[%parallel_loop3A_1086, %parallel_loop3A_1087] {strides = array<i32>} : memref<128x64xf32, #tpu.memory_space<vmem>>, vector<16xf32>,
        tpu.vector_store %arg21[%parallel_loop3A_1086, %parallel_loop3A_1087], %parallel_loop3A_1085 {strides = array<i32>} : memref<128x64xf32, #tpu.memory_space<vmem>>, vector<16xf32>,
        %parallel_loop3A_1089 = arith.index_cast %parallel_loop3A_1072 : i32 to index
        %parallel_loop3A_1090 = arith.constant 32 : index
        %parallel_loop3A_1091 = tpu.vector_load %arg21[%parallel_loop3A_1089, %parallel_loop3A_1090] {strides = array<i32>} : memref<128x64xf32, #tpu.memory_space<vmem>>, vector<16xf32>,
        %parallel_loop3A_1092 = vector.broadcast %parallel_loop3A_1070 : f32 to vector<16xf32>
        %parallel_loop3A_1093 = arith.mulf %parallel_loop3A_1091, %parallel_loop3A_1092 : vector<16xf32>
        %parallel_loop3A_1094 = arith.index_cast %parallel_loop3A_1072 : i32 to index
        %parallel_loop3A_1095 = arith.constant 32 : index
        %parallel_loop3A_1096 = tpu.vector_load %arg21[%parallel_loop3A_1094, %parallel_loop3A_1095] {strides = array<i32>} : memref<128x64xf32, #tpu.memory_space<vmem>>, vector<16xf32>,
        tpu.vector_store %arg21[%parallel_loop3A_1094, %parallel_loop3A_1095], %parallel_loop3A_1093 {strides = array<i32>} : memref<128x64xf32, #tpu.memory_space<vmem>>, vector<16xf32>,
        %parallel_loop3A_1097 = arith.index_cast %parallel_loop3A_1072 : i32 to index
        %parallel_loop3A_1098 = arith.constant 48 : index
        %parallel_loop3A_1099 = tpu.vector_load %arg21[%parallel_loop3A_1097, %parallel_loop3A_1098] {strides = array<i32>} : memref<128x64xf32, #tpu.memory_space<vmem>>, vector<16xf32>,
        %parallel_loop3A_1100 = vector.broadcast %parallel_loop3A_1070 : f32 to vector<16xf32>
        %parallel_loop3A_1101 = arith.mulf %parallel_loop3A_1099, %parallel_loop3A_1100 : vector<16xf32>
        %parallel_loop3A_1102 = arith.index_cast %parallel_loop3A_1072 : i32 to index
        %parallel_loop3A_1103 = arith.constant 48 : index
        %parallel_loop3A_1104 = tpu.vector_load %arg21[%parallel_loop3A_1102, %parallel_loop3A_1103] {strides = array<i32>} : memref<128x64xf32, #tpu.memory_space<vmem>>, vector<16xf32>,
        tpu.vector_store %arg21[%parallel_loop3A_1102, %parallel_loop3A_1103], %parallel_loop3A_1101 {strides = array<i32>} : memref<128x64xf32, #tpu.memory_space<vmem>>, vector<16xf32>,
        %parallel_loop3A_1105 = vector.extract_strided_slice %parallel_loop3A_708 {offsets = [11], sizes = [1], strides = [1]} : vector<16xf32> to vector<1xf32>
        %parallel_loop3A_1106 = vector.extract %parallel_loop3A_1105[0] : f32 from vector<1xf32>
        %parallel_loop3A_1107 = arith.constant 11 : i32
        %parallel_loop3A_1108 = arith.addi %parallel_loop3A_706, %parallel_loop3A_1107 : i32
        %parallel_loop3A_1109 = arith.index_cast %parallel_loop3A_1108 : i32 to index
        %parallel_loop3A_1110 = arith.constant 0 : index
        %parallel_loop3A_1111 = tpu.vector_load %arg21[%parallel_loop3A_1109, %parallel_loop3A_1110] {strides = array<i32>} : memref<128x64xf32, #tpu.memory_space<vmem>>, vector<16xf32>,
        %parallel_loop3A_1112 = vector.broadcast %parallel_loop3A_1106 : f32 to vector<16xf32>
        %parallel_loop3A_1113 = arith.mulf %parallel_loop3A_1111, %parallel_loop3A_1112 : vector<16xf32>
        %parallel_loop3A_1114 = arith.index_cast %parallel_loop3A_1108 : i32 to index
        %parallel_loop3A_1115 = arith.constant 0 : index
        %parallel_loop3A_1116 = tpu.vector_load %arg21[%parallel_loop3A_1114, %parallel_loop3A_1115] {strides = array<i32>} : memref<128x64xf32, #tpu.memory_space<vmem>>, vector<16xf32>,
        tpu.vector_store %arg21[%parallel_loop3A_1114, %parallel_loop3A_1115], %parallel_loop3A_1113 {strides = array<i32>} : memref<128x64xf32, #tpu.memory_space<vmem>>, vector<16xf32>,
        %parallel_loop3A_1117 = arith.index_cast %parallel_loop3A_1108 : i32 to index
        %parallel_loop3A_1118 = arith.constant 16 : index
        %parallel_loop3A_1119 = tpu.vector_load %arg21[%parallel_loop3A_1117, %parallel_loop3A_1118] {strides = array<i32>} : memref<128x64xf32, #tpu.memory_space<vmem>>, vector<16xf32>,
        %parallel_loop3A_1120 = vector.broadcast %parallel_loop3A_1106 : f32 to vector<16xf32>
        %parallel_loop3A_1121 = arith.mulf %parallel_loop3A_1119, %parallel_loop3A_1120 : vector<16xf32>
        %parallel_loop3A_1122 = arith.index_cast %parallel_loop3A_1108 : i32 to index
        %parallel_loop3A_1123 = arith.constant 16 : index
        %parallel_loop3A_1124 = tpu.vector_load %arg21[%parallel_loop3A_1122, %parallel_loop3A_1123] {strides = array<i32>} : memref<128x64xf32, #tpu.memory_space<vmem>>, vector<16xf32>,
        tpu.vector_store %arg21[%parallel_loop3A_1122, %parallel_loop3A_1123], %parallel_loop3A_1121 {strides = array<i32>} : memref<128x64xf32, #tpu.memory_space<vmem>>, vector<16xf32>,
        %parallel_loop3A_1125 = arith.index_cast %parallel_loop3A_1108 : i32 to index
        %parallel_loop3A_1126 = arith.constant 32 : index
        %parallel_loop3A_1127 = tpu.vector_load %arg21[%parallel_loop3A_1125, %parallel_loop3A_1126] {strides = array<i32>} : memref<128x64xf32, #tpu.memory_space<vmem>>, vector<16xf32>,
        %parallel_loop3A_1128 = vector.broadcast %parallel_loop3A_1106 : f32 to vector<16xf32>
        %parallel_loop3A_1129 = arith.mulf %parallel_loop3A_1127, %parallel_loop3A_1128 : vector<16xf32>
        %parallel_loop3A_1130 = arith.index_cast %parallel_loop3A_1108 : i32 to index
        %parallel_loop3A_1131 = arith.constant 32 : index
        %parallel_loop3A_1132 = tpu.vector_load %arg21[%parallel_loop3A_1130, %parallel_loop3A_1131] {strides = array<i32>} : memref<128x64xf32, #tpu.memory_space<vmem>>, vector<16xf32>,
        tpu.vector_store %arg21[%parallel_loop3A_1130, %parallel_loop3A_1131], %parallel_loop3A_1129 {strides = array<i32>} : memref<128x64xf32, #tpu.memory_space<vmem>>, vector<16xf32>,
        %parallel_loop3A_1133 = arith.index_cast %parallel_loop3A_1108 : i32 to index
        %parallel_loop3A_1134 = arith.constant 48 : index
        %parallel_loop3A_1135 = tpu.vector_load %arg21[%parallel_loop3A_1133, %parallel_loop3A_1134] {strides = array<i32>} : memref<128x64xf32, #tpu.memory_space<vmem>>, vector<16xf32>,
        %parallel_loop3A_1136 = vector.broadcast %parallel_loop3A_1106 : f32 to vector<16xf32>
        %parallel_loop3A_1137 = arith.mulf %parallel_loop3A_1135, %parallel_loop3A_1136 : vector<16xf32>
        %parallel_loop3A_1138 = arith.index_cast %parallel_loop3A_1108 : i32 to index
        %parallel_loop3A_1139 = arith.constant 48 : index
        %parallel_loop3A_1140 = tpu.vector_load %arg21[%parallel_loop3A_1138, %parallel_loop3A_1139] {strides = array<i32>} : memref<128x64xf32, #tpu.memory_space<vmem>>, vector<16xf32>,
        tpu.vector_store %arg21[%parallel_loop3A_1138, %parallel_loop3A_1139], %parallel_loop3A_1137 {strides = array<i32>} : memref<128x64xf32, #tpu.memory_space<vmem>>, vector<16xf32>,
        %parallel_loop3A_1141 = vector.extract_strided_slice %parallel_loop3A_708 {offsets = [12], sizes = [1], strides = [1]} : vector<16xf32> to vector<1xf32>
        %parallel_loop3A_1142 = vector.extract %parallel_loop3A_1141[0] : f32 from vector<1xf32>
        %parallel_loop3A_1143 = arith.constant 12 : i32
        %parallel_loop3A_1144 = arith.addi %parallel_loop3A_706, %parallel_loop3A_1143 : i32
        %parallel_loop3A_1145 = arith.index_cast %parallel_loop3A_1144 : i32 to index
        %parallel_loop3A_1146 = arith.constant 0 : index
        %parallel_loop3A_1147 = tpu.vector_load %arg21[%parallel_loop3A_1145, %parallel_loop3A_1146] {strides = array<i32>} : memref<128x64xf32, #tpu.memory_space<vmem>>, vector<16xf32>,
        %parallel_loop3A_1148 = vector.broadcast %parallel_loop3A_1142 : f32 to vector<16xf32>
        %parallel_loop3A_1149 = arith.mulf %parallel_loop3A_1147, %parallel_loop3A_1148 : vector<16xf32>
        %parallel_loop3A_1150 = arith.index_cast %parallel_loop3A_1144 : i32 to index
        %parallel_loop3A_1151 = arith.constant 0 : index
        %parallel_loop3A_1152 = tpu.vector_load %arg21[%parallel_loop3A_1150, %parallel_loop3A_1151] {strides = array<i32>} : memref<128x64xf32, #tpu.memory_space<vmem>>, vector<16xf32>,
        tpu.vector_store %arg21[%parallel_loop3A_1150, %parallel_loop3A_1151], %parallel_loop3A_1149 {strides = array<i32>} : memref<128x64xf32, #tpu.memory_space<vmem>>, vector<16xf32>,
        %parallel_loop3A_1153 = arith.index_cast %parallel_loop3A_1144 : i32 to index
        %parallel_loop3A_1154 = arith.constant 16 : index
        %parallel_loop3A_1155 = tpu.vector_load %arg21[%parallel_loop3A_1153, %parallel_loop3A_1154] {strides = array<i32>} : memref<128x64xf32, #tpu.memory_space<vmem>>, vector<16xf32>,
        %parallel_loop3A_1156 = vector.broadcast %parallel_loop3A_1142 : f32 to vector<16xf32>
        %parallel_loop3A_1157 = arith.mulf %parallel_loop3A_1155, %parallel_loop3A_1156 : vector<16xf32>
        %parallel_loop3A_1158 = arith.index_cast %parallel_loop3A_1144 : i32 to index
        %parallel_loop3A_1159 = arith.constant 16 : index
        %parallel_loop3A_1160 = tpu.vector_load %arg21[%parallel_loop3A_1158, %parallel_loop3A_1159] {strides = array<i32>} : memref<128x64xf32, #tpu.memory_space<vmem>>, vector<16xf32>,
        tpu.vector_store %arg21[%parallel_loop3A_1158, %parallel_loop3A_1159], %parallel_loop3A_1157 {strides = array<i32>} : memref<128x64xf32, #tpu.memory_space<vmem>>, vector<16xf32>,
        %parallel_loop3A_1161 = arith.index_cast %parallel_loop3A_1144 : i32 to index
        %parallel_loop3A_1162 = arith.constant 32 : index
        %parallel_loop3A_1163 = tpu.vector_load %arg21[%parallel_loop3A_1161, %parallel_loop3A_1162] {strides = array<i32>} : memref<128x64xf32, #tpu.memory_space<vmem>>, vector<16xf32>,
        %parallel_loop3A_1164 = vector.broadcast %parallel_loop3A_1142 : f32 to vector<16xf32>
        %parallel_loop3A_1165 = arith.mulf %parallel_loop3A_1163, %parallel_loop3A_1164 : vector<16xf32>
        %parallel_loop3A_1166 = arith.index_cast %parallel_loop3A_1144 : i32 to index
        %parallel_loop3A_1167 = arith.constant 32 : index
        %parallel_loop3A_1168 = tpu.vector_load %arg21[%parallel_loop3A_1166, %parallel_loop3A_1167] {strides = array<i32>} : memref<128x64xf32, #tpu.memory_space<vmem>>, vector<16xf32>,
        tpu.vector_store %arg21[%parallel_loop3A_1166, %parallel_loop3A_1167], %parallel_loop3A_1165 {strides = array<i32>} : memref<128x64xf32, #tpu.memory_space<vmem>>, vector<16xf32>,
        %parallel_loop3A_1169 = arith.index_cast %parallel_loop3A_1144 : i32 to index
        %parallel_loop3A_1170 = arith.constant 48 : index
        %parallel_loop3A_1171 = tpu.vector_load %arg21[%parallel_loop3A_1169, %parallel_loop3A_1170] {strides = array<i32>} : memref<128x64xf32, #tpu.memory_space<vmem>>, vector<16xf32>,
        %parallel_loop3A_1172 = vector.broadcast %parallel_loop3A_1142 : f32 to vector<16xf32>
        %parallel_loop3A_1173 = arith.mulf %parallel_loop3A_1171, %parallel_loop3A_1172 : vector<16xf32>
        %parallel_loop3A_1174 = arith.index_cast %parallel_loop3A_1144 : i32 to index
        %parallel_loop3A_1175 = arith.constant 48 : index
        %parallel_loop3A_1176 = tpu.vector_load %arg21[%parallel_loop3A_1174, %parallel_loop3A_1175] {strides = array<i32>} : memref<128x64xf32, #tpu.memory_space<vmem>>, vector<16xf32>,
        tpu.vector_store %arg21[%parallel_loop3A_1174, %parallel_loop3A_1175], %parallel_loop3A_1173 {strides = array<i32>} : memref<128x64xf32, #tpu.memory_space<vmem>>, vector<16xf32>,
        %parallel_loop3A_1177 = vector.extract_strided_slice %parallel_loop3A_708 {offsets = [13], sizes = [1], strides = [1]} : vector<16xf32> to vector<1xf32>
        %parallel_loop3A_1178 = vector.extract %parallel_loop3A_1177[0] : f32 from vector<1xf32>
        %parallel_loop3A_1179 = arith.constant 13 : i32
        %parallel_loop3A_1180 = arith.addi %parallel_loop3A_706, %parallel_loop3A_1179 : i32
        %parallel_loop3A_1181 = arith.index_cast %parallel_loop3A_1180 : i32 to index
        %parallel_loop3A_1182 = arith.constant 0 : index
        %parallel_loop3A_1183 = tpu.vector_load %arg21[%parallel_loop3A_1181, %parallel_loop3A_1182] {strides = array<i32>} : memref<128x64xf32, #tpu.memory_space<vmem>>, vector<16xf32>,
        %parallel_loop3A_1184 = vector.broadcast %parallel_loop3A_1178 : f32 to vector<16xf32>
        %parallel_loop3A_1185 = arith.mulf %parallel_loop3A_1183, %parallel_loop3A_1184 : vector<16xf32>
        %parallel_loop3A_1186 = arith.index_cast %parallel_loop3A_1180 : i32 to index
        %parallel_loop3A_1187 = arith.constant 0 : index
        %parallel_loop3A_1188 = tpu.vector_load %arg21[%parallel_loop3A_1186, %parallel_loop3A_1187] {strides = array<i32>} : memref<128x64xf32, #tpu.memory_space<vmem>>, vector<16xf32>,
        tpu.vector_store %arg21[%parallel_loop3A_1186, %parallel_loop3A_1187], %parallel_loop3A_1185 {strides = array<i32>} : memref<128x64xf32, #tpu.memory_space<vmem>>, vector<16xf32>,
        %parallel_loop3A_1189 = arith.index_cast %parallel_loop3A_1180 : i32 to index
        %parallel_loop3A_1190 = arith.constant 16 : index
        %parallel_loop3A_1191 = tpu.vector_load %arg21[%parallel_loop3A_1189, %parallel_loop3A_1190] {strides = array<i32>} : memref<128x64xf32, #tpu.memory_space<vmem>>, vector<16xf32>,
        %parallel_loop3A_1192 = vector.broadcast %parallel_loop3A_1178 : f32 to vector<16xf32>
        %parallel_loop3A_1193 = arith.mulf %parallel_loop3A_1191, %parallel_loop3A_1192 : vector<16xf32>
        %parallel_loop3A_1194 = arith.index_cast %parallel_loop3A_1180 : i32 to index
        %parallel_loop3A_1195 = arith.constant 16 : index
        %parallel_loop3A_1196 = tpu.vector_load %arg21[%parallel_loop3A_1194, %parallel_loop3A_1195] {strides = array<i32>} : memref<128x64xf32, #tpu.memory_space<vmem>>, vector<16xf32>,
        tpu.vector_store %arg21[%parallel_loop3A_1194, %parallel_loop3A_1195], %parallel_loop3A_1193 {strides = array<i32>} : memref<128x64xf32, #tpu.memory_space<vmem>>, vector<16xf32>,
        %parallel_loop3A_1197 = arith.index_cast %parallel_loop3A_1180 : i32 to index
        %parallel_loop3A_1198 = arith.constant 32 : index
        %parallel_loop3A_1199 = tpu.vector_load %arg21[%parallel_loop3A_1197, %parallel_loop3A_1198] {strides = array<i32>} : memref<128x64xf32, #tpu.memory_space<vmem>>, vector<16xf32>,
        %parallel_loop3A_1200 = vector.broadcast %parallel_loop3A_1178 : f32 to vector<16xf32>
        %parallel_loop3A_1201 = arith.mulf %parallel_loop3A_1199, %parallel_loop3A_1200 : vector<16xf32>
        %parallel_loop3A_1202 = arith.index_cast %parallel_loop3A_1180 : i32 to index
        %parallel_loop3A_1203 = arith.constant 32 : index
        %parallel_loop3A_1204 = tpu.vector_load %arg21[%parallel_loop3A_1202, %parallel_loop3A_1203] {strides = array<i32>} : memref<128x64xf32, #tpu.memory_space<vmem>>, vector<16xf32>,
        tpu.vector_store %arg21[%parallel_loop3A_1202, %parallel_loop3A_1203], %parallel_loop3A_1201 {strides = array<i32>} : memref<128x64xf32, #tpu.memory_space<vmem>>, vector<16xf32>,
        %parallel_loop3A_1205 = arith.index_cast %parallel_loop3A_1180 : i32 to index
        %parallel_loop3A_1206 = arith.constant 48 : index
        %parallel_loop3A_1207 = tpu.vector_load %arg21[%parallel_loop3A_1205, %parallel_loop3A_1206] {strides = array<i32>} : memref<128x64xf32, #tpu.memory_space<vmem>>, vector<16xf32>,
        %parallel_loop3A_1208 = vector.broadcast %parallel_loop3A_1178 : f32 to vector<16xf32>
        %parallel_loop3A_1209 = arith.mulf %parallel_loop3A_1207, %parallel_loop3A_1208 : vector<16xf32>
        %parallel_loop3A_1210 = arith.index_cast %parallel_loop3A_1180 : i32 to index
        %parallel_loop3A_1211 = arith.constant 48 : index
        %parallel_loop3A_1212 = tpu.vector_load %arg21[%parallel_loop3A_1210, %parallel_loop3A_1211] {strides = array<i32>} : memref<128x64xf32, #tpu.memory_space<vmem>>, vector<16xf32>,
        tpu.vector_store %arg21[%parallel_loop3A_1210, %parallel_loop3A_1211], %parallel_loop3A_1209 {strides = array<i32>} : memref<128x64xf32, #tpu.memory_space<vmem>>, vector<16xf32>,
        %parallel_loop3A_1213 = vector.extract_strided_slice %parallel_loop3A_708 {offsets = [14], sizes = [1], strides = [1]} : vector<16xf32> to vector<1xf32>
        %parallel_loop3A_1214 = vector.extract %parallel_loop3A_1213[0] : f32 from vector<1xf32>
        %parallel_loop3A_1215 = arith.constant 14 : i32
        %parallel_loop3A_1216 = arith.addi %parallel_loop3A_706, %parallel_loop3A_1215 : i32
        %parallel_loop3A_1217 = arith.index_cast %parallel_loop3A_1216 : i32 to index
        %parallel_loop3A_1218 = arith.constant 0 : index
        %parallel_loop3A_1219 = tpu.vector_load %arg21[%parallel_loop3A_1217, %parallel_loop3A_1218] {strides = array<i32>} : memref<128x64xf32, #tpu.memory_space<vmem>>, vector<16xf32>,
        %parallel_loop3A_1220 = vector.broadcast %parallel_loop3A_1214 : f32 to vector<16xf32>
        %parallel_loop3A_1221 = arith.mulf %parallel_loop3A_1219, %parallel_loop3A_1220 : vector<16xf32>
        %parallel_loop3A_1222 = arith.index_cast %parallel_loop3A_1216 : i32 to index
        %parallel_loop3A_1223 = arith.constant 0 : index
        %parallel_loop3A_1224 = tpu.vector_load %arg21[%parallel_loop3A_1222, %parallel_loop3A_1223] {strides = array<i32>} : memref<128x64xf32, #tpu.memory_space<vmem>>, vector<16xf32>,
        tpu.vector_store %arg21[%parallel_loop3A_1222, %parallel_loop3A_1223], %parallel_loop3A_1221 {strides = array<i32>} : memref<128x64xf32, #tpu.memory_space<vmem>>, vector<16xf32>,
        %parallel_loop3A_1225 = arith.index_cast %parallel_loop3A_1216 : i32 to index
        %parallel_loop3A_1226 = arith.constant 16 : index
        %parallel_loop3A_1227 = tpu.vector_load %arg21[%parallel_loop3A_1225, %parallel_loop3A_1226] {strides = array<i32>} : memref<128x64xf32, #tpu.memory_space<vmem>>, vector<16xf32>,
        %parallel_loop3A_1228 = vector.broadcast %parallel_loop3A_1214 : f32 to vector<16xf32>
        %parallel_loop3A_1229 = arith.mulf %parallel_loop3A_1227, %parallel_loop3A_1228 : vector<16xf32>
        %parallel_loop3A_1230 = arith.index_cast %parallel_loop3A_1216 : i32 to index
        %parallel_loop3A_1231 = arith.constant 16 : index
        %parallel_loop3A_1232 = tpu.vector_load %arg21[%parallel_loop3A_1230, %parallel_loop3A_1231] {strides = array<i32>} : memref<128x64xf32, #tpu.memory_space<vmem>>, vector<16xf32>,
        tpu.vector_store %arg21[%parallel_loop3A_1230, %parallel_loop3A_1231], %parallel_loop3A_1229 {strides = array<i32>} : memref<128x64xf32, #tpu.memory_space<vmem>>, vector<16xf32>,
        %parallel_loop3A_1233 = arith.index_cast %parallel_loop3A_1216 : i32 to index
        %parallel_loop3A_1234 = arith.constant 32 : index
        %parallel_loop3A_1235 = tpu.vector_load %arg21[%parallel_loop3A_1233, %parallel_loop3A_1234] {strides = array<i32>} : memref<128x64xf32, #tpu.memory_space<vmem>>, vector<16xf32>,
        %parallel_loop3A_1236 = vector.broadcast %parallel_loop3A_1214 : f32 to vector<16xf32>
        %parallel_loop3A_1237 = arith.mulf %parallel_loop3A_1235, %parallel_loop3A_1236 : vector<16xf32>
        %parallel_loop3A_1238 = arith.index_cast %parallel_loop3A_1216 : i32 to index
        %parallel_loop3A_1239 = arith.constant 32 : index
        %parallel_loop3A_1240 = tpu.vector_load %arg21[%parallel_loop3A_1238, %parallel_loop3A_1239] {strides = array<i32>} : memref<128x64xf32, #tpu.memory_space<vmem>>, vector<16xf32>,
        tpu.vector_store %arg21[%parallel_loop3A_1238, %parallel_loop3A_1239], %parallel_loop3A_1237 {strides = array<i32>} : memref<128x64xf32, #tpu.memory_space<vmem>>, vector<16xf32>,
        %parallel_loop3A_1241 = arith.index_cast %parallel_loop3A_1216 : i32 to index
        %parallel_loop3A_1242 = arith.constant 48 : index
        %parallel_loop3A_1243 = tpu.vector_load %arg21[%parallel_loop3A_1241, %parallel_loop3A_1242] {strides = array<i32>} : memref<128x64xf32, #tpu.memory_space<vmem>>, vector<16xf32>,
        %parallel_loop3A_1244 = vector.broadcast %parallel_loop3A_1214 : f32 to vector<16xf32>
        %parallel_loop3A_1245 = arith.mulf %parallel_loop3A_1243, %parallel_loop3A_1244 : vector<16xf32>
        %parallel_loop3A_1246 = arith.index_cast %parallel_loop3A_1216 : i32 to index
        %parallel_loop3A_1247 = arith.constant 48 : index
        %parallel_loop3A_1248 = tpu.vector_load %arg21[%parallel_loop3A_1246, %parallel_loop3A_1247] {strides = array<i32>} : memref<128x64xf32, #tpu.memory_space<vmem>>, vector<16xf32>,
        tpu.vector_store %arg21[%parallel_loop3A_1246, %parallel_loop3A_1247], %parallel_loop3A_1245 {strides = array<i32>} : memref<128x64xf32, #tpu.memory_space<vmem>>, vector<16xf32>,
        %parallel_loop3A_1249 = vector.extract_strided_slice %parallel_loop3A_708 {offsets = [15], sizes = [1], strides = [1]} : vector<16xf32> to vector<1xf32>
        %parallel_loop3A_1250 = vector.extract %parallel_loop3A_1249[0] : f32 from vector<1xf32>
        %parallel_loop3A_1251 = arith.constant 15 : i32
        %parallel_loop3A_1252 = arith.addi %parallel_loop3A_706, %parallel_loop3A_1251 : i32
        %parallel_loop3A_1253 = arith.index_cast %parallel_loop3A_1252 : i32 to index
        %parallel_loop3A_1254 = arith.constant 0 : index
        %parallel_loop3A_1255 = tpu.vector_load %arg21[%parallel_loop3A_1253, %parallel_loop3A_1254] {strides = array<i32>} : memref<128x64xf32, #tpu.memory_space<vmem>>, vector<16xf32>,
        %parallel_loop3A_1256 = vector.broadcast %parallel_loop3A_1250 : f32 to vector<16xf32>
        %parallel_loop3A_1257 = arith.mulf %parallel_loop3A_1255, %parallel_loop3A_1256 : vector<16xf32>
        %parallel_loop3A_1258 = arith.index_cast %parallel_loop3A_1252 : i32 to index
        %parallel_loop3A_1259 = arith.constant 0 : index
        %parallel_loop3A_1260 = tpu.vector_load %arg21[%parallel_loop3A_1258, %parallel_loop3A_1259] {strides = array<i32>} : memref<128x64xf32, #tpu.memory_space<vmem>>, vector<16xf32>,
        tpu.vector_store %arg21[%parallel_loop3A_1258, %parallel_loop3A_1259], %parallel_loop3A_1257 {strides = array<i32>} : memref<128x64xf32, #tpu.memory_space<vmem>>, vector<16xf32>,
        %parallel_loop3A_1261 = arith.index_cast %parallel_loop3A_1252 : i32 to index
        %parallel_loop3A_1262 = arith.constant 16 : index
        %parallel_loop3A_1263 = tpu.vector_load %arg21[%parallel_loop3A_1261, %parallel_loop3A_1262] {strides = array<i32>} : memref<128x64xf32, #tpu.memory_space<vmem>>, vector<16xf32>,
        %parallel_loop3A_1264 = vector.broadcast %parallel_loop3A_1250 : f32 to vector<16xf32>
        %parallel_loop3A_1265 = arith.mulf %parallel_loop3A_1263, %parallel_loop3A_1264 : vector<16xf32>
        %parallel_loop3A_1266 = arith.index_cast %parallel_loop3A_1252 : i32 to index
        %parallel_loop3A_1267 = arith.constant 16 : index
        %parallel_loop3A_1268 = tpu.vector_load %arg21[%parallel_loop3A_1266, %parallel_loop3A_1267] {strides = array<i32>} : memref<128x64xf32, #tpu.memory_space<vmem>>, vector<16xf32>,
        tpu.vector_store %arg21[%parallel_loop3A_1266, %parallel_loop3A_1267], %parallel_loop3A_1265 {strides = array<i32>} : memref<128x64xf32, #tpu.memory_space<vmem>>, vector<16xf32>,
        %parallel_loop3A_1269 = arith.index_cast %parallel_loop3A_1252 : i32 to index
        %parallel_loop3A_1270 = arith.constant 32 : index
        %parallel_loop3A_1271 = tpu.vector_load %arg21[%parallel_loop3A_1269, %parallel_loop3A_1270] {strides = array<i32>} : memref<128x64xf32, #tpu.memory_space<vmem>>, vector<16xf32>,
        %parallel_loop3A_1272 = vector.broadcast %parallel_loop3A_1250 : f32 to vector<16xf32>
        %parallel_loop3A_1273 = arith.mulf %parallel_loop3A_1271, %parallel_loop3A_1272 : vector<16xf32>
        %parallel_loop3A_1274 = arith.index_cast %parallel_loop3A_1252 : i32 to index
        %parallel_loop3A_1275 = arith.constant 32 : index
        %parallel_loop3A_1276 = tpu.vector_load %arg21[%parallel_loop3A_1274, %parallel_loop3A_1275] {strides = array<i32>} : memref<128x64xf32, #tpu.memory_space<vmem>>, vector<16xf32>,
        tpu.vector_store %arg21[%parallel_loop3A_1274, %parallel_loop3A_1275], %parallel_loop3A_1273 {strides = array<i32>} : memref<128x64xf32, #tpu.memory_space<vmem>>, vector<16xf32>,
        %parallel_loop3A_1277 = arith.index_cast %parallel_loop3A_1252 : i32 to index
        %parallel_loop3A_1278 = arith.constant 48 : index
        %parallel_loop3A_1279 = tpu.vector_load %arg21[%parallel_loop3A_1277, %parallel_loop3A_1278] {strides = array<i32>} : memref<128x64xf32, #tpu.memory_space<vmem>>, vector<16xf32>,
        %parallel_loop3A_1280 = vector.broadcast %parallel_loop3A_1250 : f32 to vector<16xf32>
        %parallel_loop3A_1281 = arith.mulf %parallel_loop3A_1279, %parallel_loop3A_1280 : vector<16xf32>
        %parallel_loop3A_1282 = arith.index_cast %parallel_loop3A_1252 : i32 to index
        %parallel_loop3A_1283 = arith.constant 48 : index
        %parallel_loop3A_1284 = tpu.vector_load %arg21[%parallel_loop3A_1282, %parallel_loop3A_1283] {strides = array<i32>} : memref<128x64xf32, #tpu.memory_space<vmem>>, vector<16xf32>,
        tpu.vector_store %arg21[%parallel_loop3A_1282, %parallel_loop3A_1283], %parallel_loop3A_1281 {strides = array<i32>} : memref<128x64xf32, #tpu.memory_space<vmem>>, vector<16xf32>,
      } {sc.loop_unroll_factor = 2 : i64, sc.parallel_access}
      %eq3A = arith.constant 0 : i32
      %eq3A_391 = arith.cmpi eq, %arg0, %eq3A : i32
      %convert_element_type3A_392 = arith.extui %eq3A_391 : i1 to i32
      %cond3A_393 = arith.constant 0 : i32
      %cond3A_394 = arith.cmpi ne, %convert_element_type3A_392, %cond3A_393 : i32
      scf.if %cond3A_394 {
        "tpu.region"() ({
          %run_scoped3A = tpu.sem_alloc : memref<!tpu.dma_semaphore, #tpu.memory_space<semaphore_mem>>
          %dma_start3A_703 = arith.constant 0 : i32
          %dma_start3A_704 = tpu.memref_slice %arg12[%dma_start3A_703] : memref<10240xf32, #tpu.memory_space<vmem_shared>> -> memref<10240xf32, #tpu.memory_space<vmem_shared>>
          tpu.enqueue_indirect_dma source(%arg19 : memref<128xf32, #tpu.memory_space<vmem>>) target(%dma_start3A_704 : memref<10240xf32, #tpu.memory_space<vmem_shared>>) offsets(%arg23 : memref<128xi32, #tpu.memory_space<vmem>>) semaphore(%run_scoped3A : memref<!tpu.dma_semaphore, #tpu.memory_space<semaphore_mem>>) {add = true}
          %dma_wait3A_705 = arith.constant 0 : i32
          %dma_wait3A_706 = tpu.memref_slice %arg12[%dma_wait3A_705] : memref<10240xf32, #tpu.memory_space<vmem_shared>> -> memref<10240xf32, #tpu.memory_space<vmem_shared>>
          tpu.wait_indirect_dma semaphore(%run_scoped3A : memref<!tpu.dma_semaphore, #tpu.memory_space<semaphore_mem>>) src(%arg19 : memref<128xf32, #tpu.memory_space<vmem>>) dst(%dma_wait3A_706 : memref<10240xf32, #tpu.memory_space<vmem_shared>>)
          tpu.yield
        }) : () -> ()
      } else {
      }
      %dma_start3A_395 = arith.constant 0 : i32
      %dma_start3A_396 = arith.constant 0 : i32
      %dma_start3A_397 = tpu.memref_slice %arg11[%dma_start3A_395, %dma_start3A_396] : memref<10240x64xf32, #tpu.memory_space<vmem_shared>> -> memref<10240x64xf32, #tpu.memory_space<vmem_shared>>
      tpu.enqueue_indirect_dma source(%arg21 : memref<128x64xf32, #tpu.memory_space<vmem>>) target(%dma_start3A_397 : memref<10240x64xf32, #tpu.memory_space<vmem_shared>>) offsets(%arg23 : memref<128xi32, #tpu.memory_space<vmem>>) semaphore(%arg29 : memref<!tpu.dma_semaphore, #tpu.memory_space<semaphore_mem>>) {add = true}
      %add3A_398 = arith.constant 1 : i32
      %add3A_399 = arith.addi %mul3A_105, %add3A_398 : i32
      %add3A_400 = arith.constant 1 : i32
      %add3A_401 = arith.addi %add3A_399, %add3A_400 : i32
      %lt3A_402 = arith.constant 162 : i32
      %lt3A_403 = arith.cmpi slt, %add3A_401, %lt3A_402 : i32
      %convert_element_type3A_404 = arith.extui %lt3A_403 : i1 to i32
      %cond3A_405 = arith.constant 0 : i32
      %cond3A_406 = arith.cmpi ne, %convert_element_type3A_404, %cond3A_405 : i32
      scf.if %cond3A_406 {
        %add3A_703 = arith.constant 1 : i32
        %add3A_704 = arith.addi %add3A_399, %add3A_703 : i32
        %add3A_705 = arith.addi %mul3A_37, %add3A_704 : i32
        %dma_wait3A_706 = arith.constant 0 : i32
        %dma_wait3A_707 = arith.constant 0 : i32
        %dma_wait3A_708 = tpu.memref_slice %arg5[%add3A_705, %dma_wait3A_706, %dma_wait3A_707] : memref<2592x2x128xi32, #tpu.memory_space<hbm>> -> memref<1x2x128xi32, #tpu.memory_space<hbm>>
        %dma_wait3A_709 = tpu.memref_squeeze %dma_wait3A_708 : memref<1x2x128xi32, #tpu.memory_space<hbm>> -> memref<2x128xi32, #tpu.memory_space<hbm>>
        %dma_wait3A_710 = arith.constant 0 : i32
        %dma_wait3A_711 = arith.constant 0 : i32
        %dma_wait3A_712 = tpu.memref_slice %arg5[%add3A_705, %dma_wait3A_710, %dma_wait3A_711] : memref<2592x2x128xi32, #tpu.memory_space<hbm>> -> memref<1x2x128xi32, #tpu.memory_space<hbm>>
        %dma_wait3A_713 = tpu.memref_squeeze %dma_wait3A_712 : memref<1x2x128xi32, #tpu.memory_space<hbm>> -> memref<2x128xi32, #tpu.memory_space<hbm>>
        tpu.wait_dma2 semaphore(%arg27 : memref<!tpu.dma_semaphore, #tpu.memory_space<semaphore_mem>>) src(%dma_wait3A_713 : memref<2x128xi32, #tpu.memory_space<hbm>>) dst(%arg13 : memref<2x128xi32, #tpu.memory_space<vmem>>)
        %ge3A_714 = arith.constant 1 : i32
        %ge3A_715 = arith.cmpi sge, %add3A_399, %ge3A_714 : i32
        %convert_element_type3A_716 = arith.extui %ge3A_715 : i1 to i32
        %cond3A_717 = arith.constant 0 : i32
        %cond3A_718 = arith.cmpi ne, %convert_element_type3A_716, %cond3A_717 : i32
        scf.if %cond3A_718 {
          %dma_wait3A_738 = arith.constant 0 : i32
          %dma_wait3A_739 = arith.constant 0 : i32
          %dma_wait3A_740 = tpu.memref_slice %arg11[%dma_wait3A_738, %dma_wait3A_739] : memref<10240x64xf32, #tpu.memory_space<vmem_shared>> -> memref<10240x64xf32, #tpu.memory_space<vmem_shared>>
          tpu.wait_indirect_dma semaphore(%arg29 : memref<!tpu.dma_semaphore, #tpu.memory_space<semaphore_mem>>) src(%arg21 : memref<128x64xf32, #tpu.memory_space<vmem>>) dst(%dma_wait3A_740 : memref<10240x64xf32, #tpu.memory_space<vmem_shared>>)
        } else {
        }
        %dma_start3A_719 = arith.constant 1 : i32
        %dma_start3A_720 = arith.constant 0 : i32
        %dma_start3A_721 = tpu.memref_slice %arg13[%dma_start3A_719, %dma_start3A_720] : memref<2x128xi32, #tpu.memory_space<vmem>> -> memref<1x128xi32, #tpu.memory_space<vmem>>
        %dma_start3A_722 = tpu.memref_squeeze %dma_start3A_721 : memref<1x128xi32, #tpu.memory_space<vmem>> -> memref<128xi32, #tpu.memory_space<vmem>>
        %dma_start3A_723 = arith.constant 0 : i32
        %dma_start3A_724 = arith.constant 0 : i32
        %dma_start3A_725 = tpu.memref_slice %arg8[%dma_start3A_723, %dma_start3A_724] : memref<10240x64xf32, #tpu.memory_space<vmem_shared>> -> memref<10240x64xf32, #tpu.memory_space<vmem_shared>>
        tpu.enqueue_indirect_dma source(%dma_start3A_725 : memref<10240x64xf32, #tpu.memory_space<vmem_shared>>) target(%arg21 : memref<128x64xf32, #tpu.memory_space<vmem>>) offsets(%dma_start3A_722 : memref<128xi32, #tpu.memory_space<vmem>>) semaphore(%arg25 : memref<!tpu.dma_semaphore, #tpu.memory_space<semaphore_mem>>)
        %dma_start3A_726 = arith.constant 0 : i32
        %dma_start3A_727 = arith.constant 0 : i32
        %dma_start3A_728 = tpu.memref_slice %arg13[%dma_start3A_726, %dma_start3A_727] : memref<2x128xi32, #tpu.memory_space<vmem>> -> memref<1x128xi32, #tpu.memory_space<vmem>>
        %dma_start3A_729 = tpu.memref_squeeze %dma_start3A_728 : memref<1x128xi32, #tpu.memory_space<vmem>> -> memref<128xi32, #tpu.memory_space<vmem>>
        %dma_start3A_730 = arith.constant 0 : i32
        %dma_start3A_731 = tpu.memref_slice %arg9[%dma_start3A_730] : memref<10240xf32, #tpu.memory_space<vmem_shared>> -> memref<10240xf32, #tpu.memory_space<vmem_shared>>
        tpu.enqueue_indirect_dma source(%dma_start3A_731 : memref<10240xf32, #tpu.memory_space<vmem_shared>>) target(%arg15 : memref<128xf32, #tpu.memory_space<vmem>>) offsets(%dma_start3A_729 : memref<128xi32, #tpu.memory_space<vmem>>) semaphore(%arg25 : memref<!tpu.dma_semaphore, #tpu.memory_space<semaphore_mem>>)
        %dma_start3A_732 = arith.constant 1 : i32
        %dma_start3A_733 = arith.constant 0 : i32
        %dma_start3A_734 = tpu.memref_slice %arg13[%dma_start3A_732, %dma_start3A_733] : memref<2x128xi32, #tpu.memory_space<vmem>> -> memref<1x128xi32, #tpu.memory_space<vmem>>
        %dma_start3A_735 = tpu.memref_squeeze %dma_start3A_734 : memref<1x128xi32, #tpu.memory_space<vmem>> -> memref<128xi32, #tpu.memory_space<vmem>>
        %dma_start3A_736 = arith.constant 0 : i32
        %dma_start3A_737 = tpu.memref_slice %arg10[%dma_start3A_736] : memref<10240xf32, #tpu.memory_space<vmem_shared>> -> memref<10240xf32, #tpu.memory_space<vmem_shared>>
        tpu.enqueue_indirect_dma source(%dma_start3A_737 : memref<10240xf32, #tpu.memory_space<vmem_shared>>) target(%arg17 : memref<128xf32, #tpu.memory_space<vmem>>) offsets(%dma_start3A_735 : memref<128xi32, #tpu.memory_space<vmem>>) semaphore(%arg25 : memref<!tpu.dma_semaphore, #tpu.memory_space<semaphore_mem>>)
      } else {
      }
      %dma_wait3A_407 = arith.constant 1 : i32
      %dma_wait3A_408 = arith.constant 0 : i32
      %dma_wait3A_409 = tpu.memref_slice %arg14[%dma_wait3A_407, %dma_wait3A_408] : memref<2x128xi32, #tpu.memory_space<vmem>> -> memref<1x128xi32, #tpu.memory_space<vmem>>
      %dma_wait3A_410 = tpu.memref_squeeze %dma_wait3A_409 : memref<1x128xi32, #tpu.memory_space<vmem>> -> memref<128xi32, #tpu.memory_space<vmem>>
      %dma_wait3A_411 = arith.constant 0 : i32
      %dma_wait3A_412 = arith.constant 0 : i32
      %dma_wait3A_413 = tpu.memref_slice %arg8[%dma_wait3A_411, %dma_wait3A_412] : memref<10240x64xf32, #tpu.memory_space<vmem_shared>> -> memref<10240x64xf32, #tpu.memory_space<vmem_shared>>
      tpu.wait_indirect_dma semaphore(%arg26 : memref<!tpu.dma_semaphore, #tpu.memory_space<semaphore_mem>>) src(%dma_wait3A_413 : memref<10240x64xf32, #tpu.memory_space<vmem_shared>>) dst(%arg22 : memref<128x64xf32, #tpu.memory_space<vmem>>)
      %dma_wait3A_414 = arith.constant 0 : i32
      %dma_wait3A_415 = arith.constant 0 : i32
      %dma_wait3A_416 = tpu.memref_slice %arg14[%dma_wait3A_414, %dma_wait3A_415] : memref<2x128xi32, #tpu.memory_space<vmem>> -> memref<1x128xi32, #tpu.memory_space<vmem>>
      %dma_wait3A_417 = tpu.memref_squeeze %dma_wait3A_416 : memref<1x128xi32, #tpu.memory_space<vmem>> -> memref<128xi32, #tpu.memory_space<vmem>>
      %dma_wait3A_418 = arith.constant 0 : i32
      %dma_wait3A_419 = tpu.memref_slice %arg9[%dma_wait3A_418] : memref<10240xf32, #tpu.memory_space<vmem_shared>> -> memref<10240xf32, #tpu.memory_space<vmem_shared>>
      tpu.wait_indirect_dma semaphore(%arg26 : memref<!tpu.dma_semaphore, #tpu.memory_space<semaphore_mem>>) src(%dma_wait3A_419 : memref<10240xf32, #tpu.memory_space<vmem_shared>>) dst(%arg16 : memref<128xf32, #tpu.memory_space<vmem>>)
      %dma_wait3A_420 = arith.constant 1 : i32
      %dma_wait3A_421 = arith.constant 0 : i32
      %dma_wait3A_422 = tpu.memref_slice %arg14[%dma_wait3A_420, %dma_wait3A_421] : memref<2x128xi32, #tpu.memory_space<vmem>> -> memref<1x128xi32, #tpu.memory_space<vmem>>
      %dma_wait3A_423 = tpu.memref_squeeze %dma_wait3A_422 : memref<1x128xi32, #tpu.memory_space<vmem>> -> memref<128xi32, #tpu.memory_space<vmem>>
      %dma_wait3A_424 = arith.constant 0 : i32
      %dma_wait3A_425 = tpu.memref_slice %arg10[%dma_wait3A_424] : memref<10240xf32, #tpu.memory_space<vmem_shared>> -> memref<10240xf32, #tpu.memory_space<vmem_shared>>
      tpu.wait_indirect_dma semaphore(%arg26 : memref<!tpu.dma_semaphore, #tpu.memory_space<semaphore_mem>>) src(%dma_wait3A_425 : memref<10240xf32, #tpu.memory_space<vmem_shared>>) dst(%arg18 : memref<128xf32, #tpu.memory_space<vmem>>)
      %add3A_426 = arith.addi %mul3A_37, %add3A_399 : i32
      %mul3A_427 = arith.constant 128 : i32
      %mul3A_428 = arith.muli %add3A_426, %mul3A_427 : i32
      %get3A_429 = arith.constant 0 : i32
      %get3A_430 = arith.index_cast %get3A_429 : i32 to index
      %get3A_431 = arith.constant 0 : index
      %get3A_432 = tpu.vector_load %arg14[%get3A_430, %get3A_431] {strides = array<i32>} : memref<2x128xi32, #tpu.memory_space<vmem>>, vector<16xi32>,
      %swap3A_433 = arith.constant 0 : index
      %swap3A_434 = tpu.vector_load %arg24[%swap3A_433] {strides = array<i32>} : memref<128xi32, #tpu.memory_space<vmem>>, vector<16xi32>,
      tpu.vector_store %arg24[%swap3A_433], %get3A_432 {strides = array<i32>} : memref<128xi32, #tpu.memory_space<vmem>>, vector<16xi32>,
      %get3A_435 = arith.constant 0 : index
      %get3A_436 = tpu.vector_load %arg16[%get3A_435] {strides = array<i32>} : memref<128xf32, #tpu.memory_space<vmem>>, vector<16xf32>,
      %get3A_437 = arith.constant 0 : index
      %get3A_438 = tpu.vector_load %arg18[%get3A_437] {strides = array<i32>} : memref<128xf32, #tpu.memory_space<vmem>>, vector<16xf32>,
      %add3A_439 = arith.addf %get3A_436, %get3A_438 : vector<16xf32>
      %ge3A_440 = arith.constant 0.000000e+00 : f32
      %ge3A_441 = vector.broadcast %ge3A_440 : f32 to vector<16xf32>
      %ge3A_442 = arith.cmpf oge, %add3A_439, %ge3A_441 : vector<16xf32>
      %mul3A_443 = arith.constant 2.000000e-01 : f32
      %mul3A_444 = vector.broadcast %mul3A_443 : f32 to vector<16xf32>
      %mul3A_445 = arith.mulf %mul3A_444, %add3A_439 : vector<16xf32>
      %select_n3A_446 = arith.select %ge3A_442, %add3A_439, %mul3A_445 : vector<16xi1>, vector<16xf32>
      %exp3A_447 = math.exp %select_n3A_446 : vector<16xf32>
      %add3A_448 = arith.constant 0 : i32
      %add3A_449 = arith.addi %mul3A_428, %add3A_448 : i32
      %iota3A_450 = tpu.iota {dimensions = array<i32: 0>} : vector<16xi32>
      %add3A_451 = vector.broadcast %add3A_449 : i32 to vector<16xi32>
      %add3A_452 = arith.addi %add3A_451, %iota3A_450 : vector<16xi32>
      %lt3A_453 = arith.constant 330000 : i32
      %lt3A_454 = vector.broadcast %lt3A_453 : i32 to vector<16xi32>
      %lt3A_455 = arith.cmpi slt, %add3A_452, %lt3A_454 : vector<16xi32>
      %jit3A_456 = arith.constant 0.000000e+00 : f32
      %broadcast_in_dim3A_457 = vector.broadcast %jit3A_456 : f32 to vector<16xf32>
      %select_n3A_458 = arith.select %lt3A_455, %exp3A_447, %broadcast_in_dim3A_457 : vector<16xi1>, vector<16xf32>
      %swap3A_459 = arith.constant 0 : index
      %swap3A_460 = tpu.vector_load %arg20[%swap3A_459] {strides = array<i32>} : memref<128xf32, #tpu.memory_space<vmem>>, vector<16xf32>,
      tpu.vector_store %arg20[%swap3A_459], %select_n3A_458 {strides = array<i32>} : memref<128xf32, #tpu.memory_space<vmem>>, vector<16xf32>,
      %get3A_461 = arith.constant 0 : i32
      %get3A_462 = arith.index_cast %get3A_461 : i32 to index
      %get3A_463 = arith.constant 16 : index
      %get3A_464 = tpu.vector_load %arg14[%get3A_462, %get3A_463] {strides = array<i32>} : memref<2x128xi32, #tpu.memory_space<vmem>>, vector<16xi32>,
      %swap3A_465 = arith.constant 16 : index
      %swap3A_466 = tpu.vector_load %arg24[%swap3A_465] {strides = array<i32>} : memref<128xi32, #tpu.memory_space<vmem>>, vector<16xi32>,
      tpu.vector_store %arg24[%swap3A_465], %get3A_464 {strides = array<i32>} : memref<128xi32, #tpu.memory_space<vmem>>, vector<16xi32>,
      %get3A_467 = arith.constant 16 : index
      %get3A_468 = tpu.vector_load %arg16[%get3A_467] {strides = array<i32>} : memref<128xf32, #tpu.memory_space<vmem>>, vector<16xf32>,
      %get3A_469 = arith.constant 16 : index
      %get3A_470 = tpu.vector_load %arg18[%get3A_469] {strides = array<i32>} : memref<128xf32, #tpu.memory_space<vmem>>, vector<16xf32>,
      %add3A_471 = arith.addf %get3A_468, %get3A_470 : vector<16xf32>
      %ge3A_472 = arith.constant 0.000000e+00 : f32
      %ge3A_473 = vector.broadcast %ge3A_472 : f32 to vector<16xf32>
      %ge3A_474 = arith.cmpf oge, %add3A_471, %ge3A_473 : vector<16xf32>
      %mul3A_475 = arith.constant 2.000000e-01 : f32
      %mul3A_476 = vector.broadcast %mul3A_475 : f32 to vector<16xf32>
      %mul3A_477 = arith.mulf %mul3A_476, %add3A_471 : vector<16xf32>
      %select_n3A_478 = arith.select %ge3A_474, %add3A_471, %mul3A_477 : vector<16xi1>, vector<16xf32>
      %exp3A_479 = math.exp %select_n3A_478 : vector<16xf32>
      %add3A_480 = arith.constant 16 : i32
      %add3A_481 = arith.addi %mul3A_428, %add3A_480 : i32
      %iota3A_482 = tpu.iota {dimensions = array<i32: 0>} : vector<16xi32>
      %add3A_483 = vector.broadcast %add3A_481 : i32 to vector<16xi32>
      %add3A_484 = arith.addi %add3A_483, %iota3A_482 : vector<16xi32>
      %lt3A_485 = arith.constant 330000 : i32
      %lt3A_486 = vector.broadcast %lt3A_485 : i32 to vector<16xi32>
      %lt3A_487 = arith.cmpi slt, %add3A_484, %lt3A_486 : vector<16xi32>
      %jit3A_488 = arith.constant 0.000000e+00 : f32
      %broadcast_in_dim3A_489 = vector.broadcast %jit3A_488 : f32 to vector<16xf32>
      %select_n3A_490 = arith.select %lt3A_487, %exp3A_479, %broadcast_in_dim3A_489 : vector<16xi1>, vector<16xf32>
      %swap3A_491 = arith.constant 16 : index
      %swap3A_492 = tpu.vector_load %arg20[%swap3A_491] {strides = array<i32>} : memref<128xf32, #tpu.memory_space<vmem>>, vector<16xf32>,
      tpu.vector_store %arg20[%swap3A_491], %select_n3A_490 {strides = array<i32>} : memref<128xf32, #tpu.memory_space<vmem>>, vector<16xf32>,
      %get3A_493 = arith.constant 0 : i32
      %get3A_494 = arith.index_cast %get3A_493 : i32 to index
      %get3A_495 = arith.constant 32 : index
      %get3A_496 = tpu.vector_load %arg14[%get3A_494, %get3A_495] {strides = array<i32>} : memref<2x128xi32, #tpu.memory_space<vmem>>, vector<16xi32>,
      %swap3A_497 = arith.constant 32 : index
      %swap3A_498 = tpu.vector_load %arg24[%swap3A_497] {strides = array<i32>} : memref<128xi32, #tpu.memory_space<vmem>>, vector<16xi32>,
      tpu.vector_store %arg24[%swap3A_497], %get3A_496 {strides = array<i32>} : memref<128xi32, #tpu.memory_space<vmem>>, vector<16xi32>,
      %get3A_499 = arith.constant 32 : index
      %get3A_500 = tpu.vector_load %arg16[%get3A_499] {strides = array<i32>} : memref<128xf32, #tpu.memory_space<vmem>>, vector<16xf32>,
      %get3A_501 = arith.constant 32 : index
      %get3A_502 = tpu.vector_load %arg18[%get3A_501] {strides = array<i32>} : memref<128xf32, #tpu.memory_space<vmem>>, vector<16xf32>,
      %add3A_503 = arith.addf %get3A_500, %get3A_502 : vector<16xf32>
      %ge3A_504 = arith.constant 0.000000e+00 : f32
      %ge3A_505 = vector.broadcast %ge3A_504 : f32 to vector<16xf32>
      %ge3A_506 = arith.cmpf oge, %add3A_503, %ge3A_505 : vector<16xf32>
      %mul3A_507 = arith.constant 2.000000e-01 : f32
      %mul3A_508 = vector.broadcast %mul3A_507 : f32 to vector<16xf32>
      %mul3A_509 = arith.mulf %mul3A_508, %add3A_503 : vector<16xf32>
      %select_n3A_510 = arith.select %ge3A_506, %add3A_503, %mul3A_509 : vector<16xi1>, vector<16xf32>
      %exp3A_511 = math.exp %select_n3A_510 : vector<16xf32>
      %add3A_512 = arith.constant 32 : i32
      %add3A_513 = arith.addi %mul3A_428, %add3A_512 : i32
      %iota3A_514 = tpu.iota {dimensions = array<i32: 0>} : vector<16xi32>
      %add3A_515 = vector.broadcast %add3A_513 : i32 to vector<16xi32>
      %add3A_516 = arith.addi %add3A_515, %iota3A_514 : vector<16xi32>
      %lt3A_517 = arith.constant 330000 : i32
      %lt3A_518 = vector.broadcast %lt3A_517 : i32 to vector<16xi32>
      %lt3A_519 = arith.cmpi slt, %add3A_516, %lt3A_518 : vector<16xi32>
      %jit3A_520 = arith.constant 0.000000e+00 : f32
      %broadcast_in_dim3A_521 = vector.broadcast %jit3A_520 : f32 to vector<16xf32>
      %select_n3A_522 = arith.select %lt3A_519, %exp3A_511, %broadcast_in_dim3A_521 : vector<16xi1>, vector<16xf32>
      %swap3A_523 = arith.constant 32 : index
      %swap3A_524 = tpu.vector_load %arg20[%swap3A_523] {strides = array<i32>} : memref<128xf32, #tpu.memory_space<vmem>>, vector<16xf32>,
      tpu.vector_store %arg20[%swap3A_523], %select_n3A_522 {strides = array<i32>} : memref<128xf32, #tpu.memory_space<vmem>>, vector<16xf32>,
      %get3A_525 = arith.constant 0 : i32
      %get3A_526 = arith.index_cast %get3A_525 : i32 to index
      %get3A_527 = arith.constant 48 : index
      %get3A_528 = tpu.vector_load %arg14[%get3A_526, %get3A_527] {strides = array<i32>} : memref<2x128xi32, #tpu.memory_space<vmem>>, vector<16xi32>,
      %swap3A_529 = arith.constant 48 : index
      %swap3A_530 = tpu.vector_load %arg24[%swap3A_529] {strides = array<i32>} : memref<128xi32, #tpu.memory_space<vmem>>, vector<16xi32>,
      tpu.vector_store %arg24[%swap3A_529], %get3A_528 {strides = array<i32>} : memref<128xi32, #tpu.memory_space<vmem>>, vector<16xi32>,
      %get3A_531 = arith.constant 48 : index
      %get3A_532 = tpu.vector_load %arg16[%get3A_531] {strides = array<i32>} : memref<128xf32, #tpu.memory_space<vmem>>, vector<16xf32>,
      %get3A_533 = arith.constant 48 : index
      %get3A_534 = tpu.vector_load %arg18[%get3A_533] {strides = array<i32>} : memref<128xf32, #tpu.memory_space<vmem>>, vector<16xf32>,
      %add3A_535 = arith.addf %get3A_532, %get3A_534 : vector<16xf32>
      %ge3A_536 = arith.constant 0.000000e+00 : f32
      %ge3A_537 = vector.broadcast %ge3A_536 : f32 to vector<16xf32>
      %ge3A_538 = arith.cmpf oge, %add3A_535, %ge3A_537 : vector<16xf32>
      %mul3A_539 = arith.constant 2.000000e-01 : f32
      %mul3A_540 = vector.broadcast %mul3A_539 : f32 to vector<16xf32>
      %mul3A_541 = arith.mulf %mul3A_540, %add3A_535 : vector<16xf32>
      %select_n3A_542 = arith.select %ge3A_538, %add3A_535, %mul3A_541 : vector<16xi1>, vector<16xf32>
      %exp3A_543 = math.exp %select_n3A_542 : vector<16xf32>
      %add3A_544 = arith.constant 48 : i32
      %add3A_545 = arith.addi %mul3A_428, %add3A_544 : i32
      %iota3A_546 = tpu.iota {dimensions = array<i32: 0>} : vector<16xi32>
      %add3A_547 = vector.broadcast %add3A_545 : i32 to vector<16xi32>
      %add3A_548 = arith.addi %add3A_547, %iota3A_546 : vector<16xi32>
      %lt3A_549 = arith.constant 330000 : i32
      %lt3A_550 = vector.broadcast %lt3A_549 : i32 to vector<16xi32>
      %lt3A_551 = arith.cmpi slt, %add3A_548, %lt3A_550 : vector<16xi32>
      %jit3A_552 = arith.constant 0.000000e+00 : f32
      %broadcast_in_dim3A_553 = vector.broadcast %jit3A_552 : f32 to vector<16xf32>
      %select_n3A_554 = arith.select %lt3A_551, %exp3A_543, %broadcast_in_dim3A_553 : vector<16xi1>, vector<16xf32>
      %swap3A_555 = arith.constant 48 : index
      %swap3A_556 = tpu.vector_load %arg20[%swap3A_555] {strides = array<i32>} : memref<128xf32, #tpu.memory_space<vmem>>, vector<16xf32>,
      tpu.vector_store %arg20[%swap3A_555], %select_n3A_554 {strides = array<i32>} : memref<128xf32, #tpu.memory_space<vmem>>, vector<16xf32>,
      %get3A_557 = arith.constant 0 : i32
      %get3A_558 = arith.index_cast %get3A_557 : i32 to index
      %get3A_559 = arith.constant 64 : index
      %get3A_560 = tpu.vector_load %arg14[%get3A_558, %get3A_559] {strides = array<i32>} : memref<2x128xi32, #tpu.memory_space<vmem>>, vector<16xi32>,
      %swap3A_561 = arith.constant 64 : index
      %swap3A_562 = tpu.vector_load %arg24[%swap3A_561] {strides = array<i32>} : memref<128xi32, #tpu.memory_space<vmem>>, vector<16xi32>,
      tpu.vector_store %arg24[%swap3A_561], %get3A_560 {strides = array<i32>} : memref<128xi32, #tpu.memory_space<vmem>>, vector<16xi32>,
      %get3A_563 = arith.constant 64 : index
      %get3A_564 = tpu.vector_load %arg16[%get3A_563] {strides = array<i32>} : memref<128xf32, #tpu.memory_space<vmem>>, vector<16xf32>,
      %get3A_565 = arith.constant 64 : index
      %get3A_566 = tpu.vector_load %arg18[%get3A_565] {strides = array<i32>} : memref<128xf32, #tpu.memory_space<vmem>>, vector<16xf32>,
      %add3A_567 = arith.addf %get3A_564, %get3A_566 : vector<16xf32>
      %ge3A_568 = arith.constant 0.000000e+00 : f32
      %ge3A_569 = vector.broadcast %ge3A_568 : f32 to vector<16xf32>
      %ge3A_570 = arith.cmpf oge, %add3A_567, %ge3A_569 : vector<16xf32>
      %mul3A_571 = arith.constant 2.000000e-01 : f32
      %mul3A_572 = vector.broadcast %mul3A_571 : f32 to vector<16xf32>
      %mul3A_573 = arith.mulf %mul3A_572, %add3A_567 : vector<16xf32>
      %select_n3A_574 = arith.select %ge3A_570, %add3A_567, %mul3A_573 : vector<16xi1>, vector<16xf32>
      %exp3A_575 = math.exp %select_n3A_574 : vector<16xf32>
      %add3A_576 = arith.constant 64 : i32
      %add3A_577 = arith.addi %mul3A_428, %add3A_576 : i32
      %iota3A_578 = tpu.iota {dimensions = array<i32: 0>} : vector<16xi32>
      %add3A_579 = vector.broadcast %add3A_577 : i32 to vector<16xi32>
      %add3A_580 = arith.addi %add3A_579, %iota3A_578 : vector<16xi32>
      %lt3A_581 = arith.constant 330000 : i32
      %lt3A_582 = vector.broadcast %lt3A_581 : i32 to vector<16xi32>
      %lt3A_583 = arith.cmpi slt, %add3A_580, %lt3A_582 : vector<16xi32>
      %jit3A_584 = arith.constant 0.000000e+00 : f32
      %broadcast_in_dim3A_585 = vector.broadcast %jit3A_584 : f32 to vector<16xf32>
      %select_n3A_586 = arith.select %lt3A_583, %exp3A_575, %broadcast_in_dim3A_585 : vector<16xi1>, vector<16xf32>
      %swap3A_587 = arith.constant 64 : index
      %swap3A_588 = tpu.vector_load %arg20[%swap3A_587] {strides = array<i32>} : memref<128xf32, #tpu.memory_space<vmem>>, vector<16xf32>,
      tpu.vector_store %arg20[%swap3A_587], %select_n3A_586 {strides = array<i32>} : memref<128xf32, #tpu.memory_space<vmem>>, vector<16xf32>,
      %get3A_589 = arith.constant 0 : i32
      %get3A_590 = arith.index_cast %get3A_589 : i32 to index
      %get3A_591 = arith.constant 80 : index
      %get3A_592 = tpu.vector_load %arg14[%get3A_590, %get3A_591] {strides = array<i32>} : memref<2x128xi32, #tpu.memory_space<vmem>>, vector<16xi32>,
      %swap3A_593 = arith.constant 80 : index
      %swap3A_594 = tpu.vector_load %arg24[%swap3A_593] {strides = array<i32>} : memref<128xi32, #tpu.memory_space<vmem>>, vector<16xi32>,
      tpu.vector_store %arg24[%swap3A_593], %get3A_592 {strides = array<i32>} : memref<128xi32, #tpu.memory_space<vmem>>, vector<16xi32>,
      %get3A_595 = arith.constant 80 : index
      %get3A_596 = tpu.vector_load %arg16[%get3A_595] {strides = array<i32>} : memref<128xf32, #tpu.memory_space<vmem>>, vector<16xf32>,
      %get3A_597 = arith.constant 80 : index
      %get3A_598 = tpu.vector_load %arg18[%get3A_597] {strides = array<i32>} : memref<128xf32, #tpu.memory_space<vmem>>, vector<16xf32>,
      %add3A_599 = arith.addf %get3A_596, %get3A_598 : vector<16xf32>
      %ge3A_600 = arith.constant 0.000000e+00 : f32
      %ge3A_601 = vector.broadcast %ge3A_600 : f32 to vector<16xf32>
      %ge3A_602 = arith.cmpf oge, %add3A_599, %ge3A_601 : vector<16xf32>
      %mul3A_603 = arith.constant 2.000000e-01 : f32
      %mul3A_604 = vector.broadcast %mul3A_603 : f32 to vector<16xf32>
      %mul3A_605 = arith.mulf %mul3A_604, %add3A_599 : vector<16xf32>
      %select_n3A_606 = arith.select %ge3A_602, %add3A_599, %mul3A_605 : vector<16xi1>, vector<16xf32>
      %exp3A_607 = math.exp %select_n3A_606 : vector<16xf32>
      %add3A_608 = arith.constant 80 : i32
      %add3A_609 = arith.addi %mul3A_428, %add3A_608 : i32
      %iota3A_610 = tpu.iota {dimensions = array<i32: 0>} : vector<16xi32>
      %add3A_611 = vector.broadcast %add3A_609 : i32 to vector<16xi32>
      %add3A_612 = arith.addi %add3A_611, %iota3A_610 : vector<16xi32>
      %lt3A_613 = arith.constant 330000 : i32
      %lt3A_614 = vector.broadcast %lt3A_613 : i32 to vector<16xi32>
      %lt3A_615 = arith.cmpi slt, %add3A_612, %lt3A_614 : vector<16xi32>
      %jit3A_616 = arith.constant 0.000000e+00 : f32
      %broadcast_in_dim3A_617 = vector.broadcast %jit3A_616 : f32 to vector<16xf32>
      %select_n3A_618 = arith.select %lt3A_615, %exp3A_607, %broadcast_in_dim3A_617 : vector<16xi1>, vector<16xf32>
      %swap3A_619 = arith.constant 80 : index
      %swap3A_620 = tpu.vector_load %arg20[%swap3A_619] {strides = array<i32>} : memref<128xf32, #tpu.memory_space<vmem>>, vector<16xf32>,
      tpu.vector_store %arg20[%swap3A_619], %select_n3A_618 {strides = array<i32>} : memref<128xf32, #tpu.memory_space<vmem>>, vector<16xf32>,
      %get3A_621 = arith.constant 0 : i32
      %get3A_622 = arith.index_cast %get3A_621 : i32 to index
      %get3A_623 = arith.constant 96 : index
      %get3A_624 = tpu.vector_load %arg14[%get3A_622, %get3A_623] {strides = array<i32>} : memref<2x128xi32, #tpu.memory_space<vmem>>, vector<16xi32>,
      %swap3A_625 = arith.constant 96 : index
      %swap3A_626 = tpu.vector_load %arg24[%swap3A_625] {strides = array<i32>} : memref<128xi32, #tpu.memory_space<vmem>>, vector<16xi32>,
      tpu.vector_store %arg24[%swap3A_625], %get3A_624 {strides = array<i32>} : memref<128xi32, #tpu.memory_space<vmem>>, vector<16xi32>,
      %get3A_627 = arith.constant 96 : index
      %get3A_628 = tpu.vector_load %arg16[%get3A_627] {strides = array<i32>} : memref<128xf32, #tpu.memory_space<vmem>>, vector<16xf32>,
      %get3A_629 = arith.constant 96 : index
      %get3A_630 = tpu.vector_load %arg18[%get3A_629] {strides = array<i32>} : memref<128xf32, #tpu.memory_space<vmem>>, vector<16xf32>,
      %add3A_631 = arith.addf %get3A_628, %get3A_630 : vector<16xf32>
      %ge3A_632 = arith.constant 0.000000e+00 : f32
      %ge3A_633 = vector.broadcast %ge3A_632 : f32 to vector<16xf32>
      %ge3A_634 = arith.cmpf oge, %add3A_631, %ge3A_633 : vector<16xf32>
      %mul3A_635 = arith.constant 2.000000e-01 : f32
      %mul3A_636 = vector.broadcast %mul3A_635 : f32 to vector<16xf32>
      %mul3A_637 = arith.mulf %mul3A_636, %add3A_631 : vector<16xf32>
      %select_n3A_638 = arith.select %ge3A_634, %add3A_631, %mul3A_637 : vector<16xi1>, vector<16xf32>
      %exp3A_639 = math.exp %select_n3A_638 : vector<16xf32>
      %add3A_640 = arith.constant 96 : i32
      %add3A_641 = arith.addi %mul3A_428, %add3A_640 : i32
      %iota3A_642 = tpu.iota {dimensions = array<i32: 0>} : vector<16xi32>
      %add3A_643 = vector.broadcast %add3A_641 : i32 to vector<16xi32>
      %add3A_644 = arith.addi %add3A_643, %iota3A_642 : vector<16xi32>
      %lt3A_645 = arith.constant 330000 : i32
      %lt3A_646 = vector.broadcast %lt3A_645 : i32 to vector<16xi32>
      %lt3A_647 = arith.cmpi slt, %add3A_644, %lt3A_646 : vector<16xi32>
      %jit3A_648 = arith.constant 0.000000e+00 : f32
      %broadcast_in_dim3A_649 = vector.broadcast %jit3A_648 : f32 to vector<16xf32>
      %select_n3A_650 = arith.select %lt3A_647, %exp3A_639, %broadcast_in_dim3A_649 : vector<16xi1>, vector<16xf32>
      %swap3A_651 = arith.constant 96 : index
      %swap3A_652 = tpu.vector_load %arg20[%swap3A_651] {strides = array<i32>} : memref<128xf32, #tpu.memory_space<vmem>>, vector<16xf32>,
      tpu.vector_store %arg20[%swap3A_651], %select_n3A_650 {strides = array<i32>} : memref<128xf32, #tpu.memory_space<vmem>>, vector<16xf32>,
      %get3A_653 = arith.constant 0 : i32
      %get3A_654 = arith.index_cast %get3A_653 : i32 to index
      %get3A_655 = arith.constant 112 : index
      %get3A_656 = tpu.vector_load %arg14[%get3A_654, %get3A_655] {strides = array<i32>} : memref<2x128xi32, #tpu.memory_space<vmem>>, vector<16xi32>,
      %swap3A_657 = arith.constant 112 : index
      %swap3A_658 = tpu.vector_load %arg24[%swap3A_657] {strides = array<i32>} : memref<128xi32, #tpu.memory_space<vmem>>, vector<16xi32>,
      tpu.vector_store %arg24[%swap3A_657], %get3A_656 {strides = array<i32>} : memref<128xi32, #tpu.memory_space<vmem>>, vector<16xi32>,
      %get3A_659 = arith.constant 112 : index
      %get3A_660 = tpu.vector_load %arg16[%get3A_659] {strides = array<i32>} : memref<128xf32, #tpu.memory_space<vmem>>, vector<16xf32>,
      %get3A_661 = arith.constant 112 : index
      %get3A_662 = tpu.vector_load %arg18[%get3A_661] {strides = array<i32>} : memref<128xf32, #tpu.memory_space<vmem>>, vector<16xf32>,
      %add3A_663 = arith.addf %get3A_660, %get3A_662 : vector<16xf32>
      %ge3A_664 = arith.constant 0.000000e+00 : f32
      %ge3A_665 = vector.broadcast %ge3A_664 : f32 to vector<16xf32>
      %ge3A_666 = arith.cmpf oge, %add3A_663, %ge3A_665 : vector<16xf32>
      %mul3A_667 = arith.constant 2.000000e-01 : f32
      %mul3A_668 = vector.broadcast %mul3A_667 : f32 to vector<16xf32>
      %mul3A_669 = arith.mulf %mul3A_668, %add3A_663 : vector<16xf32>
      %select_n3A_670 = arith.select %ge3A_666, %add3A_663, %mul3A_669 : vector<16xi1>, vector<16xf32>
      %exp3A_671 = math.exp %select_n3A_670 : vector<16xf32>
      %add3A_672 = arith.constant 112 : i32
      %add3A_673 = arith.addi %mul3A_428, %add3A_672 : i32
      %iota3A_674 = tpu.iota {dimensions = array<i32: 0>} : vector<16xi32>
      %add3A_675 = vector.broadcast %add3A_673 : i32 to vector<16xi32>
      %add3A_676 = arith.addi %add3A_675, %iota3A_674 : vector<16xi32>
      %lt3A_677 = arith.constant 330000 : i32
      %lt3A_678 = vector.broadcast %lt3A_677 : i32 to vector<16xi32>
      %lt3A_679 = arith.cmpi slt, %add3A_676, %lt3A_678 : vector<16xi32>
      %jit3A_680 = arith.constant 0.000000e+00 : f32
      %broadcast_in_dim3A_681 = vector.broadcast %jit3A_680 : f32 to vector<16xf32>
      %select_n3A_682 = arith.select %lt3A_679, %exp3A_671, %broadcast_in_dim3A_681 : vector<16xi1>, vector<16xf32>
      %swap3A_683 = arith.constant 112 : index
      %swap3A_684 = tpu.vector_load %arg20[%swap3A_683] {strides = array<i32>} : memref<128xf32, #tpu.memory_space<vmem>>, vector<16xf32>,
      tpu.vector_store %arg20[%swap3A_683], %select_n3A_682 {strides = array<i32>} : memref<128xf32, #tpu.memory_space<vmem>>, vector<16xf32>,
      %add3A_685 = arith.constant 2 : i32
      %add3A_686 = arith.addi %add3A_399, %add3A_685 : i32
      %lt3A_687 = arith.constant 162 : i32
      %lt3A_688 = arith.cmpi slt, %add3A_686, %lt3A_687 : i32
      %convert_element_type3A_689 = arith.extui %lt3A_688 : i1 to i32
      %cond3A_690 = arith.constant 0 : i32
      %cond3A_691 = arith.cmpi ne, %convert_element_type3A_689, %cond3A_690 : i32
      scf.if %cond3A_691 {
        %add3A_703 = arith.constant 2 : i32
        %add3A_704 = arith.addi %add3A_399, %add3A_703 : i32
        %add3A_705 = arith.addi %mul3A_37, %add3A_704 : i32
        %dma_start3A_706 = arith.constant 0 : i32
        %dma_start3A_707 = arith.constant 0 : i32
        %dma_start3A_708 = tpu.memref_slice %arg5[%add3A_705, %dma_start3A_706, %dma_start3A_707] : memref<2592x2x128xi32, #tpu.memory_space<hbm>> -> memref<1x2x128xi32, #tpu.memory_space<hbm>>
        %dma_start3A_709 = tpu.memref_squeeze %dma_start3A_708 : memref<1x2x128xi32, #tpu.memory_space<hbm>> -> memref<2x128xi32, #tpu.memory_space<hbm>>
        %dma_start3A_710 = arith.constant 0 : i32
        %dma_start3A_711 = arith.constant 0 : i32
        %dma_start3A_712 = tpu.memref_slice %arg5[%add3A_705, %dma_start3A_710, %dma_start3A_711] : memref<2592x2x128xi32, #tpu.memory_space<hbm>> -> memref<1x2x128xi32, #tpu.memory_space<hbm>>
        %dma_start3A_713 = tpu.memref_squeeze %dma_start3A_712 : memref<1x2x128xi32, #tpu.memory_space<hbm>> -> memref<2x128xi32, #tpu.memory_space<hbm>>
        tpu.enqueue_dma source(%dma_start3A_713 : memref<2x128xi32, #tpu.memory_space<hbm>>) target(%arg14 : memref<2x128xi32, #tpu.memory_space<vmem>>) target_semaphore(%arg28 : memref<!tpu.dma_semaphore, #tpu.memory_space<semaphore_mem>>)
      } else {
      }
      %parallel_loop3A_692 = arith.constant 0 : i32
      %parallel_loop3A_693 = arith.constant 8 : i32
      %parallel_loop3A_694 = arith.constant 1 : i32
      scf.for %parallel_loop3A_703 = %parallel_loop3A_692 to %parallel_loop3A_693 step %parallel_loop3A_694  : i32 {
        %parallel_loop3A_704 = arith.constant 16 : i32
        %parallel_loop3A_705 = arith.muli %parallel_loop3A_703, %parallel_loop3A_704 : i32
        %parallel_loop3A_706 = tpu.assume_multiple %parallel_loop3A_705, 16 : i32
        %parallel_loop3A_707 = arith.index_cast %parallel_loop3A_706 : i32 to index
        %parallel_loop3A_708 = tpu.vector_load %arg20[%parallel_loop3A_707] {strides = array<i32>} : memref<128xf32, #tpu.memory_space<vmem>>, vector<16xf32>,
        %parallel_loop3A_709 = vector.extract_strided_slice %parallel_loop3A_708 {offsets = [0], sizes = [1], strides = [1]} : vector<16xf32> to vector<1xf32>
        %parallel_loop3A_710 = vector.extract %parallel_loop3A_709[0] : f32 from vector<1xf32>
        %parallel_loop3A_711 = arith.constant 0 : i32
        %parallel_loop3A_712 = arith.addi %parallel_loop3A_706, %parallel_loop3A_711 : i32
        %parallel_loop3A_713 = arith.index_cast %parallel_loop3A_712 : i32 to index
        %parallel_loop3A_714 = arith.constant 0 : index
        %parallel_loop3A_715 = tpu.vector_load %arg22[%parallel_loop3A_713, %parallel_loop3A_714] {strides = array<i32>} : memref<128x64xf32, #tpu.memory_space<vmem>>, vector<16xf32>,
        %parallel_loop3A_716 = vector.broadcast %parallel_loop3A_710 : f32 to vector<16xf32>
        %parallel_loop3A_717 = arith.mulf %parallel_loop3A_715, %parallel_loop3A_716 : vector<16xf32>
        %parallel_loop3A_718 = arith.index_cast %parallel_loop3A_712 : i32 to index
        %parallel_loop3A_719 = arith.constant 0 : index
        %parallel_loop3A_720 = tpu.vector_load %arg22[%parallel_loop3A_718, %parallel_loop3A_719] {strides = array<i32>} : memref<128x64xf32, #tpu.memory_space<vmem>>, vector<16xf32>,
        tpu.vector_store %arg22[%parallel_loop3A_718, %parallel_loop3A_719], %parallel_loop3A_717 {strides = array<i32>} : memref<128x64xf32, #tpu.memory_space<vmem>>, vector<16xf32>,
        %parallel_loop3A_721 = arith.index_cast %parallel_loop3A_712 : i32 to index
        %parallel_loop3A_722 = arith.constant 16 : index
        %parallel_loop3A_723 = tpu.vector_load %arg22[%parallel_loop3A_721, %parallel_loop3A_722] {strides = array<i32>} : memref<128x64xf32, #tpu.memory_space<vmem>>, vector<16xf32>,
        %parallel_loop3A_724 = vector.broadcast %parallel_loop3A_710 : f32 to vector<16xf32>
        %parallel_loop3A_725 = arith.mulf %parallel_loop3A_723, %parallel_loop3A_724 : vector<16xf32>
        %parallel_loop3A_726 = arith.index_cast %parallel_loop3A_712 : i32 to index
        %parallel_loop3A_727 = arith.constant 16 : index
        %parallel_loop3A_728 = tpu.vector_load %arg22[%parallel_loop3A_726, %parallel_loop3A_727] {strides = array<i32>} : memref<128x64xf32, #tpu.memory_space<vmem>>, vector<16xf32>,
        tpu.vector_store %arg22[%parallel_loop3A_726, %parallel_loop3A_727], %parallel_loop3A_725 {strides = array<i32>} : memref<128x64xf32, #tpu.memory_space<vmem>>, vector<16xf32>,
        %parallel_loop3A_729 = arith.index_cast %parallel_loop3A_712 : i32 to index
        %parallel_loop3A_730 = arith.constant 32 : index
        %parallel_loop3A_731 = tpu.vector_load %arg22[%parallel_loop3A_729, %parallel_loop3A_730] {strides = array<i32>} : memref<128x64xf32, #tpu.memory_space<vmem>>, vector<16xf32>,
        %parallel_loop3A_732 = vector.broadcast %parallel_loop3A_710 : f32 to vector<16xf32>
        %parallel_loop3A_733 = arith.mulf %parallel_loop3A_731, %parallel_loop3A_732 : vector<16xf32>
        %parallel_loop3A_734 = arith.index_cast %parallel_loop3A_712 : i32 to index
        %parallel_loop3A_735 = arith.constant 32 : index
        %parallel_loop3A_736 = tpu.vector_load %arg22[%parallel_loop3A_734, %parallel_loop3A_735] {strides = array<i32>} : memref<128x64xf32, #tpu.memory_space<vmem>>, vector<16xf32>,
        tpu.vector_store %arg22[%parallel_loop3A_734, %parallel_loop3A_735], %parallel_loop3A_733 {strides = array<i32>} : memref<128x64xf32, #tpu.memory_space<vmem>>, vector<16xf32>,
        %parallel_loop3A_737 = arith.index_cast %parallel_loop3A_712 : i32 to index
        %parallel_loop3A_738 = arith.constant 48 : index
        %parallel_loop3A_739 = tpu.vector_load %arg22[%parallel_loop3A_737, %parallel_loop3A_738] {strides = array<i32>} : memref<128x64xf32, #tpu.memory_space<vmem>>, vector<16xf32>,
        %parallel_loop3A_740 = vector.broadcast %parallel_loop3A_710 : f32 to vector<16xf32>
        %parallel_loop3A_741 = arith.mulf %parallel_loop3A_739, %parallel_loop3A_740 : vector<16xf32>
        %parallel_loop3A_742 = arith.index_cast %parallel_loop3A_712 : i32 to index
        %parallel_loop3A_743 = arith.constant 48 : index
        %parallel_loop3A_744 = tpu.vector_load %arg22[%parallel_loop3A_742, %parallel_loop3A_743] {strides = array<i32>} : memref<128x64xf32, #tpu.memory_space<vmem>>, vector<16xf32>,
        tpu.vector_store %arg22[%parallel_loop3A_742, %parallel_loop3A_743], %parallel_loop3A_741 {strides = array<i32>} : memref<128x64xf32, #tpu.memory_space<vmem>>, vector<16xf32>,
        %parallel_loop3A_745 = vector.extract_strided_slice %parallel_loop3A_708 {offsets = [1], sizes = [1], strides = [1]} : vector<16xf32> to vector<1xf32>
        %parallel_loop3A_746 = vector.extract %parallel_loop3A_745[0] : f32 from vector<1xf32>
        %parallel_loop3A_747 = arith.constant 1 : i32
        %parallel_loop3A_748 = arith.addi %parallel_loop3A_706, %parallel_loop3A_747 : i32
        %parallel_loop3A_749 = arith.index_cast %parallel_loop3A_748 : i32 to index
        %parallel_loop3A_750 = arith.constant 0 : index
        %parallel_loop3A_751 = tpu.vector_load %arg22[%parallel_loop3A_749, %parallel_loop3A_750] {strides = array<i32>} : memref<128x64xf32, #tpu.memory_space<vmem>>, vector<16xf32>,
        %parallel_loop3A_752 = vector.broadcast %parallel_loop3A_746 : f32 to vector<16xf32>
        %parallel_loop3A_753 = arith.mulf %parallel_loop3A_751, %parallel_loop3A_752 : vector<16xf32>
        %parallel_loop3A_754 = arith.index_cast %parallel_loop3A_748 : i32 to index
        %parallel_loop3A_755 = arith.constant 0 : index
        %parallel_loop3A_756 = tpu.vector_load %arg22[%parallel_loop3A_754, %parallel_loop3A_755] {strides = array<i32>} : memref<128x64xf32, #tpu.memory_space<vmem>>, vector<16xf32>,
        tpu.vector_store %arg22[%parallel_loop3A_754, %parallel_loop3A_755], %parallel_loop3A_753 {strides = array<i32>} : memref<128x64xf32, #tpu.memory_space<vmem>>, vector<16xf32>,
        %parallel_loop3A_757 = arith.index_cast %parallel_loop3A_748 : i32 to index
        %parallel_loop3A_758 = arith.constant 16 : index
        %parallel_loop3A_759 = tpu.vector_load %arg22[%parallel_loop3A_757, %parallel_loop3A_758] {strides = array<i32>} : memref<128x64xf32, #tpu.memory_space<vmem>>, vector<16xf32>,
        %parallel_loop3A_760 = vector.broadcast %parallel_loop3A_746 : f32 to vector<16xf32>
        %parallel_loop3A_761 = arith.mulf %parallel_loop3A_759, %parallel_loop3A_760 : vector<16xf32>
        %parallel_loop3A_762 = arith.index_cast %parallel_loop3A_748 : i32 to index
        %parallel_loop3A_763 = arith.constant 16 : index
        %parallel_loop3A_764 = tpu.vector_load %arg22[%parallel_loop3A_762, %parallel_loop3A_763] {strides = array<i32>} : memref<128x64xf32, #tpu.memory_space<vmem>>, vector<16xf32>,
        tpu.vector_store %arg22[%parallel_loop3A_762, %parallel_loop3A_763], %parallel_loop3A_761 {strides = array<i32>} : memref<128x64xf32, #tpu.memory_space<vmem>>, vector<16xf32>,
        %parallel_loop3A_765 = arith.index_cast %parallel_loop3A_748 : i32 to index
        %parallel_loop3A_766 = arith.constant 32 : index
        %parallel_loop3A_767 = tpu.vector_load %arg22[%parallel_loop3A_765, %parallel_loop3A_766] {strides = array<i32>} : memref<128x64xf32, #tpu.memory_space<vmem>>, vector<16xf32>,
        %parallel_loop3A_768 = vector.broadcast %parallel_loop3A_746 : f32 to vector<16xf32>
        %parallel_loop3A_769 = arith.mulf %parallel_loop3A_767, %parallel_loop3A_768 : vector<16xf32>
        %parallel_loop3A_770 = arith.index_cast %parallel_loop3A_748 : i32 to index
        %parallel_loop3A_771 = arith.constant 32 : index
        %parallel_loop3A_772 = tpu.vector_load %arg22[%parallel_loop3A_770, %parallel_loop3A_771] {strides = array<i32>} : memref<128x64xf32, #tpu.memory_space<vmem>>, vector<16xf32>,
        tpu.vector_store %arg22[%parallel_loop3A_770, %parallel_loop3A_771], %parallel_loop3A_769 {strides = array<i32>} : memref<128x64xf32, #tpu.memory_space<vmem>>, vector<16xf32>,
        %parallel_loop3A_773 = arith.index_cast %parallel_loop3A_748 : i32 to index
        %parallel_loop3A_774 = arith.constant 48 : index
        %parallel_loop3A_775 = tpu.vector_load %arg22[%parallel_loop3A_773, %parallel_loop3A_774] {strides = array<i32>} : memref<128x64xf32, #tpu.memory_space<vmem>>, vector<16xf32>,
        %parallel_loop3A_776 = vector.broadcast %parallel_loop3A_746 : f32 to vector<16xf32>
        %parallel_loop3A_777 = arith.mulf %parallel_loop3A_775, %parallel_loop3A_776 : vector<16xf32>
        %parallel_loop3A_778 = arith.index_cast %parallel_loop3A_748 : i32 to index
        %parallel_loop3A_779 = arith.constant 48 : index
        %parallel_loop3A_780 = tpu.vector_load %arg22[%parallel_loop3A_778, %parallel_loop3A_779] {strides = array<i32>} : memref<128x64xf32, #tpu.memory_space<vmem>>, vector<16xf32>,
        tpu.vector_store %arg22[%parallel_loop3A_778, %parallel_loop3A_779], %parallel_loop3A_777 {strides = array<i32>} : memref<128x64xf32, #tpu.memory_space<vmem>>, vector<16xf32>,
        %parallel_loop3A_781 = vector.extract_strided_slice %parallel_loop3A_708 {offsets = [2], sizes = [1], strides = [1]} : vector<16xf32> to vector<1xf32>
        %parallel_loop3A_782 = vector.extract %parallel_loop3A_781[0] : f32 from vector<1xf32>
        %parallel_loop3A_783 = arith.constant 2 : i32
        %parallel_loop3A_784 = arith.addi %parallel_loop3A_706, %parallel_loop3A_783 : i32
        %parallel_loop3A_785 = arith.index_cast %parallel_loop3A_784 : i32 to index
        %parallel_loop3A_786 = arith.constant 0 : index
        %parallel_loop3A_787 = tpu.vector_load %arg22[%parallel_loop3A_785, %parallel_loop3A_786] {strides = array<i32>} : memref<128x64xf32, #tpu.memory_space<vmem>>, vector<16xf32>,
        %parallel_loop3A_788 = vector.broadcast %parallel_loop3A_782 : f32 to vector<16xf32>
        %parallel_loop3A_789 = arith.mulf %parallel_loop3A_787, %parallel_loop3A_788 : vector<16xf32>
        %parallel_loop3A_790 = arith.index_cast %parallel_loop3A_784 : i32 to index
        %parallel_loop3A_791 = arith.constant 0 : index
        %parallel_loop3A_792 = tpu.vector_load %arg22[%parallel_loop3A_790, %parallel_loop3A_791] {strides = array<i32>} : memref<128x64xf32, #tpu.memory_space<vmem>>, vector<16xf32>,
        tpu.vector_store %arg22[%parallel_loop3A_790, %parallel_loop3A_791], %parallel_loop3A_789 {strides = array<i32>} : memref<128x64xf32, #tpu.memory_space<vmem>>, vector<16xf32>,
        %parallel_loop3A_793 = arith.index_cast %parallel_loop3A_784 : i32 to index
        %parallel_loop3A_794 = arith.constant 16 : index
        %parallel_loop3A_795 = tpu.vector_load %arg22[%parallel_loop3A_793, %parallel_loop3A_794] {strides = array<i32>} : memref<128x64xf32, #tpu.memory_space<vmem>>, vector<16xf32>,
        %parallel_loop3A_796 = vector.broadcast %parallel_loop3A_782 : f32 to vector<16xf32>
        %parallel_loop3A_797 = arith.mulf %parallel_loop3A_795, %parallel_loop3A_796 : vector<16xf32>
        %parallel_loop3A_798 = arith.index_cast %parallel_loop3A_784 : i32 to index
        %parallel_loop3A_799 = arith.constant 16 : index
        %parallel_loop3A_800 = tpu.vector_load %arg22[%parallel_loop3A_798, %parallel_loop3A_799] {strides = array<i32>} : memref<128x64xf32, #tpu.memory_space<vmem>>, vector<16xf32>,
        tpu.vector_store %arg22[%parallel_loop3A_798, %parallel_loop3A_799], %parallel_loop3A_797 {strides = array<i32>} : memref<128x64xf32, #tpu.memory_space<vmem>>, vector<16xf32>,
        %parallel_loop3A_801 = arith.index_cast %parallel_loop3A_784 : i32 to index
        %parallel_loop3A_802 = arith.constant 32 : index
        %parallel_loop3A_803 = tpu.vector_load %arg22[%parallel_loop3A_801, %parallel_loop3A_802] {strides = array<i32>} : memref<128x64xf32, #tpu.memory_space<vmem>>, vector<16xf32>,
        %parallel_loop3A_804 = vector.broadcast %parallel_loop3A_782 : f32 to vector<16xf32>
        %parallel_loop3A_805 = arith.mulf %parallel_loop3A_803, %parallel_loop3A_804 : vector<16xf32>
        %parallel_loop3A_806 = arith.index_cast %parallel_loop3A_784 : i32 to index
        %parallel_loop3A_807 = arith.constant 32 : index
        %parallel_loop3A_808 = tpu.vector_load %arg22[%parallel_loop3A_806, %parallel_loop3A_807] {strides = array<i32>} : memref<128x64xf32, #tpu.memory_space<vmem>>, vector<16xf32>,
        tpu.vector_store %arg22[%parallel_loop3A_806, %parallel_loop3A_807], %parallel_loop3A_805 {strides = array<i32>} : memref<128x64xf32, #tpu.memory_space<vmem>>, vector<16xf32>,
        %parallel_loop3A_809 = arith.index_cast %parallel_loop3A_784 : i32 to index
        %parallel_loop3A_810 = arith.constant 48 : index
        %parallel_loop3A_811 = tpu.vector_load %arg22[%parallel_loop3A_809, %parallel_loop3A_810] {strides = array<i32>} : memref<128x64xf32, #tpu.memory_space<vmem>>, vector<16xf32>,
        %parallel_loop3A_812 = vector.broadcast %parallel_loop3A_782 : f32 to vector<16xf32>
        %parallel_loop3A_813 = arith.mulf %parallel_loop3A_811, %parallel_loop3A_812 : vector<16xf32>
        %parallel_loop3A_814 = arith.index_cast %parallel_loop3A_784 : i32 to index
        %parallel_loop3A_815 = arith.constant 48 : index
        %parallel_loop3A_816 = tpu.vector_load %arg22[%parallel_loop3A_814, %parallel_loop3A_815] {strides = array<i32>} : memref<128x64xf32, #tpu.memory_space<vmem>>, vector<16xf32>,
        tpu.vector_store %arg22[%parallel_loop3A_814, %parallel_loop3A_815], %parallel_loop3A_813 {strides = array<i32>} : memref<128x64xf32, #tpu.memory_space<vmem>>, vector<16xf32>,
        %parallel_loop3A_817 = vector.extract_strided_slice %parallel_loop3A_708 {offsets = [3], sizes = [1], strides = [1]} : vector<16xf32> to vector<1xf32>
        %parallel_loop3A_818 = vector.extract %parallel_loop3A_817[0] : f32 from vector<1xf32>
        %parallel_loop3A_819 = arith.constant 3 : i32
        %parallel_loop3A_820 = arith.addi %parallel_loop3A_706, %parallel_loop3A_819 : i32
        %parallel_loop3A_821 = arith.index_cast %parallel_loop3A_820 : i32 to index
        %parallel_loop3A_822 = arith.constant 0 : index
        %parallel_loop3A_823 = tpu.vector_load %arg22[%parallel_loop3A_821, %parallel_loop3A_822] {strides = array<i32>} : memref<128x64xf32, #tpu.memory_space<vmem>>, vector<16xf32>,
        %parallel_loop3A_824 = vector.broadcast %parallel_loop3A_818 : f32 to vector<16xf32>
        %parallel_loop3A_825 = arith.mulf %parallel_loop3A_823, %parallel_loop3A_824 : vector<16xf32>
        %parallel_loop3A_826 = arith.index_cast %parallel_loop3A_820 : i32 to index
        %parallel_loop3A_827 = arith.constant 0 : index
        %parallel_loop3A_828 = tpu.vector_load %arg22[%parallel_loop3A_826, %parallel_loop3A_827] {strides = array<i32>} : memref<128x64xf32, #tpu.memory_space<vmem>>, vector<16xf32>,
        tpu.vector_store %arg22[%parallel_loop3A_826, %parallel_loop3A_827], %parallel_loop3A_825 {strides = array<i32>} : memref<128x64xf32, #tpu.memory_space<vmem>>, vector<16xf32>,
        %parallel_loop3A_829 = arith.index_cast %parallel_loop3A_820 : i32 to index
        %parallel_loop3A_830 = arith.constant 16 : index
        %parallel_loop3A_831 = tpu.vector_load %arg22[%parallel_loop3A_829, %parallel_loop3A_830] {strides = array<i32>} : memref<128x64xf32, #tpu.memory_space<vmem>>, vector<16xf32>,
        %parallel_loop3A_832 = vector.broadcast %parallel_loop3A_818 : f32 to vector<16xf32>
        %parallel_loop3A_833 = arith.mulf %parallel_loop3A_831, %parallel_loop3A_832 : vector<16xf32>
        %parallel_loop3A_834 = arith.index_cast %parallel_loop3A_820 : i32 to index
        %parallel_loop3A_835 = arith.constant 16 : index
        %parallel_loop3A_836 = tpu.vector_load %arg22[%parallel_loop3A_834, %parallel_loop3A_835] {strides = array<i32>} : memref<128x64xf32, #tpu.memory_space<vmem>>, vector<16xf32>,
        tpu.vector_store %arg22[%parallel_loop3A_834, %parallel_loop3A_835], %parallel_loop3A_833 {strides = array<i32>} : memref<128x64xf32, #tpu.memory_space<vmem>>, vector<16xf32>,
        %parallel_loop3A_837 = arith.index_cast %parallel_loop3A_820 : i32 to index
        %parallel_loop3A_838 = arith.constant 32 : index
        %parallel_loop3A_839 = tpu.vector_load %arg22[%parallel_loop3A_837, %parallel_loop3A_838] {strides = array<i32>} : memref<128x64xf32, #tpu.memory_space<vmem>>, vector<16xf32>,
        %parallel_loop3A_840 = vector.broadcast %parallel_loop3A_818 : f32 to vector<16xf32>
        %parallel_loop3A_841 = arith.mulf %parallel_loop3A_839, %parallel_loop3A_840 : vector<16xf32>
        %parallel_loop3A_842 = arith.index_cast %parallel_loop3A_820 : i32 to index
        %parallel_loop3A_843 = arith.constant 32 : index
        %parallel_loop3A_844 = tpu.vector_load %arg22[%parallel_loop3A_842, %parallel_loop3A_843] {strides = array<i32>} : memref<128x64xf32, #tpu.memory_space<vmem>>, vector<16xf32>,
        tpu.vector_store %arg22[%parallel_loop3A_842, %parallel_loop3A_843], %parallel_loop3A_841 {strides = array<i32>} : memref<128x64xf32, #tpu.memory_space<vmem>>, vector<16xf32>,
        %parallel_loop3A_845 = arith.index_cast %parallel_loop3A_820 : i32 to index
        %parallel_loop3A_846 = arith.constant 48 : index
        %parallel_loop3A_847 = tpu.vector_load %arg22[%parallel_loop3A_845, %parallel_loop3A_846] {strides = array<i32>} : memref<128x64xf32, #tpu.memory_space<vmem>>, vector<16xf32>,
        %parallel_loop3A_848 = vector.broadcast %parallel_loop3A_818 : f32 to vector<16xf32>
        %parallel_loop3A_849 = arith.mulf %parallel_loop3A_847, %parallel_loop3A_848 : vector<16xf32>
        %parallel_loop3A_850 = arith.index_cast %parallel_loop3A_820 : i32 to index
        %parallel_loop3A_851 = arith.constant 48 : index
        %parallel_loop3A_852 = tpu.vector_load %arg22[%parallel_loop3A_850, %parallel_loop3A_851] {strides = array<i32>} : memref<128x64xf32, #tpu.memory_space<vmem>>, vector<16xf32>,
        tpu.vector_store %arg22[%parallel_loop3A_850, %parallel_loop3A_851], %parallel_loop3A_849 {strides = array<i32>} : memref<128x64xf32, #tpu.memory_space<vmem>>, vector<16xf32>,
        %parallel_loop3A_853 = vector.extract_strided_slice %parallel_loop3A_708 {offsets = [4], sizes = [1], strides = [1]} : vector<16xf32> to vector<1xf32>
        %parallel_loop3A_854 = vector.extract %parallel_loop3A_853[0] : f32 from vector<1xf32>
        %parallel_loop3A_855 = arith.constant 4 : i32
        %parallel_loop3A_856 = arith.addi %parallel_loop3A_706, %parallel_loop3A_855 : i32
        %parallel_loop3A_857 = arith.index_cast %parallel_loop3A_856 : i32 to index
        %parallel_loop3A_858 = arith.constant 0 : index
        %parallel_loop3A_859 = tpu.vector_load %arg22[%parallel_loop3A_857, %parallel_loop3A_858] {strides = array<i32>} : memref<128x64xf32, #tpu.memory_space<vmem>>, vector<16xf32>,
        %parallel_loop3A_860 = vector.broadcast %parallel_loop3A_854 : f32 to vector<16xf32>
        %parallel_loop3A_861 = arith.mulf %parallel_loop3A_859, %parallel_loop3A_860 : vector<16xf32>
        %parallel_loop3A_862 = arith.index_cast %parallel_loop3A_856 : i32 to index
        %parallel_loop3A_863 = arith.constant 0 : index
        %parallel_loop3A_864 = tpu.vector_load %arg22[%parallel_loop3A_862, %parallel_loop3A_863] {strides = array<i32>} : memref<128x64xf32, #tpu.memory_space<vmem>>, vector<16xf32>,
        tpu.vector_store %arg22[%parallel_loop3A_862, %parallel_loop3A_863], %parallel_loop3A_861 {strides = array<i32>} : memref<128x64xf32, #tpu.memory_space<vmem>>, vector<16xf32>,
        %parallel_loop3A_865 = arith.index_cast %parallel_loop3A_856 : i32 to index
        %parallel_loop3A_866 = arith.constant 16 : index
        %parallel_loop3A_867 = tpu.vector_load %arg22[%parallel_loop3A_865, %parallel_loop3A_866] {strides = array<i32>} : memref<128x64xf32, #tpu.memory_space<vmem>>, vector<16xf32>,
        %parallel_loop3A_868 = vector.broadcast %parallel_loop3A_854 : f32 to vector<16xf32>
        %parallel_loop3A_869 = arith.mulf %parallel_loop3A_867, %parallel_loop3A_868 : vector<16xf32>
        %parallel_loop3A_870 = arith.index_cast %parallel_loop3A_856 : i32 to index
        %parallel_loop3A_871 = arith.constant 16 : index
        %parallel_loop3A_872 = tpu.vector_load %arg22[%parallel_loop3A_870, %parallel_loop3A_871] {strides = array<i32>} : memref<128x64xf32, #tpu.memory_space<vmem>>, vector<16xf32>,
        tpu.vector_store %arg22[%parallel_loop3A_870, %parallel_loop3A_871], %parallel_loop3A_869 {strides = array<i32>} : memref<128x64xf32, #tpu.memory_space<vmem>>, vector<16xf32>,
        %parallel_loop3A_873 = arith.index_cast %parallel_loop3A_856 : i32 to index
        %parallel_loop3A_874 = arith.constant 32 : index
        %parallel_loop3A_875 = tpu.vector_load %arg22[%parallel_loop3A_873, %parallel_loop3A_874] {strides = array<i32>} : memref<128x64xf32, #tpu.memory_space<vmem>>, vector<16xf32>,
        %parallel_loop3A_876 = vector.broadcast %parallel_loop3A_854 : f32 to vector<16xf32>
        %parallel_loop3A_877 = arith.mulf %parallel_loop3A_875, %parallel_loop3A_876 : vector<16xf32>
        %parallel_loop3A_878 = arith.index_cast %parallel_loop3A_856 : i32 to index
        %parallel_loop3A_879 = arith.constant 32 : index
        %parallel_loop3A_880 = tpu.vector_load %arg22[%parallel_loop3A_878, %parallel_loop3A_879] {strides = array<i32>} : memref<128x64xf32, #tpu.memory_space<vmem>>, vector<16xf32>,
        tpu.vector_store %arg22[%parallel_loop3A_878, %parallel_loop3A_879], %parallel_loop3A_877 {strides = array<i32>} : memref<128x64xf32, #tpu.memory_space<vmem>>, vector<16xf32>,
        %parallel_loop3A_881 = arith.index_cast %parallel_loop3A_856 : i32 to index
        %parallel_loop3A_882 = arith.constant 48 : index
        %parallel_loop3A_883 = tpu.vector_load %arg22[%parallel_loop3A_881, %parallel_loop3A_882] {strides = array<i32>} : memref<128x64xf32, #tpu.memory_space<vmem>>, vector<16xf32>,
        %parallel_loop3A_884 = vector.broadcast %parallel_loop3A_854 : f32 to vector<16xf32>
        %parallel_loop3A_885 = arith.mulf %parallel_loop3A_883, %parallel_loop3A_884 : vector<16xf32>
        %parallel_loop3A_886 = arith.index_cast %parallel_loop3A_856 : i32 to index
        %parallel_loop3A_887 = arith.constant 48 : index
        %parallel_loop3A_888 = tpu.vector_load %arg22[%parallel_loop3A_886, %parallel_loop3A_887] {strides = array<i32>} : memref<128x64xf32, #tpu.memory_space<vmem>>, vector<16xf32>,
        tpu.vector_store %arg22[%parallel_loop3A_886, %parallel_loop3A_887], %parallel_loop3A_885 {strides = array<i32>} : memref<128x64xf32, #tpu.memory_space<vmem>>, vector<16xf32>,
        %parallel_loop3A_889 = vector.extract_strided_slice %parallel_loop3A_708 {offsets = [5], sizes = [1], strides = [1]} : vector<16xf32> to vector<1xf32>
        %parallel_loop3A_890 = vector.extract %parallel_loop3A_889[0] : f32 from vector<1xf32>
        %parallel_loop3A_891 = arith.constant 5 : i32
        %parallel_loop3A_892 = arith.addi %parallel_loop3A_706, %parallel_loop3A_891 : i32
        %parallel_loop3A_893 = arith.index_cast %parallel_loop3A_892 : i32 to index
        %parallel_loop3A_894 = arith.constant 0 : index
        %parallel_loop3A_895 = tpu.vector_load %arg22[%parallel_loop3A_893, %parallel_loop3A_894] {strides = array<i32>} : memref<128x64xf32, #tpu.memory_space<vmem>>, vector<16xf32>,
        %parallel_loop3A_896 = vector.broadcast %parallel_loop3A_890 : f32 to vector<16xf32>
        %parallel_loop3A_897 = arith.mulf %parallel_loop3A_895, %parallel_loop3A_896 : vector<16xf32>
        %parallel_loop3A_898 = arith.index_cast %parallel_loop3A_892 : i32 to index
        %parallel_loop3A_899 = arith.constant 0 : index
        %parallel_loop3A_900 = tpu.vector_load %arg22[%parallel_loop3A_898, %parallel_loop3A_899] {strides = array<i32>} : memref<128x64xf32, #tpu.memory_space<vmem>>, vector<16xf32>,
        tpu.vector_store %arg22[%parallel_loop3A_898, %parallel_loop3A_899], %parallel_loop3A_897 {strides = array<i32>} : memref<128x64xf32, #tpu.memory_space<vmem>>, vector<16xf32>,
        %parallel_loop3A_901 = arith.index_cast %parallel_loop3A_892 : i32 to index
        %parallel_loop3A_902 = arith.constant 16 : index
        %parallel_loop3A_903 = tpu.vector_load %arg22[%parallel_loop3A_901, %parallel_loop3A_902] {strides = array<i32>} : memref<128x64xf32, #tpu.memory_space<vmem>>, vector<16xf32>,
        %parallel_loop3A_904 = vector.broadcast %parallel_loop3A_890 : f32 to vector<16xf32>
        %parallel_loop3A_905 = arith.mulf %parallel_loop3A_903, %parallel_loop3A_904 : vector<16xf32>
        %parallel_loop3A_906 = arith.index_cast %parallel_loop3A_892 : i32 to index
        %parallel_loop3A_907 = arith.constant 16 : index
        %parallel_loop3A_908 = tpu.vector_load %arg22[%parallel_loop3A_906, %parallel_loop3A_907] {strides = array<i32>} : memref<128x64xf32, #tpu.memory_space<vmem>>, vector<16xf32>,
        tpu.vector_store %arg22[%parallel_loop3A_906, %parallel_loop3A_907], %parallel_loop3A_905 {strides = array<i32>} : memref<128x64xf32, #tpu.memory_space<vmem>>, vector<16xf32>,
        %parallel_loop3A_909 = arith.index_cast %parallel_loop3A_892 : i32 to index
        %parallel_loop3A_910 = arith.constant 32 : index
        %parallel_loop3A_911 = tpu.vector_load %arg22[%parallel_loop3A_909, %parallel_loop3A_910] {strides = array<i32>} : memref<128x64xf32, #tpu.memory_space<vmem>>, vector<16xf32>,
        %parallel_loop3A_912 = vector.broadcast %parallel_loop3A_890 : f32 to vector<16xf32>
        %parallel_loop3A_913 = arith.mulf %parallel_loop3A_911, %parallel_loop3A_912 : vector<16xf32>
        %parallel_loop3A_914 = arith.index_cast %parallel_loop3A_892 : i32 to index
        %parallel_loop3A_915 = arith.constant 32 : index
        %parallel_loop3A_916 = tpu.vector_load %arg22[%parallel_loop3A_914, %parallel_loop3A_915] {strides = array<i32>} : memref<128x64xf32, #tpu.memory_space<vmem>>, vector<16xf32>,
        tpu.vector_store %arg22[%parallel_loop3A_914, %parallel_loop3A_915], %parallel_loop3A_913 {strides = array<i32>} : memref<128x64xf32, #tpu.memory_space<vmem>>, vector<16xf32>,
        %parallel_loop3A_917 = arith.index_cast %parallel_loop3A_892 : i32 to index
        %parallel_loop3A_918 = arith.constant 48 : index
        %parallel_loop3A_919 = tpu.vector_load %arg22[%parallel_loop3A_917, %parallel_loop3A_918] {strides = array<i32>} : memref<128x64xf32, #tpu.memory_space<vmem>>, vector<16xf32>,
        %parallel_loop3A_920 = vector.broadcast %parallel_loop3A_890 : f32 to vector<16xf32>
        %parallel_loop3A_921 = arith.mulf %parallel_loop3A_919, %parallel_loop3A_920 : vector<16xf32>
        %parallel_loop3A_922 = arith.index_cast %parallel_loop3A_892 : i32 to index
        %parallel_loop3A_923 = arith.constant 48 : index
        %parallel_loop3A_924 = tpu.vector_load %arg22[%parallel_loop3A_922, %parallel_loop3A_923] {strides = array<i32>} : memref<128x64xf32, #tpu.memory_space<vmem>>, vector<16xf32>,
        tpu.vector_store %arg22[%parallel_loop3A_922, %parallel_loop3A_923], %parallel_loop3A_921 {strides = array<i32>} : memref<128x64xf32, #tpu.memory_space<vmem>>, vector<16xf32>,
        %parallel_loop3A_925 = vector.extract_strided_slice %parallel_loop3A_708 {offsets = [6], sizes = [1], strides = [1]} : vector<16xf32> to vector<1xf32>
        %parallel_loop3A_926 = vector.extract %parallel_loop3A_925[0] : f32 from vector<1xf32>
        %parallel_loop3A_927 = arith.constant 6 : i32
        %parallel_loop3A_928 = arith.addi %parallel_loop3A_706, %parallel_loop3A_927 : i32
        %parallel_loop3A_929 = arith.index_cast %parallel_loop3A_928 : i32 to index
        %parallel_loop3A_930 = arith.constant 0 : index
        %parallel_loop3A_931 = tpu.vector_load %arg22[%parallel_loop3A_929, %parallel_loop3A_930] {strides = array<i32>} : memref<128x64xf32, #tpu.memory_space<vmem>>, vector<16xf32>,
        %parallel_loop3A_932 = vector.broadcast %parallel_loop3A_926 : f32 to vector<16xf32>
        %parallel_loop3A_933 = arith.mulf %parallel_loop3A_931, %parallel_loop3A_932 : vector<16xf32>
        %parallel_loop3A_934 = arith.index_cast %parallel_loop3A_928 : i32 to index
        %parallel_loop3A_935 = arith.constant 0 : index
        %parallel_loop3A_936 = tpu.vector_load %arg22[%parallel_loop3A_934, %parallel_loop3A_935] {strides = array<i32>} : memref<128x64xf32, #tpu.memory_space<vmem>>, vector<16xf32>,
        tpu.vector_store %arg22[%parallel_loop3A_934, %parallel_loop3A_935], %parallel_loop3A_933 {strides = array<i32>} : memref<128x64xf32, #tpu.memory_space<vmem>>, vector<16xf32>,
        %parallel_loop3A_937 = arith.index_cast %parallel_loop3A_928 : i32 to index
        %parallel_loop3A_938 = arith.constant 16 : index
        %parallel_loop3A_939 = tpu.vector_load %arg22[%parallel_loop3A_937, %parallel_loop3A_938] {strides = array<i32>} : memref<128x64xf32, #tpu.memory_space<vmem>>, vector<16xf32>,
        %parallel_loop3A_940 = vector.broadcast %parallel_loop3A_926 : f32 to vector<16xf32>
        %parallel_loop3A_941 = arith.mulf %parallel_loop3A_939, %parallel_loop3A_940 : vector<16xf32>
        %parallel_loop3A_942 = arith.index_cast %parallel_loop3A_928 : i32 to index
        %parallel_loop3A_943 = arith.constant 16 : index
        %parallel_loop3A_944 = tpu.vector_load %arg22[%parallel_loop3A_942, %parallel_loop3A_943] {strides = array<i32>} : memref<128x64xf32, #tpu.memory_space<vmem>>, vector<16xf32>,
        tpu.vector_store %arg22[%parallel_loop3A_942, %parallel_loop3A_943], %parallel_loop3A_941 {strides = array<i32>} : memref<128x64xf32, #tpu.memory_space<vmem>>, vector<16xf32>,
        %parallel_loop3A_945 = arith.index_cast %parallel_loop3A_928 : i32 to index
        %parallel_loop3A_946 = arith.constant 32 : index
        %parallel_loop3A_947 = tpu.vector_load %arg22[%parallel_loop3A_945, %parallel_loop3A_946] {strides = array<i32>} : memref<128x64xf32, #tpu.memory_space<vmem>>, vector<16xf32>,
        %parallel_loop3A_948 = vector.broadcast %parallel_loop3A_926 : f32 to vector<16xf32>
        %parallel_loop3A_949 = arith.mulf %parallel_loop3A_947, %parallel_loop3A_948 : vector<16xf32>
        %parallel_loop3A_950 = arith.index_cast %parallel_loop3A_928 : i32 to index
        %parallel_loop3A_951 = arith.constant 32 : index
        %parallel_loop3A_952 = tpu.vector_load %arg22[%parallel_loop3A_950, %parallel_loop3A_951] {strides = array<i32>} : memref<128x64xf32, #tpu.memory_space<vmem>>, vector<16xf32>,
        tpu.vector_store %arg22[%parallel_loop3A_950, %parallel_loop3A_951], %parallel_loop3A_949 {strides = array<i32>} : memref<128x64xf32, #tpu.memory_space<vmem>>, vector<16xf32>,
        %parallel_loop3A_953 = arith.index_cast %parallel_loop3A_928 : i32 to index
        %parallel_loop3A_954 = arith.constant 48 : index
        %parallel_loop3A_955 = tpu.vector_load %arg22[%parallel_loop3A_953, %parallel_loop3A_954] {strides = array<i32>} : memref<128x64xf32, #tpu.memory_space<vmem>>, vector<16xf32>,
        %parallel_loop3A_956 = vector.broadcast %parallel_loop3A_926 : f32 to vector<16xf32>
        %parallel_loop3A_957 = arith.mulf %parallel_loop3A_955, %parallel_loop3A_956 : vector<16xf32>
        %parallel_loop3A_958 = arith.index_cast %parallel_loop3A_928 : i32 to index
        %parallel_loop3A_959 = arith.constant 48 : index
        %parallel_loop3A_960 = tpu.vector_load %arg22[%parallel_loop3A_958, %parallel_loop3A_959] {strides = array<i32>} : memref<128x64xf32, #tpu.memory_space<vmem>>, vector<16xf32>,
        tpu.vector_store %arg22[%parallel_loop3A_958, %parallel_loop3A_959], %parallel_loop3A_957 {strides = array<i32>} : memref<128x64xf32, #tpu.memory_space<vmem>>, vector<16xf32>,
        %parallel_loop3A_961 = vector.extract_strided_slice %parallel_loop3A_708 {offsets = [7], sizes = [1], strides = [1]} : vector<16xf32> to vector<1xf32>
        %parallel_loop3A_962 = vector.extract %parallel_loop3A_961[0] : f32 from vector<1xf32>
        %parallel_loop3A_963 = arith.constant 7 : i32
        %parallel_loop3A_964 = arith.addi %parallel_loop3A_706, %parallel_loop3A_963 : i32
        %parallel_loop3A_965 = arith.index_cast %parallel_loop3A_964 : i32 to index
        %parallel_loop3A_966 = arith.constant 0 : index
        %parallel_loop3A_967 = tpu.vector_load %arg22[%parallel_loop3A_965, %parallel_loop3A_966] {strides = array<i32>} : memref<128x64xf32, #tpu.memory_space<vmem>>, vector<16xf32>,
        %parallel_loop3A_968 = vector.broadcast %parallel_loop3A_962 : f32 to vector<16xf32>
        %parallel_loop3A_969 = arith.mulf %parallel_loop3A_967, %parallel_loop3A_968 : vector<16xf32>
        %parallel_loop3A_970 = arith.index_cast %parallel_loop3A_964 : i32 to index
        %parallel_loop3A_971 = arith.constant 0 : index
        %parallel_loop3A_972 = tpu.vector_load %arg22[%parallel_loop3A_970, %parallel_loop3A_971] {strides = array<i32>} : memref<128x64xf32, #tpu.memory_space<vmem>>, vector<16xf32>,
        tpu.vector_store %arg22[%parallel_loop3A_970, %parallel_loop3A_971], %parallel_loop3A_969 {strides = array<i32>} : memref<128x64xf32, #tpu.memory_space<vmem>>, vector<16xf32>,
        %parallel_loop3A_973 = arith.index_cast %parallel_loop3A_964 : i32 to index
        %parallel_loop3A_974 = arith.constant 16 : index
        %parallel_loop3A_975 = tpu.vector_load %arg22[%parallel_loop3A_973, %parallel_loop3A_974] {strides = array<i32>} : memref<128x64xf32, #tpu.memory_space<vmem>>, vector<16xf32>,
        %parallel_loop3A_976 = vector.broadcast %parallel_loop3A_962 : f32 to vector<16xf32>
        %parallel_loop3A_977 = arith.mulf %parallel_loop3A_975, %parallel_loop3A_976 : vector<16xf32>
        %parallel_loop3A_978 = arith.index_cast %parallel_loop3A_964 : i32 to index
        %parallel_loop3A_979 = arith.constant 16 : index
        %parallel_loop3A_980 = tpu.vector_load %arg22[%parallel_loop3A_978, %parallel_loop3A_979] {strides = array<i32>} : memref<128x64xf32, #tpu.memory_space<vmem>>, vector<16xf32>,
        tpu.vector_store %arg22[%parallel_loop3A_978, %parallel_loop3A_979], %parallel_loop3A_977 {strides = array<i32>} : memref<128x64xf32, #tpu.memory_space<vmem>>, vector<16xf32>,
        %parallel_loop3A_981 = arith.index_cast %parallel_loop3A_964 : i32 to index
        %parallel_loop3A_982 = arith.constant 32 : index
        %parallel_loop3A_983 = tpu.vector_load %arg22[%parallel_loop3A_981, %parallel_loop3A_982] {strides = array<i32>} : memref<128x64xf32, #tpu.memory_space<vmem>>, vector<16xf32>,
        %parallel_loop3A_984 = vector.broadcast %parallel_loop3A_962 : f32 to vector<16xf32>
        %parallel_loop3A_985 = arith.mulf %parallel_loop3A_983, %parallel_loop3A_984 : vector<16xf32>
        %parallel_loop3A_986 = arith.index_cast %parallel_loop3A_964 : i32 to index
        %parallel_loop3A_987 = arith.constant 32 : index
        %parallel_loop3A_988 = tpu.vector_load %arg22[%parallel_loop3A_986, %parallel_loop3A_987] {strides = array<i32>} : memref<128x64xf32, #tpu.memory_space<vmem>>, vector<16xf32>,
        tpu.vector_store %arg22[%parallel_loop3A_986, %parallel_loop3A_987], %parallel_loop3A_985 {strides = array<i32>} : memref<128x64xf32, #tpu.memory_space<vmem>>, vector<16xf32>,
        %parallel_loop3A_989 = arith.index_cast %parallel_loop3A_964 : i32 to index
        %parallel_loop3A_990 = arith.constant 48 : index
        %parallel_loop3A_991 = tpu.vector_load %arg22[%parallel_loop3A_989, %parallel_loop3A_990] {strides = array<i32>} : memref<128x64xf32, #tpu.memory_space<vmem>>, vector<16xf32>,
        %parallel_loop3A_992 = vector.broadcast %parallel_loop3A_962 : f32 to vector<16xf32>
        %parallel_loop3A_993 = arith.mulf %parallel_loop3A_991, %parallel_loop3A_992 : vector<16xf32>
        %parallel_loop3A_994 = arith.index_cast %parallel_loop3A_964 : i32 to index
        %parallel_loop3A_995 = arith.constant 48 : index
        %parallel_loop3A_996 = tpu.vector_load %arg22[%parallel_loop3A_994, %parallel_loop3A_995] {strides = array<i32>} : memref<128x64xf32, #tpu.memory_space<vmem>>, vector<16xf32>,
        tpu.vector_store %arg22[%parallel_loop3A_994, %parallel_loop3A_995], %parallel_loop3A_993 {strides = array<i32>} : memref<128x64xf32, #tpu.memory_space<vmem>>, vector<16xf32>,
        %parallel_loop3A_997 = vector.extract_strided_slice %parallel_loop3A_708 {offsets = [8], sizes = [1], strides = [1]} : vector<16xf32> to vector<1xf32>
        %parallel_loop3A_998 = vector.extract %parallel_loop3A_997[0] : f32 from vector<1xf32>
        %parallel_loop3A_999 = arith.constant 8 : i32
        %parallel_loop3A_1000 = arith.addi %parallel_loop3A_706, %parallel_loop3A_999 : i32
        %parallel_loop3A_1001 = arith.index_cast %parallel_loop3A_1000 : i32 to index
        %parallel_loop3A_1002 = arith.constant 0 : index
        %parallel_loop3A_1003 = tpu.vector_load %arg22[%parallel_loop3A_1001, %parallel_loop3A_1002] {strides = array<i32>} : memref<128x64xf32, #tpu.memory_space<vmem>>, vector<16xf32>,
        %parallel_loop3A_1004 = vector.broadcast %parallel_loop3A_998 : f32 to vector<16xf32>
        %parallel_loop3A_1005 = arith.mulf %parallel_loop3A_1003, %parallel_loop3A_1004 : vector<16xf32>
        %parallel_loop3A_1006 = arith.index_cast %parallel_loop3A_1000 : i32 to index
        %parallel_loop3A_1007 = arith.constant 0 : index
        %parallel_loop3A_1008 = tpu.vector_load %arg22[%parallel_loop3A_1006, %parallel_loop3A_1007] {strides = array<i32>} : memref<128x64xf32, #tpu.memory_space<vmem>>, vector<16xf32>,
        tpu.vector_store %arg22[%parallel_loop3A_1006, %parallel_loop3A_1007], %parallel_loop3A_1005 {strides = array<i32>} : memref<128x64xf32, #tpu.memory_space<vmem>>, vector<16xf32>,
        %parallel_loop3A_1009 = arith.index_cast %parallel_loop3A_1000 : i32 to index
        %parallel_loop3A_1010 = arith.constant 16 : index
        %parallel_loop3A_1011 = tpu.vector_load %arg22[%parallel_loop3A_1009, %parallel_loop3A_1010] {strides = array<i32>} : memref<128x64xf32, #tpu.memory_space<vmem>>, vector<16xf32>,
        %parallel_loop3A_1012 = vector.broadcast %parallel_loop3A_998 : f32 to vector<16xf32>
        %parallel_loop3A_1013 = arith.mulf %parallel_loop3A_1011, %parallel_loop3A_1012 : vector<16xf32>
        %parallel_loop3A_1014 = arith.index_cast %parallel_loop3A_1000 : i32 to index
        %parallel_loop3A_1015 = arith.constant 16 : index
        %parallel_loop3A_1016 = tpu.vector_load %arg22[%parallel_loop3A_1014, %parallel_loop3A_1015] {strides = array<i32>} : memref<128x64xf32, #tpu.memory_space<vmem>>, vector<16xf32>,
        tpu.vector_store %arg22[%parallel_loop3A_1014, %parallel_loop3A_1015], %parallel_loop3A_1013 {strides = array<i32>} : memref<128x64xf32, #tpu.memory_space<vmem>>, vector<16xf32>,
        %parallel_loop3A_1017 = arith.index_cast %parallel_loop3A_1000 : i32 to index
        %parallel_loop3A_1018 = arith.constant 32 : index
        %parallel_loop3A_1019 = tpu.vector_load %arg22[%parallel_loop3A_1017, %parallel_loop3A_1018] {strides = array<i32>} : memref<128x64xf32, #tpu.memory_space<vmem>>, vector<16xf32>,
        %parallel_loop3A_1020 = vector.broadcast %parallel_loop3A_998 : f32 to vector<16xf32>
        %parallel_loop3A_1021 = arith.mulf %parallel_loop3A_1019, %parallel_loop3A_1020 : vector<16xf32>
        %parallel_loop3A_1022 = arith.index_cast %parallel_loop3A_1000 : i32 to index
        %parallel_loop3A_1023 = arith.constant 32 : index
        %parallel_loop3A_1024 = tpu.vector_load %arg22[%parallel_loop3A_1022, %parallel_loop3A_1023] {strides = array<i32>} : memref<128x64xf32, #tpu.memory_space<vmem>>, vector<16xf32>,
        tpu.vector_store %arg22[%parallel_loop3A_1022, %parallel_loop3A_1023], %parallel_loop3A_1021 {strides = array<i32>} : memref<128x64xf32, #tpu.memory_space<vmem>>, vector<16xf32>,
        %parallel_loop3A_1025 = arith.index_cast %parallel_loop3A_1000 : i32 to index
        %parallel_loop3A_1026 = arith.constant 48 : index
        %parallel_loop3A_1027 = tpu.vector_load %arg22[%parallel_loop3A_1025, %parallel_loop3A_1026] {strides = array<i32>} : memref<128x64xf32, #tpu.memory_space<vmem>>, vector<16xf32>,
        %parallel_loop3A_1028 = vector.broadcast %parallel_loop3A_998 : f32 to vector<16xf32>
        %parallel_loop3A_1029 = arith.mulf %parallel_loop3A_1027, %parallel_loop3A_1028 : vector<16xf32>
        %parallel_loop3A_1030 = arith.index_cast %parallel_loop3A_1000 : i32 to index
        %parallel_loop3A_1031 = arith.constant 48 : index
        %parallel_loop3A_1032 = tpu.vector_load %arg22[%parallel_loop3A_1030, %parallel_loop3A_1031] {strides = array<i32>} : memref<128x64xf32, #tpu.memory_space<vmem>>, vector<16xf32>,
        tpu.vector_store %arg22[%parallel_loop3A_1030, %parallel_loop3A_1031], %parallel_loop3A_1029 {strides = array<i32>} : memref<128x64xf32, #tpu.memory_space<vmem>>, vector<16xf32>,
        %parallel_loop3A_1033 = vector.extract_strided_slice %parallel_loop3A_708 {offsets = [9], sizes = [1], strides = [1]} : vector<16xf32> to vector<1xf32>
        %parallel_loop3A_1034 = vector.extract %parallel_loop3A_1033[0] : f32 from vector<1xf32>
        %parallel_loop3A_1035 = arith.constant 9 : i32
        %parallel_loop3A_1036 = arith.addi %parallel_loop3A_706, %parallel_loop3A_1035 : i32
        %parallel_loop3A_1037 = arith.index_cast %parallel_loop3A_1036 : i32 to index
        %parallel_loop3A_1038 = arith.constant 0 : index
        %parallel_loop3A_1039 = tpu.vector_load %arg22[%parallel_loop3A_1037, %parallel_loop3A_1038] {strides = array<i32>} : memref<128x64xf32, #tpu.memory_space<vmem>>, vector<16xf32>,
        %parallel_loop3A_1040 = vector.broadcast %parallel_loop3A_1034 : f32 to vector<16xf32>
        %parallel_loop3A_1041 = arith.mulf %parallel_loop3A_1039, %parallel_loop3A_1040 : vector<16xf32>
        %parallel_loop3A_1042 = arith.index_cast %parallel_loop3A_1036 : i32 to index
        %parallel_loop3A_1043 = arith.constant 0 : index
        %parallel_loop3A_1044 = tpu.vector_load %arg22[%parallel_loop3A_1042, %parallel_loop3A_1043] {strides = array<i32>} : memref<128x64xf32, #tpu.memory_space<vmem>>, vector<16xf32>,
        tpu.vector_store %arg22[%parallel_loop3A_1042, %parallel_loop3A_1043], %parallel_loop3A_1041 {strides = array<i32>} : memref<128x64xf32, #tpu.memory_space<vmem>>, vector<16xf32>,
        %parallel_loop3A_1045 = arith.index_cast %parallel_loop3A_1036 : i32 to index
        %parallel_loop3A_1046 = arith.constant 16 : index
        %parallel_loop3A_1047 = tpu.vector_load %arg22[%parallel_loop3A_1045, %parallel_loop3A_1046] {strides = array<i32>} : memref<128x64xf32, #tpu.memory_space<vmem>>, vector<16xf32>,
        %parallel_loop3A_1048 = vector.broadcast %parallel_loop3A_1034 : f32 to vector<16xf32>
        %parallel_loop3A_1049 = arith.mulf %parallel_loop3A_1047, %parallel_loop3A_1048 : vector<16xf32>
        %parallel_loop3A_1050 = arith.index_cast %parallel_loop3A_1036 : i32 to index
        %parallel_loop3A_1051 = arith.constant 16 : index
        %parallel_loop3A_1052 = tpu.vector_load %arg22[%parallel_loop3A_1050, %parallel_loop3A_1051] {strides = array<i32>} : memref<128x64xf32, #tpu.memory_space<vmem>>, vector<16xf32>,
        tpu.vector_store %arg22[%parallel_loop3A_1050, %parallel_loop3A_1051], %parallel_loop3A_1049 {strides = array<i32>} : memref<128x64xf32, #tpu.memory_space<vmem>>, vector<16xf32>,
        %parallel_loop3A_1053 = arith.index_cast %parallel_loop3A_1036 : i32 to index
        %parallel_loop3A_1054 = arith.constant 32 : index
        %parallel_loop3A_1055 = tpu.vector_load %arg22[%parallel_loop3A_1053, %parallel_loop3A_1054] {strides = array<i32>} : memref<128x64xf32, #tpu.memory_space<vmem>>, vector<16xf32>,
        %parallel_loop3A_1056 = vector.broadcast %parallel_loop3A_1034 : f32 to vector<16xf32>
        %parallel_loop3A_1057 = arith.mulf %parallel_loop3A_1055, %parallel_loop3A_1056 : vector<16xf32>
        %parallel_loop3A_1058 = arith.index_cast %parallel_loop3A_1036 : i32 to index
        %parallel_loop3A_1059 = arith.constant 32 : index
        %parallel_loop3A_1060 = tpu.vector_load %arg22[%parallel_loop3A_1058, %parallel_loop3A_1059] {strides = array<i32>} : memref<128x64xf32, #tpu.memory_space<vmem>>, vector<16xf32>,
        tpu.vector_store %arg22[%parallel_loop3A_1058, %parallel_loop3A_1059], %parallel_loop3A_1057 {strides = array<i32>} : memref<128x64xf32, #tpu.memory_space<vmem>>, vector<16xf32>,
        %parallel_loop3A_1061 = arith.index_cast %parallel_loop3A_1036 : i32 to index
        %parallel_loop3A_1062 = arith.constant 48 : index
        %parallel_loop3A_1063 = tpu.vector_load %arg22[%parallel_loop3A_1061, %parallel_loop3A_1062] {strides = array<i32>} : memref<128x64xf32, #tpu.memory_space<vmem>>, vector<16xf32>,
        %parallel_loop3A_1064 = vector.broadcast %parallel_loop3A_1034 : f32 to vector<16xf32>
        %parallel_loop3A_1065 = arith.mulf %parallel_loop3A_1063, %parallel_loop3A_1064 : vector<16xf32>
        %parallel_loop3A_1066 = arith.index_cast %parallel_loop3A_1036 : i32 to index
        %parallel_loop3A_1067 = arith.constant 48 : index
        %parallel_loop3A_1068 = tpu.vector_load %arg22[%parallel_loop3A_1066, %parallel_loop3A_1067] {strides = array<i32>} : memref<128x64xf32, #tpu.memory_space<vmem>>, vector<16xf32>,
        tpu.vector_store %arg22[%parallel_loop3A_1066, %parallel_loop3A_1067], %parallel_loop3A_1065 {strides = array<i32>} : memref<128x64xf32, #tpu.memory_space<vmem>>, vector<16xf32>,
        %parallel_loop3A_1069 = vector.extract_strided_slice %parallel_loop3A_708 {offsets = [10], sizes = [1], strides = [1]} : vector<16xf32> to vector<1xf32>
        %parallel_loop3A_1070 = vector.extract %parallel_loop3A_1069[0] : f32 from vector<1xf32>
        %parallel_loop3A_1071 = arith.constant 10 : i32
        %parallel_loop3A_1072 = arith.addi %parallel_loop3A_706, %parallel_loop3A_1071 : i32
        %parallel_loop3A_1073 = arith.index_cast %parallel_loop3A_1072 : i32 to index
        %parallel_loop3A_1074 = arith.constant 0 : index
        %parallel_loop3A_1075 = tpu.vector_load %arg22[%parallel_loop3A_1073, %parallel_loop3A_1074] {strides = array<i32>} : memref<128x64xf32, #tpu.memory_space<vmem>>, vector<16xf32>,
        %parallel_loop3A_1076 = vector.broadcast %parallel_loop3A_1070 : f32 to vector<16xf32>
        %parallel_loop3A_1077 = arith.mulf %parallel_loop3A_1075, %parallel_loop3A_1076 : vector<16xf32>
        %parallel_loop3A_1078 = arith.index_cast %parallel_loop3A_1072 : i32 to index
        %parallel_loop3A_1079 = arith.constant 0 : index
        %parallel_loop3A_1080 = tpu.vector_load %arg22[%parallel_loop3A_1078, %parallel_loop3A_1079] {strides = array<i32>} : memref<128x64xf32, #tpu.memory_space<vmem>>, vector<16xf32>,
        tpu.vector_store %arg22[%parallel_loop3A_1078, %parallel_loop3A_1079], %parallel_loop3A_1077 {strides = array<i32>} : memref<128x64xf32, #tpu.memory_space<vmem>>, vector<16xf32>,
        %parallel_loop3A_1081 = arith.index_cast %parallel_loop3A_1072 : i32 to index
        %parallel_loop3A_1082 = arith.constant 16 : index
        %parallel_loop3A_1083 = tpu.vector_load %arg22[%parallel_loop3A_1081, %parallel_loop3A_1082] {strides = array<i32>} : memref<128x64xf32, #tpu.memory_space<vmem>>, vector<16xf32>,
        %parallel_loop3A_1084 = vector.broadcast %parallel_loop3A_1070 : f32 to vector<16xf32>
        %parallel_loop3A_1085 = arith.mulf %parallel_loop3A_1083, %parallel_loop3A_1084 : vector<16xf32>
        %parallel_loop3A_1086 = arith.index_cast %parallel_loop3A_1072 : i32 to index
        %parallel_loop3A_1087 = arith.constant 16 : index
        %parallel_loop3A_1088 = tpu.vector_load %arg22[%parallel_loop3A_1086, %parallel_loop3A_1087] {strides = array<i32>} : memref<128x64xf32, #tpu.memory_space<vmem>>, vector<16xf32>,
        tpu.vector_store %arg22[%parallel_loop3A_1086, %parallel_loop3A_1087], %parallel_loop3A_1085 {strides = array<i32>} : memref<128x64xf32, #tpu.memory_space<vmem>>, vector<16xf32>,
        %parallel_loop3A_1089 = arith.index_cast %parallel_loop3A_1072 : i32 to index
        %parallel_loop3A_1090 = arith.constant 32 : index
        %parallel_loop3A_1091 = tpu.vector_load %arg22[%parallel_loop3A_1089, %parallel_loop3A_1090] {strides = array<i32>} : memref<128x64xf32, #tpu.memory_space<vmem>>, vector<16xf32>,
        %parallel_loop3A_1092 = vector.broadcast %parallel_loop3A_1070 : f32 to vector<16xf32>
        %parallel_loop3A_1093 = arith.mulf %parallel_loop3A_1091, %parallel_loop3A_1092 : vector<16xf32>
        %parallel_loop3A_1094 = arith.index_cast %parallel_loop3A_1072 : i32 to index
        %parallel_loop3A_1095 = arith.constant 32 : index
        %parallel_loop3A_1096 = tpu.vector_load %arg22[%parallel_loop3A_1094, %parallel_loop3A_1095] {strides = array<i32>} : memref<128x64xf32, #tpu.memory_space<vmem>>, vector<16xf32>,
        tpu.vector_store %arg22[%parallel_loop3A_1094, %parallel_loop3A_1095], %parallel_loop3A_1093 {strides = array<i32>} : memref<128x64xf32, #tpu.memory_space<vmem>>, vector<16xf32>,
        %parallel_loop3A_1097 = arith.index_cast %parallel_loop3A_1072 : i32 to index
        %parallel_loop3A_1098 = arith.constant 48 : index
        %parallel_loop3A_1099 = tpu.vector_load %arg22[%parallel_loop3A_1097, %parallel_loop3A_1098] {strides = array<i32>} : memref<128x64xf32, #tpu.memory_space<vmem>>, vector<16xf32>,
        %parallel_loop3A_1100 = vector.broadcast %parallel_loop3A_1070 : f32 to vector<16xf32>
        %parallel_loop3A_1101 = arith.mulf %parallel_loop3A_1099, %parallel_loop3A_1100 : vector<16xf32>
        %parallel_loop3A_1102 = arith.index_cast %parallel_loop3A_1072 : i32 to index
        %parallel_loop3A_1103 = arith.constant 48 : index
        %parallel_loop3A_1104 = tpu.vector_load %arg22[%parallel_loop3A_1102, %parallel_loop3A_1103] {strides = array<i32>} : memref<128x64xf32, #tpu.memory_space<vmem>>, vector<16xf32>,
        tpu.vector_store %arg22[%parallel_loop3A_1102, %parallel_loop3A_1103], %parallel_loop3A_1101 {strides = array<i32>} : memref<128x64xf32, #tpu.memory_space<vmem>>, vector<16xf32>,
        %parallel_loop3A_1105 = vector.extract_strided_slice %parallel_loop3A_708 {offsets = [11], sizes = [1], strides = [1]} : vector<16xf32> to vector<1xf32>
        %parallel_loop3A_1106 = vector.extract %parallel_loop3A_1105[0] : f32 from vector<1xf32>
        %parallel_loop3A_1107 = arith.constant 11 : i32
        %parallel_loop3A_1108 = arith.addi %parallel_loop3A_706, %parallel_loop3A_1107 : i32
        %parallel_loop3A_1109 = arith.index_cast %parallel_loop3A_1108 : i32 to index
        %parallel_loop3A_1110 = arith.constant 0 : index
        %parallel_loop3A_1111 = tpu.vector_load %arg22[%parallel_loop3A_1109, %parallel_loop3A_1110] {strides = array<i32>} : memref<128x64xf32, #tpu.memory_space<vmem>>, vector<16xf32>,
        %parallel_loop3A_1112 = vector.broadcast %parallel_loop3A_1106 : f32 to vector<16xf32>
        %parallel_loop3A_1113 = arith.mulf %parallel_loop3A_1111, %parallel_loop3A_1112 : vector<16xf32>
        %parallel_loop3A_1114 = arith.index_cast %parallel_loop3A_1108 : i32 to index
        %parallel_loop3A_1115 = arith.constant 0 : index
        %parallel_loop3A_1116 = tpu.vector_load %arg22[%parallel_loop3A_1114, %parallel_loop3A_1115] {strides = array<i32>} : memref<128x64xf32, #tpu.memory_space<vmem>>, vector<16xf32>,
        tpu.vector_store %arg22[%parallel_loop3A_1114, %parallel_loop3A_1115], %parallel_loop3A_1113 {strides = array<i32>} : memref<128x64xf32, #tpu.memory_space<vmem>>, vector<16xf32>,
        %parallel_loop3A_1117 = arith.index_cast %parallel_loop3A_1108 : i32 to index
        %parallel_loop3A_1118 = arith.constant 16 : index
        %parallel_loop3A_1119 = tpu.vector_load %arg22[%parallel_loop3A_1117, %parallel_loop3A_1118] {strides = array<i32>} : memref<128x64xf32, #tpu.memory_space<vmem>>, vector<16xf32>,
        %parallel_loop3A_1120 = vector.broadcast %parallel_loop3A_1106 : f32 to vector<16xf32>
        %parallel_loop3A_1121 = arith.mulf %parallel_loop3A_1119, %parallel_loop3A_1120 : vector<16xf32>
        %parallel_loop3A_1122 = arith.index_cast %parallel_loop3A_1108 : i32 to index
        %parallel_loop3A_1123 = arith.constant 16 : index
        %parallel_loop3A_1124 = tpu.vector_load %arg22[%parallel_loop3A_1122, %parallel_loop3A_1123] {strides = array<i32>} : memref<128x64xf32, #tpu.memory_space<vmem>>, vector<16xf32>,
        tpu.vector_store %arg22[%parallel_loop3A_1122, %parallel_loop3A_1123], %parallel_loop3A_1121 {strides = array<i32>} : memref<128x64xf32, #tpu.memory_space<vmem>>, vector<16xf32>,
        %parallel_loop3A_1125 = arith.index_cast %parallel_loop3A_1108 : i32 to index
        %parallel_loop3A_1126 = arith.constant 32 : index
        %parallel_loop3A_1127 = tpu.vector_load %arg22[%parallel_loop3A_1125, %parallel_loop3A_1126] {strides = array<i32>} : memref<128x64xf32, #tpu.memory_space<vmem>>, vector<16xf32>,
        %parallel_loop3A_1128 = vector.broadcast %parallel_loop3A_1106 : f32 to vector<16xf32>
        %parallel_loop3A_1129 = arith.mulf %parallel_loop3A_1127, %parallel_loop3A_1128 : vector<16xf32>
        %parallel_loop3A_1130 = arith.index_cast %parallel_loop3A_1108 : i32 to index
        %parallel_loop3A_1131 = arith.constant 32 : index
        %parallel_loop3A_1132 = tpu.vector_load %arg22[%parallel_loop3A_1130, %parallel_loop3A_1131] {strides = array<i32>} : memref<128x64xf32, #tpu.memory_space<vmem>>, vector<16xf32>,
        tpu.vector_store %arg22[%parallel_loop3A_1130, %parallel_loop3A_1131], %parallel_loop3A_1129 {strides = array<i32>} : memref<128x64xf32, #tpu.memory_space<vmem>>, vector<16xf32>,
        %parallel_loop3A_1133 = arith.index_cast %parallel_loop3A_1108 : i32 to index
        %parallel_loop3A_1134 = arith.constant 48 : index
        %parallel_loop3A_1135 = tpu.vector_load %arg22[%parallel_loop3A_1133, %parallel_loop3A_1134] {strides = array<i32>} : memref<128x64xf32, #tpu.memory_space<vmem>>, vector<16xf32>,
        %parallel_loop3A_1136 = vector.broadcast %parallel_loop3A_1106 : f32 to vector<16xf32>
        %parallel_loop3A_1137 = arith.mulf %parallel_loop3A_1135, %parallel_loop3A_1136 : vector<16xf32>
        %parallel_loop3A_1138 = arith.index_cast %parallel_loop3A_1108 : i32 to index
        %parallel_loop3A_1139 = arith.constant 48 : index
        %parallel_loop3A_1140 = tpu.vector_load %arg22[%parallel_loop3A_1138, %parallel_loop3A_1139] {strides = array<i32>} : memref<128x64xf32, #tpu.memory_space<vmem>>, vector<16xf32>,
        tpu.vector_store %arg22[%parallel_loop3A_1138, %parallel_loop3A_1139], %parallel_loop3A_1137 {strides = array<i32>} : memref<128x64xf32, #tpu.memory_space<vmem>>, vector<16xf32>,
        %parallel_loop3A_1141 = vector.extract_strided_slice %parallel_loop3A_708 {offsets = [12], sizes = [1], strides = [1]} : vector<16xf32> to vector<1xf32>
        %parallel_loop3A_1142 = vector.extract %parallel_loop3A_1141[0] : f32 from vector<1xf32>
        %parallel_loop3A_1143 = arith.constant 12 : i32
        %parallel_loop3A_1144 = arith.addi %parallel_loop3A_706, %parallel_loop3A_1143 : i32
        %parallel_loop3A_1145 = arith.index_cast %parallel_loop3A_1144 : i32 to index
        %parallel_loop3A_1146 = arith.constant 0 : index
        %parallel_loop3A_1147 = tpu.vector_load %arg22[%parallel_loop3A_1145, %parallel_loop3A_1146] {strides = array<i32>} : memref<128x64xf32, #tpu.memory_space<vmem>>, vector<16xf32>,
        %parallel_loop3A_1148 = vector.broadcast %parallel_loop3A_1142 : f32 to vector<16xf32>
        %parallel_loop3A_1149 = arith.mulf %parallel_loop3A_1147, %parallel_loop3A_1148 : vector<16xf32>
        %parallel_loop3A_1150 = arith.index_cast %parallel_loop3A_1144 : i32 to index
        %parallel_loop3A_1151 = arith.constant 0 : index
        %parallel_loop3A_1152 = tpu.vector_load %arg22[%parallel_loop3A_1150, %parallel_loop3A_1151] {strides = array<i32>} : memref<128x64xf32, #tpu.memory_space<vmem>>, vector<16xf32>,
        tpu.vector_store %arg22[%parallel_loop3A_1150, %parallel_loop3A_1151], %parallel_loop3A_1149 {strides = array<i32>} : memref<128x64xf32, #tpu.memory_space<vmem>>, vector<16xf32>,
        %parallel_loop3A_1153 = arith.index_cast %parallel_loop3A_1144 : i32 to index
        %parallel_loop3A_1154 = arith.constant 16 : index
        %parallel_loop3A_1155 = tpu.vector_load %arg22[%parallel_loop3A_1153, %parallel_loop3A_1154] {strides = array<i32>} : memref<128x64xf32, #tpu.memory_space<vmem>>, vector<16xf32>,
        %parallel_loop3A_1156 = vector.broadcast %parallel_loop3A_1142 : f32 to vector<16xf32>
        %parallel_loop3A_1157 = arith.mulf %parallel_loop3A_1155, %parallel_loop3A_1156 : vector<16xf32>
        %parallel_loop3A_1158 = arith.index_cast %parallel_loop3A_1144 : i32 to index
        %parallel_loop3A_1159 = arith.constant 16 : index
        %parallel_loop3A_1160 = tpu.vector_load %arg22[%parallel_loop3A_1158, %parallel_loop3A_1159] {strides = array<i32>} : memref<128x64xf32, #tpu.memory_space<vmem>>, vector<16xf32>,
        tpu.vector_store %arg22[%parallel_loop3A_1158, %parallel_loop3A_1159], %parallel_loop3A_1157 {strides = array<i32>} : memref<128x64xf32, #tpu.memory_space<vmem>>, vector<16xf32>,
        %parallel_loop3A_1161 = arith.index_cast %parallel_loop3A_1144 : i32 to index
        %parallel_loop3A_1162 = arith.constant 32 : index
        %parallel_loop3A_1163 = tpu.vector_load %arg22[%parallel_loop3A_1161, %parallel_loop3A_1162] {strides = array<i32>} : memref<128x64xf32, #tpu.memory_space<vmem>>, vector<16xf32>,
        %parallel_loop3A_1164 = vector.broadcast %parallel_loop3A_1142 : f32 to vector<16xf32>
        %parallel_loop3A_1165 = arith.mulf %parallel_loop3A_1163, %parallel_loop3A_1164 : vector<16xf32>
        %parallel_loop3A_1166 = arith.index_cast %parallel_loop3A_1144 : i32 to index
        %parallel_loop3A_1167 = arith.constant 32 : index
        %parallel_loop3A_1168 = tpu.vector_load %arg22[%parallel_loop3A_1166, %parallel_loop3A_1167] {strides = array<i32>} : memref<128x64xf32, #tpu.memory_space<vmem>>, vector<16xf32>,
        tpu.vector_store %arg22[%parallel_loop3A_1166, %parallel_loop3A_1167], %parallel_loop3A_1165 {strides = array<i32>} : memref<128x64xf32, #tpu.memory_space<vmem>>, vector<16xf32>,
        %parallel_loop3A_1169 = arith.index_cast %parallel_loop3A_1144 : i32 to index
        %parallel_loop3A_1170 = arith.constant 48 : index
        %parallel_loop3A_1171 = tpu.vector_load %arg22[%parallel_loop3A_1169, %parallel_loop3A_1170] {strides = array<i32>} : memref<128x64xf32, #tpu.memory_space<vmem>>, vector<16xf32>,
        %parallel_loop3A_1172 = vector.broadcast %parallel_loop3A_1142 : f32 to vector<16xf32>
        %parallel_loop3A_1173 = arith.mulf %parallel_loop3A_1171, %parallel_loop3A_1172 : vector<16xf32>
        %parallel_loop3A_1174 = arith.index_cast %parallel_loop3A_1144 : i32 to index
        %parallel_loop3A_1175 = arith.constant 48 : index
        %parallel_loop3A_1176 = tpu.vector_load %arg22[%parallel_loop3A_1174, %parallel_loop3A_1175] {strides = array<i32>} : memref<128x64xf32, #tpu.memory_space<vmem>>, vector<16xf32>,
        tpu.vector_store %arg22[%parallel_loop3A_1174, %parallel_loop3A_1175], %parallel_loop3A_1173 {strides = array<i32>} : memref<128x64xf32, #tpu.memory_space<vmem>>, vector<16xf32>,
        %parallel_loop3A_1177 = vector.extract_strided_slice %parallel_loop3A_708 {offsets = [13], sizes = [1], strides = [1]} : vector<16xf32> to vector<1xf32>
        %parallel_loop3A_1178 = vector.extract %parallel_loop3A_1177[0] : f32 from vector<1xf32>
        %parallel_loop3A_1179 = arith.constant 13 : i32
        %parallel_loop3A_1180 = arith.addi %parallel_loop3A_706, %parallel_loop3A_1179 : i32
        %parallel_loop3A_1181 = arith.index_cast %parallel_loop3A_1180 : i32 to index
        %parallel_loop3A_1182 = arith.constant 0 : index
        %parallel_loop3A_1183 = tpu.vector_load %arg22[%parallel_loop3A_1181, %parallel_loop3A_1182] {strides = array<i32>} : memref<128x64xf32, #tpu.memory_space<vmem>>, vector<16xf32>,
        %parallel_loop3A_1184 = vector.broadcast %parallel_loop3A_1178 : f32 to vector<16xf32>
        %parallel_loop3A_1185 = arith.mulf %parallel_loop3A_1183, %parallel_loop3A_1184 : vector<16xf32>
        %parallel_loop3A_1186 = arith.index_cast %parallel_loop3A_1180 : i32 to index
        %parallel_loop3A_1187 = arith.constant 0 : index
        %parallel_loop3A_1188 = tpu.vector_load %arg22[%parallel_loop3A_1186, %parallel_loop3A_1187] {strides = array<i32>} : memref<128x64xf32, #tpu.memory_space<vmem>>, vector<16xf32>,
        tpu.vector_store %arg22[%parallel_loop3A_1186, %parallel_loop3A_1187], %parallel_loop3A_1185 {strides = array<i32>} : memref<128x64xf32, #tpu.memory_space<vmem>>, vector<16xf32>,
        %parallel_loop3A_1189 = arith.index_cast %parallel_loop3A_1180 : i32 to index
        %parallel_loop3A_1190 = arith.constant 16 : index
        %parallel_loop3A_1191 = tpu.vector_load %arg22[%parallel_loop3A_1189, %parallel_loop3A_1190] {strides = array<i32>} : memref<128x64xf32, #tpu.memory_space<vmem>>, vector<16xf32>,
        %parallel_loop3A_1192 = vector.broadcast %parallel_loop3A_1178 : f32 to vector<16xf32>
        %parallel_loop3A_1193 = arith.mulf %parallel_loop3A_1191, %parallel_loop3A_1192 : vector<16xf32>
        %parallel_loop3A_1194 = arith.index_cast %parallel_loop3A_1180 : i32 to index
        %parallel_loop3A_1195 = arith.constant 16 : index
        %parallel_loop3A_1196 = tpu.vector_load %arg22[%parallel_loop3A_1194, %parallel_loop3A_1195] {strides = array<i32>} : memref<128x64xf32, #tpu.memory_space<vmem>>, vector<16xf32>,
        tpu.vector_store %arg22[%parallel_loop3A_1194, %parallel_loop3A_1195], %parallel_loop3A_1193 {strides = array<i32>} : memref<128x64xf32, #tpu.memory_space<vmem>>, vector<16xf32>,
        %parallel_loop3A_1197 = arith.index_cast %parallel_loop3A_1180 : i32 to index
        %parallel_loop3A_1198 = arith.constant 32 : index
        %parallel_loop3A_1199 = tpu.vector_load %arg22[%parallel_loop3A_1197, %parallel_loop3A_1198] {strides = array<i32>} : memref<128x64xf32, #tpu.memory_space<vmem>>, vector<16xf32>,
        %parallel_loop3A_1200 = vector.broadcast %parallel_loop3A_1178 : f32 to vector<16xf32>
        %parallel_loop3A_1201 = arith.mulf %parallel_loop3A_1199, %parallel_loop3A_1200 : vector<16xf32>
        %parallel_loop3A_1202 = arith.index_cast %parallel_loop3A_1180 : i32 to index
        %parallel_loop3A_1203 = arith.constant 32 : index
        %parallel_loop3A_1204 = tpu.vector_load %arg22[%parallel_loop3A_1202, %parallel_loop3A_1203] {strides = array<i32>} : memref<128x64xf32, #tpu.memory_space<vmem>>, vector<16xf32>,
        tpu.vector_store %arg22[%parallel_loop3A_1202, %parallel_loop3A_1203], %parallel_loop3A_1201 {strides = array<i32>} : memref<128x64xf32, #tpu.memory_space<vmem>>, vector<16xf32>,
        %parallel_loop3A_1205 = arith.index_cast %parallel_loop3A_1180 : i32 to index
        %parallel_loop3A_1206 = arith.constant 48 : index
        %parallel_loop3A_1207 = tpu.vector_load %arg22[%parallel_loop3A_1205, %parallel_loop3A_1206] {strides = array<i32>} : memref<128x64xf32, #tpu.memory_space<vmem>>, vector<16xf32>,
        %parallel_loop3A_1208 = vector.broadcast %parallel_loop3A_1178 : f32 to vector<16xf32>
        %parallel_loop3A_1209 = arith.mulf %parallel_loop3A_1207, %parallel_loop3A_1208 : vector<16xf32>
        %parallel_loop3A_1210 = arith.index_cast %parallel_loop3A_1180 : i32 to index
        %parallel_loop3A_1211 = arith.constant 48 : index
        %parallel_loop3A_1212 = tpu.vector_load %arg22[%parallel_loop3A_1210, %parallel_loop3A_1211] {strides = array<i32>} : memref<128x64xf32, #tpu.memory_space<vmem>>, vector<16xf32>,
        tpu.vector_store %arg22[%parallel_loop3A_1210, %parallel_loop3A_1211], %parallel_loop3A_1209 {strides = array<i32>} : memref<128x64xf32, #tpu.memory_space<vmem>>, vector<16xf32>,
        %parallel_loop3A_1213 = vector.extract_strided_slice %parallel_loop3A_708 {offsets = [14], sizes = [1], strides = [1]} : vector<16xf32> to vector<1xf32>
        %parallel_loop3A_1214 = vector.extract %parallel_loop3A_1213[0] : f32 from vector<1xf32>
        %parallel_loop3A_1215 = arith.constant 14 : i32
        %parallel_loop3A_1216 = arith.addi %parallel_loop3A_706, %parallel_loop3A_1215 : i32
        %parallel_loop3A_1217 = arith.index_cast %parallel_loop3A_1216 : i32 to index
        %parallel_loop3A_1218 = arith.constant 0 : index
        %parallel_loop3A_1219 = tpu.vector_load %arg22[%parallel_loop3A_1217, %parallel_loop3A_1218] {strides = array<i32>} : memref<128x64xf32, #tpu.memory_space<vmem>>, vector<16xf32>,
        %parallel_loop3A_1220 = vector.broadcast %parallel_loop3A_1214 : f32 to vector<16xf32>
        %parallel_loop3A_1221 = arith.mulf %parallel_loop3A_1219, %parallel_loop3A_1220 : vector<16xf32>
        %parallel_loop3A_1222 = arith.index_cast %parallel_loop3A_1216 : i32 to index
        %parallel_loop3A_1223 = arith.constant 0 : index
        %parallel_loop3A_1224 = tpu.vector_load %arg22[%parallel_loop3A_1222, %parallel_loop3A_1223] {strides = array<i32>} : memref<128x64xf32, #tpu.memory_space<vmem>>, vector<16xf32>,
        tpu.vector_store %arg22[%parallel_loop3A_1222, %parallel_loop3A_1223], %parallel_loop3A_1221 {strides = array<i32>} : memref<128x64xf32, #tpu.memory_space<vmem>>, vector<16xf32>,
        %parallel_loop3A_1225 = arith.index_cast %parallel_loop3A_1216 : i32 to index
        %parallel_loop3A_1226 = arith.constant 16 : index
        %parallel_loop3A_1227 = tpu.vector_load %arg22[%parallel_loop3A_1225, %parallel_loop3A_1226] {strides = array<i32>} : memref<128x64xf32, #tpu.memory_space<vmem>>, vector<16xf32>,
        %parallel_loop3A_1228 = vector.broadcast %parallel_loop3A_1214 : f32 to vector<16xf32>
        %parallel_loop3A_1229 = arith.mulf %parallel_loop3A_1227, %parallel_loop3A_1228 : vector<16xf32>
        %parallel_loop3A_1230 = arith.index_cast %parallel_loop3A_1216 : i32 to index
        %parallel_loop3A_1231 = arith.constant 16 : index
        %parallel_loop3A_1232 = tpu.vector_load %arg22[%parallel_loop3A_1230, %parallel_loop3A_1231] {strides = array<i32>} : memref<128x64xf32, #tpu.memory_space<vmem>>, vector<16xf32>,
        tpu.vector_store %arg22[%parallel_loop3A_1230, %parallel_loop3A_1231], %parallel_loop3A_1229 {strides = array<i32>} : memref<128x64xf32, #tpu.memory_space<vmem>>, vector<16xf32>,
        %parallel_loop3A_1233 = arith.index_cast %parallel_loop3A_1216 : i32 to index
        %parallel_loop3A_1234 = arith.constant 32 : index
        %parallel_loop3A_1235 = tpu.vector_load %arg22[%parallel_loop3A_1233, %parallel_loop3A_1234] {strides = array<i32>} : memref<128x64xf32, #tpu.memory_space<vmem>>, vector<16xf32>,
        %parallel_loop3A_1236 = vector.broadcast %parallel_loop3A_1214 : f32 to vector<16xf32>
        %parallel_loop3A_1237 = arith.mulf %parallel_loop3A_1235, %parallel_loop3A_1236 : vector<16xf32>
        %parallel_loop3A_1238 = arith.index_cast %parallel_loop3A_1216 : i32 to index
        %parallel_loop3A_1239 = arith.constant 32 : index
        %parallel_loop3A_1240 = tpu.vector_load %arg22[%parallel_loop3A_1238, %parallel_loop3A_1239] {strides = array<i32>} : memref<128x64xf32, #tpu.memory_space<vmem>>, vector<16xf32>,
        tpu.vector_store %arg22[%parallel_loop3A_1238, %parallel_loop3A_1239], %parallel_loop3A_1237 {strides = array<i32>} : memref<128x64xf32, #tpu.memory_space<vmem>>, vector<16xf32>,
        %parallel_loop3A_1241 = arith.index_cast %parallel_loop3A_1216 : i32 to index
        %parallel_loop3A_1242 = arith.constant 48 : index
        %parallel_loop3A_1243 = tpu.vector_load %arg22[%parallel_loop3A_1241, %parallel_loop3A_1242] {strides = array<i32>} : memref<128x64xf32, #tpu.memory_space<vmem>>, vector<16xf32>,
        %parallel_loop3A_1244 = vector.broadcast %parallel_loop3A_1214 : f32 to vector<16xf32>
        %parallel_loop3A_1245 = arith.mulf %parallel_loop3A_1243, %parallel_loop3A_1244 : vector<16xf32>
        %parallel_loop3A_1246 = arith.index_cast %parallel_loop3A_1216 : i32 to index
        %parallel_loop3A_1247 = arith.constant 48 : index
        %parallel_loop3A_1248 = tpu.vector_load %arg22[%parallel_loop3A_1246, %parallel_loop3A_1247] {strides = array<i32>} : memref<128x64xf32, #tpu.memory_space<vmem>>, vector<16xf32>,
        tpu.vector_store %arg22[%parallel_loop3A_1246, %parallel_loop3A_1247], %parallel_loop3A_1245 {strides = array<i32>} : memref<128x64xf32, #tpu.memory_space<vmem>>, vector<16xf32>,
        %parallel_loop3A_1249 = vector.extract_strided_slice %parallel_loop3A_708 {offsets = [15], sizes = [1], strides = [1]} : vector<16xf32> to vector<1xf32>
        %parallel_loop3A_1250 = vector.extract %parallel_loop3A_1249[0] : f32 from vector<1xf32>
        %parallel_loop3A_1251 = arith.constant 15 : i32
        %parallel_loop3A_1252 = arith.addi %parallel_loop3A_706, %parallel_loop3A_1251 : i32
        %parallel_loop3A_1253 = arith.index_cast %parallel_loop3A_1252 : i32 to index
        %parallel_loop3A_1254 = arith.constant 0 : index
        %parallel_loop3A_1255 = tpu.vector_load %arg22[%parallel_loop3A_1253, %parallel_loop3A_1254] {strides = array<i32>} : memref<128x64xf32, #tpu.memory_space<vmem>>, vector<16xf32>,
        %parallel_loop3A_1256 = vector.broadcast %parallel_loop3A_1250 : f32 to vector<16xf32>
        %parallel_loop3A_1257 = arith.mulf %parallel_loop3A_1255, %parallel_loop3A_1256 : vector<16xf32>
        %parallel_loop3A_1258 = arith.index_cast %parallel_loop3A_1252 : i32 to index
        %parallel_loop3A_1259 = arith.constant 0 : index
        %parallel_loop3A_1260 = tpu.vector_load %arg22[%parallel_loop3A_1258, %parallel_loop3A_1259] {strides = array<i32>} : memref<128x64xf32, #tpu.memory_space<vmem>>, vector<16xf32>,
        tpu.vector_store %arg22[%parallel_loop3A_1258, %parallel_loop3A_1259], %parallel_loop3A_1257 {strides = array<i32>} : memref<128x64xf32, #tpu.memory_space<vmem>>, vector<16xf32>,
        %parallel_loop3A_1261 = arith.index_cast %parallel_loop3A_1252 : i32 to index
        %parallel_loop3A_1262 = arith.constant 16 : index
        %parallel_loop3A_1263 = tpu.vector_load %arg22[%parallel_loop3A_1261, %parallel_loop3A_1262] {strides = array<i32>} : memref<128x64xf32, #tpu.memory_space<vmem>>, vector<16xf32>,
        %parallel_loop3A_1264 = vector.broadcast %parallel_loop3A_1250 : f32 to vector<16xf32>
        %parallel_loop3A_1265 = arith.mulf %parallel_loop3A_1263, %parallel_loop3A_1264 : vector<16xf32>
        %parallel_loop3A_1266 = arith.index_cast %parallel_loop3A_1252 : i32 to index
        %parallel_loop3A_1267 = arith.constant 16 : index
        %parallel_loop3A_1268 = tpu.vector_load %arg22[%parallel_loop3A_1266, %parallel_loop3A_1267] {strides = array<i32>} : memref<128x64xf32, #tpu.memory_space<vmem>>, vector<16xf32>,
        tpu.vector_store %arg22[%parallel_loop3A_1266, %parallel_loop3A_1267], %parallel_loop3A_1265 {strides = array<i32>} : memref<128x64xf32, #tpu.memory_space<vmem>>, vector<16xf32>,
        %parallel_loop3A_1269 = arith.index_cast %parallel_loop3A_1252 : i32 to index
        %parallel_loop3A_1270 = arith.constant 32 : index
        %parallel_loop3A_1271 = tpu.vector_load %arg22[%parallel_loop3A_1269, %parallel_loop3A_1270] {strides = array<i32>} : memref<128x64xf32, #tpu.memory_space<vmem>>, vector<16xf32>,
        %parallel_loop3A_1272 = vector.broadcast %parallel_loop3A_1250 : f32 to vector<16xf32>
        %parallel_loop3A_1273 = arith.mulf %parallel_loop3A_1271, %parallel_loop3A_1272 : vector<16xf32>
        %parallel_loop3A_1274 = arith.index_cast %parallel_loop3A_1252 : i32 to index
        %parallel_loop3A_1275 = arith.constant 32 : index
        %parallel_loop3A_1276 = tpu.vector_load %arg22[%parallel_loop3A_1274, %parallel_loop3A_1275] {strides = array<i32>} : memref<128x64xf32, #tpu.memory_space<vmem>>, vector<16xf32>,
        tpu.vector_store %arg22[%parallel_loop3A_1274, %parallel_loop3A_1275], %parallel_loop3A_1273 {strides = array<i32>} : memref<128x64xf32, #tpu.memory_space<vmem>>, vector<16xf32>,
        %parallel_loop3A_1277 = arith.index_cast %parallel_loop3A_1252 : i32 to index
        %parallel_loop3A_1278 = arith.constant 48 : index
        %parallel_loop3A_1279 = tpu.vector_load %arg22[%parallel_loop3A_1277, %parallel_loop3A_1278] {strides = array<i32>} : memref<128x64xf32, #tpu.memory_space<vmem>>, vector<16xf32>,
        %parallel_loop3A_1280 = vector.broadcast %parallel_loop3A_1250 : f32 to vector<16xf32>
        %parallel_loop3A_1281 = arith.mulf %parallel_loop3A_1279, %parallel_loop3A_1280 : vector<16xf32>
        %parallel_loop3A_1282 = arith.index_cast %parallel_loop3A_1252 : i32 to index
        %parallel_loop3A_1283 = arith.constant 48 : index
        %parallel_loop3A_1284 = tpu.vector_load %arg22[%parallel_loop3A_1282, %parallel_loop3A_1283] {strides = array<i32>} : memref<128x64xf32, #tpu.memory_space<vmem>>, vector<16xf32>,
        tpu.vector_store %arg22[%parallel_loop3A_1282, %parallel_loop3A_1283], %parallel_loop3A_1281 {strides = array<i32>} : memref<128x64xf32, #tpu.memory_space<vmem>>, vector<16xf32>,
      } {sc.loop_unroll_factor = 2 : i64, sc.parallel_access}
      %eq3A_695 = arith.constant 1 : i32
      %eq3A_696 = arith.cmpi eq, %arg0, %eq3A_695 : i32
      %convert_element_type3A_697 = arith.extui %eq3A_696 : i1 to i32
      %cond3A_698 = arith.constant 0 : i32
      %cond3A_699 = arith.cmpi ne, %convert_element_type3A_697, %cond3A_698 : i32
      scf.if %cond3A_699 {
        "tpu.region"() ({
          %run_scoped3A = tpu.sem_alloc : memref<!tpu.dma_semaphore, #tpu.memory_space<semaphore_mem>>
          %dma_start3A_703 = arith.constant 0 : i32
          %dma_start3A_704 = tpu.memref_slice %arg12[%dma_start3A_703] : memref<10240xf32, #tpu.memory_space<vmem_shared>> -> memref<10240xf32, #tpu.memory_space<vmem_shared>>
          tpu.enqueue_indirect_dma source(%arg20 : memref<128xf32, #tpu.memory_space<vmem>>) target(%dma_start3A_704 : memref<10240xf32, #tpu.memory_space<vmem_shared>>) offsets(%arg24 : memref<128xi32, #tpu.memory_space<vmem>>) semaphore(%run_scoped3A : memref<!tpu.dma_semaphore, #tpu.memory_space<semaphore_mem>>) {add = true}
          %dma_wait3A_705 = arith.constant 0 : i32
          %dma_wait3A_706 = tpu.memref_slice %arg12[%dma_wait3A_705] : memref<10240xf32, #tpu.memory_space<vmem_shared>> -> memref<10240xf32, #tpu.memory_space<vmem_shared>>
          tpu.wait_indirect_dma semaphore(%run_scoped3A : memref<!tpu.dma_semaphore, #tpu.memory_space<semaphore_mem>>) src(%arg20 : memref<128xf32, #tpu.memory_space<vmem>>) dst(%dma_wait3A_706 : memref<10240xf32, #tpu.memory_space<vmem_shared>>)
          tpu.yield
        }) : () -> ()
      } else {
      }
      %dma_start3A_700 = arith.constant 0 : i32
      %dma_start3A_701 = arith.constant 0 : i32
      %dma_start3A_702 = tpu.memref_slice %arg11[%dma_start3A_700, %dma_start3A_701] : memref<10240x64xf32, #tpu.memory_space<vmem_shared>> -> memref<10240x64xf32, #tpu.memory_space<vmem_shared>>
      tpu.enqueue_indirect_dma source(%arg22 : memref<128x64xf32, #tpu.memory_space<vmem>>) target(%dma_start3A_702 : memref<10240x64xf32, #tpu.memory_space<vmem_shared>>) offsets(%arg24 : memref<128xi32, #tpu.memory_space<vmem>>) semaphore(%arg30 : memref<!tpu.dma_semaphore, #tpu.memory_space<semaphore_mem>>) {add = true}
    }
    %scan3A_90 = arith.constant 81 : i32
    %dma_wait3A_91 = arith.constant 0 : i32
    %dma_wait3A_92 = arith.constant 0 : i32
    %dma_wait3A_93 = tpu.memref_slice %arg11[%dma_wait3A_91, %dma_wait3A_92] : memref<10240x64xf32, #tpu.memory_space<vmem_shared>> -> memref<10240x64xf32, #tpu.memory_space<vmem_shared>>
    tpu.wait_indirect_dma semaphore(%arg29 : memref<!tpu.dma_semaphore, #tpu.memory_space<semaphore_mem>>) src(%arg21 : memref<128x64xf32, #tpu.memory_space<vmem>>) dst(%dma_wait3A_93 : memref<10240x64xf32, #tpu.memory_space<vmem_shared>>)
    %dma_wait3A_94 = arith.constant 0 : i32
    %dma_wait3A_95 = arith.constant 0 : i32
    %dma_wait3A_96 = tpu.memref_slice %arg11[%dma_wait3A_94, %dma_wait3A_95] : memref<10240x64xf32, #tpu.memory_space<vmem_shared>> -> memref<10240x64xf32, #tpu.memory_space<vmem_shared>>
    tpu.wait_indirect_dma semaphore(%arg30 : memref<!tpu.dma_semaphore, #tpu.memory_space<semaphore_mem>>) src(%arg22 : memref<128x64xf32, #tpu.memory_space<vmem>>) dst(%dma_wait3A_96 : memref<10240x64xf32, #tpu.memory_space<vmem_shared>>)
    %barrier3A_97 = arith.constant 0 : index
    tpu.barrier barrier_id(%barrier3A_97)
    %mul3A_98 = arith.constant 10240 : i32
    %mul3A_99 = arith.muli %arg0, %mul3A_98 : i32
    %add3A_100 = arith.addi %mul3A_99, %mul3A_21 : i32
    %multiple_of3A_101 = tpu.assume_multiple %add3A_100, 8 : i32
    %multiple_of3A_102 = tpu.assume_multiple %mul3A_21, 8 : i32
    "tpu.region"() ({
      %run_scoped3A = tpu.sem_alloc : memref<!tpu.dma_semaphore, #tpu.memory_space<semaphore_mem>>
      %dma_start3A_103 = arith.constant 0 : i32
      %dma_start3A_104 = tpu.memref_slice %arg6[%multiple_of3A_101, %dma_start3A_103] : memref<20480x64xf32, #tpu.memory_space<hbm>> -> memref<640x64xf32, #tpu.memory_space<hbm>>
      %dma_start3A_105 = arith.constant 0 : i32
      %dma_start3A_106 = tpu.memref_slice %arg11[%multiple_of3A_102, %dma_start3A_105] : memref<10240x64xf32, #tpu.memory_space<vmem_shared>> -> memref<640x64xf32, #tpu.memory_space<vmem_shared>>
      tpu.enqueue_dma source(%dma_start3A_106 : memref<640x64xf32, #tpu.memory_space<vmem_shared>>) target(%dma_start3A_104 : memref<640x64xf32, #tpu.memory_space<hbm>>) target_semaphore(%run_scoped3A : memref<!tpu.dma_semaphore, #tpu.memory_space<semaphore_mem>>)
      %dma_wait3A_107 = arith.constant 0 : i32
      %dma_wait3A_108 = tpu.memref_slice %arg6[%multiple_of3A_101, %dma_wait3A_107] : memref<20480x64xf32, #tpu.memory_space<hbm>> -> memref<640x64xf32, #tpu.memory_space<hbm>>
      %dma_wait3A_109 = arith.constant 0 : i32
      %dma_wait3A_110 = tpu.memref_slice %arg11[%multiple_of3A_102, %dma_wait3A_109] : memref<10240x64xf32, #tpu.memory_space<vmem_shared>> -> memref<640x64xf32, #tpu.memory_space<vmem_shared>>
      tpu.wait_dma2 semaphore(%run_scoped3A : memref<!tpu.dma_semaphore, #tpu.memory_space<semaphore_mem>>) src(%dma_wait3A_110 : memref<640x64xf32, #tpu.memory_space<vmem_shared>>) dst(%dma_wait3A_108 : memref<640x64xf32, #tpu.memory_space<hbm>>)
      tpu.yield
    }) : () -> ()
    "tpu.region"() ({
      %run_scoped3A = tpu.sem_alloc : memref<!tpu.dma_semaphore, #tpu.memory_space<semaphore_mem>>
      %dma_start3A_103 = tpu.memref_slice %arg7[%multiple_of3A_101] : memref<20480xf32, #tpu.memory_space<hbm>> -> memref<640xf32, #tpu.memory_space<hbm>>
      %dma_start3A_104 = tpu.memref_slice %arg12[%multiple_of3A_102] : memref<10240xf32, #tpu.memory_space<vmem_shared>> -> memref<640xf32, #tpu.memory_space<vmem_shared>>
      tpu.enqueue_dma source(%dma_start3A_104 : memref<640xf32, #tpu.memory_space<vmem_shared>>) target(%dma_start3A_103 : memref<640xf32, #tpu.memory_space<hbm>>) target_semaphore(%run_scoped3A : memref<!tpu.dma_semaphore, #tpu.memory_space<semaphore_mem>>)
      %dma_wait3A_105 = tpu.memref_slice %arg7[%multiple_of3A_101] : memref<20480xf32, #tpu.memory_space<hbm>> -> memref<640xf32, #tpu.memory_space<hbm>>
      %dma_wait3A_106 = tpu.memref_slice %arg12[%multiple_of3A_102] : memref<10240xf32, #tpu.memory_space<vmem_shared>> -> memref<640xf32, #tpu.memory_space<vmem_shared>>
      tpu.wait_dma2 semaphore(%run_scoped3A : memref<!tpu.dma_semaphore, #tpu.memory_space<semaphore_mem>>) src(%dma_wait3A_106 : memref<640xf32, #tpu.memory_space<vmem_shared>>) dst(%dma_wait3A_105 : memref<640xf32, #tpu.memory_space<hbm>>)
      tpu.yield
    }) : () -> ()
    return
  }
}

module attributes {stable_mosaic.version = 14 : i64} {
  func.func @_proj_body(%arg0: i32, %arg1: memref<1024x128xf32, #tpu.memory_space<vmem>>, %arg2: memref<128x128xf32, #tpu.memory_space<vmem>>, %arg3: memref<1x128xf32, #tpu.memory_space<vmem>>, %arg4: memref<1x128xf32, #tpu.memory_space<vmem>>, %arg5: memref<1024x128xf32, #tpu.memory_space<vmem>>, %arg6: memref<1024xf32, #tpu.memory_space<vmem>>, %arg7: memref<1024xf32, #tpu.memory_space<vmem>>) attributes {dimension_semantics = [#tpu.dimension_semantics<arbitrary>], iteration_bounds = array<i64: 10>, scalar_prefetch = 0 : i64, scratch_operands = 0 : i64, tpu.core_type = #tpu.core_type<tc>, window_params = [{transform_indices = @transform_0, window_bounds = array<i64: 1024, 128>}, {pipeline_mode = #tpu.pipeline_mode<synchronous>, transform_indices = @transform_1, window_bounds = array<i64: 128, 128>}, {pipeline_mode = #tpu.pipeline_mode<synchronous>, transform_indices = @transform_2, window_bounds = array<i64: 1, 128>}, {pipeline_mode = #tpu.pipeline_mode<synchronous>, transform_indices = @transform_3, window_bounds = array<i64: 1, 128>}, {transform_indices = @transform_4, window_bounds = array<i64: 1024, 128>}, {transform_indices = @transform_5, window_bounds = array<i64: 1024>}, {transform_indices = @transform_6, window_bounds = array<i64: 1024>}]} {
    %get3A = arith.constant 0 : index
    %get3A_0 = arith.constant 0 : index
    %get3A_1 = vector.load %arg1[%get3A, %get3A_0] : memref<1024x128xf32, #tpu.memory_space<vmem>>, vector<1024x128xf32>
    %get3A_2 = arith.constant 0 : index
    %get3A_3 = arith.constant 0 : index
    %get3A_4 = vector.load %arg2[%get3A_2, %get3A_3] : memref<128x128xf32, #tpu.memory_space<vmem>>, vector<128x128xf32>
    %dot_general3A = arith.constant dense<0.000000e+00> : vector<1024x128xf32>
    %dot_general3A_5 = tpu.matmul %get3A_1, %get3A_4, %dot_general3A {dimension_numbers = #tpu.dot_dimension_numbers<[1], [0], [0], [1], [0, 0, 1, 1], [], []>, transpose_lhs_hint = false} : vector<1024x128xf32>, vector<128x128xf32>, vector<1024x128xf32> -> vector<1024x128xf32>
    %swap3A = arith.constant 0 : index
    %swap3A_6 = arith.constant 0 : index
    %swap3A_7 = vector.load %arg5[%swap3A, %swap3A_6] : memref<1024x128xf32, #tpu.memory_space<vmem>>, vector<1024x128xf32>
    tpu.vector_store %arg5[%swap3A, %swap3A_6], %dot_general3A_5 {strides = array<i32>} : memref<1024x128xf32, #tpu.memory_space<vmem>>, vector<1024x128xf32>,
    %get3A_8 = arith.constant 0 : index
    %get3A_9 = arith.constant 0 : index
    %get3A_10 = vector.load %arg3[%get3A_8, %get3A_9] : memref<1x128xf32, #tpu.memory_space<vmem>>, vector<1x128xf32>
    %mul3A = vector.broadcast %get3A_10 : vector<1x128xf32> to vector<1024x128xf32>
    %mul3A_11 = arith.mulf %dot_general3A_5, %mul3A : vector<1024x128xf32>
    %reduce_sum3A = arith.constant dense<0.000000e+00> : vector<1024xf32>
    %reduce_sum3A_12 = vector.multi_reduction <add>, %mul3A_11, %reduce_sum3A [1] : vector<1024x128xf32> to vector<1024xf32>
    %swap3A_13 = arith.constant 0 : index
    %swap3A_14 = vector.load %arg6[%swap3A_13] : memref<1024xf32, #tpu.memory_space<vmem>>, vector<1024xf32>
    tpu.vector_store %arg6[%swap3A_13], %reduce_sum3A_12 {strides = array<i32>} : memref<1024xf32, #tpu.memory_space<vmem>>, vector<1024xf32>,
    %get3A_15 = arith.constant 0 : index
    %get3A_16 = arith.constant 0 : index
    %get3A_17 = vector.load %arg4[%get3A_15, %get3A_16] : memref<1x128xf32, #tpu.memory_space<vmem>>, vector<1x128xf32>
    %mul3A_18 = vector.broadcast %get3A_17 : vector<1x128xf32> to vector<1024x128xf32>
    %mul3A_19 = arith.mulf %dot_general3A_5, %mul3A_18 : vector<1024x128xf32>
    %reduce_sum3A_20 = arith.constant dense<0.000000e+00> : vector<1024xf32>
    %reduce_sum3A_21 = vector.multi_reduction <add>, %mul3A_19, %reduce_sum3A_20 [1] : vector<1024x128xf32> to vector<1024xf32>
    %swap3A_22 = arith.constant 0 : index
    %swap3A_23 = vector.load %arg7[%swap3A_22] : memref<1024xf32, #tpu.memory_space<vmem>>, vector<1024xf32>
    tpu.vector_store %arg7[%swap3A_22], %reduce_sum3A_21 {strides = array<i32>} : memref<1024xf32, #tpu.memory_space<vmem>>, vector<1024xf32>,
    return
  }
  func.func @transform_0(%arg0: i32) -> (i32, i32) {
    %c0_i32 = arith.constant 0 : i32
    %c0_i32_0 = arith.constant 0 : i32
    return %arg0, %c0_i32 : i32, i32
  }
  func.func @transform_1(%arg0: i32) -> (i32, i32) {
    %c0_i32 = arith.constant 0 : i32
    %c0_i32_0 = arith.constant 0 : i32
    %c0_i32_1 = arith.constant 0 : i32
    return %c0_i32, %c0_i32_0 : i32, i32
  }
  func.func @transform_2(%arg0: i32) -> (i32, i32) {
    %c0_i32 = arith.constant 0 : i32
    %c0_i32_0 = arith.constant 0 : i32
    %c0_i32_1 = arith.constant 0 : i32
    return %c0_i32, %c0_i32_0 : i32, i32
  }
  func.func @transform_3(%arg0: i32) -> (i32, i32) {
    %c0_i32 = arith.constant 0 : i32
    %c0_i32_0 = arith.constant 0 : i32
    %c0_i32_1 = arith.constant 0 : i32
    return %c0_i32, %c0_i32_0 : i32, i32
  }
  func.func @transform_4(%arg0: i32) -> (i32, i32) {
    %c0_i32 = arith.constant 0 : i32
    %c0_i32_0 = arith.constant 0 : i32
    return %arg0, %c0_i32 : i32, i32
  }
  func.func @transform_5(%arg0: i32) -> i32 {
    %c0_i32 = arith.constant 0 : i32
    return %arg0 : i32
  }
  func.func @transform_6(%arg0: i32) -> i32 {
    %c0_i32 = arith.constant 0 : i32
    return %arg0 : i32
  }
}

module attributes {stable_mosaic.version = 14 : i64} {
  func.func @_fin_body(%arg0: i32, %arg1: memref<2x1024x64xf32, #tpu.memory_space<vmem>>, %arg2: memref<2x1024xf32, #tpu.memory_space<vmem>>, %arg3: memref<1x128xf32, #tpu.memory_space<vmem>>, %arg4: memref<1024x128xf32, #tpu.memory_space<vmem>>) attributes {dimension_semantics = [#tpu.dimension_semantics<arbitrary>], iteration_bounds = array<i64: 10>, scalar_prefetch = 0 : i64, scratch_operands = 0 : i64, tpu.core_type = #tpu.core_type<tc>, window_params = [{transform_indices = @transform_0, window_bounds = array<i64: 2, 1024, 64>}, {transform_indices = @transform_1, window_bounds = array<i64: 2, 1024>}, {pipeline_mode = #tpu.pipeline_mode<synchronous>, transform_indices = @transform_2, window_bounds = array<i64: 1, 128>}, {transform_indices = @transform_3, window_bounds = array<i64: 1024, 128>}]} {
    %get3A = arith.constant 0 : index
    %get3A_0 = arith.constant 0 : index
    %get3A_1 = vector.load %arg2[%get3A, %get3A_0] : memref<2x1024xf32, #tpu.memory_space<vmem>>, vector<1x1024xf32>
    %get3A_2 = vector.shape_cast %get3A_1 : vector<1x1024xf32> to vector<1024xf32>
    %get3A_3 = arith.constant 1 : index
    %get3A_4 = arith.constant 0 : index
    %get3A_5 = vector.load %arg2[%get3A_3, %get3A_4] : memref<2x1024xf32, #tpu.memory_space<vmem>>, vector<1x1024xf32>
    %get3A_6 = vector.shape_cast %get3A_5 : vector<1x1024xf32> to vector<1024xf32>
    %add3A = arith.addf %get3A_2, %get3A_6 : vector<1024xf32>
    %add3A_7 = arith.constant 1.000000e-16 : f32
    %add3A_8 = vector.broadcast %add3A_7 : f32 to vector<1024xf32>
    %add3A_9 = arith.addf %add3A, %add3A_8 : vector<1024xf32>
    %get3A_10 = arith.constant 0 : index
    %get3A_11 = arith.constant 0 : index
    %get3A_12 = arith.constant 0 : index
    %get3A_13 = vector.load %arg1[%get3A_10, %get3A_11, %get3A_12] : memref<2x1024x64xf32, #tpu.memory_space<vmem>>, vector<1x1024x64xf32>
    %get3A_14 = vector.shape_cast %get3A_13 : vector<1x1024x64xf32> to vector<1024x64xf32>
    %get3A_15 = arith.constant 1 : index
    %get3A_16 = arith.constant 0 : index
    %get3A_17 = arith.constant 0 : index
    %get3A_18 = vector.load %arg1[%get3A_15, %get3A_16, %get3A_17] : memref<2x1024x64xf32, #tpu.memory_space<vmem>>, vector<1x1024x64xf32>
    %get3A_19 = vector.shape_cast %get3A_18 : vector<1x1024x64xf32> to vector<1024x64xf32>
    %concatenate3A = tpu.concatenate %get3A_14, %get3A_19 in 1 : vector<1024x64xf32>, vector<1024x64xf32> -> vector<1024x128xf32>
    %broadcast_in_dim3A = vector.shape_cast %add3A_9 : vector<1024xf32> to vector<1024x1xf32>
    %div3A = vector.broadcast %broadcast_in_dim3A : vector<1024x1xf32> to vector<1024x128xf32>
    %div3A_20 = arith.divf %concatenate3A, %div3A : vector<1024x128xf32>
    %get3A_21 = arith.constant 0 : index
    %get3A_22 = arith.constant 0 : index
    %get3A_23 = vector.load %arg3[%get3A_21, %get3A_22] : memref<1x128xf32, #tpu.memory_space<vmem>>, vector<1x128xf32>
    %add3A_24 = vector.broadcast %get3A_23 : vector<1x128xf32> to vector<1024x128xf32>
    %add3A_25 = arith.addf %div3A_20, %add3A_24 : vector<1024x128xf32>
    %swap3A = arith.constant 0 : index
    %swap3A_26 = arith.constant 0 : index
    %swap3A_27 = vector.load %arg4[%swap3A, %swap3A_26] : memref<1024x128xf32, #tpu.memory_space<vmem>>, vector<1024x128xf32>
    tpu.vector_store %arg4[%swap3A, %swap3A_26], %add3A_25 {strides = array<i32>} : memref<1024x128xf32, #tpu.memory_space<vmem>>, vector<1024x128xf32>,
    return
  }
  func.func @transform_0(%arg0: i32) -> (i32, i32, i32) {
    %c0_i32 = arith.constant 0 : i32
    %c0_i32_0 = arith.constant 0 : i32
    %c0_i32_1 = arith.constant 0 : i32
    return %c0_i32, %arg0, %c0_i32_0 : i32, i32, i32
  }
  func.func @transform_1(%arg0: i32) -> (i32, i32) {
    %c0_i32 = arith.constant 0 : i32
    %c0_i32_0 = arith.constant 0 : i32
    return %c0_i32, %arg0 : i32, i32
  }
  func.func @transform_2(%arg0: i32) -> (i32, i32) {
    %c0_i32 = arith.constant 0 : i32
    %c0_i32_0 = arith.constant 0 : i32
    %c0_i32_1 = arith.constant 0 : i32
    return %c0_i32, %c0_i32_0 : i32, i32
  }
  func.func @transform_3(%arg0: i32) -> (i32, i32) {
    %c0_i32 = arith.constant 0 : i32
    %c0_i32_0 = arith.constant 0 : i32
    return %arg0, %c0_i32 : i32, i32
  }
}

</mosaic_0001>

<sc_bundles>
// kernel: kernel.5.cloned.1.call-start
scs
__scs_entry_jumppad:
0x0: {  	(pc) =	sbr.rel $0x88, $3  }
0x1: {  	(tag) =	ssettag $0x0;
	lr =	simm.s32 $0x1  }
0x2: {  	[smem:$0x3F9C] =	sst lr;
	_ =	strace $0xD0000000  }
0x3: {  	_ = 	snop  }
0x4: {  	_ = 	snop  }
0x5: {  	_ = 	snop  }
0x6: {  	_ = 	snop  }
0x7: {  	_ = 	snop  }
__scs_overlays_trampoline_lowered:
0x8: {  	[smem:$0x3FAB] =	sst s0  }
0x9: {  	[smem:$0x3FAC] =	sst s1  }
0xa: {  	[smem:$0x3FAD] =	sst s2  }
0xb: {  	[smem:$0x3FAE] =	sst s3  }
0xc: {  	[smem:$0x3FAF] =	sst s4  }
0xd: {  	[smem:$0x3FB0] =	sst s5  }
0xe: {  	[smem:$0x3FB1] =	sst s6  }
0xf: {  	[smem:$0x3FB2] =	sst s7  }
0x10: {  	[smem:$0x3FB3] =	sst s8  }
0x11: {  	[smem:$0x3FB4] =	sst s9;
	s0 =	simm.s32 @!p0 $0x0  }
0x12: {  	s1 =	sld [smem:$0x3F9A];
	s0 =	simm.s32 @p0 $0x1  }
0x13: {  	[smem:$0x3FB5] =	sst s0;
	s0 =	simm.s32 @!p1 $0x0  }
0x14: {  	s2 =	sld [smem:$0x3F99];
	s0 =	simm.s32 @p1 $0x1  }
0x15: {  	[smem:$0x3FB6] =	sst s0;
	s0 =	simm.s32 @!p2 $0x0  }
0x16: {  	s3 =	sld [smem:$0x3FDB];
	s0 =	simm.s32 @p2 $0x1  }
0x17: {  	s4 =	simm.s32 $0x1BF5;
	[smem:$0x3FB8] =	sst s0  }
0x18: {  	s0 =	sld [smem:$0x3F9B];
	_ =	swait.ge [sflag:s4], $0x0  }
0x19: {  	s7 =	sld [smem:$0x3F9C]  }
0x1a: {  	s8 =	sadd.s32 $0xFFFFE003, lr  }
0x1b: {  	s9 =	sadd.s32 $0xFFFFFEF7, lr;
	s5 =	simm.s32 $0xFFFFFFFF;
	p2 =	slt.u32 s8, $0xFFFFF086  }
0x1c: {  	p1 =	slt.u32 s9, $0xF7A;
	s5 =	simm.s32 @!p2 $0x0  }
0x1d: {  	s5 =	simm.s32 @p1 $0x1;
	p0 =	seq.s32 s7, s2  }
0x1e: {  	s7 =	smul.u32 @!p0 $0xF7A, s2;
	p2 =	seq.s32 @!p0 s5, $0x0  }
0x1f: {  	s9 =	smul.u32 $0xF7A, s1;
	s8 =	simm.s32 @!p0 $0x1BF5;
	p2 =	por !p2, p0  }
0x20: {  	[sflag:s8] =	ssyncset.s32 @!p0 $0xFFFFF086;
	s6 =	sadd.s32 @!p0 s3, s7;
	s7 =	simm.s32 @!p0 $0x108  }
0x21: {  	s3 =	sadd.s32 s3, s9;
	s6 =	sadd.s32 @!p0 $0x88, s6;
	s7 =	simm.s32 @p2 $0x1082  }
0x22: {  	[simem:s7], [sflag:s8] =	dma.local @!p0 [hbm:s6], $0xF7A  }
0x23: {  	s9 =	sor.u32 $0xD0000000, s2;
	s6 =	simm.s32 $0x108;
	_ =	swait.ge @!p0 [sflag:s8], $0x0  }
0x24: {  	s3 =	sadd.s32 $0x88, s3;
	s6 =	simm.s32 @!p1 $0x1082;
	[sflag:s4] =	ssyncset.s32 $0xFFFFF086  }
0x25: {  	[simem:s6], [sflag:s4] =	dma.local [hbm:s3], $0xF7A  }
0x26: {  	[smem:$0x3F9C] =	sst s1;
	(tag) =	ssettag s2;
	_ =	strace s9  }
0x27: {  	s1 =	sld [smem:$0x3FAC]  }
0x28: {  	s2 =	sld [smem:$0x3FAD]  }
0x29: {  	s4 =	sld [smem:$0x3FAF]  }
0x2a: {  	p0 =	seq.s32 s5, $0x0;
	s5 =	sld [smem:$0x3FB0]  }
0x2b: {  	s6 =	sld [smem:$0x3FB1]  }
0x2c: {  	s7 =	sld [smem:$0x3FB2]  }
0x2d: {  	s3 =	simm.s32 $0x108;
	s8 =	sld [smem:$0x3FB3]  }
0x2e: {  	s3 =	simm.s32 @!p0 $0x1082;
	s9 =	sld [smem:$0x3FB4]  }
0x2f: {  	lr =	sadd.s32 s0, s3;
	s0 =	sld [smem:$0x3FAB]  }
0x30: {  	s3 =	sld [smem:$0x3FAE]  }
0x31: {  	[smem:$0x3FB7] =	sst s10  }
0x32: {  	s10 =	sld [smem:$0x3FB5];
	_ =	sdelay $0x3  }
0x33: {  	p0 =	seq.s32 s10, $0x1;
	s10 =	sld [smem:$0x3FB7];
	_ =	sdelay $0x3  }
0x34: {  	[smem:$0x3FB7] =	sst s10  }
0x35: {  	s10 =	sld [smem:$0x3FB6];
	_ =	sdelay $0x3  }
0x36: {  	p1 =	seq.s32 s10, $0x1;
	s10 =	sld [smem:$0x3FB7];
	_ =	sdelay $0x3  }
0x37: {  	[smem:$0x3FB7] =	sst s10  }
0x38: {  	s10 =	sld [smem:$0x3FB8]  }
0x39: {  	_ = 	snop;
	(pc) =	sbr.ind lr, $3  }
0x3a: {  	_ = 	snop  }
0x3b: {  	_ = 	snop  }
0x3c: {  	p2 =	seq.s32 s10, $0x1;
	s10 =	sld [smem:$0x3FB7]  }
0x3d: {  	_ =	shalt  }
0x3e: {  	_ =	shalt  }
0x3f: {  	_ =	shalt  }
0x40: {  	_ =	shalt  }
0x41: {  	_ =	shalt  }
0x42: {  	_ =	shalt  }
0x43: {  	_ =	shalt  }
0x44: {  	_ =	shalt  }
0x45: {  	_ =	shalt  }
0x46: {  	_ =	shalt  }
0x47: {  	_ =	shalt  }
0x48: {  	_ =	shalt  }
0x49: {  	_ =	shalt  }
0x4a: {  	_ =	shalt  }
0x4b: {  	_ =	shalt  }
0x4c: {  	_ =	shalt  }
0x4d: {  	_ =	shalt  }
0x4e: {  	_ =	shalt  }
0x4f: {  	_ =	shalt  }
0x50: {  	_ =	shalt  }
0x51: {  	_ =	shalt  }
0x52: {  	_ =	shalt  }
0x53: {  	_ =	shalt  }
0x54: {  	_ =	shalt  }
0x55: {  	_ =	shalt  }
0x56: {  	_ =	shalt  }
0x57: {  	_ =	shalt  }
0x58: {  	_ =	shalt  }
0x59: {  	_ =	shalt  }
0x5a: {  	_ =	shalt  }
0x5b: {  	_ =	shalt  }
0x5c: {  	_ =	shalt  }
0x5d: {  	_ =	shalt  }
0x5e: {  	_ =	shalt  }
0x5f: {  	_ =	shalt  }
0x60: {  	_ =	shalt  }
0x61: {  	_ =	shalt  }
0x62: {  	_ =	shalt  }
0x63: {  	_ =	shalt  }
0x64: {  	_ =	shalt  }
0x65: {  	_ =	shalt  }
0x66: {  	_ =	shalt  }
0x67: {  	_ =	shalt  }
0x68: {  	_ =	shalt  }
0x69: {  	_ =	shalt  }
0x6a: {  	_ =	shalt  }
0x6b: {  	_ =	shalt  }
0x6c: {  	_ =	shalt  }
0x6d: {  	_ =	shalt  }
0x6e: {  	_ =	shalt  }
0x6f: {  	_ =	shalt  }
0x70: {  	_ =	shalt  }
0x71: {  	_ =	shalt  }
0x72: {  	_ =	shalt  }
0x73: {  	_ =	shalt  }
0x74: {  	_ =	shalt  }
0x75: {  	_ =	shalt  }
0x76: {  	_ =	shalt  }
0x77: {  	_ =	shalt  }
0x78: {  	_ =	shalt  }
0x79: {  	_ =	shalt  }
0x7a: {  	_ =	shalt  }
0x7b: {  	_ =	shalt  }
0x7c: {  	_ =	shalt  }
0x7d: {  	_ =	shalt  }
0x7e: {  	_ =	shalt  }
0x7f: {  	_ =	shalt  }
0x80: {  	_ =	shalt  }
0x81: {  	_ =	shalt  }
0x82: {  	_ =	shalt  }
0x83: {  	_ =	shalt  }
0x84: {  	_ =	shalt  }
0x85: {  	_ =	shalt  }
0x86: {  	_ =	shalt  }
0x87: {  	_ =	shalt  }
.Lfunc_end0:
.L_simem_size_0:
called_computation_lowered:
.L_overlay_start_0:
0x88: {  	s2 =	sld [smem:$0x3FD9]  }
0x89: {  	s3 =	sld [smem:$0x3FFE];
	_ =	sdelay $0x1  }
0x8a: {  	s1 =	srdreg.scid  }
0x8b: {  	s0 =	sand.u32 $0x1, s1  }
0x8c: {  	s17 =	sshll.u32 s0, $0xA;
	s2 =	sadd.s32 s3, s2  }
0x8d: {  	s2 =	sadd.s32 s2, s17  }
0x8e: {  	[smem:$0x3FC3] =	sst s2  }
0x8f: {  	_ = 	snop  }
0x90: {  	s2 =	sld [smem:$0x3FD0];
	(tm) =	ssettm $0x1  }
0x91: {  	s18 =	sld [smem:$0x3FFB];
	_ =	sdelay $0x3  }
0x92: {  	_ =	strace s18  }
0x93: {  	s3 =	sld [smem:$0x3FFC];
	_ =	sdelay $0x3  }
0x94: {  	_ =	strace s3  }
0x95: {  	s3 =	sld [smem:$0x3FFD];
	_ =	sdelay $0x3  }
0x96: {  	_ =	strace s3  }
0x97: {  	_ =	strace $0x8FFFFFFF  }
0x98: {  	s19 =	sld [smem:$0x3FDB];
	_ =	sdelay $0x1  }
0x99: {  	s4 =	simm.s32 $_scs_section_size  }
0x9a: {  	s5 =	simm.s32 $_size__tile_overlayer_lowered;
	s6 =	simm.s32 $_tile_overlayer_lowered  }
0x9b: {  	s22 =	simm.s32 $0x1BFF;
	s21 =	sshll.u32 s6, $0x1;
	s3 =	sadd.s32 s4, s19  }
0x9c: {  	s7 =	simm.s32 $0x0;
	s20 =	sshll.u32 s5, $0x1;
	s5 =	sadd.s32 s21, s3  }
0x9d: {  	[timem:s7], [sflag:s22] =	dma.local [hbm:s5], s20  }
0x9e: {  	_ =	swait.ge [sflag:s22], s20  }
0x9f: {  	s4 =	ssub.s32 $0x0, s20;
	[sflag:s22] =	ssyncset.done $0x0  }
0xa0: {  	[sflag:s22] =	ssyncadd.s32 s4;
	_ =	sdelay $0x1  }
0xa1: {  	s23 =	simm.s32 $0x1B8B  }
0xa2: {  	_ =	swait.ge [sflag:s23], $0x1  }
0xa3: {  	[sflag:s23] =	ssyncset.done $0x0  }
0xa4: {  	s25 =	simm.s32 $0x1B8E;
	s24 =	sld [smem:$0x3FFE];
	[sflag:s23] =	ssyncadd.s32 $0xFFFFFFFF  }
0xa5: {  	s26 =	simm.s32 $execute0_lowered;
	[smem:$0x3FD2] =	sst s25  }
0xa6: {  	s5 =	sshll.u32 s26, $0x1;
	_ =	strace $0x80000046;
	[dreg:$0x1] =	wrdreg $0xFFFFFFFF  }
0xa7: {  	s28 =	simm.s32 $_size_execute0_lowered;
	s3 =	sadd.s32 s3, s5;
	[dreg:$0x0] =	wrdreg $0x0  }
0xa8: {  	s5 =	sshll.u32 s28, $0x1;
	[dreg:$0x2] =	wrdreg s3  }
0xa9: {  	[dreg:$0x3] =	wrdreg s5  }
0xaa: {  	[dreg:$0x4] =	wrdreg $0xC0  }
0xab: {  	_ =	task [dreg:s7], $0x5FFFF  }
0xac: {  	[dreg:$0x1] =	wrdreg $0xFFFFFFFF  }
0xad: {  	[dreg:$0x0] =	wrdreg $0x60  }
0xae: {  	[dreg:$0x2] =	wrdreg s24  }
0xaf: {  	[dreg:$0x3] =	wrdreg s2  }
0xb0: {  	[dreg:$0x4] =	wrdreg $0xA5000  }
0xb1: {  	[dreg:$0x5] =	wrdreg $0x145000  }
0xb2: {  	[dreg:$0x6] =	wrdreg $0x0  }
0xb3: {  	[dreg:$0x7] =	wrdreg $0xA0000  }
0xb4: {  	[dreg:$0x8] =	wrdreg $0xA2800  }
0xb5: {  	[dreg:$0x9] =	wrdreg $0x9  }
0xb6: {  	_ =	task.clear_ibuf [dreg:s7], $0xAFFFF;
	_ =	strace $0x90000046  }
0xb7: {  	s29 =	simm.s32 $0x9;
	_ =	strace $0x80000048  }
0xb8: {  	_ =	swait.ge [sflag:s29], $0x1  }
0xb9: {  	[sflag:s29] =	ssyncadd.s32 $0xFFFFFFFF  }
0xba: {  	_ =	strace $0x90000048  }
0xbb: {  	_ =	sfence  }
0xbc: {  	s30 =	sld [smem:$0x0];
	_ =	sdelay $0x2  }
0xbd: {  	s31 =	sshll.u32 s1, $0xD;
	s1 =	sshrl.u32 s1, $0x2  }
0xbe: {  	s3 =	sand.u32 $0x4000, s31;
	s1 =	sadd.s32 s1, s30  }
0xbf: {  	s0 =	sor.u32 s3, s0;
	s1 =	sshll.u32 s1, $0x11  }
0xc0: {  	s0 =	sor.u32 s1, s0  }
0xc1: {  	s0 =	sadd.s32 $0x8F2B, s0  }
0xc2: {  	[sflag:s0] =	ssyncadd.remote.s32 $0x1  }
0xc3: {  	_ =	sfence.sel $0xFFFF  }
0xc4: {  	[dreg:$0x0] =	wrdreg $0xFFFFFFFF;
	(pc) =	sbr.abs _section_cstart, $3  }
0xc5: {  	[dreg:$0x1] =	wrdreg $0xFFFFFFFF  }
0xc6: {  	_ =	task.clear_ibuf [dreg:s7], $0x2FFFF;
	_ =	strace $0x9FFFFFFF  }
0xc7: {  	(tm) =	ssettm $0x7FFFFFFF  }
tec
execute0_lowered:
.L_overlay_start_1:
0x0: {  	(tag) =	ssettag $0x1  }
0x1: {  	s1 =	rddreg [dreg:$0x0]  }
0x2: {  	s0 =	rddreg [dreg:$0x1]  }
0x3: {  	s2 =	rddreg [dreg:$0x2]  }
0x4: {  	s3 =	rddreg [dreg:$0x3]  }
0x5: {  	s4 =	rddreg [dreg:$0x4]  }
0x6: {  	s5 =	srdreg.scid;
	s18 =	stileid.u32  }
0x7: {  	s6 =	rddreg [dreg:$0x5];
	s9 =	smul.u32 $0xA000, s18  }
0x8: {  	s7 =	rddreg [dreg:$0x6];
	s11 =	smul.u32 $0x280, s18  }
0x9: {  	s8 =	simm.s32 $0x0;
	s5 =	sand.u32 $0x1, s5;
	s28 =	smul.u32 $0xA2, s18  }
0xa: {  	[smem:$0x7FF] =	sst s8;
	s10 =	smul.u32 $0xA0000, s5  }
0xb: {  	s29 =	simm.s32 $0x18D00;
	s12 =	smul.u32 $0x2800, s5;
	_ =	strace $0x80000047  }
0xc: {  	s15 =	ssub.s32 $0x2, s5;
	p0 =	sne.s32 s5, $0x0;
	p1 =	seq.s32 s5, $0x0  }
0xd: {  	s13 =	sshrl.u32 s11, $0x3;
	s26 =	sshrl.u32 s15, $0x1;
	s16 =	sadd.s32 $0x80, s11  }
0xe: {  	s30 =	sadd.s32 s9, s2;
	s31 =	sadd.s32 s11, s3;
	s19 =	sadd.s32 $0x100, s11  }
0xf: {  	s23 =	sadd.s32 $0x200, s11;
	s10 =	sadd.s32 s9, s10;
	s12 =	sadd.s32 s11, s12  }
0x10: {  	s13 =	sadd.s32 s13, s1;
	s17 =	sshll.u32 s16, $0x6;
	s16 =	sadd.s32 s16, s3  }
0x11: {  	s20 =	sshll.u32 s19, $0x6;
	s24 =	sshll.u32 s23, $0x6;
	[dreg:$0x8] =	wrdreg s30  }
0x12: {  	s25 =	sadd.s32 s23, s3;
	[dreg:$0x9] =	wrdreg s31;
	s10 =	sshrl.u32 s10, $0x3  }
0x13: {  	s14 =	sshll.u32 s12, $0x3;
	s12 =	sshrl.u32 s12, $0x3;
	[dreg:$0xb] =	wrdreg s16  }
0x14: {  	s16 =	sadd.s32 s20, s2;
	s5 =	sadd.s32 s24, s2;
	[dreg:$0x11] =	wrdreg s25  }
0x15: {  	s20 =	sadd.s32 $0x1200, s13;
	s13 =	sadd.s32 $0x1800, s13;
	s10 =	sadd.s32 s10, s1  }
0x16: {  	s14 =	sadd.s32 s14, s1;
	s1 =	sadd.s32 s12, s1;
	[dreg:$0xc] =	wrdreg s16  }
0x17: {  	s12 =	ssub.s32 s15, s26;
	s15 =	sadd.s32 s17, s2;
	[dreg:$0x10] =	wrdreg s5  }
0x18: {  	s17 =	sadd.s32 $0x180, s11;
	s26 =	sadd.s32 s9, s4;
	[dreg:$0x13] =	wrdreg s20  }
0x19: {  	[dreg:$0x14] =	wrdreg s13;
	s5 =	sadd.s32 $0x2, s28;
	s13 =	simm.s32 $0x7  }
0x1a: {  	s20 =	simm.s32 $0x14900;
	[dreg:$0xa] =	wrdreg s15;
	s15 =	sadd.s32 s19, s3  }
0x1b: {  	s21 =	sshll.u32 s17, $0x6;
	s22 =	sadd.s32 s17, s3;
	[dreg:$0xd] =	wrdreg s15  }
0x1c: {  	s16 =	sadd.s32 $0x1E00, s10;
	s17 =	sadd.s32 s11, s6;
	[dreg:$0xf] =	wrdreg s22  }
0x1d: {  	s19 =	smul.u32 $0x1440, s18;
	s1 =	sadd.s32 $0x51E00, s1;
	[dreg:$0x12] =	wrdreg s16  }
0x1e: {  	s11 =	sadd.s32 s11, s7;
	s23 =	sshrl.u32 s26, $0x3;
	[dreg:$0x17] =	wrdreg s1  }
0x1f: {  	s18 =	simm.s32 $0x80;
	s15 =	sadd.s32 s21, s2;
	[dreg:$0x19] =	wrdreg s23  }
0x20: {  	s21 =	sadd.s32 $0x29E00, s14;
	s22 =	smax.u32 s12, $0x1;
	[dreg:$0xe] =	wrdreg s15  }
0x21: {  	s24 =	sshrl.u32 s17, $0x3;
	s25 =	sshrl.u32 s11, $0x3;
	[dreg:$0x16] =	wrdreg s21  }
0x22: {  	s1 =	sor.u32 $0x1, s28;
	s11 =	sadd.s32 $0x3, s28;
	[dreg:$0x18] =	wrdreg s22  }
0x23: {  	s12 =	simm.s32 $0x14C80;
	s16 =	simm.s32 $0x14880;
	[dreg:$0x1a] =	wrdreg s24  }
0x24: {  	s23 =	simm.s32 $0x14B00;
	s10 =	sadd.s32 s0, s19;
	[dreg:$0x1b] =	wrdreg s25  }
0x25: {  	s15 =	simm.s32 $0x4;
	s19 =	simm.s32 $0x16C80;
	s21 =	simm.s32 $0x14A00  }
0x26: {  	s24 =	simm.s32 $0x1;
	[dreg:$0x15] =	wrdreg s10;
	s26 =	sadd.s32 $0x20, s10  }
0x27: {  	v0 =	vimm.f32 $0.0e+00;
	s25 =	simm.s32 $0x18C80;
	[dreg:$0x1c] =	wrdreg s26;
	s26 =	simm.s32 $0x2  }
.LBB2_1:
0x28: {  	s10 =	simm.s32 $0x100;
	s9 =	simm.s32 $0x0  }
.LBB2_2:
0x29: {  	p2 =	sne.s32 s10, $0x7F00;
	[tilespmem:s9+$0x14CB0] =	vst v0;
	s14 =	smov.u32 s10;
	s10 =	sadd.s32 $0x100, s10  }
.Ltmp0:
0x2a: {  	[tilespmem:s9+$0x14CA0] =	vst v0;
	(pc) =	sbr.rel @p2 .LBB2_2-.Ltmp0, $3  }
0x2b: {  	[tilespmem:s9+$0x14C80] =	vst v0  }
0x2c: {  	[tilespmem:s9+$0x14C90] =	vst v0;
	_ =	sdelay $0x1  }
0x2d: {  	s9 =	sshra.s32 s14, $0x2  }
0x2e: {  	[tilespmem:s9+$0x14CB0] =	vst v0  }
0x2f: {  	[tilespmem:s9+$0x14CA0] =	vst v0  }
0x30: {  	[tilespmem:s9+$0x14C80] =	vst v0  }
0x31: {  	[tilespmem:s9+$0x14C90] =	vst v0  }
0x32: {  	[tilespmem:$0x14B80] =	vst v0  }
0x33: {  	[tilespmem:$0x14B90] =	vst v0  }
0x34: {  	[tilespmem:$0x14BA0] =	vst v0  }
0x35: {  	[tilespmem:$0x14BB0] =	vst v0  }
0x36: {  	[tilespmem:$0x14BC0] =	vst v0  }
0x37: {  	[tilespmem:$0x14BD0] =	vst v0  }
0x38: {  	[tilespmem:$0x14BE0] =	vst v0  }
0x39: {  	[tilespmem:$0x14BF0] =	vst v0  }
0x3a: {  	[spmem:s30] =	stream.linear.scatter [tilespmem:s12], [sflag:$0x7], $0x2000, $0x38;
	[tilespmem:$0x18D80] =	vst v63  }
0x3b: {  	_ =	swait.ge [sflag:s13], $0x2000  }
0x3c: {  	[sflag:s13] =	ssyncset.done $0x0  }
0x3d: {  	s10 =	simm.s32 $0x14B80;
	[sflag:s13] =	ssyncadd.s32 $0xFFFFE000  }
0x3e: {  	[spmem:s31] =	stream.linear.scatter [tilespmem:s10], [sflag:$0x7], $0x80, $0x38;
	[tilespmem:$0x18D80] =	vst v63  }
0x3f: {  	_ =	swait.ge [sflag:s13], $0x80  }
0x40: {  	[sflag:s13] =	ssyncset.done $0x0  }
0x41: {  	s22 =	rddreg [dreg:$0xa];
	[sflag:s13] =	ssyncadd.s32 $0xFFFFFF80  }
0x42: {  	[spmem:s22] =	stream.linear.scatter [tilespmem:s12], [sflag:$0x7], $0x2000, $0x38;
	[tilespmem:$0x18D80] =	vst v63  }
0x43: {  	_ =	swait.ge [sflag:s13], $0x2000  }
0x44: {  	[sflag:s13] =	ssyncset.done $0x0  }
0x45: {  	s30 =	rddreg [dreg:$0xb];
	[sflag:s13] =	ssyncadd.s32 $0xFFFFE000  }
0x46: {  	[spmem:s30] =	stream.linear.scatter [tilespmem:s10], [sflag:$0x7], $0x80, $0x38;
	[tilespmem:$0x18D80] =	vst v63  }
0x47: {  	_ =	swait.ge [sflag:s13], $0x80  }
0x48: {  	[sflag:s13] =	ssyncset.done $0x0  }
0x49: {  	s31 =	rddreg [dreg:$0xc];
	[sflag:s13] =	ssyncadd.s32 $0xFFFFFF80  }
0x4a: {  	[spmem:s31] =	stream.linear.scatter [tilespmem:s12], [sflag:$0x7], $0x2000, $0x38;
	[tilespmem:$0x18D80] =	vst v63  }
0x4b: {  	_ =	swait.ge [sflag:s13], $0x2000  }
0x4c: {  	[sflag:s13] =	ssyncset.done $0x0  }
0x4d: {  	s14 =	rddreg [dreg:$0xd];
	[sflag:s13] =	ssyncadd.s32 $0xFFFFE000  }
0x4e: {  	[spmem:s14] =	stream.linear.scatter [tilespmem:s10], [sflag:$0x7], $0x80, $0x38;
	[tilespmem:$0x18D80] =	vst v63  }
0x4f: {  	_ =	swait.ge [sflag:s13], $0x80  }
0x50: {  	[sflag:s13] =	ssyncset.done $0x0  }
0x51: {  	s17 =	rddreg [dreg:$0xe];
	[sflag:s13] =	ssyncadd.s32 $0xFFFFFF80  }
0x52: {  	[spmem:s17] =	stream.linear.scatter [tilespmem:s12], [sflag:$0x7], $0x2000, $0x38;
	[tilespmem:$0x18D80] =	vst v63  }
0x53: {  	_ =	swait.ge [sflag:s13], $0x2000  }
0x54: {  	[sflag:s13] =	ssyncset.done $0x0  }
0x55: {  	s22 =	rddreg [dreg:$0xf];
	[sflag:s13] =	ssyncadd.s32 $0xFFFFE000  }
0x56: {  	[spmem:s22] =	stream.linear.scatter [tilespmem:s10], [sflag:$0x7], $0x80, $0x38;
	[tilespmem:$0x18D80] =	vst v63  }
0x57: {  	_ =	swait.ge [sflag:s13], $0x80  }
0x58: {  	[sflag:s13] =	ssyncset.done $0x0  }
0x59: {  	s30 =	rddreg [dreg:$0x10];
	[sflag:s13] =	ssyncadd.s32 $0xFFFFFF80  }
0x5a: {  	[spmem:s30] =	stream.linear.scatter [tilespmem:s12], [sflag:$0x7], $0x2000, $0x38;
	[tilespmem:$0x18D80] =	vst v63  }
0x5b: {  	_ =	swait.ge [sflag:s13], $0x2000  }
0x5c: {  	[sflag:s13] =	ssyncset.done $0x0  }
0x5d: {  	s31 =	rddreg [dreg:$0x11];
	[sflag:s13] =	ssyncadd.s32 $0xFFFFE000  }
0x5e: {  	[spmem:s31] =	stream.linear.scatter [tilespmem:s10], [sflag:$0x7], $0x80, $0x38;
	[tilespmem:$0x18D80] =	vst v63  }
0x5f: {  	s10 =	stileid.u32;
	_ =	swait.ge [sflag:s13], $0x80  }
0x60: {  	s9 =	sshll.u32 s10, $0x6;
	[sflag:s13] =	ssyncset.done $0x0;
	s14 =	rddreg [dreg:$0x12]  }
0x61: {  	s22 =	sor.u32 $0x1C07, s9;
	s17 =	rddreg [dreg:$0x19];
	[sflag:s13] =	ssyncadd.s32 $0xFFFFFF80  }
0x62: {  	[spmem:s17], [sflag:s22] =	dma.local [hbm:s14], $0x1400  }
0x63: {  	_ =	swait.ge [sflag:s13], $0x1400  }
0x64: {  	[sflag:s13] =	ssyncset.done $0x0;
	s30 =	rddreg [dreg:$0x13]  }
0x65: {  	s31 =	rddreg [dreg:$0x1a];
	[sflag:s13] =	ssyncadd.s32 $0xFFFFEC00  }
0x66: {  	[spmem:s31], [sflag:s22] =	dma.local [hbm:s30], $0x50  }
0x67: {  	_ =	swait.ge [sflag:s13], $0x50  }
0x68: {  	[sflag:s13] =	ssyncset.done $0x0;
	s14 =	rddreg [dreg:$0x14]  }
0x69: {  	s17 =	rddreg [dreg:$0x1b];
	[sflag:s13] =	ssyncadd.s32 $0xFFFFFFB0  }
0x6a: {  	[spmem:s17], [sflag:s22] =	dma.local [hbm:s14], $0x50  }
0x6b: {  	_ =	swait.ge [sflag:s13], $0x50  }
0x6c: {  	s10 =	simm.s32 $0x14780;
	[sflag:s13] =	ssyncset.done $0x0  }
0x6d: {  	s17 =	simm.s32 $0x0;
	s30 =	rddreg [dreg:$0x15];
	[sflag:s13] =	ssyncadd.s32 $0xFFFFFFB0  }
0x6e: {  	[tilespmem:s10], [sflag:$0x3] =	stream.linear.gather [hbm4b:s30+s17], $0x100, $0x38;
	[tilespmem:$0x18D80] =	vst v63  }
0x6f: {  	s31 =	rddreg [dreg:$0x1c]  }
0x70: {  	[tilespmem:s16], [sflag:$0x4] =	stream.linear.gather [hbm4b:s31+s17], $0x100, $0x38;
	[tilespmem:$0x18D80] =	vst v63  }
0x71: {  	s14 =	simm.s32 $0x3;
	[bflag:$0x0] =	sbarrier.arrive $0xFFFF  }
0x72: {  	_ =	swait.ge [sflag:s14], $0x100  }
0x73: {  	[sflag:s14] =	ssyncset.done $0x0  }
0x74: {  	s30 =	simm.s32 $0x14800;
	[sflag:s14] =	ssyncadd.s32 $0xFFFFFF00  }
0x75: {  	[tilespmem:s12], [sflag:$0x1] =	stream.indirect.gather [spmem:s4], $0x40, s30, s18, $0xb8;
	[tilespmem:$0x18D80] =	vst v63  }
0x76: {  	s14 =	simm.s32 $0x14980  }
0x77: {  	[tilespmem:s14], [sflag:$0x1] =	stream.indirect.gather [spmem:s6], $0x1, s10, s18, $0xb8;
	[tilespmem:$0x18D80] =	vst v63  }
0x78: {  	s31 =	simm.s32 $0x14A80  }
0x79: {  	[tilespmem:s31], [sflag:$0x1] =	stream.indirect.gather [spmem:s7], $0x1, s30, s18, $0xb8;
	[tilespmem:$0x18D80] =	vst v63  }
.LBB2_4:
0x7a: {  	_ =	swait.ge [sflag:s15], $0x100  }
0x7b: {  	p2 =	seq.s32 s17, $0x0;
	[sflag:s15] =	ssyncset.done $0x0  }
0x7c: {  	s9 =	simm.s32 @!p2 $0x6;
	[sflag:s15] =	ssyncadd.s32 $0xFFFFFF00  }
0x7d: {  	_ =	swait.ge @!p2 [sflag:s9], $0x2000  }
0x7e: {  	[sflag:s9] =	ssyncset.done @!p2 $0x0  }
0x7f: {  	[sflag:s9] =	ssyncadd.s32 @!p2 $0xFFFFE000  }
0x80: {  	[tilespmem:s19], [sflag:$0x2] =	stream.indirect.gather [spmem:s4], $0x40, s20, s18, $0xb8;
	[tilespmem:$0x18D80] =	vst v63  }
0x81: {  	_ = 	snop  }
0x82: {  	[tilespmem:s21], [sflag:$0x2] =	stream.indirect.gather [spmem:s6], $0x1, s16, s18, $0xb8;
	[tilespmem:$0x18D80] =	vst v63  }
0x83: {  	_ = 	snop  }
0x84: {  	[tilespmem:s23], [sflag:$0x2] =	stream.indirect.gather [spmem:s7], $0x1, s20, s18, $0xb8;
	[tilespmem:$0x18D80] =	vst v63  }
0x85: {  	_ =	swait.ge [sflag:s24], $0x2000  }
0x86: {  	[sflag:s24] =	ssyncset.done $0x0  }
0x87: {  	[sflag:s24] =	ssyncadd.s32 $0xFFFFE000  }
0x88: {  	_ =	swait.ge [sflag:s24], $0x80  }
0x89: {  	[sflag:s24] =	ssyncset.done $0x0  }
0x8a: {  	[sflag:s24] =	ssyncadd.s32 $0xFFFFFF80  }
0x8b: {  	_ =	swait.ge [sflag:s24], $0x80  }
0x8c: {  	[sflag:s24] =	ssyncset.done $0x0  }
0x8d: {  	[sflag:s24] =	ssyncadd.s32 $0xFFFFFF80  }
0x8e: {  	v1 =	vld [tilespmem:$0x14980]  }
0x8f: {  	v2 =	vld [tilespmem:$0x14A80]  }
0x90: {  	v3 =	vld [tilespmem:$0x14990]  }
0x91: {  	v4 =	vld [tilespmem:$0x14A90]  }
0x92: {  	v5 =	vld [tilespmem:$0x149A0]  }
0x93: {  	v6 =	vld [tilespmem:$0x14AA0]  }
0x94: {  	v7 =	vld [tilespmem:$0x149B0]  }
0x95: {  	v8 =	vld [tilespmem:$0x149C0];
	v1 =	vadd.f32 v2, v1  }
0x96: {  	v2 =	vld [tilespmem:$0x14AB0]  }
0x97: {  	v46 =	vld [tilespmem:$0x14AC0];
	v3 =	vadd.f32 v4, v3;
	v9 =	vmul.f32 $2.000000030e-01, v1  }
0x98: {  	v47 =	vld [tilespmem:$0x149D0];
	v5 =	vadd.f32 v6, v5;
	vm0 =	vge.f32 v1, $0.0e+00  }
0x99: {  	v10 =	vld [tilespmem:$0x14AD0];
	v48 =	vmul.f32 $2.000000030e-01, v3;
	v1 =	vsel vm0, v1, v9  }
0x9a: {  	vm9 =	vge.f32 v3, $0.0e+00;
	v11 =	vmul.f32 $2.000000030e-01, v5;
	v1 =	vmul.f32 $1.442695020e+00, v1  }
0x9b: {  	v49 =	vld [tilespmem:$0x149E0];
	vm10 =	vge.f32 v5, $0.0e+00;
	v3 =	vsel vm9, v3, v48;
	v2 =	vadd.f32 v2, v7  }
0x9c: {  	v50 =	vld [tilespmem:$0x14AE0];
	(erf) = vpow2.f32 v1;
	v1 =	vmul.f32 $1.442695020e+00, v3;
	v3 =	vsel vm10, v5, v11  }
0x9d: {  	v52 =	vld [tilespmem:$0x149F0];
	v4 =	vadd.f32 v46, v8;
	v51 =	vmul.f32 $2.000000030e-01, v2;
	v3 =	vmul.f32 $1.442695020e+00, v3  }
0x9e: {  	v53 =	vld [tilespmem:$0x14AF0];
	vm11 =	vge.f32 v2, $0.0e+00;
	(erf) = vpow2.f32 v1;
	v1 =	vadd.f32 v10, v47  }
0x9f: {  	v2 =	vsel vm11, v2, v51;
	(erf) = vpow2.f32 v3;
	v3 =	vmul.f32 $2.000000030e-01, v4  }
0xa0: {  	vm12 =	vge.f32 v4, $0.0e+00;
	v2 =	vmul.f32 $1.442695020e+00, v2;
	v54 =	vmul.f32 $2.000000030e-01, v1  }
0xa1: {  	v55 =	vadd.f32 v50, v49;
	vm13 =	vge.f32 v1, $0.0e+00;
	v3 =	vsel vm12, v4, v3  }
0xa2: {  	(erf) = vpow2.f32 v2;
	v1 =	vsel vm13, v1, v54;
	v2 =	vmul.f32 $1.442695020e+00, v3  }
0xa3: {  	v6 =	vadd.f32 v53, v52;
	v1 =	vmul.f32 $1.442695020e+00, v1  }
0xa4: {  	v56 =	vld [tilespmem:$0x14780];
	v7 =	vmul.f32 $2.000000030e-01, v55;
	(erf) = vpow2.f32 v2  }
0xa5: {  	v58 =	vld [tilespmem:$0x147A0];
	vm14 =	vge.f32 v55, $0.0e+00;
	v57 =	vpop (erf);
	(erf) = vpow2.f32 v1;
	v1 =	vmul.f32 $2.000000030e-01, v6  }
0xa6: {  	s30 =	sshll.u32 s17, $0x1;
	vm15 =	vge.f32 v6, $0.0e+00;
	v3 =	vld [tilespmem:$0x14790];
	v2 =	vsel vm14, v55, v7  }
0xa7: {  	s10 =	sadd.s32 s28, s30;
	v2 =	vmul.f32 $1.442695020e+00, v2;
	v1 =	vsel vm15, v6, v1  }
0xa8: {  	s9 =	sshll.u32 s10, $0x7;
	v60 =	vld [tilespmem:$0x147B0];
	v1 =	vmul.f32 $1.442695020e+00, v1  }
0xa9: {  	s10 =	sor.u32 $0x10, s9;
	[tilespmem:$0x18C80] =	vst v56;
	v59 =	vpop (erf);
	(erf) = vpow2.f32 v2  }
0xaa: {  	s14 =	sor.u32 $0x20, s9;
	p5 =	slt.u32 s10, $0x50910;
	[tilespmem:$0x18CA0] =	vst v58  }
0xab: {  	p6 =	slt.u32 s14, $0x50910;
	s14 =	sor.u32 $0x30, s9;
	[tilespmem:$0x18C90] =	vst v3;
	v3 =	vpsel !p5, $0x0, v59;
	v2 =	vpop (erf)  }
0xac: {  	p3 =	slt.u32 s14, $0x50910;
	[tilespmem:$0x14B90] =	vst v3;
	v3 =	vld [tilespmem:$0x147C0];
	(erf) = vpow2.f32 v1;
	v1 =	vpop (erf)  }
0xad: {  	[tilespmem:$0x18CB0] =	vst v60;
	v1 =	vpsel !p3, $0x0, v1  }
0xae: {  	p4 =	slt.u32 s9, $0x50910;
	v2 =	vpsel !p6, $0x0, v2;
	[tilespmem:$0x14BB0] =	vst v1;
	v1 =	vld [tilespmem:$0x147E0]  }
0xaf: {  	s14 =	sor.u32 $0x40, s9;
	v4 =	vpsel !p4, $0x0, v57;
	[tilespmem:$0x14BA0] =	vst v2;
	v2 =	vld [tilespmem:$0x147D0]  }
0xb0: {  	p4 =	slt.u32 s14, $0x50910;
	s14 =	sor.u32 $0x50, s9;
	[tilespmem:$0x14B80] =	vst v4;
	v61 =	vpop (erf)  }
0xb1: {  	p5 =	slt.u32 s14, $0x50910;
	s14 =	sor.u32 $0x60, s9;
	[tilespmem:$0x18CC0] =	vst v3;
	v3 =	vpsel !p4, $0x0, v61;
	v62 =	vpop (erf)  }
0xb2: {  	p6 =	slt.u32 s14, $0x50910;
	[tilespmem:$0x14BC0] =	vst v3;
	v3 =	vld [tilespmem:$0x147F0];
	v63 =	vpop (erf)  }
0xb3: {  	[tilespmem:$0x18CE0] =	vst v1;
	v1 =	vpsel !p6, $0x0, v63  }
0xb4: {  	[tilespmem:$0x18CD0] =	vst v2;
	v2 =	vpsel !p5, $0x0, v62  }
0xb5: {  	p2 =	seq.s32 s17, $0x50;
	s9 =	sor.u32 $0x70, s9;
	[tilespmem:$0x14BD0] =	vst v2  }
0xb6: {  	p3 =	slt.u32 s9, $0x50910;
	s9 =	sadd.s32 @!p2 s30, s5;
	[tilespmem:$0x14BE0] =	vst v1;
	v1 =	vpop (erf)  }
0xb7: {  	s31 =	simm.s32 $0x0;
	s9 =	sshll.u32 @!p2 s9, $0x5;
	[tilespmem:$0x18CF0] =	vst v3;
	v1 =	vpsel !p3, $0x0, v1  }
0xb8: {  	s10 =	simm.s32 @!p2 $0x0;
	s14 =	simm.s32 @!p2 $0x14780;
	s9 =	sadd.s32 @!p2 s0, s9;
	[tilespmem:$0x14BF0] =	vst v1  }
0xb9: {  	[tilespmem:s14], [sflag:$0x3] =	stream.linear.gather @!p2 [hbm4b:s9+s10], $0x100, $0x38;
	[tilespmem:$0x18D80] =	vst v63  }
.LBB2_5:
0xba: {  	s10 =	sshll.u32 s31, $0x4  }
0xbb: {  	s14 =	sshll.u32 s31, $0xA;
	s9 =	sand.u32 $0x3FFFFFF0, s10  }
0xbc: {  	v2 =	vld [tilespmem:s9+$0x14B80];
	s9 =	sand.u32 $0x3FFFFC00, s14  }
0xbd: {  	v1 =	vld [tilespmem:s9+$0x14C80]  }
0xbe: {  	v3 =	vld [tilespmem:s9+$0x14C90]  }
0xbf: {  	v4 =	vld [tilespmem:s9+$0x14CA0]  }
0xc0: {  	v5 =	vld [tilespmem:s9+$0x14CB0]  }
0xc1: {  	v7 =	vld [tilespmem:s9+$0x14CC0];
	v6 =	vbroadcast v2, $0x0  }
0xc2: {  	v8 =	vld [tilespmem:s9+$0x14CD0]  }
0xc3: {  	v9 =	vld [tilespmem:s9+$0x14CE0];
	v1 =	vmul.f32 v6, v1  }
0xc4: {  	v10 =	vld [tilespmem:s9+$0x14CF0];
	v3 =	vmul.f32 v3, v6  }
0xc5: {  	v11 =	vld [tilespmem:s9+$0x14D00];
	v18 =	vbroadcast v2, $0x1;
	[tilespmem:s9+$0x14C80] =	vst v1;
	v1 =	vmul.f32 v4, v6  }
0xc6: {  	v19 =	vld [tilespmem:s9+$0x14D10];
	[tilespmem:s9+$0x14C90] =	vst v3;
	v3 =	vmul.f32 v5, v6  }
0xc7: {  	v20 =	vld [tilespmem:s9+$0x14D20];
	[tilespmem:s9+$0x14CA0] =	vst v1;
	v1 =	vmul.f32 v7, v18  }
0xc8: {  	v21 =	vld [tilespmem:s9+$0x14D30];
	[tilespmem:s9+$0x14CB0] =	vst v3;
	v3 =	vmul.f32 v8, v18  }
0xc9: {  	v23 =	vld [tilespmem:s9+$0x14D40];
	v22 =	vbroadcast v2, $0x2;
	[tilespmem:s9+$0x14CC0] =	vst v1;
	v1 =	vmul.f32 v9, v18  }
0xca: {  	v24 =	vld [tilespmem:s9+$0x14D50];
	[tilespmem:s9+$0x14CD0] =	vst v3;
	v3 =	vmul.f32 v10, v18  }
0xcb: {  	v25 =	vld [tilespmem:s9+$0x14D60];
	[tilespmem:s9+$0x14CE0] =	vst v1;
	v1 =	vmul.f32 v11, v22  }
0xcc: {  	v26 =	vld [tilespmem:s9+$0x14D70];
	[tilespmem:s9+$0x14CF0] =	vst v3;
	v3 =	vmul.f32 v19, v22  }
0xcd: {  	v28 =	vld [tilespmem:s9+$0x14D80];
	v27 =	vbroadcast v2, $0x3;
	[tilespmem:s9+$0x14D00] =	vst v1;
	v1 =	vmul.f32 v20, v22  }
0xce: {  	v29 =	vld [tilespmem:s9+$0x14D90];
	[tilespmem:s9+$0x14D10] =	vst v3;
	v3 =	vmul.f32 v21, v22  }
0xcf: {  	v30 =	vld [tilespmem:s9+$0x14DA0];
	[tilespmem:s9+$0x14D20] =	vst v1;
	v1 =	vmul.f32 v23, v27  }
0xd0: {  	v31 =	vld [tilespmem:s9+$0x14DB0];
	[tilespmem:s9+$0x14D30] =	vst v3;
	v3 =	vmul.f32 v24, v27  }
0xd1: {  	v33 =	vld [tilespmem:s9+$0x14DC0];
	v32 =	vbroadcast v2, $0x4;
	[tilespmem:s9+$0x14D40] =	vst v1;
	v1 =	vmul.f32 v25, v27  }
0xd2: {  	v34 =	vld [tilespmem:s9+$0x14DD0];
	[tilespmem:s9+$0x14D50] =	vst v3;
	v3 =	vmul.f32 v26, v27  }
0xd3: {  	v35 =	vld [tilespmem:s9+$0x14DE0];
	[tilespmem:s9+$0x14D60] =	vst v1;
	v1 =	vmul.f32 v28, v32  }
0xd4: {  	v36 =	vld [tilespmem:s9+$0x14DF0];
	[tilespmem:s9+$0x14D70] =	vst v3;
	v3 =	vmul.f32 v29, v32  }
0xd5: {  	v38 =	vld [tilespmem:s9+$0x14E00];
	v37 =	vbroadcast v2, $0x5;
	[tilespmem:s9+$0x14D80] =	vst v1;
	v1 =	vmul.f32 v30, v32  }
0xd6: {  	v39 =	vld [tilespmem:s9+$0x14E10];
	[tilespmem:s9+$0x14D90] =	vst v3;
	v3 =	vmul.f32 v31, v32  }
0xd7: {  	v40 =	vld [tilespmem:s9+$0x14E20];
	[tilespmem:s9+$0x14DA0] =	vst v1;
	v1 =	vmul.f32 v33, v37  }
0xd8: {  	v41 =	vld [tilespmem:s9+$0x14E30];
	[tilespmem:s9+$0x14DB0] =	vst v3;
	v3 =	vmul.f32 v34, v37  }
0xd9: {  	v43 =	vld [tilespmem:s9+$0x14E40];
	v42 =	vbroadcast v2, $0x6;
	[tilespmem:s9+$0x14DC0] =	vst v1;
	v1 =	vmul.f32 v35, v37  }
0xda: {  	v44 =	vld [tilespmem:s9+$0x14E50];
	[tilespmem:s9+$0x14DD0] =	vst v3;
	v3 =	vmul.f32 v36, v37  }
0xdb: {  	v45 =	vld [tilespmem:s9+$0x14E60];
	[tilespmem:s9+$0x14DE0] =	vst v1;
	v1 =	vmul.f32 v38, v42  }
0xdc: {  	v46 =	vld [tilespmem:s9+$0x14E70];
	[tilespmem:s9+$0x14DF0] =	vst v3;
	v3 =	vmul.f32 v39, v42  }
0xdd: {  	v48 =	vld [tilespmem:s9+$0x14E80];
	v47 =	vbroadcast v2, $0x7;
	[tilespmem:s9+$0x14E00] =	vst v1;
	v1 =	vmul.f32 v40, v42  }
0xde: {  	v49 =	vld [tilespmem:s9+$0x14E90];
	[tilespmem:s9+$0x14E10] =	vst v3;
	v3 =	vmul.f32 v41, v42  }
0xdf: {  	v50 =	vld [tilespmem:s9+$0x14EA0];
	[tilespmem:s9+$0x14E20] =	vst v1;
	v1 =	vmul.f32 v43, v47  }
0xe0: {  	v51 =	vld [tilespmem:s9+$0x14EB0];
	[tilespmem:s9+$0x14E30] =	vst v3;
	v3 =	vmul.f32 v44, v47  }
0xe1: {  	v53 =	vld [tilespmem:s9+$0x14EC0];
	v52 =	vbroadcast v2, $0x8;
	[tilespmem:s9+$0x14E40] =	vst v1;
	v1 =	vmul.f32 v45, v47  }
0xe2: {  	v54 =	vld [tilespmem:s9+$0x14ED0];
	[tilespmem:s9+$0x14E50] =	vst v3;
	v3 =	vmul.f32 v46, v47  }
0xe3: {  	v55 =	vld [tilespmem:s9+$0x14EE0];
	[tilespmem:s9+$0x14E60] =	vst v1;
	v1 =	vmul.f32 v48, v52  }
0xe4: {  	v56 =	vld [tilespmem:s9+$0x14EF0];
	[tilespmem:s9+$0x14E70] =	vst v3;
	v3 =	vmul.f32 v49, v52  }
0xe5: {  	v58 =	vld [tilespmem:s9+$0x14F00];
	v57 =	vbroadcast v2, $0x9;
	[tilespmem:s9+$0x14E80] =	vst v1;
	v1 =	vmul.f32 v50, v52  }
0xe6: {  	v59 =	vld [tilespmem:s9+$0x14F10];
	[tilespmem:s9+$0x14E90] =	vst v3;
	v3 =	vmul.f32 v51, v52  }
0xe7: {  	v60 =	vld [tilespmem:s9+$0x14F20];
	[tilespmem:s9+$0x14EA0] =	vst v1;
	v1 =	vmul.f32 v53, v57  }
0xe8: {  	v61 =	vld [tilespmem:s9+$0x14F30];
	[tilespmem:s9+$0x14EB0] =	vst v3;
	v3 =	vmul.f32 v54, v57  }
0xe9: {  	v63 =	vld [tilespmem:s9+$0x14F40];
	v62 =	vbroadcast v2, $0xA;
	[tilespmem:s9+$0x14EC0] =	vst v1;
	v1 =	vmul.f32 v55, v57  }
0xea: {  	v12 =	vld [tilespmem:s9+$0x14F50];
	[tilespmem:s9+$0x14ED0] =	vst v3;
	v3 =	vmul.f32 v56, v57  }
0xeb: {  	v13 =	vld [tilespmem:s9+$0x14F60];
	[tilespmem:s9+$0x14EE0] =	vst v1;
	v1 =	vmul.f32 v58, v62  }
0xec: {  	v14 =	vld [tilespmem:s9+$0x14F70];
	[tilespmem:s9+$0x14EF0] =	vst v3;
	v3 =	vmul.f32 v59, v62  }
0xed: {  	v16 =	vld [tilespmem:s9+$0x14F80];
	v15 =	vbroadcast v2, $0xB;
	[tilespmem:s9+$0x14F00] =	vst v1;
	v1 =	vmul.f32 v60, v62  }
0xee: {  	v17 =	vld [tilespmem:s9+$0x14F90];
	[tilespmem:s9+$0x14F10] =	vst v3;
	v3 =	vmul.f32 v61, v62  }
0xef: {  	v18 =	vld [tilespmem:s9+$0x14FA0];
	[tilespmem:s9+$0x14F20] =	vst v1;
	v1 =	vmul.f32 v63, v15  }
0xf0: {  	v19 =	vld [tilespmem:s9+$0x14FB0];
	[tilespmem:s9+$0x14F30] =	vst v3;
	v3 =	vmul.f32 v12, v15  }
0xf1: {  	v20 =	vbroadcast v2, $0xC;
	v21 =	vld [tilespmem:s9+$0x14FC0];
	[tilespmem:s9+$0x14F40] =	vst v1;
	v1 =	vmul.f32 v13, v15  }
0xf2: {  	v22 =	vld [tilespmem:s9+$0x14FD0];
	[tilespmem:s9+$0x14F50] =	vst v3;
	v3 =	vmul.f32 v14, v15  }
0xf3: {  	v23 =	vld [tilespmem:s9+$0x14FE0];
	[tilespmem:s9+$0x14F60] =	vst v1;
	v1 =	vmul.f32 v16, v20  }
0xf4: {  	v24 =	vld [tilespmem:s9+$0x14FF0];
	[tilespmem:s9+$0x14F70] =	vst v3;
	v3 =	vmul.f32 v17, v20  }
0xf5: {  	s14 =	sor.u32 $0x400, s14;
	v9 =	vmul.f32 v18, v20;
	v25 =	vbroadcast v2, $0xD;
	[tilespmem:s9+$0x14F80] =	vst v1;
	v1 =	vld [tilespmem:s10+$0x14B90]  }
0xf6: {  	v26 =	vld [tilespmem:s9+$0x15000];
	[tilespmem:s9+$0x14F90] =	vst v3;
	v3 =	vmul.f32 v19, v20;
	s10 =	sand.u32 $0x3FFFFC00, s14  }
0xf7: {  	[tilespmem:s9+$0x14FA0] =	vst v9;
	v27 =	vmul.f32 v21, v25;
	v28 =	vld [tilespmem:s10+$0x14C80]  }
0xf8: {  	v29 =	vld [tilespmem:s10+$0x14C90];
	[tilespmem:s9+$0x14FB0] =	vst v3;
	v3 =	vmul.f32 v22, v25  }
0xf9: {  	[tilespmem:s9+$0x14FC0] =	vst v27;
	v30 =	vmul.f32 v23, v25;
	v31 =	vbroadcast v2, $0xE;
	v32 =	vld [tilespmem:s10+$0x14CA0]  }
0xfa: {  	v34 =	vld [tilespmem:s10+$0x14CB0];
	[tilespmem:s9+$0x14FD0] =	vst v3;
	v3 =	vmul.f32 v24, v25;
	v33 =	vbroadcast v1, $0x0  }
0xfb: {  	[tilespmem:s9+$0x14FE0] =	vst v30;
	v5 =	vmul.f32 v26, v31;
	v35 =	vld [tilespmem:s9+$0x15010]  }
0xfc: {  	[tilespmem:s9+$0x14FF0] =	vst v3;
	v3 =	vld [tilespmem:s9+$0x15020];
	v9 =	vmul.f32 v33, v28  }
0xfd: {  	[tilespmem:s9+$0x15000] =	vst v5;
	v36 =	vld [tilespmem:s9+$0x15030];
	v7 =	vmul.f32 v29, v33  }
0xfe: {  	v37 =	vld [tilespmem:s9+$0x15040];
	v10 =	vmul.f32 v32, v33;
	[tilespmem:s10+$0x14C80] =	vst v9  }
0xff: {  	v38 =	vld [tilespmem:s9+$0x15050];
	v4 =	vmul.f32 v34, v33;
	[tilespmem:s10+$0x14C90] =	vst v7  }
0x100: {  	v39 =	vld [tilespmem:s9+$0x15060];
	v6 =	vmul.f32 v35, v31;
	[tilespmem:s10+$0x14CA0] =	vst v10  }
0x101: {  	v2 =	vbroadcast v2, $0xF;
	v40 =	vld [tilespmem:s9+$0x15070];
	[tilespmem:s10+$0x14CB0] =	vst v4;
	v3 =	vmul.f32 v3, v31  }
0x102: {  	v5 =	vmul.f32 v36, v31;
	[tilespmem:s9+$0x15010] =	vst v6;
	v41 =	vld [tilespmem:s9+$0x150C0]  }
0x103: {  	v42 =	vld [tilespmem:s9+$0x150D0];
	[tilespmem:s9+$0x15020] =	vst v3;
	v3 =	vmul.f32 v37, v2  }
0x104: {  	[tilespmem:s9+$0x15030] =	vst v5;
	v43 =	vmul.f32 v38, v2;
	v44 =	vld [tilespmem:s9+$0x150E0]  }
0x105: {  	v45 =	vbroadcast v1, $0x1;
	v46 =	vld [tilespmem:s9+$0x150F0];
	[tilespmem:s9+$0x15040] =	vst v3;
	v3 =	vmul.f32 v39, v2  }
0x106: {  	[tilespmem:s9+$0x15050] =	vst v43;
	v47 =	vld [tilespmem:s9+$0x15100];
	v2 =	vmul.f32 v40, v2  }
0x107: {  	v48 =	vld [tilespmem:s9+$0x15110];
	[tilespmem:s9+$0x15060] =	vst v3;
	v3 =	vmul.f32 v41, v45  }
0x108: {  	v49 =	vld [tilespmem:s9+$0x15120];
	[tilespmem:s9+$0x15070] =	vst v2;
	v2 =	vmul.f32 v42, v45  }
0x109: {  	v50 =	vbroadcast v1, $0x2;
	v51 =	vld [tilespmem:s9+$0x15130];
	[tilespmem:s9+$0x150C0] =	vst v3;
	v3 =	vmul.f32 v44, v45  }
0x10a: {  	v52 =	vld [tilespmem:s9+$0x15140];
	[tilespmem:s9+$0x150D0] =	vst v2;
	v2 =	vmul.f32 v46, v45  }
0x10b: {  	v53 =	vld [tilespmem:s9+$0x15150];
	[tilespmem:s9+$0x150E0] =	vst v3;
	v3 =	vmul.f32 v47, v50  }
0x10c: {  	v54 =	vld [tilespmem:s9+$0x15160];
	[tilespmem:s9+$0x150F0] =	vst v2;
	v2 =	vmul.f32 v48, v50  }
0x10d: {  	v55 =	vbroadcast v1, $0x3;
	v56 =	vld [tilespmem:s9+$0x15170];
	[tilespmem:s9+$0x15100] =	vst v3;
	v3 =	vmul.f32 v49, v50  }
0x10e: {  	v57 =	vld [tilespmem:s9+$0x15180];
	[tilespmem:s9+$0x15110] =	vst v2;
	v2 =	vmul.f32 v51, v50  }
0x10f: {  	v58 =	vld [tilespmem:s9+$0x15190];
	[tilespmem:s9+$0x15120] =	vst v3;
	v3 =	vmul.f32 v52, v55  }
0x110: {  	v59 =	vld [tilespmem:s9+$0x151A0];
	[tilespmem:s9+$0x15130] =	vst v2;
	v2 =	vmul.f32 v53, v55  }
0x111: {  	v60 =	vbroadcast v1, $0x4;
	v61 =	vld [tilespmem:s9+$0x151B0];
	[tilespmem:s9+$0x15140] =	vst v3;
	v3 =	vmul.f32 v54, v55  }
0x112: {  	v62 =	vld [tilespmem:s9+$0x151C0];
	[tilespmem:s9+$0x15150] =	vst v2;
	v2 =	vmul.f32 v56, v55  }
0x113: {  	v63 =	vld [tilespmem:s9+$0x151D0];
	[tilespmem:s9+$0x15160] =	vst v3;
	v3 =	vmul.f32 v57, v60  }
0x114: {  	v12 =	vld [tilespmem:s9+$0x151E0];
	[tilespmem:s9+$0x15170] =	vst v2;
	v2 =	vmul.f32 v58, v60  }
0x115: {  	v13 =	vbroadcast v1, $0x5;
	v14 =	vld [tilespmem:s9+$0x151F0];
	[tilespmem:s9+$0x15180] =	vst v3;
	v3 =	vmul.f32 v59, v60  }
0x116: {  	v15 =	vld [tilespmem:s9+$0x15200];
	[tilespmem:s9+$0x15190] =	vst v2;
	v2 =	vmul.f32 v61, v60  }
0x117: {  	v16 =	vld [tilespmem:s9+$0x15210];
	[tilespmem:s9+$0x151A0] =	vst v3;
	v3 =	vmul.f32 v62, v13  }
0x118: {  	v17 =	vld [tilespmem:s9+$0x15220];
	[tilespmem:s9+$0x151B0] =	vst v2;
	v2 =	vmul.f32 v63, v13  }
0x119: {  	v18 =	vbroadcast v1, $0x6;
	v19 =	vld [tilespmem:s9+$0x15230];
	[tilespmem:s9+$0x151C0] =	vst v3;
	v3 =	vmul.f32 v12, v13  }
0x11a: {  	v20 =	vld [tilespmem:s9+$0x15240];
	[tilespmem:s9+$0x151D0] =	vst v2;
	v2 =	vmul.f32 v14, v13  }
0x11b: {  	v21 =	vld [tilespmem:s9+$0x15250];
	[tilespmem:s9+$0x151E0] =	vst v3;
	v3 =	vmul.f32 v15, v18  }
0x11c: {  	v22 =	vld [tilespmem:s9+$0x15260];
	[tilespmem:s9+$0x151F0] =	vst v2;
	v2 =	vmul.f32 v16, v18  }
0x11d: {  	v23 =	vbroadcast v1, $0x7;
	v24 =	vld [tilespmem:s9+$0x15270];
	[tilespmem:s9+$0x15200] =	vst v3;
	v3 =	vmul.f32 v17, v18  }
0x11e: {  	v25 =	vld [tilespmem:s9+$0x15280];
	[tilespmem:s9+$0x15210] =	vst v2;
	v2 =	vmul.f32 v19, v18  }
0x11f: {  	v26 =	vld [tilespmem:s9+$0x15290];
	[tilespmem:s9+$0x15220] =	vst v3;
	v3 =	vmul.f32 v20, v23  }
0x120: {  	v27 =	vld [tilespmem:s9+$0x152A0];
	[tilespmem:s9+$0x15230] =	vst v2;
	v2 =	vmul.f32 v21, v23  }
0x121: {  	v28 =	vbroadcast v1, $0x8;
	v29 =	vld [tilespmem:s9+$0x152B0];
	[tilespmem:s9+$0x15240] =	vst v3;
	v3 =	vmul.f32 v22, v23  }
0x122: {  	v30 =	vld [tilespmem:s9+$0x152C0];
	[tilespmem:s9+$0x15250] =	vst v2;
	v2 =	vmul.f32 v24, v23  }
0x123: {  	v31 =	vld [tilespmem:s9+$0x152D0];
	[tilespmem:s9+$0x15260] =	vst v3;
	v3 =	vmul.f32 v25, v28  }
0x124: {  	v32 =	vld [tilespmem:s9+$0x152E0];
	[tilespmem:s9+$0x15270] =	vst v2;
	v2 =	vmul.f32 v26, v28  }
0x125: {  	v33 =	vbroadcast v1, $0x9;
	v34 =	vld [tilespmem:s9+$0x152F0];
	[tilespmem:s9+$0x15280] =	vst v3;
	v3 =	vmul.f32 v27, v28  }
0x126: {  	v35 =	vld [tilespmem:s9+$0x15300];
	[tilespmem:s9+$0x15290] =	vst v2;
	v2 =	vmul.f32 v29, v28  }
0x127: {  	v36 =	vld [tilespmem:s9+$0x15310];
	[tilespmem:s9+$0x152A0] =	vst v3;
	v3 =	vmul.f32 v30, v33  }
0x128: {  	v37 =	vld [tilespmem:s9+$0x15320];
	[tilespmem:s9+$0x152B0] =	vst v2;
	v2 =	vmul.f32 v31, v33  }
0x129: {  	v38 =	vbroadcast v1, $0xA;
	v39 =	vld [tilespmem:s9+$0x15330];
	[tilespmem:s9+$0x152C0] =	vst v3;
	v3 =	vmul.f32 v32, v33  }
0x12a: {  	v40 =	vld [tilespmem:s9+$0x15340];
	[tilespmem:s9+$0x152D0] =	vst v2;
	v2 =	vmul.f32 v34, v33  }
0x12b: {  	v41 =	vld [tilespmem:s9+$0x15350];
	[tilespmem:s9+$0x152E0] =	vst v3;
	v3 =	vmul.f32 v35, v38  }
0x12c: {  	v42 =	vld [tilespmem:s9+$0x15360];
	[tilespmem:s9+$0x152F0] =	vst v2;
	v2 =	vmul.f32 v36, v38  }
0x12d: {  	v43 =	vbroadcast v1, $0xB;
	v44 =	vld [tilespmem:s9+$0x15370];
	[tilespmem:s9+$0x15300] =	vst v3;
	v3 =	vmul.f32 v37, v38  }
0x12e: {  	v45 =	vld [tilespmem:s9+$0x15380];
	[tilespmem:s9+$0x15310] =	vst v2;
	v2 =	vmul.f32 v39, v38  }
0x12f: {  	v46 =	vld [tilespmem:s9+$0x15390];
	[tilespmem:s9+$0x15320] =	vst v3;
	v3 =	vmul.f32 v40, v43  }
0x130: {  	v47 =	vld [tilespmem:s9+$0x153A0];
	[tilespmem:s9+$0x15330] =	vst v2;
	v2 =	vmul.f32 v41, v43  }
0x131: {  	v48 =	vbroadcast v1, $0xC;
	v49 =	vld [tilespmem:s9+$0x153B0];
	[tilespmem:s9+$0x15340] =	vst v3;
	v3 =	vmul.f32 v42, v43  }
0x132: {  	v50 =	vld [tilespmem:s9+$0x153C0];
	[tilespmem:s9+$0x15350] =	vst v2;
	v2 =	vmul.f32 v44, v43  }
0x133: {  	v51 =	vld [tilespmem:s9+$0x153D0];
	[tilespmem:s9+$0x15360] =	vst v3;
	v3 =	vmul.f32 v45, v48  }
0x134: {  	v52 =	vld [tilespmem:s9+$0x153E0];
	[tilespmem:s9+$0x15370] =	vst v2;
	v2 =	vmul.f32 v46, v48  }
0x135: {  	v53 =	vbroadcast v1, $0xD;
	v54 =	vld [tilespmem:s9+$0x153F0];
	[tilespmem:s9+$0x15380] =	vst v3;
	v3 =	vmul.f32 v47, v48  }
0x136: {  	v55 =	vld [tilespmem:s9+$0x15400];
	[tilespmem:s9+$0x15390] =	vst v2;
	v2 =	vmul.f32 v49, v48  }
0x137: {  	v56 =	vld [tilespmem:s9+$0x15410];
	[tilespmem:s9+$0x153A0] =	vst v3;
	v3 =	vmul.f32 v50, v53  }
0x138: {  	v57 =	vld [tilespmem:s9+$0x15420];
	[tilespmem:s9+$0x153B0] =	vst v2;
	v2 =	vmul.f32 v51, v53  }
0x139: {  	v58 =	vbroadcast v1, $0xE;
	v59 =	vld [tilespmem:s9+$0x15430];
	[tilespmem:s9+$0x153C0] =	vst v3;
	v3 =	vmul.f32 v52, v53  }
0x13a: {  	v60 =	vld [tilespmem:s9+$0x15440];
	[tilespmem:s9+$0x153D0] =	vst v2;
	v2 =	vmul.f32 v54, v53  }
0x13b: {  	v61 =	vld [tilespmem:s9+$0x15450];
	[tilespmem:s9+$0x153E0] =	vst v3;
	v3 =	vmul.f32 v55, v58  }
0x13c: {  	v62 =	vld [tilespmem:s9+$0x15460];
	[tilespmem:s9+$0x153F0] =	vst v2;
	v2 =	vmul.f32 v56, v58  }
0x13d: {  	v1 =	vbroadcast v1, $0xF;
	v63 =	vld [tilespmem:s9+$0x15470];
	[tilespmem:s9+$0x15400] =	vst v3;
	v3 =	vmul.f32 v57, v58  }
0x13e: {  	[tilespmem:s9+$0x15410] =	vst v2;
	v2 =	vmul.f32 v59, v58  }
0x13f: {  	p3 =	slt.u32 s31, $0x6;
	[tilespmem:s9+$0x15420] =	vst v3;
	v3 =	vmul.f32 v60, v1  }
.Ltmp1:
0x140: {  	[tilespmem:s9+$0x15430] =	vst v2;
	v2 =	vmul.f32 v61, v1;
	(pc) =	sbr.rel @p3 .LBB2_5-.Ltmp1, $4  }
0x141: {  	[tilespmem:s9+$0x15440] =	vst v3;
	v3 =	vmul.f32 v62, v1  }
0x142: {  	[tilespmem:s9+$0x15450] =	vst v2;
	v1 =	vmul.f32 v63, v1  }
0x143: {  	s14 =	sadd.s32 $0x2, s31;
	[tilespmem:s9+$0x15460] =	vst v3  }
0x144: {  	s31 =	smov.u32 s14;
	[tilespmem:s9+$0x15470] =	vst v1  }
0x145: {  	s9 =	simm.s32 @!p0 $0x80;
	s10 =	simm.s32 @!p0 $0x18C80;
	s14 =	simm.s32 @!p0 $0x14B80  }
0x146: {  	[spmem:s3] =	stream.indirect.scatter.add.f32 @!p0 [tilespmem:s14], [sflag:$0x7], $0x1, s10, s9, $0xb8;
	[tilespmem:$0x18D80] =	vst v63  }
0x147: {  	s9 =	simm.s32 @!p0 $0x7  }
0x148: {  	_ =	swait.ge @!p0 [sflag:s9], $0x80  }
0x149: {  	[sflag:s9] =	ssyncset.done @!p0 $0x0  }
0x14a: {  	[sflag:s9] =	ssyncadd.s32 @!p0 $0xFFFFFF80;
	s9 =	simm.s32 @!p2 $0x3  }
0x14b: {  	[spmem:s2] =	stream.indirect.scatter.add.f32 [tilespmem:s12], [sflag:$0x5], $0x40, s25, s18, $0xb8;
	[tilespmem:$0x18D80] =	vst v63  }
0x14c: {  	_ =	swait.ge @!p2 [sflag:s9], $0x100  }
0x14d: {  	[sflag:s9] =	ssyncset.done @!p2 $0x0  }
0x14e: {  	[sflag:s9] =	ssyncadd.s32 @!p2 $0xFFFFFF00;
	s9 =	simm.s32 @!p2 $0x5  }
0x14f: {  	_ =	swait.ge @!p2 [sflag:s9], $0x2000  }
0x150: {  	s10 =	simm.s32 @!p2 $0x14800;
	[sflag:s9] =	ssyncset.done @!p2 $0x0  }
0x151: {  	s14 =	simm.s32 @!p2 $0x14C80;
	[sflag:s9] =	ssyncadd.s32 @!p2 $0xFFFFE000;
	s9 =	simm.s32 @!p2 $0x80  }
0x152: {  	[tilespmem:s14], [sflag:$0x1] =	stream.indirect.gather @!p2 [spmem:s4], $0x40, s10, s9, $0xb8;
	[tilespmem:$0x18D80] =	vst v63  }
0x153: {  	s31 =	simm.s32 @!p2 $0x14980;
	s14 =	simm.s32 @!p2 $0x14780  }
0x154: {  	[tilespmem:s31], [sflag:$0x1] =	stream.indirect.gather @!p2 [spmem:s6], $0x1, s14, s9, $0xb8;
	[tilespmem:$0x18D80] =	vst v63  }
0x155: {  	s14 =	simm.s32 @!p2 $0x14A80  }
0x156: {  	[tilespmem:s14], [sflag:$0x1] =	stream.indirect.gather @!p2 [spmem:s7], $0x1, s10, s9, $0xb8;
	[tilespmem:$0x18D80] =	vst v63  }
0x157: {  	_ =	swait.ge [sflag:s26], $0x2000  }
0x158: {  	[sflag:s26] =	ssyncset.done $0x0  }
0x159: {  	[sflag:s26] =	ssyncadd.s32 $0xFFFFE000  }
0x15a: {  	_ =	swait.ge [sflag:s26], $0x80  }
0x15b: {  	[sflag:s26] =	ssyncset.done $0x0  }
0x15c: {  	[sflag:s26] =	ssyncadd.s32 $0xFFFFFF80  }
0x15d: {  	_ =	swait.ge [sflag:s26], $0x80  }
0x15e: {  	[sflag:s26] =	ssyncset.done $0x0  }
0x15f: {  	[sflag:s26] =	ssyncadd.s32 $0xFFFFFF80  }
0x160: {  	v1 =	vld [tilespmem:$0x14A00]  }
0x161: {  	v2 =	vld [tilespmem:$0x14B00]  }
0x162: {  	v3 =	vld [tilespmem:$0x14A10]  }
0x163: {  	v4 =	vld [tilespmem:$0x14B10]  }
0x164: {  	v5 =	vld [tilespmem:$0x14A20]  }
0x165: {  	v6 =	vld [tilespmem:$0x14B20]  }
0x166: {  	v7 =	vld [tilespmem:$0x14A30]  }
0x167: {  	v8 =	vld [tilespmem:$0x14A40];
	v1 =	vadd.f32 v2, v1  }
0x168: {  	v2 =	vld [tilespmem:$0x14B30]  }
0x169: {  	v46 =	vld [tilespmem:$0x14B40];
	v3 =	vadd.f32 v4, v3;
	v9 =	vmul.f32 $2.000000030e-01, v1  }
0x16a: {  	v47 =	vld [tilespmem:$0x14A50];
	v5 =	vadd.f32 v6, v5;
	vm0 =	vge.f32 v1, $0.0e+00  }
0x16b: {  	v10 =	vld [tilespmem:$0x14B50];
	v48 =	vmul.f32 $2.000000030e-01, v3;
	v1 =	vsel vm0, v1, v9  }
0x16c: {  	vm9 =	vge.f32 v3, $0.0e+00;
	v11 =	vmul.f32 $2.000000030e-01, v5;
	v1 =	vmul.f32 $1.442695020e+00, v1  }
0x16d: {  	v49 =	vld [tilespmem:$0x14A60];
	vm10 =	vge.f32 v5, $0.0e+00;
	v3 =	vsel vm9, v3, v48;
	v2 =	vadd.f32 v2, v7  }
0x16e: {  	v50 =	vld [tilespmem:$0x14B60];
	(erf) = vpow2.f32 v1;
	v1 =	vmul.f32 $1.442695020e+00, v3;
	v3 =	vsel vm10, v5, v11  }
0x16f: {  	v52 =	vld [tilespmem:$0x14A70];
	v4 =	vadd.f32 v46, v8;
	v51 =	vmul.f32 $2.000000030e-01, v2;
	v3 =	vmul.f32 $1.442695020e+00, v3  }
0x170: {  	v53 =	vld [tilespmem:$0x14B70];
	vm11 =	vge.f32 v2, $0.0e+00;
	(erf) = vpow2.f32 v1;
	v1 =	vadd.f32 v10, v47  }
0x171: {  	v2 =	vsel vm11, v2, v51;
	(erf) = vpow2.f32 v3;
	v3 =	vmul.f32 $2.000000030e-01, v4  }
0x172: {  	vm12 =	vge.f32 v4, $0.0e+00;
	v2 =	vmul.f32 $1.442695020e+00, v2;
	v54 =	vmul.f32 $2.000000030e-01, v1  }
0x173: {  	v55 =	vadd.f32 v50, v49;
	vm13 =	vge.f32 v1, $0.0e+00;
	v3 =	vsel vm12, v4, v3  }
0x174: {  	(erf) = vpow2.f32 v2;
	v1 =	vsel vm13, v1, v54;
	v2 =	vmul.f32 $1.442695020e+00, v3  }
0x175: {  	v6 =	vadd.f32 v53, v52;
	v1 =	vmul.f32 $1.442695020e+00, v1  }
0x176: {  	v56 =	vld [tilespmem:$0x14880];
	v7 =	vmul.f32 $2.000000030e-01, v55;
	(erf) = vpow2.f32 v2  }
0x177: {  	v58 =	vld [tilespmem:$0x148A0];
	vm14 =	vge.f32 v55, $0.0e+00;
	v57 =	vpop (erf);
	(erf) = vpow2.f32 v1;
	v1 =	vmul.f32 $2.000000030e-01, v6  }
0x178: {  	vm15 =	vge.f32 v6, $0.0e+00;
	v3 =	vld [tilespmem:$0x14890];
	v2 =	vsel vm14, v55, v7  }
0x179: {  	s10 =	sadd.s32 s30, s1;
	v2 =	vmul.f32 $1.442695020e+00, v2;
	v1 =	vsel vm15, v6, v1  }
0x17a: {  	s9 =	sshll.u32 s10, $0x7;
	v60 =	vld [tilespmem:$0x148B0];
	v1 =	vmul.f32 $1.442695020e+00, v1  }
0x17b: {  	s14 =	sor.u32 $0x10, s9;
	[tilespmem:$0x18D00] =	vst v56;
	v59 =	vpop (erf);
	(erf) = vpow2.f32 v2  }
0x17c: {  	p6 =	slt.u32 s14, $0x50910;
	[tilespmem:$0x18D20] =	vst v58  }
0x17d: {  	s14 =	sor.u32 $0x30, s9;
	[tilespmem:$0x18D10] =	vst v3;
	v3 =	vpsel !p6, $0x0, v59;
	v2 =	vpop (erf)  }
0x17e: {  	s31 =	sor.u32 $0x20, s9;
	p5 =	slt.u32 s14, $0x50910;
	[tilespmem:$0x14C10] =	vst v3;
	v3 =	vld [tilespmem:$0x148C0];
	(erf) = vpow2.f32 v1;
	v1 =	vpop (erf)  }
0x17f: {  	p4 =	slt.u32 s31, $0x50910;
	[tilespmem:$0x18D30] =	vst v60;
	v1 =	vpsel !p5, $0x0, v1  }
0x180: {  	p3 =	slt.u32 s9, $0x50910;
	v2 =	vpsel !p4, $0x0, v2;
	[tilespmem:$0x14C30] =	vst v1;
	v1 =	vld [tilespmem:$0x148E0]  }
0x181: {  	s31 =	sor.u32 $0x40, s9;
	v4 =	vpsel !p3, $0x0, v57;
	[tilespmem:$0x14C20] =	vst v2;
	v2 =	vld [tilespmem:$0x148D0]  }
0x182: {  	[tilespmem:$0x14C00] =	vst v4;
	p6 =	slt.u32 s31, $0x50910;
	v61 =	vpop (erf)  }
0x183: {  	s31 =	sor.u32 $0x60, s9;
	[tilespmem:$0x18D40] =	vst v3;
	v3 =	vpsel !p6, $0x0, v61;
	v62 =	vpop (erf)  }
0x184: {  	s14 =	sor.u32 $0x50, s9;
	p5 =	slt.u32 s31, $0x50910;
	[tilespmem:$0x14C40] =	vst v3;
	v3 =	vld [tilespmem:$0x148F0];
	v63 =	vpop (erf)  }
0x185: {  	p4 =	slt.u32 s14, $0x50910;
	[tilespmem:$0x18D60] =	vst v1;
	v1 =	vpsel !p5, $0x0, v63  }
0x186: {  	[tilespmem:$0x18D50] =	vst v2;
	v2 =	vpsel !p4, $0x0, v62  }
0x187: {  	s9 =	sor.u32 $0x70, s9;
	[tilespmem:$0x14C50] =	vst v2  }
0x188: {  	p6 =	slt.u32 s9, $0x50910;
	s9 =	sadd.s32 @!p2 s30, s11;
	[tilespmem:$0x14C60] =	vst v1;
	v1 =	vpop (erf)  }
0x189: {  	s10 =	simm.s32 @!p2 $0x0;
	s9 =	sshll.u32 @!p2 s9, $0x5;
	[tilespmem:$0x18D70] =	vst v3;
	v1 =	vpsel !p6, $0x0, v1  }
0x18a: {  	s14 =	simm.s32 @!p2 $0x14880;
	s30 =	simm.s32 $0x0;
	s9 =	sadd.s32 @!p2 s0, s9;
	[tilespmem:$0x14C70] =	vst v1  }
0x18b: {  	[tilespmem:s14], [sflag:$0x4] =	stream.linear.gather @!p2 [hbm4b:s9+s10], $0x100, $0x38;
	[tilespmem:$0x18D80] =	vst v63  }
.LBB2_7:
0x18c: {  	s10 =	sshll.u32 s30, $0x4  }
0x18d: {  	s14 =	sshll.u32 s30, $0xA;
	s9 =	sand.u32 $0x3FFFFFF0, s10  }
0x18e: {  	v2 =	vld [tilespmem:s9+$0x14C00];
	s9 =	sand.u32 $0x3FFFFC00, s14  }
0x18f: {  	v1 =	vld [tilespmem:s9+$0x16C80]  }
0x190: {  	v3 =	vld [tilespmem:s9+$0x16C90]  }
0x191: {  	v4 =	vld [tilespmem:s9+$0x16CA0]  }
0x192: {  	v5 =	vld [tilespmem:s9+$0x16CB0]  }
0x193: {  	v7 =	vld [tilespmem:s9+$0x16CC0];
	v6 =	vbroadcast v2, $0x0  }
0x194: {  	v8 =	vld [tilespmem:s9+$0x16CD0]  }
0x195: {  	v9 =	vld [tilespmem:s9+$0x16CE0];
	v1 =	vmul.f32 v6, v1  }
0x196: {  	v10 =	vld [tilespmem:s9+$0x16CF0];
	v3 =	vmul.f32 v3, v6  }
0x197: {  	v11 =	vld [tilespmem:s9+$0x16D00];
	v18 =	vbroadcast v2, $0x1;
	[tilespmem:s9+$0x16C80] =	vst v1;
	v1 =	vmul.f32 v4, v6  }
0x198: {  	v19 =	vld [tilespmem:s9+$0x16D10];
	[tilespmem:s9+$0x16C90] =	vst v3;
	v3 =	vmul.f32 v5, v6  }
0x199: {  	v20 =	vld [tilespmem:s9+$0x16D20];
	[tilespmem:s9+$0x16CA0] =	vst v1;
	v1 =	vmul.f32 v7, v18  }
0x19a: {  	v21 =	vld [tilespmem:s9+$0x16D30];
	[tilespmem:s9+$0x16CB0] =	vst v3;
	v3 =	vmul.f32 v8, v18  }
0x19b: {  	v23 =	vld [tilespmem:s9+$0x16D40];
	v22 =	vbroadcast v2, $0x2;
	[tilespmem:s9+$0x16CC0] =	vst v1;
	v1 =	vmul.f32 v9, v18  }
0x19c: {  	v24 =	vld [tilespmem:s9+$0x16D50];
	[tilespmem:s9+$0x16CD0] =	vst v3;
	v3 =	vmul.f32 v10, v18  }
0x19d: {  	v25 =	vld [tilespmem:s9+$0x16D60];
	[tilespmem:s9+$0x16CE0] =	vst v1;
	v1 =	vmul.f32 v11, v22  }
0x19e: {  	v26 =	vld [tilespmem:s9+$0x16D70];
	[tilespmem:s9+$0x16CF0] =	vst v3;
	v3 =	vmul.f32 v19, v22  }
0x19f: {  	v28 =	vld [tilespmem:s9+$0x16D80];
	v27 =	vbroadcast v2, $0x3;
	[tilespmem:s9+$0x16D00] =	vst v1;
	v1 =	vmul.f32 v20, v22  }
0x1a0: {  	v29 =	vld [tilespmem:s9+$0x16D90];
	[tilespmem:s9+$0x16D10] =	vst v3;
	v3 =	vmul.f32 v21, v22  }
0x1a1: {  	v30 =	vld [tilespmem:s9+$0x16DA0];
	[tilespmem:s9+$0x16D20] =	vst v1;
	v1 =	vmul.f32 v23, v27  }
0x1a2: {  	v31 =	vld [tilespmem:s9+$0x16DB0];
	[tilespmem:s9+$0x16D30] =	vst v3;
	v3 =	vmul.f32 v24, v27  }
0x1a3: {  	v33 =	vld [tilespmem:s9+$0x16DC0];
	v32 =	vbroadcast v2, $0x4;
	[tilespmem:s9+$0x16D40] =	vst v1;
	v1 =	vmul.f32 v25, v27  }
0x1a4: {  	v34 =	vld [tilespmem:s9+$0x16DD0];
	[tilespmem:s9+$0x16D50] =	vst v3;
	v3 =	vmul.f32 v26, v27  }
0x1a5: {  	v35 =	vld [tilespmem:s9+$0x16DE0];
	[tilespmem:s9+$0x16D60] =	vst v1;
	v1 =	vmul.f32 v28, v32  }
0x1a6: {  	v36 =	vld [tilespmem:s9+$0x16DF0];
	[tilespmem:s9+$0x16D70] =	vst v3;
	v3 =	vmul.f32 v29, v32  }
0x1a7: {  	v38 =	vld [tilespmem:s9+$0x16E00];
	v37 =	vbroadcast v2, $0x5;
	[tilespmem:s9+$0x16D80] =	vst v1;
	v1 =	vmul.f32 v30, v32  }
0x1a8: {  	v39 =	vld [tilespmem:s9+$0x16E10];
	[tilespmem:s9+$0x16D90] =	vst v3;
	v3 =	vmul.f32 v31, v32  }
0x1a9: {  	v40 =	vld [tilespmem:s9+$0x16E20];
	[tilespmem:s9+$0x16DA0] =	vst v1;
	v1 =	vmul.f32 v33, v37  }
0x1aa: {  	v41 =	vld [tilespmem:s9+$0x16E30];
	[tilespmem:s9+$0x16DB0] =	vst v3;
	v3 =	vmul.f32 v34, v37  }
0x1ab: {  	v43 =	vld [tilespmem:s9+$0x16E40];
	v42 =	vbroadcast v2, $0x6;
	[tilespmem:s9+$0x16DC0] =	vst v1;
	v1 =	vmul.f32 v35, v37  }
0x1ac: {  	v44 =	vld [tilespmem:s9+$0x16E50];
	[tilespmem:s9+$0x16DD0] =	vst v3;
	v3 =	vmul.f32 v36, v37  }
0x1ad: {  	v45 =	vld [tilespmem:s9+$0x16E60];
	[tilespmem:s9+$0x16DE0] =	vst v1;
	v1 =	vmul.f32 v38, v42  }
0x1ae: {  	v46 =	vld [tilespmem:s9+$0x16E70];
	[tilespmem:s9+$0x16DF0] =	vst v3;
	v3 =	vmul.f32 v39, v42  }
0x1af: {  	v48 =	vld [tilespmem:s9+$0x16E80];
	v47 =	vbroadcast v2, $0x7;
	[tilespmem:s9+$0x16E00] =	vst v1;
	v1 =	vmul.f32 v40, v42  }
0x1b0: {  	v49 =	vld [tilespmem:s9+$0x16E90];
	[tilespmem:s9+$0x16E10] =	vst v3;
	v3 =	vmul.f32 v41, v42  }
0x1b1: {  	v50 =	vld [tilespmem:s9+$0x16EA0];
	[tilespmem:s9+$0x16E20] =	vst v1;
	v1 =	vmul.f32 v43, v47  }
0x1b2: {  	v51 =	vld [tilespmem:s9+$0x16EB0];
	[tilespmem:s9+$0x16E30] =	vst v3;
	v3 =	vmul.f32 v44, v47  }
0x1b3: {  	v53 =	vld [tilespmem:s9+$0x16EC0];
	v52 =	vbroadcast v2, $0x8;
	[tilespmem:s9+$0x16E40] =	vst v1;
	v1 =	vmul.f32 v45, v47  }
0x1b4: {  	v54 =	vld [tilespmem:s9+$0x16ED0];
	[tilespmem:s9+$0x16E50] =	vst v3;
	v3 =	vmul.f32 v46, v47  }
0x1b5: {  	v55 =	vld [tilespmem:s9+$0x16EE0];
	[tilespmem:s9+$0x16E60] =	vst v1;
	v1 =	vmul.f32 v48, v52  }
0x1b6: {  	v56 =	vld [tilespmem:s9+$0x16EF0];
	[tilespmem:s9+$0x16E70] =	vst v3;
	v3 =	vmul.f32 v49, v52  }
0x1b7: {  	v58 =	vld [tilespmem:s9+$0x16F00];
	v57 =	vbroadcast v2, $0x9;
	[tilespmem:s9+$0x16E80] =	vst v1;
	v1 =	vmul.f32 v50, v52  }
0x1b8: {  	v59 =	vld [tilespmem:s9+$0x16F10];
	[tilespmem:s9+$0x16E90] =	vst v3;
	v3 =	vmul.f32 v51, v52  }
0x1b9: {  	v60 =	vld [tilespmem:s9+$0x16F20];
	[tilespmem:s9+$0x16EA0] =	vst v1;
	v1 =	vmul.f32 v53, v57  }
0x1ba: {  	v61 =	vld [tilespmem:s9+$0x16F30];
	[tilespmem:s9+$0x16EB0] =	vst v3;
	v3 =	vmul.f32 v54, v57  }
0x1bb: {  	v63 =	vld [tilespmem:s9+$0x16F40];
	v62 =	vbroadcast v2, $0xA;
	[tilespmem:s9+$0x16EC0] =	vst v1;
	v1 =	vmul.f32 v55, v57  }
0x1bc: {  	v12 =	vld [tilespmem:s9+$0x16F50];
	[tilespmem:s9+$0x16ED0] =	vst v3;
	v3 =	vmul.f32 v56, v57  }
0x1bd: {  	v13 =	vld [tilespmem:s9+$0x16F60];
	[tilespmem:s9+$0x16EE0] =	vst v1;
	v1 =	vmul.f32 v58, v62  }
0x1be: {  	v14 =	vld [tilespmem:s9+$0x16F70];
	[tilespmem:s9+$0x16EF0] =	vst v3;
	v3 =	vmul.f32 v59, v62  }
0x1bf: {  	v16 =	vld [tilespmem:s9+$0x16F80];
	v15 =	vbroadcast v2, $0xB;
	[tilespmem:s9+$0x16F00] =	vst v1;
	v1 =	vmul.f32 v60, v62  }
0x1c0: {  	v17 =	vld [tilespmem:s9+$0x16F90];
	[tilespmem:s9+$0x16F10] =	vst v3;
	v3 =	vmul.f32 v61, v62  }
0x1c1: {  	v18 =	vld [tilespmem:s9+$0x16FA0];
	[tilespmem:s9+$0x16F20] =	vst v1;
	v1 =	vmul.f32 v63, v15  }
0x1c2: {  	v19 =	vld [tilespmem:s9+$0x16FB0];
	[tilespmem:s9+$0x16F30] =	vst v3;
	v3 =	vmul.f32 v12, v15  }
0x1c3: {  	v20 =	vbroadcast v2, $0xC;
	v21 =	vld [tilespmem:s9+$0x16FC0];
	[tilespmem:s9+$0x16F40] =	vst v1;
	v1 =	vmul.f32 v13, v15  }
0x1c4: {  	v22 =	vld [tilespmem:s9+$0x16FD0];
	[tilespmem:s9+$0x16F50] =	vst v3;
	v3 =	vmul.f32 v14, v15  }
0x1c5: {  	v23 =	vld [tilespmem:s9+$0x16FE0];
	[tilespmem:s9+$0x16F60] =	vst v1;
	v1 =	vmul.f32 v16, v20  }
0x1c6: {  	v24 =	vld [tilespmem:s9+$0x16FF0];
	[tilespmem:s9+$0x16F70] =	vst v3;
	v3 =	vmul.f32 v17, v20  }
0x1c7: {  	s14 =	sor.u32 $0x400, s14;
	v9 =	vmul.f32 v18, v20;
	v25 =	vbroadcast v2, $0xD;
	[tilespmem:s9+$0x16F80] =	vst v1;
	v1 =	vld [tilespmem:s10+$0x14C10]  }
0x1c8: {  	v26 =	vld [tilespmem:s9+$0x17000];
	[tilespmem:s9+$0x16F90] =	vst v3;
	v3 =	vmul.f32 v19, v20;
	s10 =	sand.u32 $0x3FFFFC00, s14  }
0x1c9: {  	[tilespmem:s9+$0x16FA0] =	vst v9;
	v27 =	vmul.f32 v21, v25;
	v28 =	vld [tilespmem:s10+$0x16C80]  }
0x1ca: {  	v29 =	vld [tilespmem:s10+$0x16C90];
	[tilespmem:s9+$0x16FB0] =	vst v3;
	v3 =	vmul.f32 v22, v25  }
0x1cb: {  	[tilespmem:s9+$0x16FC0] =	vst v27;
	v30 =	vmul.f32 v23, v25;
	v31 =	vbroadcast v2, $0xE;
	v32 =	vld [tilespmem:s10+$0x16CA0]  }
0x1cc: {  	v34 =	vld [tilespmem:s10+$0x16CB0];
	[tilespmem:s9+$0x16FD0] =	vst v3;
	v3 =	vmul.f32 v24, v25;
	v33 =	vbroadcast v1, $0x0  }
0x1cd: {  	[tilespmem:s9+$0x16FE0] =	vst v30;
	v5 =	vmul.f32 v26, v31;
	v35 =	vld [tilespmem:s9+$0x17010]  }
0x1ce: {  	[tilespmem:s9+$0x16FF0] =	vst v3;
	v3 =	vld [tilespmem:s9+$0x17020];
	v9 =	vmul.f32 v33, v28  }
0x1cf: {  	[tilespmem:s9+$0x17000] =	vst v5;
	v36 =	vld [tilespmem:s9+$0x17030];
	v7 =	vmul.f32 v29, v33  }
0x1d0: {  	v37 =	vld [tilespmem:s9+$0x17040];
	v10 =	vmul.f32 v32, v33;
	[tilespmem:s10+$0x16C80] =	vst v9  }
0x1d1: {  	v38 =	vld [tilespmem:s9+$0x17050];
	v4 =	vmul.f32 v34, v33;
	[tilespmem:s10+$0x16C90] =	vst v7  }
0x1d2: {  	v39 =	vld [tilespmem:s9+$0x17060];
	v6 =	vmul.f32 v35, v31;
	[tilespmem:s10+$0x16CA0] =	vst v10  }
0x1d3: {  	v2 =	vbroadcast v2, $0xF;
	v40 =	vld [tilespmem:s9+$0x17070];
	[tilespmem:s10+$0x16CB0] =	vst v4;
	v3 =	vmul.f32 v3, v31  }
0x1d4: {  	v5 =	vmul.f32 v36, v31;
	[tilespmem:s9+$0x17010] =	vst v6;
	v41 =	vld [tilespmem:s9+$0x170C0]  }
0x1d5: {  	v42 =	vld [tilespmem:s9+$0x170D0];
	[tilespmem:s9+$0x17020] =	vst v3;
	v3 =	vmul.f32 v37, v2  }
0x1d6: {  	[tilespmem:s9+$0x17030] =	vst v5;
	v43 =	vmul.f32 v38, v2;
	v44 =	vld [tilespmem:s9+$0x170E0]  }
0x1d7: {  	v45 =	vbroadcast v1, $0x1;
	v46 =	vld [tilespmem:s9+$0x170F0];
	[tilespmem:s9+$0x17040] =	vst v3;
	v3 =	vmul.f32 v39, v2  }
0x1d8: {  	[tilespmem:s9+$0x17050] =	vst v43;
	v47 =	vld [tilespmem:s9+$0x17100];
	v2 =	vmul.f32 v40, v2  }
0x1d9: {  	v48 =	vld [tilespmem:s9+$0x17110];
	[tilespmem:s9+$0x17060] =	vst v3;
	v3 =	vmul.f32 v41, v45  }
0x1da: {  	v49 =	vld [tilespmem:s9+$0x17120];
	[tilespmem:s9+$0x17070] =	vst v2;
	v2 =	vmul.f32 v42, v45  }
0x1db: {  	v50 =	vbroadcast v1, $0x2;
	v51 =	vld [tilespmem:s9+$0x17130];
	[tilespmem:s9+$0x170C0] =	vst v3;
	v3 =	vmul.f32 v44, v45  }
0x1dc: {  	v52 =	vld [tilespmem:s9+$0x17140];
	[tilespmem:s9+$0x170D0] =	vst v2;
	v2 =	vmul.f32 v46, v45  }
0x1dd: {  	v53 =	vld [tilespmem:s9+$0x17150];
	[tilespmem:s9+$0x170E0] =	vst v3;
	v3 =	vmul.f32 v47, v50  }
0x1de: {  	v54 =	vld [tilespmem:s9+$0x17160];
	[tilespmem:s9+$0x170F0] =	vst v2;
	v2 =	vmul.f32 v48, v50  }
0x1df: {  	v55 =	vbroadcast v1, $0x3;
	v56 =	vld [tilespmem:s9+$0x17170];
	[tilespmem:s9+$0x17100] =	vst v3;
	v3 =	vmul.f32 v49, v50  }
0x1e0: {  	v57 =	vld [tilespmem:s9+$0x17180];
	[tilespmem:s9+$0x17110] =	vst v2;
	v2 =	vmul.f32 v51, v50  }
0x1e1: {  	v58 =	vld [tilespmem:s9+$0x17190];
	[tilespmem:s9+$0x17120] =	vst v3;
	v3 =	vmul.f32 v52, v55  }
0x1e2: {  	v59 =	vld [tilespmem:s9+$0x171A0];
	[tilespmem:s9+$0x17130] =	vst v2;
	v2 =	vmul.f32 v53, v55  }
0x1e3: {  	v60 =	vbroadcast v1, $0x4;
	v61 =	vld [tilespmem:s9+$0x171B0];
	[tilespmem:s9+$0x17140] =	vst v3;
	v3 =	vmul.f32 v54, v55  }
0x1e4: {  	v62 =	vld [tilespmem:s9+$0x171C0];
	[tilespmem:s9+$0x17150] =	vst v2;
	v2 =	vmul.f32 v56, v55  }
0x1e5: {  	v63 =	vld [tilespmem:s9+$0x171D0];
	[tilespmem:s9+$0x17160] =	vst v3;
	v3 =	vmul.f32 v57, v60  }
0x1e6: {  	v12 =	vld [tilespmem:s9+$0x171E0];
	[tilespmem:s9+$0x17170] =	vst v2;
	v2 =	vmul.f32 v58, v60  }
0x1e7: {  	v13 =	vbroadcast v1, $0x5;
	v14 =	vld [tilespmem:s9+$0x171F0];
	[tilespmem:s9+$0x17180] =	vst v3;
	v3 =	vmul.f32 v59, v60  }
0x1e8: {  	v15 =	vld [tilespmem:s9+$0x17200];
	[tilespmem:s9+$0x17190] =	vst v2;
	v2 =	vmul.f32 v61, v60  }
0x1e9: {  	v16 =	vld [tilespmem:s9+$0x17210];
	[tilespmem:s9+$0x171A0] =	vst v3;
	v3 =	vmul.f32 v62, v13  }
0x1ea: {  	v17 =	vld [tilespmem:s9+$0x17220];
	[tilespmem:s9+$0x171B0] =	vst v2;
	v2 =	vmul.f32 v63, v13  }
0x1eb: {  	v18 =	vbroadcast v1, $0x6;
	v19 =	vld [tilespmem:s9+$0x17230];
	[tilespmem:s9+$0x171C0] =	vst v3;
	v3 =	vmul.f32 v12, v13  }
0x1ec: {  	v20 =	vld [tilespmem:s9+$0x17240];
	[tilespmem:s9+$0x171D0] =	vst v2;
	v2 =	vmul.f32 v14, v13  }
0x1ed: {  	v21 =	vld [tilespmem:s9+$0x17250];
	[tilespmem:s9+$0x171E0] =	vst v3;
	v3 =	vmul.f32 v15, v18  }
0x1ee: {  	v22 =	vld [tilespmem:s9+$0x17260];
	[tilespmem:s9+$0x171F0] =	vst v2;
	v2 =	vmul.f32 v16, v18  }
0x1ef: {  	v23 =	vbroadcast v1, $0x7;
	v24 =	vld [tilespmem:s9+$0x17270];
	[tilespmem:s9+$0x17200] =	vst v3;
	v3 =	vmul.f32 v17, v18  }
0x1f0: {  	v25 =	vld [tilespmem:s9+$0x17280];
	[tilespmem:s9+$0x17210] =	vst v2;
	v2 =	vmul.f32 v19, v18  }
0x1f1: {  	v26 =	vld [tilespmem:s9+$0x17290];
	[tilespmem:s9+$0x17220] =	vst v3;
	v3 =	vmul.f32 v20, v23  }
0x1f2: {  	v27 =	vld [tilespmem:s9+$0x172A0];
	[tilespmem:s9+$0x17230] =	vst v2;
	v2 =	vmul.f32 v21, v23  }
0x1f3: {  	v28 =	vbroadcast v1, $0x8;
	v29 =	vld [tilespmem:s9+$0x172B0];
	[tilespmem:s9+$0x17240] =	vst v3;
	v3 =	vmul.f32 v22, v23  }
0x1f4: {  	v30 =	vld [tilespmem:s9+$0x172C0];
	[tilespmem:s9+$0x17250] =	vst v2;
	v2 =	vmul.f32 v24, v23  }
0x1f5: {  	v31 =	vld [tilespmem:s9+$0x172D0];
	[tilespmem:s9+$0x17260] =	vst v3;
	v3 =	vmul.f32 v25, v28  }
0x1f6: {  	v32 =	vld [tilespmem:s9+$0x172E0];
	[tilespmem:s9+$0x17270] =	vst v2;
	v2 =	vmul.f32 v26, v28  }
0x1f7: {  	v33 =	vbroadcast v1, $0x9;
	v34 =	vld [tilespmem:s9+$0x172F0];
	[tilespmem:s9+$0x17280] =	vst v3;
	v3 =	vmul.f32 v27, v28  }
0x1f8: {  	v35 =	vld [tilespmem:s9+$0x17300];
	[tilespmem:s9+$0x17290] =	vst v2;
	v2 =	vmul.f32 v29, v28  }
0x1f9: {  	v36 =	vld [tilespmem:s9+$0x17310];
	[tilespmem:s9+$0x172A0] =	vst v3;
	v3 =	vmul.f32 v30, v33  }
0x1fa: {  	v37 =	vld [tilespmem:s9+$0x17320];
	[tilespmem:s9+$0x172B0] =	vst v2;
	v2 =	vmul.f32 v31, v33  }
0x1fb: {  	v38 =	vbroadcast v1, $0xA;
	v39 =	vld [tilespmem:s9+$0x17330];
	[tilespmem:s9+$0x172C0] =	vst v3;
	v3 =	vmul.f32 v32, v33  }
0x1fc: {  	v40 =	vld [tilespmem:s9+$0x17340];
	[tilespmem:s9+$0x172D0] =	vst v2;
	v2 =	vmul.f32 v34, v33  }
0x1fd: {  	v41 =	vld [tilespmem:s9+$0x17350];
	[tilespmem:s9+$0x172E0] =	vst v3;
	v3 =	vmul.f32 v35, v38  }
0x1fe: {  	v42 =	vld [tilespmem:s9+$0x17360];
	[tilespmem:s9+$0x172F0] =	vst v2;
	v2 =	vmul.f32 v36, v38  }
0x1ff: {  	v43 =	vbroadcast v1, $0xB;
	v44 =	vld [tilespmem:s9+$0x17370];
	[tilespmem:s9+$0x17300] =	vst v3;
	v3 =	vmul.f32 v37, v38  }
0x200: {  	v45 =	vld [tilespmem:s9+$0x17380];
	[tilespmem:s9+$0x17310] =	vst v2;
	v2 =	vmul.f32 v39, v38  }
0x201: {  	v46 =	vld [tilespmem:s9+$0x17390];
	[tilespmem:s9+$0x17320] =	vst v3;
	v3 =	vmul.f32 v40, v43  }
0x202: {  	v47 =	vld [tilespmem:s9+$0x173A0];
	[tilespmem:s9+$0x17330] =	vst v2;
	v2 =	vmul.f32 v41, v43  }
0x203: {  	v48 =	vbroadcast v1, $0xC;
	v49 =	vld [tilespmem:s9+$0x173B0];
	[tilespmem:s9+$0x17340] =	vst v3;
	v3 =	vmul.f32 v42, v43  }
0x204: {  	v50 =	vld [tilespmem:s9+$0x173C0];
	[tilespmem:s9+$0x17350] =	vst v2;
	v2 =	vmul.f32 v44, v43  }
0x205: {  	v51 =	vld [tilespmem:s9+$0x173D0];
	[tilespmem:s9+$0x17360] =	vst v3;
	v3 =	vmul.f32 v45, v48  }
0x206: {  	v52 =	vld [tilespmem:s9+$0x173E0];
	[tilespmem:s9+$0x17370] =	vst v2;
	v2 =	vmul.f32 v46, v48  }
0x207: {  	v53 =	vbroadcast v1, $0xD;
	v54 =	vld [tilespmem:s9+$0x173F0];
	[tilespmem:s9+$0x17380] =	vst v3;
	v3 =	vmul.f32 v47, v48  }
0x208: {  	v55 =	vld [tilespmem:s9+$0x17400];
	[tilespmem:s9+$0x17390] =	vst v2;
	v2 =	vmul.f32 v49, v48  }
0x209: {  	v56 =	vld [tilespmem:s9+$0x17410];
	[tilespmem:s9+$0x173A0] =	vst v3;
	v3 =	vmul.f32 v50, v53  }
0x20a: {  	v57 =	vld [tilespmem:s9+$0x17420];
	[tilespmem:s9+$0x173B0] =	vst v2;
	v2 =	vmul.f32 v51, v53  }
0x20b: {  	v58 =	vbroadcast v1, $0xE;
	v59 =	vld [tilespmem:s9+$0x17430];
	[tilespmem:s9+$0x173C0] =	vst v3;
	v3 =	vmul.f32 v52, v53  }
0x20c: {  	v60 =	vld [tilespmem:s9+$0x17440];
	[tilespmem:s9+$0x173D0] =	vst v2;
	v2 =	vmul.f32 v54, v53  }
0x20d: {  	v61 =	vld [tilespmem:s9+$0x17450];
	[tilespmem:s9+$0x173E0] =	vst v3;
	v3 =	vmul.f32 v55, v58  }
0x20e: {  	v62 =	vld [tilespmem:s9+$0x17460];
	[tilespmem:s9+$0x173F0] =	vst v2;
	v2 =	vmul.f32 v56, v58  }
0x20f: {  	v1 =	vbroadcast v1, $0xF;
	v63 =	vld [tilespmem:s9+$0x17470];
	[tilespmem:s9+$0x17400] =	vst v3;
	v3 =	vmul.f32 v57, v58  }
0x210: {  	[tilespmem:s9+$0x17410] =	vst v2;
	v2 =	vmul.f32 v59, v58  }
0x211: {  	p2 =	slt.u32 s30, $0x6;
	[tilespmem:s9+$0x17420] =	vst v3;
	v3 =	vmul.f32 v60, v1  }
.Ltmp2:
0x212: {  	[tilespmem:s9+$0x17430] =	vst v2;
	v2 =	vmul.f32 v61, v1;
	(pc) =	sbr.rel @p2 .LBB2_7-.Ltmp2, $4  }
0x213: {  	[tilespmem:s9+$0x17440] =	vst v3;
	v3 =	vmul.f32 v62, v1  }
0x214: {  	[tilespmem:s9+$0x17450] =	vst v2;
	v1 =	vmul.f32 v63, v1  }
0x215: {  	s31 =	sadd.s32 $0x2, s30;
	[tilespmem:s9+$0x17460] =	vst v3  }
0x216: {  	s30 =	smov.u32 s31;
	[tilespmem:s9+$0x17470] =	vst v1  }
0x217: {  	s9 =	simm.s32 @!p1 $0x80  }
0x218: {  	s10 =	simm.s32 @!p1 $0x18D00;
	s14 =	simm.s32 @!p1 $0x14C00;
	s17 =	sadd.s32 $0x1, s17  }
0x219: {  	[spmem:s3] =	stream.indirect.scatter.add.f32 @!p1 [tilespmem:s14], [sflag:$0x7], $0x1, s10, s9, $0xb8;
	[tilespmem:$0x18D80] =	vst v63  }
0x21a: {  	p2 =	sne.s32 s17, $0x51  }
.Ltmp3:
0x21b: {  	s9 =	simm.s32 @!p1 $0x7;
	(pc) =	sbr.rel @p2 .LBB2_4-.Ltmp3, $4  }
0x21c: {  	_ =	swait.ge @!p1 [sflag:s9], $0x80  }
0x21d: {  	[sflag:s9] =	ssyncset.done @!p1 $0x0  }
0x21e: {  	[sflag:s9] =	ssyncadd.s32 @!p1 $0xFFFFFF80  }
0x21f: {  	[spmem:s2] =	stream.indirect.scatter.add.f32 [tilespmem:s19], [sflag:$0x6], $0x40, s29, s18, $0xb8;
	[tilespmem:$0x18D80] =	vst v63  }
0x220: {  	s9 =	simm.s32 $0x5  }
0x221: {  	_ =	swait.ge [sflag:s9], $0x2000  }
0x222: {  	[sflag:s9] =	ssyncset.done $0x0  }
0x223: {  	s14 =	simm.s32 $0x6;
	[sflag:s9] =	ssyncadd.s32 $0xFFFFE000  }
0x224: {  	_ =	swait.ge [sflag:s14], $0x2000  }
0x225: {  	[sflag:s14] =	ssyncset.done $0x0  }
0x226: {  	[sflag:s14] =	ssyncadd.s32 $0xFFFFE000  }
0x227: {  	[bflag:$0x0] =	sbarrier.arrive $0xFFFF  }
0x228: {  	s30 =	rddreg [dreg:$0x8]  }
0x229: {  	s10 =	rddreg [dreg:$0x16];
	s17 =	sshrl.u32 s30, $0x3  }
0x22a: {  	[hbm:s10], [sflag:s22] =	dma.local [spmem:s17], $0x1400  }
0x22b: {  	_ =	swait.ge [sflag:s13], $0x1400  }
0x22c: {  	[sflag:s13] =	ssyncset.done $0x0;
	s31 =	rddreg [dreg:$0x9]  }
0x22d: {  	s17 =	rddreg [dreg:$0x17];
	[sflag:s13] =	ssyncadd.s32 $0xFFFFEC00;
	s14 =	sshrl.u32 s31, $0x3  }
0x22e: {  	[hbm:s17], [sflag:s22] =	dma.local [spmem:s14], $0x50  }
0x22f: {  	_ =	swait.ge [sflag:s13], $0x50  }
0x230: {  	s8 =	sadd.s32 $0x1, s8;
	s22 =	rddreg [dreg:$0x18]  }
0x231: {  	p2 =	sne.s32 s8, s22  }
.Ltmp4:
0x232: {  	_ = 	snop;
	(pc) =	sbr.rel @p2 .LBB2_1-.Ltmp4, $3  }
0x233: {  	_ =	sdelay $0x1  }
0x234: {  	[sflag:s13] =	ssyncset.done $0x0  }
0x235: {  	[sflag:s13] =	ssyncadd.s32 $0xFFFFFFB0  }
0x236: {  	_ =	sfence.sel $0x180000  }
0x237: {  	[bflag:$0x0] =	sbarrier.arrive $0xFFFF  }
0x238: {  	_ =	strace $0x90000047  }
0x239: {  	s0 =	stileid.u32;
	[bflag:$0x2] =	sbarrier.arrive $0xFFFF  }
0x23a: {  	p0 =	sne.s32 s0, $0x0;
	s0 =	rddreg [dreg:$0x7]  }
0x23b: {  	s0 =	sadd.s32 @!p0 $0x100000, s0  }
0x23c: {  	[sflag:s0] =	ssyncadd.tile.s32 @!p0 $0x1;
	_ =	shalt  }
.Lfunc_end2:
_tile_overlayer_lowered:
.L_overlay_start_2:
0x23d: {  	(tag) =	ssettag $0x2  }
0x23e: {  	s0 =	rddreg [dreg:$0x0];
	s2 =	stileid.u32  }
0x23f: {  	s1 =	rddreg [dreg:$0x1];
	p0 =	sne.s32 s2, $0x0  }
0x240: {  	s3 =	rddreg [dreg:$0x2];
	[bflag:$0x3] =	sbarrier.arrive $0xFFFF;
	s2 =	simm.s32 @!p0 $0x1C07  }
0x241: {  	[timem:s3], [sflag:s2] =	dma.local @!p0 [hbm:s0], s1  }
0x242: {  	s0 =	simm.s32 @!p0 $0x7  }
0x243: {  	_ =	swait.ge @!p0 [sflag:s0], s1  }
0x244: {  	s1 =	ssub.s32 @!p0 $0x0, s1;
	[sflag:s0] =	ssyncset.done @!p0 $0x0  }
0x245: {  	[sflag:s0] =	ssyncadd.s32 @!p0 s1  }
0x246: {  	[bflag:$0x3] =	sbarrier.arrive $0xFFFF  }
0x247: {  	_ =	shalt  }

</sc_bundles>
